<compile_context>
chip_gen: v7x
topology: tpu7x:2x2x1
jax: 0.10.2.dev20260603
libtpu: 0.0.44.dev20260713+nightly
codegen_flags: <defaults>
</compile_context>

<pallas_src>
import functools

import jax
import jax.numpy as jnp
from jax import lax
from jax.experimental import pallas as pl
from jax.experimental.pallas import tpu as pltpu
from jax.experimental.pallas import tpu_sc as plsc

MU_C = 0.1
NC = 2
NS = 16
CHUNK = 128


def _fill_f32(ref, rows, width, value):
    vals = jnp.full((16,), value, jnp.float32)

    def body(i, carry):
        for t in range(width // 16):
            ref[i, pl.ds(t * 16, 16)] = vals
        return carry

    lax.fori_loop(0, rows, body, 0)


def _make_deg_pass(npad, nchunks):
    w = 16
    mesh = plsc.VectorSubcoreMesh(core_axis_name="c", subcore_axis_name="s")
    cpt = nchunks // (NC * NS)
    rps = npad // NS
    ncopy = rps // CHUNK

    scratch = [
        pltpu.VMEM((CHUNK, w), jnp.float32),
        [pltpu.VMEM((CHUNK,), jnp.int32) for _ in range(2)],
        pltpu.VMEM_SHARED((npad, w), jnp.float32),
        [pltpu.SemaphoreType.DMA for _ in range(2)],
    ]
    out_type = jax.ShapeDtypeStruct((NC, npad, w), jnp.float32)

    @functools.partial(
        pl.kernel, out_type=out_type, mesh=mesh, scratch_types=scratch,
        compiler_params=pltpu.CompilerParams(use_tc_tiling_on_sc=False))
    def deg_pass(row_hbm, out_hbm, ones_v, ridx, acc, isems):
        c = lax.axis_index("c")
        s = lax.axis_index("s")
        tid = c * NS + s

        def fetch(p, ch):
            pltpu.async_copy(row_hbm.at[ch], ridx[p], isems[p])

        def wait_fetch(p, ch):
            pltpu.make_async_copy(row_hbm.at[ch], ridx[p], isems[p]).wait()

        base0 = tid * cpt
        fetch(0, base0)
        fetch(1, base0 + 1)
        _fill_f32(ones_v, CHUNK, w, 0.0)
        for k in range(ncopy):
            pltpu.sync_copy(ones_v,
                            acc.at[pl.ds(s * rps + k * CHUNK, CHUNK)])
        _fill_f32(ones_v, CHUNK, w, 1.0)
        plsc.subcore_barrier()

        def body(j, carry):
            ch = base0 + 2 * j
            for p in range(2):
                wait_fetch(p, ch + p)
                pltpu.sync_copy(ones_v, acc.at[ridx[p]], add=True)
                fetch(p, ch + p + 2)
            return carry

        lax.fori_loop(0, cpt // 2, body, 0)
        wait_fetch(0, base0)
        wait_fetch(1, base0)
        plsc.subcore_barrier()
        pltpu.sync_copy(acc.at[pl.ds(s * rps, rps)],
                        out_hbm.at[c, pl.ds(s * rps, rps)])

    return deg_pass


def _make_spmm_split(npad, w2, nchunks, deep=True):
    mesh = plsc.VectorSubcoreMesh(core_axis_name="c", subcore_axis_name="s")
    cps = nchunks // NS
    rps = npad // NS
    ncopy = rps // CHUNK

    nset = 4 if deep else 2

    scratch = [
        [pltpu.VMEM((CHUNK, w2), jnp.float32) for _ in range(nset)],
        [pltpu.VMEM((CHUNK,), jnp.int32) for _ in range(nset)],
        [pltpu.VMEM((CHUNK,), jnp.int32) for _ in range(nset)],
        pltpu.VMEM_SHARED((npad, w2), jnp.float32),
        pltpu.VMEM_SHARED((npad, w2), jnp.float32),
        [pltpu.SemaphoreType.DMA for _ in range(nset)],
        [pltpu.SemaphoreType.DMA for _ in range(nset)],
        [pltpu.SemaphoreType.DMA for _ in range(nset)],
    ]
    out_type = jax.ShapeDtypeStruct((NC, npad, w2), jnp.float32)

    @functools.partial(
        pl.kernel, out_type=out_type, mesh=mesh, scratch_types=scratch,
        compiler_params=pltpu.CompilerParams(use_tc_tiling_on_sc=False))
    def spmm(t0_hbm, t1_hbm, col_hbm, row_hbm, out_hbm, bufs, rvs, cvs,
             tbl, acc, gsems, isems, ssems):
        c = lax.axis_index("c")
        s = lax.axis_index("s")

        for cc in range(NC):
            src = t0_hbm if cc == 0 else t1_hbm
            for ss in range(NS):
                @pl.when(jnp.logical_and(c == cc, s == ss))
                def _():
                    pltpu.sync_copy(src.at[pl.ds(ss * rps, rps)],
                                    tbl.at[pl.ds(ss * rps, rps)])

        _fill_f32(bufs[0], CHUNK, w2, 0.0)
        for k in range(ncopy):
            pltpu.sync_copy(bufs[0],
                            acc.at[pl.ds(s * rps + k * CHUNK, CHUNK)])
        plsc.subcore_barrier()

        base0 = s * cps

        def fetch_idx(p, ch):
            pltpu.async_copy(col_hbm.at[ch], cvs[p], isems[p])
            pltpu.async_copy(row_hbm.at[ch], rvs[p], isems[p])

        def wait_idx(p, ch):
            pltpu.make_async_copy(col_hbm.at[ch], cvs[p], isems[p]).wait()
            pltpu.make_async_copy(row_hbm.at[ch], rvs[p], isems[p]).wait()

        def wait_scat(p):
            pltpu.make_async_copy(bufs[p], acc.at[rvs[p]], ssems[p]).wait()

        if not deep:
            fetch_idx(0, base0)
            fetch_idx(1, base0 + 1)

            def body2(g, carry):
                ch = base0 + 2 * g
                wait_idx(0, ch)
                wait_idx(1, ch + 1)
                g0 = pltpu.async_copy(tbl.at[cvs[0]], bufs[0], gsems[0])
                g1 = pltpu.async_copy(tbl.at[cvs[1]], bufs[1], gsems[1])
                g0.wait()
                pltpu.sync_copy(bufs[0], acc.at[rvs[0]], add=True)
                fetch_idx(0, ch + 2)
                g1.wait()
                pltpu.sync_copy(bufs[1], acc.at[rvs[1]], add=True)
                fetch_idx(1, ch + 3)
                return carry

            lax.fori_loop(0, cps // 2, body2, 0)
            wait_idx(0, base0)
            wait_idx(1, base0)
            plsc.subcore_barrier()
            pltpu.sync_copy(acc.at[pl.ds(s * rps, rps)],
                            out_hbm.at[c, pl.ds(s * rps, rps)])
            return

        fetch_idx(0, base0)
        fetch_idx(1, base0 + 1)
        wait_idx(0, base0)
        pltpu.async_copy(tbl.at[cvs[0]], bufs[0], gsems[0])
        for p in (2, 3):
            pltpu.async_copy(bufs[p], acc.at[pl.ds(npad - CHUNK, CHUNK)],
                             ssems[p])

        def stage(p, ch):
            q = (p + 1) % nset
            r = (p + 2) % nset
            pltpu.make_async_copy(tbl.at[cvs[p]], bufs[p], gsems[p]).wait()
            pltpu.async_copy(bufs[p], acc.at[rvs[p]], ssems[p], add=True)
            wait_idx(q, ch + 1)
            pltpu.async_copy(tbl.at[cvs[q]], bufs[q], gsems[q])
            wait_scat(r)
            fetch_idx(r, ch + 2)

        def body(g, carry):
            base = base0 + g * nset
            for p in range(nset):
                stage(p, base + p)
            return carry

        lax.fori_loop(0, cps // nset, body, 0)

        pltpu.make_async_copy(tbl.at[cvs[0]], bufs[0], gsems[0]).wait()
        wait_idx(1, base0)
        wait_scat((cps - 2) % nset)
        wait_scat((cps - 1) % nset)
        plsc.subcore_barrier()
        pltpu.sync_copy(acc.at[pl.ds(s * rps, rps)],
                        out_hbm.at[c, pl.ds(s * rps, rps)])

    return spmm


def _tc_prep(x, w1, b1r, degp, npad, blk):
    n, din = x.shape
    dh = w1.shape[0]
    wt = dh + 32
    w2 = wt // 2
    g = n // blk

    def body(x_ref, w1_ref, b1_ref, degp_ref, h_ref, ta_ref, tb_ref,
             dinv_ref):
        xx = x_ref[...]
        h = lax.dot_general(xx, w1_ref[...], (((1,), (1,)), ((), ())),
                            precision=lax.Precision.HIGHEST)
        h = jnp.maximum(h + b1_ref[...], 0.0)
        deg = degp_ref[0, :, 0] + degp_ref[1, :, 0] + 1.0
        dinv = lax.rsqrt(deg)[:, None]
        h_ref[...] = h
        dinv_ref[...] = dinv
        t1 = jnp.concatenate(
            [dinv * h, dinv, jnp.zeros((blk, wt - dh - 1), jnp.float32)],
            axis=1)
        ta_ref[...] = t1[:, :w2]
        tb_ref[...] = t1[:, w2:]

    return pl.pallas_call(
        body,
        grid=(g,),
        in_specs=[
            pl.BlockSpec((blk, din), lambda i: (i, 0)),
            pl.BlockSpec((dh, din), lambda i: (0, 0)),
            pl.BlockSpec((1, dh), lambda i: (0, 0)),
            pl.BlockSpec((2, blk, 16), lambda i: (0, i, 0)),
        ],
        out_specs=[
            pl.BlockSpec((blk, dh), lambda i: (i, 0)),
            pl.BlockSpec((blk, w2), lambda i: (i, 0)),
            pl.BlockSpec((blk, w2), lambda i: (i, 0)),
            pl.BlockSpec((blk, 1), lambda i: (i, 0)),
        ],
        out_shape=[
            jax.ShapeDtypeStruct((n, dh), jnp.float32),
            jax.ShapeDtypeStruct((npad, w2), jnp.float32),
            jax.ShapeDtypeStruct((npad, w2), jnp.float32),
            jax.ShapeDtypeStruct((n, 1), jnp.float32),
        ],
    )(x, w1, b1r, degp)


def _tc_combine1(parts, dinv, h, npad, blk):
    n, dh = h.shape
    w2 = parts.shape[2]
    g = n // blk

    def body(p_ref, dinv_ref, h_ref, out1_ref, ta_ref, tb_ref, ab_ref):
        p = jnp.concatenate([p_ref[0], p_ref[1]], axis=1)
        s128 = p[:, :dh]
        scol = p[:, dh:dh + 1]
        dv = dinv_ref[...]
        deg_m = dv * scol + dv * dv
        alpha = 1.0 / (MU_C + deg_m)
        beta = MU_C * alpha
        hh = h_ref[...]
        out1 = alpha * (dv * s128 + dv * dv * hh) + beta * hh
        out1_ref[...] = out1
        t2 = dv * out1
        ta_ref[...] = t2[:, :dh // 2]
        tb_ref[...] = t2[:, dh // 2:]
        ab_ref[...] = jnp.concatenate([alpha, beta], axis=1)

    return pl.pallas_call(
        body,
        grid=(g,),
        in_specs=[
            pl.BlockSpec((2, blk, w2), lambda i: (0, i, 0)),
            pl.BlockSpec((blk, 1), lambda i: (i, 0)),
            pl.BlockSpec((blk, dh), lambda i: (i, 0)),
        ],
        out_specs=[
            pl.BlockSpec((blk, dh), lambda i: (i, 0)),
            pl.BlockSpec((blk, dh // 2), lambda i: (i, 0)),
            pl.BlockSpec((blk, dh // 2), lambda i: (i, 0)),
            pl.BlockSpec((blk, 2), lambda i: (i, 0)),
        ],
        out_shape=[
            jax.ShapeDtypeStruct((n, dh), jnp.float32),
            jax.ShapeDtypeStruct((npad, dh // 2), jnp.float32),
            jax.ShapeDtypeStruct((npad, dh // 2), jnp.float32),
            jax.ShapeDtypeStruct((n, 2), jnp.float32),
        ],
    )(parts, dinv, h)


def _tc_combine2(parts, dinv, out1, h, ab, w2_, b2r, blk):
    n, dh = h.shape
    dout = w2_.shape[0]
    w2 = parts.shape[2]
    g = n // blk

    def body(p_ref, dinv_ref, out1_ref, h_ref, ab_ref, w2_ref, b2_ref,
             y_ref):
        p = jnp.concatenate([p_ref[0], p_ref[1]], axis=1)
        dv = dinv_ref[...]
        alpha = ab_ref[:, 0:1]
        beta = ab_ref[:, 1:2]
        o1 = out1_ref[...]
        out2 = alpha * (dv * p + dv * dv * o1) + beta * h_ref[...]
        y = lax.dot_general(out2, w2_ref[...], (((1,), (1,)), ((), ())),
                            precision=lax.Precision.HIGHEST) + b2_ref[...]
        m = jnp.max(y, axis=1, keepdims=True)
        lse = m + jnp.log(jnp.sum(jnp.exp(y - m), axis=1, keepdims=True))
        y_ref[...] = y - lse

    return pl.pallas_call(
        body,
        grid=(g,),
        in_specs=[
            pl.BlockSpec((2, blk, w2), lambda i: (0, i, 0)),
            pl.BlockSpec((blk, 1), lambda i: (i, 0)),
            pl.BlockSpec((blk, dh), lambda i: (i, 0)),
            pl.BlockSpec((blk, dh), lambda i: (i, 0)),
            pl.BlockSpec((blk, 2), lambda i: (i, 0)),
            pl.BlockSpec((dout, dh), lambda i: (0, 0)),
            pl.BlockSpec((1, dout), lambda i: (0, 0)),
        ],
        out_specs=pl.BlockSpec((blk, dout), lambda i: (i, 0)),
        out_shape=jax.ShapeDtypeStruct((n, dout), jnp.float32),
    )(parts, dinv, out1, h, ab, w2_, b2r)


def kernel(x, edge_index, W1, b1, W2, b2):
    n, _ = x.shape
    dh = W1.shape[0]
    e = edge_index.shape[1]
    blk = 1000 if n % 1000 == 0 else 8

    npad = -(-(n + 1) // (NS * CHUNK)) * (NS * CHUNK)
    nchunks = -(-e // CHUNK)
    nchunks = -(-nchunks // (NS * 4)) * (NS * 4)
    epad = (nchunks + 2) * CHUNK - e

    row = edge_index[0].astype(jnp.int32)
    col = edge_index[1].astype(jnp.int32)
    padv = jnp.full((epad,), n, jnp.int32)
    rowc = jnp.concatenate([row, padv]).reshape(nchunks + 2, CHUNK)
    colc = jnp.concatenate([col, padv]).reshape(nchunks + 2, CHUNK)

    degp = _make_deg_pass(npad, nchunks)(rowc)

    h, t1a, t1b, dinv = _tc_prep(x, W1, b1.reshape(1, -1), degp, npad, blk)

    spmm_a = _make_spmm_split(npad, (dh + 32) // 2, nchunks, deep=False)
    p1 = spmm_a(t1a, t1b, colc, rowc)

    out1, t2a, t2b, ab = _tc_combine1(p1, dinv, h, npad, blk)

    spmm_b = _make_spmm_split(npad, dh // 2, nchunks)
    p2 = spmm_b(t2a, t2b, colc, rowc)

    return _tc_combine2(p2, dinv, out1, h, ab, W2, b2.reshape(1, -1), blk)

# --- scband reference (transcript-rebuilt; emitter-appended) ---
"""Pipeline reference for scband-p-gnnnet1-77309411328432 (READ-ONLY COPY).

The authoritative reference and input builder live on the scoring server;
editing this copy changes nothing except your own understanding.
"""

import jax, jax.numpy as jnp
import numpy as np

N = 10000
E = 320000
D_IN = 128
D_HID = 128
D_OUT = 64
MU = 0.1
P = 2.0
K = 2


def setup_inputs(seed: int = 0) -> dict:
    key = jax.random.key(seed)
    ks = jax.random.split(key, 6)
    x = jax.random.normal(ks[0], (N, D_IN), dtype=jnp.float32)
    edge_index = jax.random.randint(ks[1], (2, E), 0, N)
    W1 = jax.random.normal(ks[2], (D_HID, D_IN), dtype=jnp.float32) * (1.0 / np.sqrt(D_IN))
    b1 = jnp.zeros((D_HID,), dtype=jnp.float32)
    W2 = jax.random.normal(ks[3], (D_OUT, D_HID), dtype=jnp.float32) * (1.0 / np.sqrt(D_HID))
    b2 = jnp.zeros((D_OUT,), dtype=jnp.float32)
    return {"x": x, "edge_index": edge_index, "W1": W1, "b1": b1, "W2": W2, "b2": b2}


def reference(x, edge_index, W1, b1, W2, b2):
    n = x.shape[0]
    # lin1 + relu; dropout is identity in eval mode
    h = jax.nn.relu(x @ W1.T + b1)
    # gcn_norm with self loops: D^-1/2 (A + I) D^-1/2
    loop = jnp.arange(n, dtype=edge_index.dtype)
    row = jnp.concatenate([edge_index[0], loop])
    col = jnp.concatenate([edge_index[1], loop])
    w = jnp.ones(row.shape[0], dtype=x.dtype)
    deg = jax.ops.segment_sum(w, row, num_segments=n)
    dinv = jnp.where(deg > 0, deg ** -0.5, 0.0)
    ew = dinv[row] * w * dinv[col]
    # pGNN (p-Laplacian) propagation, K iterations
    out = h
    for _ in range(K):
        diff = out[row] - out[col]
        # safe L2 norm (self-loop edges have exactly-zero diff)
        nrm = jnp.sqrt(jnp.sum(diff * diff, axis=1) + 1e-12)
        g = (nrm + 1e-5) ** (P - 2.0)
        M = g * ew
        degM = jax.ops.segment_sum(M, row, num_segments=n)
        alpha = 1.0 / (MU + degM)
        beta = MU * alpha
        agg = jax.ops.segment_sum(M[:, None] * out[col], row, num_segments=n)
        out = alpha[:, None] * agg + beta[:, None] * h
    y = out @ W2.T + b2
    return jax.nn.log_softmax(y, axis=1)

if __name__ == "__main__":
    import jax
    _d = setup_inputs()
    print(jax.jit(kernel)(*tuple(_d.values())))

</pallas_src>

<mosaic_0001>
#map = affine_map<(d0, d1) -> (0, 0)>
#map1 = affine_map<(d0, d1) -> (0, 0, 0)>
module attributes {stable_mosaic.version = 14 : i64} {
  func.func @spmm(%arg0: i32, %arg1: i32, %arg2: memref<10240x64xf32, #tpu.memory_space<hbm>>, %arg3: memref<10240x64xf32, #tpu.memory_space<hbm>>, %arg4: memref<2562x128xi32, #tpu.memory_space<hbm>>, %arg5: memref<2562x128xi32, #tpu.memory_space<hbm>>, %arg6: memref<2x10240x64xf32, #tpu.memory_space<hbm>>, %arg7: memref<128x64xf32, #tpu.memory_space<vmem>>, %arg8: memref<128x64xf32, #tpu.memory_space<vmem>>, %arg9: memref<128x64xf32, #tpu.memory_space<vmem>>, %arg10: memref<128x64xf32, #tpu.memory_space<vmem>>, %arg11: memref<128xi32, #tpu.memory_space<vmem>>, %arg12: memref<128xi32, #tpu.memory_space<vmem>>, %arg13: memref<128xi32, #tpu.memory_space<vmem>>, %arg14: memref<128xi32, #tpu.memory_space<vmem>>, %arg15: memref<128xi32, #tpu.memory_space<vmem>>, %arg16: memref<128xi32, #tpu.memory_space<vmem>>, %arg17: memref<128xi32, #tpu.memory_space<vmem>>, %arg18: memref<128xi32, #tpu.memory_space<vmem>>, %arg19: memref<10240x64xf32, #tpu.memory_space<vmem_shared>>, %arg20: memref<10240x64xf32, #tpu.memory_space<vmem_shared>>, %arg21: memref<!tpu.dma_semaphore, #tpu.memory_space<semaphore_mem>>, %arg22: memref<!tpu.dma_semaphore, #tpu.memory_space<semaphore_mem>>, %arg23: memref<!tpu.dma_semaphore, #tpu.memory_space<semaphore_mem>>, %arg24: memref<!tpu.dma_semaphore, #tpu.memory_space<semaphore_mem>>, %arg25: memref<!tpu.dma_semaphore, #tpu.memory_space<semaphore_mem>>, %arg26: memref<!tpu.dma_semaphore, #tpu.memory_space<semaphore_mem>>, %arg27: memref<!tpu.dma_semaphore, #tpu.memory_space<semaphore_mem>>, %arg28: memref<!tpu.dma_semaphore, #tpu.memory_space<semaphore_mem>>, %arg29: memref<!tpu.dma_semaphore, #tpu.memory_space<semaphore_mem>>, %arg30: memref<!tpu.dma_semaphore, #tpu.memory_space<semaphore_mem>>, %arg31: memref<!tpu.dma_semaphore, #tpu.memory_space<semaphore_mem>>, %arg32: memref<!tpu.dma_semaphore, #tpu.memory_space<semaphore_mem>>) attributes {dimension_semantics = [#tpu.dimension_semantics<core_parallel>, #tpu.dimension_semantics<subcore_parallel>], iteration_bounds = array<i64: 2, 16>, scalar_prefetch = 0 : i64, scratch_operands = 26 : i64, tpu.core_type = #tpu.core_type<sc_vector_subcore>, window_params = [{transform_indices = #map}, {transform_indices = #map}, {transform_indices = #map}, {transform_indices = #map}, {transform_indices = #map1}]} {
    %eq3A = arith.constant 0 : i32
    %eq3A_0 = arith.cmpi eq, %arg0, %eq3A : i32
    %eq3A_1 = arith.constant 0 : i32
    %eq3A_2 = arith.cmpi eq, %arg1, %eq3A_1 : i32
    %and3A = arith.andi %eq3A_0, %eq3A_2 : i1
    %convert_element_type3A = arith.extui %and3A : i1 to i32
    %cond3A = arith.constant 0 : i32
    %cond3A_3 = arith.cmpi ne, %convert_element_type3A, %cond3A : i32
    scf.if %cond3A_3 {
      "tpu.region"() ({
        %run_scoped3A = tpu.sem_alloc : memref<!tpu.dma_semaphore, #tpu.memory_space<semaphore_mem>>
        %dma_start3A_361 = arith.constant 0 : i32
        %dma_start3A_362 = arith.constant 0 : i32
        %dma_start3A_363 = tpu.memref_slice %arg19[%dma_start3A_361, %dma_start3A_362] : memref<10240x64xf32, #tpu.memory_space<vmem_shared>> -> memref<640x64xf32, #tpu.memory_space<vmem_shared>>
        %dma_start3A_364 = arith.constant 0 : i32
        %dma_start3A_365 = arith.constant 0 : i32
        %dma_start3A_366 = tpu.memref_slice %arg2[%dma_start3A_364, %dma_start3A_365] : memref<10240x64xf32, #tpu.memory_space<hbm>> -> memref<640x64xf32, #tpu.memory_space<hbm>>
        tpu.enqueue_dma source(%dma_start3A_366 : memref<640x64xf32, #tpu.memory_space<hbm>>) target(%dma_start3A_363 : memref<640x64xf32, #tpu.memory_space<vmem_shared>>) target_semaphore(%run_scoped3A : memref<!tpu.dma_semaphore, #tpu.memory_space<semaphore_mem>>)
        %dma_wait3A_367 = arith.constant 0 : i32
        %dma_wait3A_368 = arith.constant 0 : i32
        %dma_wait3A_369 = tpu.memref_slice %arg19[%dma_wait3A_367, %dma_wait3A_368] : memref<10240x64xf32, #tpu.memory_space<vmem_shared>> -> memref<640x64xf32, #tpu.memory_space<vmem_shared>>
        %dma_wait3A_370 = arith.constant 0 : i32
        %dma_wait3A_371 = arith.constant 0 : i32
        %dma_wait3A_372 = tpu.memref_slice %arg2[%dma_wait3A_370, %dma_wait3A_371] : memref<10240x64xf32, #tpu.memory_space<hbm>> -> memref<640x64xf32, #tpu.memory_space<hbm>>
        tpu.wait_dma2 semaphore(%run_scoped3A : memref<!tpu.dma_semaphore, #tpu.memory_space<semaphore_mem>>) src(%dma_wait3A_372 : memref<640x64xf32, #tpu.memory_space<hbm>>) dst(%dma_wait3A_369 : memref<640x64xf32, #tpu.memory_space<vmem_shared>>)
        tpu.yield
      }) : () -> ()
    } else {
    }
    %eq3A_4 = arith.constant 0 : i32
    %eq3A_5 = arith.cmpi eq, %arg0, %eq3A_4 : i32
    %eq3A_6 = arith.constant 1 : i32
    %eq3A_7 = arith.cmpi eq, %arg1, %eq3A_6 : i32
    %and3A_8 = arith.andi %eq3A_5, %eq3A_7 : i1
    %convert_element_type3A_9 = arith.extui %and3A_8 : i1 to i32
    %cond3A_10 = arith.constant 0 : i32
    %cond3A_11 = arith.cmpi ne, %convert_element_type3A_9, %cond3A_10 : i32
    scf.if %cond3A_11 {
      "tpu.region"() ({
        %run_scoped3A = tpu.sem_alloc : memref<!tpu.dma_semaphore, #tpu.memory_space<semaphore_mem>>
        %dma_start3A_361 = arith.constant 640 : i32
        %dma_start3A_362 = arith.constant 0 : i32
        %dma_start3A_363 = tpu.memref_slice %arg19[%dma_start3A_361, %dma_start3A_362] : memref<10240x64xf32, #tpu.memory_space<vmem_shared>> -> memref<640x64xf32, #tpu.memory_space<vmem_shared>>
        %dma_start3A_364 = arith.constant 640 : i32
        %dma_start3A_365 = arith.constant 0 : i32
        %dma_start3A_366 = tpu.memref_slice %arg2[%dma_start3A_364, %dma_start3A_365] : memref<10240x64xf32, #tpu.memory_space<hbm>> -> memref<640x64xf32, #tpu.memory_space<hbm>>
        tpu.enqueue_dma source(%dma_start3A_366 : memref<640x64xf32, #tpu.memory_space<hbm>>) target(%dma_start3A_363 : memref<640x64xf32, #tpu.memory_space<vmem_shared>>) target_semaphore(%run_scoped3A : memref<!tpu.dma_semaphore, #tpu.memory_space<semaphore_mem>>)
        %dma_wait3A_367 = arith.constant 640 : i32
        %dma_wait3A_368 = arith.constant 0 : i32
        %dma_wait3A_369 = tpu.memref_slice %arg19[%dma_wait3A_367, %dma_wait3A_368] : memref<10240x64xf32, #tpu.memory_space<vmem_shared>> -> memref<640x64xf32, #tpu.memory_space<vmem_shared>>
        %dma_wait3A_370 = arith.constant 640 : i32
        %dma_wait3A_371 = arith.constant 0 : i32
        %dma_wait3A_372 = tpu.memref_slice %arg2[%dma_wait3A_370, %dma_wait3A_371] : memref<10240x64xf32, #tpu.memory_space<hbm>> -> memref<640x64xf32, #tpu.memory_space<hbm>>
        tpu.wait_dma2 semaphore(%run_scoped3A : memref<!tpu.dma_semaphore, #tpu.memory_space<semaphore_mem>>) src(%dma_wait3A_372 : memref<640x64xf32, #tpu.memory_space<hbm>>) dst(%dma_wait3A_369 : memref<640x64xf32, #tpu.memory_space<vmem_shared>>)
        tpu.yield
      }) : () -> ()
    } else {
    }
    %eq3A_12 = arith.constant 0 : i32
    %eq3A_13 = arith.cmpi eq, %arg0, %eq3A_12 : i32
    %eq3A_14 = arith.constant 2 : i32
    %eq3A_15 = arith.cmpi eq, %arg1, %eq3A_14 : i32
    %and3A_16 = arith.andi %eq3A_13, %eq3A_15 : i1
    %convert_element_type3A_17 = arith.extui %and3A_16 : i1 to i32
    %cond3A_18 = arith.constant 0 : i32
    %cond3A_19 = arith.cmpi ne, %convert_element_type3A_17, %cond3A_18 : i32
    scf.if %cond3A_19 {
      "tpu.region"() ({
        %run_scoped3A = tpu.sem_alloc : memref<!tpu.dma_semaphore, #tpu.memory_space<semaphore_mem>>
        %dma_start3A_361 = arith.constant 1280 : i32
        %dma_start3A_362 = arith.constant 0 : i32
        %dma_start3A_363 = tpu.memref_slice %arg19[%dma_start3A_361, %dma_start3A_362] : memref<10240x64xf32, #tpu.memory_space<vmem_shared>> -> memref<640x64xf32, #tpu.memory_space<vmem_shared>>
        %dma_start3A_364 = arith.constant 1280 : i32
        %dma_start3A_365 = arith.constant 0 : i32
        %dma_start3A_366 = tpu.memref_slice %arg2[%dma_start3A_364, %dma_start3A_365] : memref<10240x64xf32, #tpu.memory_space<hbm>> -> memref<640x64xf32, #tpu.memory_space<hbm>>
        tpu.enqueue_dma source(%dma_start3A_366 : memref<640x64xf32, #tpu.memory_space<hbm>>) target(%dma_start3A_363 : memref<640x64xf32, #tpu.memory_space<vmem_shared>>) target_semaphore(%run_scoped3A : memref<!tpu.dma_semaphore, #tpu.memory_space<semaphore_mem>>)
        %dma_wait3A_367 = arith.constant 1280 : i32
        %dma_wait3A_368 = arith.constant 0 : i32
        %dma_wait3A_369 = tpu.memref_slice %arg19[%dma_wait3A_367, %dma_wait3A_368] : memref<10240x64xf32, #tpu.memory_space<vmem_shared>> -> memref<640x64xf32, #tpu.memory_space<vmem_shared>>
        %dma_wait3A_370 = arith.constant 1280 : i32
        %dma_wait3A_371 = arith.constant 0 : i32
        %dma_wait3A_372 = tpu.memref_slice %arg2[%dma_wait3A_370, %dma_wait3A_371] : memref<10240x64xf32, #tpu.memory_space<hbm>> -> memref<640x64xf32, #tpu.memory_space<hbm>>
        tpu.wait_dma2 semaphore(%run_scoped3A : memref<!tpu.dma_semaphore, #tpu.memory_space<semaphore_mem>>) src(%dma_wait3A_372 : memref<640x64xf32, #tpu.memory_space<hbm>>) dst(%dma_wait3A_369 : memref<640x64xf32, #tpu.memory_space<vmem_shared>>)
        tpu.yield
      }) : () -> ()
    } else {
    }
    %eq3A_20 = arith.constant 0 : i32
    %eq3A_21 = arith.cmpi eq, %arg0, %eq3A_20 : i32
    %eq3A_22 = arith.constant 3 : i32
    %eq3A_23 = arith.cmpi eq, %arg1, %eq3A_22 : i32
    %and3A_24 = arith.andi %eq3A_21, %eq3A_23 : i1
    %convert_element_type3A_25 = arith.extui %and3A_24 : i1 to i32
    %cond3A_26 = arith.constant 0 : i32
    %cond3A_27 = arith.cmpi ne, %convert_element_type3A_25, %cond3A_26 : i32
    scf.if %cond3A_27 {
      "tpu.region"() ({
        %run_scoped3A = tpu.sem_alloc : memref<!tpu.dma_semaphore, #tpu.memory_space<semaphore_mem>>
        %dma_start3A_361 = arith.constant 1920 : i32
        %dma_start3A_362 = arith.constant 0 : i32
        %dma_start3A_363 = tpu.memref_slice %arg19[%dma_start3A_361, %dma_start3A_362] : memref<10240x64xf32, #tpu.memory_space<vmem_shared>> -> memref<640x64xf32, #tpu.memory_space<vmem_shared>>
        %dma_start3A_364 = arith.constant 1920 : i32
        %dma_start3A_365 = arith.constant 0 : i32
        %dma_start3A_366 = tpu.memref_slice %arg2[%dma_start3A_364, %dma_start3A_365] : memref<10240x64xf32, #tpu.memory_space<hbm>> -> memref<640x64xf32, #tpu.memory_space<hbm>>
        tpu.enqueue_dma source(%dma_start3A_366 : memref<640x64xf32, #tpu.memory_space<hbm>>) target(%dma_start3A_363 : memref<640x64xf32, #tpu.memory_space<vmem_shared>>) target_semaphore(%run_scoped3A : memref<!tpu.dma_semaphore, #tpu.memory_space<semaphore_mem>>)
        %dma_wait3A_367 = arith.constant 1920 : i32
        %dma_wait3A_368 = arith.constant 0 : i32
        %dma_wait3A_369 = tpu.memref_slice %arg19[%dma_wait3A_367, %dma_wait3A_368] : memref<10240x64xf32, #tpu.memory_space<vmem_shared>> -> memref<640x64xf32, #tpu.memory_space<vmem_shared>>
        %dma_wait3A_370 = arith.constant 1920 : i32
        %dma_wait3A_371 = arith.constant 0 : i32
        %dma_wait3A_372 = tpu.memref_slice %arg2[%dma_wait3A_370, %dma_wait3A_371] : memref<10240x64xf32, #tpu.memory_space<hbm>> -> memref<640x64xf32, #tpu.memory_space<hbm>>
        tpu.wait_dma2 semaphore(%run_scoped3A : memref<!tpu.dma_semaphore, #tpu.memory_space<semaphore_mem>>) src(%dma_wait3A_372 : memref<640x64xf32, #tpu.memory_space<hbm>>) dst(%dma_wait3A_369 : memref<640x64xf32, #tpu.memory_space<vmem_shared>>)
        tpu.yield
      }) : () -> ()
    } else {
    }
    %eq3A_28 = arith.constant 0 : i32
    %eq3A_29 = arith.cmpi eq, %arg0, %eq3A_28 : i32
    %eq3A_30 = arith.constant 4 : i32
    %eq3A_31 = arith.cmpi eq, %arg1, %eq3A_30 : i32
    %and3A_32 = arith.andi %eq3A_29, %eq3A_31 : i1
    %convert_element_type3A_33 = arith.extui %and3A_32 : i1 to i32
    %cond3A_34 = arith.constant 0 : i32
    %cond3A_35 = arith.cmpi ne, %convert_element_type3A_33, %cond3A_34 : i32
    scf.if %cond3A_35 {
      "tpu.region"() ({
        %run_scoped3A = tpu.sem_alloc : memref<!tpu.dma_semaphore, #tpu.memory_space<semaphore_mem>>
        %dma_start3A_361 = arith.constant 2560 : i32
        %dma_start3A_362 = arith.constant 0 : i32
        %dma_start3A_363 = tpu.memref_slice %arg19[%dma_start3A_361, %dma_start3A_362] : memref<10240x64xf32, #tpu.memory_space<vmem_shared>> -> memref<640x64xf32, #tpu.memory_space<vmem_shared>>
        %dma_start3A_364 = arith.constant 2560 : i32
        %dma_start3A_365 = arith.constant 0 : i32
        %dma_start3A_366 = tpu.memref_slice %arg2[%dma_start3A_364, %dma_start3A_365] : memref<10240x64xf32, #tpu.memory_space<hbm>> -> memref<640x64xf32, #tpu.memory_space<hbm>>
        tpu.enqueue_dma source(%dma_start3A_366 : memref<640x64xf32, #tpu.memory_space<hbm>>) target(%dma_start3A_363 : memref<640x64xf32, #tpu.memory_space<vmem_shared>>) target_semaphore(%run_scoped3A : memref<!tpu.dma_semaphore, #tpu.memory_space<semaphore_mem>>)
        %dma_wait3A_367 = arith.constant 2560 : i32
        %dma_wait3A_368 = arith.constant 0 : i32
        %dma_wait3A_369 = tpu.memref_slice %arg19[%dma_wait3A_367, %dma_wait3A_368] : memref<10240x64xf32, #tpu.memory_space<vmem_shared>> -> memref<640x64xf32, #tpu.memory_space<vmem_shared>>
        %dma_wait3A_370 = arith.constant 2560 : i32
        %dma_wait3A_371 = arith.constant 0 : i32
        %dma_wait3A_372 = tpu.memref_slice %arg2[%dma_wait3A_370, %dma_wait3A_371] : memref<10240x64xf32, #tpu.memory_space<hbm>> -> memref<640x64xf32, #tpu.memory_space<hbm>>
        tpu.wait_dma2 semaphore(%run_scoped3A : memref<!tpu.dma_semaphore, #tpu.memory_space<semaphore_mem>>) src(%dma_wait3A_372 : memref<640x64xf32, #tpu.memory_space<hbm>>) dst(%dma_wait3A_369 : memref<640x64xf32, #tpu.memory_space<vmem_shared>>)
        tpu.yield
      }) : () -> ()
    } else {
    }
    %eq3A_36 = arith.constant 0 : i32
    %eq3A_37 = arith.cmpi eq, %arg0, %eq3A_36 : i32
    %eq3A_38 = arith.constant 5 : i32
    %eq3A_39 = arith.cmpi eq, %arg1, %eq3A_38 : i32
    %and3A_40 = arith.andi %eq3A_37, %eq3A_39 : i1
    %convert_element_type3A_41 = arith.extui %and3A_40 : i1 to i32
    %cond3A_42 = arith.constant 0 : i32
    %cond3A_43 = arith.cmpi ne, %convert_element_type3A_41, %cond3A_42 : i32
    scf.if %cond3A_43 {
      "tpu.region"() ({
        %run_scoped3A = tpu.sem_alloc : memref<!tpu.dma_semaphore, #tpu.memory_space<semaphore_mem>>
        %dma_start3A_361 = arith.constant 3200 : i32
        %dma_start3A_362 = arith.constant 0 : i32
        %dma_start3A_363 = tpu.memref_slice %arg19[%dma_start3A_361, %dma_start3A_362] : memref<10240x64xf32, #tpu.memory_space<vmem_shared>> -> memref<640x64xf32, #tpu.memory_space<vmem_shared>>
        %dma_start3A_364 = arith.constant 3200 : i32
        %dma_start3A_365 = arith.constant 0 : i32
        %dma_start3A_366 = tpu.memref_slice %arg2[%dma_start3A_364, %dma_start3A_365] : memref<10240x64xf32, #tpu.memory_space<hbm>> -> memref<640x64xf32, #tpu.memory_space<hbm>>
        tpu.enqueue_dma source(%dma_start3A_366 : memref<640x64xf32, #tpu.memory_space<hbm>>) target(%dma_start3A_363 : memref<640x64xf32, #tpu.memory_space<vmem_shared>>) target_semaphore(%run_scoped3A : memref<!tpu.dma_semaphore, #tpu.memory_space<semaphore_mem>>)
        %dma_wait3A_367 = arith.constant 3200 : i32
        %dma_wait3A_368 = arith.constant 0 : i32
        %dma_wait3A_369 = tpu.memref_slice %arg19[%dma_wait3A_367, %dma_wait3A_368] : memref<10240x64xf32, #tpu.memory_space<vmem_shared>> -> memref<640x64xf32, #tpu.memory_space<vmem_shared>>
        %dma_wait3A_370 = arith.constant 3200 : i32
        %dma_wait3A_371 = arith.constant 0 : i32
        %dma_wait3A_372 = tpu.memref_slice %arg2[%dma_wait3A_370, %dma_wait3A_371] : memref<10240x64xf32, #tpu.memory_space<hbm>> -> memref<640x64xf32, #tpu.memory_space<hbm>>
        tpu.wait_dma2 semaphore(%run_scoped3A : memref<!tpu.dma_semaphore, #tpu.memory_space<semaphore_mem>>) src(%dma_wait3A_372 : memref<640x64xf32, #tpu.memory_space<hbm>>) dst(%dma_wait3A_369 : memref<640x64xf32, #tpu.memory_space<vmem_shared>>)
        tpu.yield
      }) : () -> ()
    } else {
    }
    %eq3A_44 = arith.constant 0 : i32
    %eq3A_45 = arith.cmpi eq, %arg0, %eq3A_44 : i32
    %eq3A_46 = arith.constant 6 : i32
    %eq3A_47 = arith.cmpi eq, %arg1, %eq3A_46 : i32
    %and3A_48 = arith.andi %eq3A_45, %eq3A_47 : i1
    %convert_element_type3A_49 = arith.extui %and3A_48 : i1 to i32
    %cond3A_50 = arith.constant 0 : i32
    %cond3A_51 = arith.cmpi ne, %convert_element_type3A_49, %cond3A_50 : i32
    scf.if %cond3A_51 {
      "tpu.region"() ({
        %run_scoped3A = tpu.sem_alloc : memref<!tpu.dma_semaphore, #tpu.memory_space<semaphore_mem>>
        %dma_start3A_361 = arith.constant 3840 : i32
        %dma_start3A_362 = arith.constant 0 : i32
        %dma_start3A_363 = tpu.memref_slice %arg19[%dma_start3A_361, %dma_start3A_362] : memref<10240x64xf32, #tpu.memory_space<vmem_shared>> -> memref<640x64xf32, #tpu.memory_space<vmem_shared>>
        %dma_start3A_364 = arith.constant 3840 : i32
        %dma_start3A_365 = arith.constant 0 : i32
        %dma_start3A_366 = tpu.memref_slice %arg2[%dma_start3A_364, %dma_start3A_365] : memref<10240x64xf32, #tpu.memory_space<hbm>> -> memref<640x64xf32, #tpu.memory_space<hbm>>
        tpu.enqueue_dma source(%dma_start3A_366 : memref<640x64xf32, #tpu.memory_space<hbm>>) target(%dma_start3A_363 : memref<640x64xf32, #tpu.memory_space<vmem_shared>>) target_semaphore(%run_scoped3A : memref<!tpu.dma_semaphore, #tpu.memory_space<semaphore_mem>>)
        %dma_wait3A_367 = arith.constant 3840 : i32
        %dma_wait3A_368 = arith.constant 0 : i32
        %dma_wait3A_369 = tpu.memref_slice %arg19[%dma_wait3A_367, %dma_wait3A_368] : memref<10240x64xf32, #tpu.memory_space<vmem_shared>> -> memref<640x64xf32, #tpu.memory_space<vmem_shared>>
        %dma_wait3A_370 = arith.constant 3840 : i32
        %dma_wait3A_371 = arith.constant 0 : i32
        %dma_wait3A_372 = tpu.memref_slice %arg2[%dma_wait3A_370, %dma_wait3A_371] : memref<10240x64xf32, #tpu.memory_space<hbm>> -> memref<640x64xf32, #tpu.memory_space<hbm>>
        tpu.wait_dma2 semaphore(%run_scoped3A : memref<!tpu.dma_semaphore, #tpu.memory_space<semaphore_mem>>) src(%dma_wait3A_372 : memref<640x64xf32, #tpu.memory_space<hbm>>) dst(%dma_wait3A_369 : memref<640x64xf32, #tpu.memory_space<vmem_shared>>)
        tpu.yield
      }) : () -> ()
    } else {
    }
    %eq3A_52 = arith.constant 0 : i32
    %eq3A_53 = arith.cmpi eq, %arg0, %eq3A_52 : i32
    %eq3A_54 = arith.constant 7 : i32
    %eq3A_55 = arith.cmpi eq, %arg1, %eq3A_54 : i32
    %and3A_56 = arith.andi %eq3A_53, %eq3A_55 : i1
    %convert_element_type3A_57 = arith.extui %and3A_56 : i1 to i32
    %cond3A_58 = arith.constant 0 : i32
    %cond3A_59 = arith.cmpi ne, %convert_element_type3A_57, %cond3A_58 : i32
    scf.if %cond3A_59 {
      "tpu.region"() ({
        %run_scoped3A = tpu.sem_alloc : memref<!tpu.dma_semaphore, #tpu.memory_space<semaphore_mem>>
        %dma_start3A_361 = arith.constant 4480 : i32
        %dma_start3A_362 = arith.constant 0 : i32
        %dma_start3A_363 = tpu.memref_slice %arg19[%dma_start3A_361, %dma_start3A_362] : memref<10240x64xf32, #tpu.memory_space<vmem_shared>> -> memref<640x64xf32, #tpu.memory_space<vmem_shared>>
        %dma_start3A_364 = arith.constant 4480 : i32
        %dma_start3A_365 = arith.constant 0 : i32
        %dma_start3A_366 = tpu.memref_slice %arg2[%dma_start3A_364, %dma_start3A_365] : memref<10240x64xf32, #tpu.memory_space<hbm>> -> memref<640x64xf32, #tpu.memory_space<hbm>>
        tpu.enqueue_dma source(%dma_start3A_366 : memref<640x64xf32, #tpu.memory_space<hbm>>) target(%dma_start3A_363 : memref<640x64xf32, #tpu.memory_space<vmem_shared>>) target_semaphore(%run_scoped3A : memref<!tpu.dma_semaphore, #tpu.memory_space<semaphore_mem>>)
        %dma_wait3A_367 = arith.constant 4480 : i32
        %dma_wait3A_368 = arith.constant 0 : i32
        %dma_wait3A_369 = tpu.memref_slice %arg19[%dma_wait3A_367, %dma_wait3A_368] : memref<10240x64xf32, #tpu.memory_space<vmem_shared>> -> memref<640x64xf32, #tpu.memory_space<vmem_shared>>
        %dma_wait3A_370 = arith.constant 4480 : i32
        %dma_wait3A_371 = arith.constant 0 : i32
        %dma_wait3A_372 = tpu.memref_slice %arg2[%dma_wait3A_370, %dma_wait3A_371] : memref<10240x64xf32, #tpu.memory_space<hbm>> -> memref<640x64xf32, #tpu.memory_space<hbm>>
        tpu.wait_dma2 semaphore(%run_scoped3A : memref<!tpu.dma_semaphore, #tpu.memory_space<semaphore_mem>>) src(%dma_wait3A_372 : memref<640x64xf32, #tpu.memory_space<hbm>>) dst(%dma_wait3A_369 : memref<640x64xf32, #tpu.memory_space<vmem_shared>>)
        tpu.yield
      }) : () -> ()
    } else {
    }
    %eq3A_60 = arith.constant 0 : i32
    %eq3A_61 = arith.cmpi eq, %arg0, %eq3A_60 : i32
    %eq3A_62 = arith.constant 8 : i32
    %eq3A_63 = arith.cmpi eq, %arg1, %eq3A_62 : i32
    %and3A_64 = arith.andi %eq3A_61, %eq3A_63 : i1
    %convert_element_type3A_65 = arith.extui %and3A_64 : i1 to i32
    %cond3A_66 = arith.constant 0 : i32
    %cond3A_67 = arith.cmpi ne, %convert_element_type3A_65, %cond3A_66 : i32
    scf.if %cond3A_67 {
      "tpu.region"() ({
        %run_scoped3A = tpu.sem_alloc : memref<!tpu.dma_semaphore, #tpu.memory_space<semaphore_mem>>
        %dma_start3A_361 = arith.constant 5120 : i32
        %dma_start3A_362 = arith.constant 0 : i32
        %dma_start3A_363 = tpu.memref_slice %arg19[%dma_start3A_361, %dma_start3A_362] : memref<10240x64xf32, #tpu.memory_space<vmem_shared>> -> memref<640x64xf32, #tpu.memory_space<vmem_shared>>
        %dma_start3A_364 = arith.constant 5120 : i32
        %dma_start3A_365 = arith.constant 0 : i32
        %dma_start3A_366 = tpu.memref_slice %arg2[%dma_start3A_364, %dma_start3A_365] : memref<10240x64xf32, #tpu.memory_space<hbm>> -> memref<640x64xf32, #tpu.memory_space<hbm>>
        tpu.enqueue_dma source(%dma_start3A_366 : memref<640x64xf32, #tpu.memory_space<hbm>>) target(%dma_start3A_363 : memref<640x64xf32, #tpu.memory_space<vmem_shared>>) target_semaphore(%run_scoped3A : memref<!tpu.dma_semaphore, #tpu.memory_space<semaphore_mem>>)
        %dma_wait3A_367 = arith.constant 5120 : i32
        %dma_wait3A_368 = arith.constant 0 : i32
        %dma_wait3A_369 = tpu.memref_slice %arg19[%dma_wait3A_367, %dma_wait3A_368] : memref<10240x64xf32, #tpu.memory_space<vmem_shared>> -> memref<640x64xf32, #tpu.memory_space<vmem_shared>>
        %dma_wait3A_370 = arith.constant 5120 : i32
        %dma_wait3A_371 = arith.constant 0 : i32
        %dma_wait3A_372 = tpu.memref_slice %arg2[%dma_wait3A_370, %dma_wait3A_371] : memref<10240x64xf32, #tpu.memory_space<hbm>> -> memref<640x64xf32, #tpu.memory_space<hbm>>
        tpu.wait_dma2 semaphore(%run_scoped3A : memref<!tpu.dma_semaphore, #tpu.memory_space<semaphore_mem>>) src(%dma_wait3A_372 : memref<640x64xf32, #tpu.memory_space<hbm>>) dst(%dma_wait3A_369 : memref<640x64xf32, #tpu.memory_space<vmem_shared>>)
        tpu.yield
      }) : () -> ()
    } else {
    }
    %eq3A_68 = arith.constant 0 : i32
    %eq3A_69 = arith.cmpi eq, %arg0, %eq3A_68 : i32
    %eq3A_70 = arith.constant 9 : i32
    %eq3A_71 = arith.cmpi eq, %arg1, %eq3A_70 : i32
    %and3A_72 = arith.andi %eq3A_69, %eq3A_71 : i1
    %convert_element_type3A_73 = arith.extui %and3A_72 : i1 to i32
    %cond3A_74 = arith.constant 0 : i32
    %cond3A_75 = arith.cmpi ne, %convert_element_type3A_73, %cond3A_74 : i32
    scf.if %cond3A_75 {
      "tpu.region"() ({
        %run_scoped3A = tpu.sem_alloc : memref<!tpu.dma_semaphore, #tpu.memory_space<semaphore_mem>>
        %dma_start3A_361 = arith.constant 5760 : i32
        %dma_start3A_362 = arith.constant 0 : i32
        %dma_start3A_363 = tpu.memref_slice %arg19[%dma_start3A_361, %dma_start3A_362] : memref<10240x64xf32, #tpu.memory_space<vmem_shared>> -> memref<640x64xf32, #tpu.memory_space<vmem_shared>>
        %dma_start3A_364 = arith.constant 5760 : i32
        %dma_start3A_365 = arith.constant 0 : i32
        %dma_start3A_366 = tpu.memref_slice %arg2[%dma_start3A_364, %dma_start3A_365] : memref<10240x64xf32, #tpu.memory_space<hbm>> -> memref<640x64xf32, #tpu.memory_space<hbm>>
        tpu.enqueue_dma source(%dma_start3A_366 : memref<640x64xf32, #tpu.memory_space<hbm>>) target(%dma_start3A_363 : memref<640x64xf32, #tpu.memory_space<vmem_shared>>) target_semaphore(%run_scoped3A : memref<!tpu.dma_semaphore, #tpu.memory_space<semaphore_mem>>)
        %dma_wait3A_367 = arith.constant 5760 : i32
        %dma_wait3A_368 = arith.constant 0 : i32
        %dma_wait3A_369 = tpu.memref_slice %arg19[%dma_wait3A_367, %dma_wait3A_368] : memref<10240x64xf32, #tpu.memory_space<vmem_shared>> -> memref<640x64xf32, #tpu.memory_space<vmem_shared>>
        %dma_wait3A_370 = arith.constant 5760 : i32
        %dma_wait3A_371 = arith.constant 0 : i32
        %dma_wait3A_372 = tpu.memref_slice %arg2[%dma_wait3A_370, %dma_wait3A_371] : memref<10240x64xf32, #tpu.memory_space<hbm>> -> memref<640x64xf32, #tpu.memory_space<hbm>>
        tpu.wait_dma2 semaphore(%run_scoped3A : memref<!tpu.dma_semaphore, #tpu.memory_space<semaphore_mem>>) src(%dma_wait3A_372 : memref<640x64xf32, #tpu.memory_space<hbm>>) dst(%dma_wait3A_369 : memref<640x64xf32, #tpu.memory_space<vmem_shared>>)
        tpu.yield
      }) : () -> ()
    } else {
    }
    %eq3A_76 = arith.constant 0 : i32
    %eq3A_77 = arith.cmpi eq, %arg0, %eq3A_76 : i32
    %eq3A_78 = arith.constant 10 : i32
    %eq3A_79 = arith.cmpi eq, %arg1, %eq3A_78 : i32
    %and3A_80 = arith.andi %eq3A_77, %eq3A_79 : i1
    %convert_element_type3A_81 = arith.extui %and3A_80 : i1 to i32
    %cond3A_82 = arith.constant 0 : i32
    %cond3A_83 = arith.cmpi ne, %convert_element_type3A_81, %cond3A_82 : i32
    scf.if %cond3A_83 {
      "tpu.region"() ({
        %run_scoped3A = tpu.sem_alloc : memref<!tpu.dma_semaphore, #tpu.memory_space<semaphore_mem>>
        %dma_start3A_361 = arith.constant 6400 : i32
        %dma_start3A_362 = arith.constant 0 : i32
        %dma_start3A_363 = tpu.memref_slice %arg19[%dma_start3A_361, %dma_start3A_362] : memref<10240x64xf32, #tpu.memory_space<vmem_shared>> -> memref<640x64xf32, #tpu.memory_space<vmem_shared>>
        %dma_start3A_364 = arith.constant 6400 : i32
        %dma_start3A_365 = arith.constant 0 : i32
        %dma_start3A_366 = tpu.memref_slice %arg2[%dma_start3A_364, %dma_start3A_365] : memref<10240x64xf32, #tpu.memory_space<hbm>> -> memref<640x64xf32, #tpu.memory_space<hbm>>
        tpu.enqueue_dma source(%dma_start3A_366 : memref<640x64xf32, #tpu.memory_space<hbm>>) target(%dma_start3A_363 : memref<640x64xf32, #tpu.memory_space<vmem_shared>>) target_semaphore(%run_scoped3A : memref<!tpu.dma_semaphore, #tpu.memory_space<semaphore_mem>>)
        %dma_wait3A_367 = arith.constant 6400 : i32
        %dma_wait3A_368 = arith.constant 0 : i32
        %dma_wait3A_369 = tpu.memref_slice %arg19[%dma_wait3A_367, %dma_wait3A_368] : memref<10240x64xf32, #tpu.memory_space<vmem_shared>> -> memref<640x64xf32, #tpu.memory_space<vmem_shared>>
        %dma_wait3A_370 = arith.constant 6400 : i32
        %dma_wait3A_371 = arith.constant 0 : i32
        %dma_wait3A_372 = tpu.memref_slice %arg2[%dma_wait3A_370, %dma_wait3A_371] : memref<10240x64xf32, #tpu.memory_space<hbm>> -> memref<640x64xf32, #tpu.memory_space<hbm>>
        tpu.wait_dma2 semaphore(%run_scoped3A : memref<!tpu.dma_semaphore, #tpu.memory_space<semaphore_mem>>) src(%dma_wait3A_372 : memref<640x64xf32, #tpu.memory_space<hbm>>) dst(%dma_wait3A_369 : memref<640x64xf32, #tpu.memory_space<vmem_shared>>)
        tpu.yield
      }) : () -> ()
    } else {
    }
    %eq3A_84 = arith.constant 0 : i32
    %eq3A_85 = arith.cmpi eq, %arg0, %eq3A_84 : i32
    %eq3A_86 = arith.constant 11 : i32
    %eq3A_87 = arith.cmpi eq, %arg1, %eq3A_86 : i32
    %and3A_88 = arith.andi %eq3A_85, %eq3A_87 : i1
    %convert_element_type3A_89 = arith.extui %and3A_88 : i1 to i32
    %cond3A_90 = arith.constant 0 : i32
    %cond3A_91 = arith.cmpi ne, %convert_element_type3A_89, %cond3A_90 : i32
    scf.if %cond3A_91 {
      "tpu.region"() ({
        %run_scoped3A = tpu.sem_alloc : memref<!tpu.dma_semaphore, #tpu.memory_space<semaphore_mem>>
        %dma_start3A_361 = arith.constant 7040 : i32
        %dma_start3A_362 = arith.constant 0 : i32
        %dma_start3A_363 = tpu.memref_slice %arg19[%dma_start3A_361, %dma_start3A_362] : memref<10240x64xf32, #tpu.memory_space<vmem_shared>> -> memref<640x64xf32, #tpu.memory_space<vmem_shared>>
        %dma_start3A_364 = arith.constant 7040 : i32
        %dma_start3A_365 = arith.constant 0 : i32
        %dma_start3A_366 = tpu.memref_slice %arg2[%dma_start3A_364, %dma_start3A_365] : memref<10240x64xf32, #tpu.memory_space<hbm>> -> memref<640x64xf32, #tpu.memory_space<hbm>>
        tpu.enqueue_dma source(%dma_start3A_366 : memref<640x64xf32, #tpu.memory_space<hbm>>) target(%dma_start3A_363 : memref<640x64xf32, #tpu.memory_space<vmem_shared>>) target_semaphore(%run_scoped3A : memref<!tpu.dma_semaphore, #tpu.memory_space<semaphore_mem>>)
        %dma_wait3A_367 = arith.constant 7040 : i32
        %dma_wait3A_368 = arith.constant 0 : i32
        %dma_wait3A_369 = tpu.memref_slice %arg19[%dma_wait3A_367, %dma_wait3A_368] : memref<10240x64xf32, #tpu.memory_space<vmem_shared>> -> memref<640x64xf32, #tpu.memory_space<vmem_shared>>
        %dma_wait3A_370 = arith.constant 7040 : i32
        %dma_wait3A_371 = arith.constant 0 : i32
        %dma_wait3A_372 = tpu.memref_slice %arg2[%dma_wait3A_370, %dma_wait3A_371] : memref<10240x64xf32, #tpu.memory_space<hbm>> -> memref<640x64xf32, #tpu.memory_space<hbm>>
        tpu.wait_dma2 semaphore(%run_scoped3A : memref<!tpu.dma_semaphore, #tpu.memory_space<semaphore_mem>>) src(%dma_wait3A_372 : memref<640x64xf32, #tpu.memory_space<hbm>>) dst(%dma_wait3A_369 : memref<640x64xf32, #tpu.memory_space<vmem_shared>>)
        tpu.yield
      }) : () -> ()
    } else {
    }
    %eq3A_92 = arith.constant 0 : i32
    %eq3A_93 = arith.cmpi eq, %arg0, %eq3A_92 : i32
    %eq3A_94 = arith.constant 12 : i32
    %eq3A_95 = arith.cmpi eq, %arg1, %eq3A_94 : i32
    %and3A_96 = arith.andi %eq3A_93, %eq3A_95 : i1
    %convert_element_type3A_97 = arith.extui %and3A_96 : i1 to i32
    %cond3A_98 = arith.constant 0 : i32
    %cond3A_99 = arith.cmpi ne, %convert_element_type3A_97, %cond3A_98 : i32
    scf.if %cond3A_99 {
      "tpu.region"() ({
        %run_scoped3A = tpu.sem_alloc : memref<!tpu.dma_semaphore, #tpu.memory_space<semaphore_mem>>
        %dma_start3A_361 = arith.constant 7680 : i32
        %dma_start3A_362 = arith.constant 0 : i32
        %dma_start3A_363 = tpu.memref_slice %arg19[%dma_start3A_361, %dma_start3A_362] : memref<10240x64xf32, #tpu.memory_space<vmem_shared>> -> memref<640x64xf32, #tpu.memory_space<vmem_shared>>
        %dma_start3A_364 = arith.constant 7680 : i32
        %dma_start3A_365 = arith.constant 0 : i32
        %dma_start3A_366 = tpu.memref_slice %arg2[%dma_start3A_364, %dma_start3A_365] : memref<10240x64xf32, #tpu.memory_space<hbm>> -> memref<640x64xf32, #tpu.memory_space<hbm>>
        tpu.enqueue_dma source(%dma_start3A_366 : memref<640x64xf32, #tpu.memory_space<hbm>>) target(%dma_start3A_363 : memref<640x64xf32, #tpu.memory_space<vmem_shared>>) target_semaphore(%run_scoped3A : memref<!tpu.dma_semaphore, #tpu.memory_space<semaphore_mem>>)
        %dma_wait3A_367 = arith.constant 7680 : i32
        %dma_wait3A_368 = arith.constant 0 : i32
        %dma_wait3A_369 = tpu.memref_slice %arg19[%dma_wait3A_367, %dma_wait3A_368] : memref<10240x64xf32, #tpu.memory_space<vmem_shared>> -> memref<640x64xf32, #tpu.memory_space<vmem_shared>>
        %dma_wait3A_370 = arith.constant 7680 : i32
        %dma_wait3A_371 = arith.constant 0 : i32
        %dma_wait3A_372 = tpu.memref_slice %arg2[%dma_wait3A_370, %dma_wait3A_371] : memref<10240x64xf32, #tpu.memory_space<hbm>> -> memref<640x64xf32, #tpu.memory_space<hbm>>
        tpu.wait_dma2 semaphore(%run_scoped3A : memref<!tpu.dma_semaphore, #tpu.memory_space<semaphore_mem>>) src(%dma_wait3A_372 : memref<640x64xf32, #tpu.memory_space<hbm>>) dst(%dma_wait3A_369 : memref<640x64xf32, #tpu.memory_space<vmem_shared>>)
        tpu.yield
      }) : () -> ()
    } else {
    }
    %eq3A_100 = arith.constant 0 : i32
    %eq3A_101 = arith.cmpi eq, %arg0, %eq3A_100 : i32
    %eq3A_102 = arith.constant 13 : i32
    %eq3A_103 = arith.cmpi eq, %arg1, %eq3A_102 : i32
    %and3A_104 = arith.andi %eq3A_101, %eq3A_103 : i1
    %convert_element_type3A_105 = arith.extui %and3A_104 : i1 to i32
    %cond3A_106 = arith.constant 0 : i32
    %cond3A_107 = arith.cmpi ne, %convert_element_type3A_105, %cond3A_106 : i32
    scf.if %cond3A_107 {
      "tpu.region"() ({
        %run_scoped3A = tpu.sem_alloc : memref<!tpu.dma_semaphore, #tpu.memory_space<semaphore_mem>>
        %dma_start3A_361 = arith.constant 8320 : i32
        %dma_start3A_362 = arith.constant 0 : i32
        %dma_start3A_363 = tpu.memref_slice %arg19[%dma_start3A_361, %dma_start3A_362] : memref<10240x64xf32, #tpu.memory_space<vmem_shared>> -> memref<640x64xf32, #tpu.memory_space<vmem_shared>>
        %dma_start3A_364 = arith.constant 8320 : i32
        %dma_start3A_365 = arith.constant 0 : i32
        %dma_start3A_366 = tpu.memref_slice %arg2[%dma_start3A_364, %dma_start3A_365] : memref<10240x64xf32, #tpu.memory_space<hbm>> -> memref<640x64xf32, #tpu.memory_space<hbm>>
        tpu.enqueue_dma source(%dma_start3A_366 : memref<640x64xf32, #tpu.memory_space<hbm>>) target(%dma_start3A_363 : memref<640x64xf32, #tpu.memory_space<vmem_shared>>) target_semaphore(%run_scoped3A : memref<!tpu.dma_semaphore, #tpu.memory_space<semaphore_mem>>)
        %dma_wait3A_367 = arith.constant 8320 : i32
        %dma_wait3A_368 = arith.constant 0 : i32
        %dma_wait3A_369 = tpu.memref_slice %arg19[%dma_wait3A_367, %dma_wait3A_368] : memref<10240x64xf32, #tpu.memory_space<vmem_shared>> -> memref<640x64xf32, #tpu.memory_space<vmem_shared>>
        %dma_wait3A_370 = arith.constant 8320 : i32
        %dma_wait3A_371 = arith.constant 0 : i32
        %dma_wait3A_372 = tpu.memref_slice %arg2[%dma_wait3A_370, %dma_wait3A_371] : memref<10240x64xf32, #tpu.memory_space<hbm>> -> memref<640x64xf32, #tpu.memory_space<hbm>>
        tpu.wait_dma2 semaphore(%run_scoped3A : memref<!tpu.dma_semaphore, #tpu.memory_space<semaphore_mem>>) src(%dma_wait3A_372 : memref<640x64xf32, #tpu.memory_space<hbm>>) dst(%dma_wait3A_369 : memref<640x64xf32, #tpu.memory_space<vmem_shared>>)
        tpu.yield
      }) : () -> ()
    } else {
    }
    %eq3A_108 = arith.constant 0 : i32
    %eq3A_109 = arith.cmpi eq, %arg0, %eq3A_108 : i32
    %eq3A_110 = arith.constant 14 : i32
    %eq3A_111 = arith.cmpi eq, %arg1, %eq3A_110 : i32
    %and3A_112 = arith.andi %eq3A_109, %eq3A_111 : i1
    %convert_element_type3A_113 = arith.extui %and3A_112 : i1 to i32
    %cond3A_114 = arith.constant 0 : i32
    %cond3A_115 = arith.cmpi ne, %convert_element_type3A_113, %cond3A_114 : i32
    scf.if %cond3A_115 {
      "tpu.region"() ({
        %run_scoped3A = tpu.sem_alloc : memref<!tpu.dma_semaphore, #tpu.memory_space<semaphore_mem>>
        %dma_start3A_361 = arith.constant 8960 : i32
        %dma_start3A_362 = arith.constant 0 : i32
        %dma_start3A_363 = tpu.memref_slice %arg19[%dma_start3A_361, %dma_start3A_362] : memref<10240x64xf32, #tpu.memory_space<vmem_shared>> -> memref<640x64xf32, #tpu.memory_space<vmem_shared>>
        %dma_start3A_364 = arith.constant 8960 : i32
        %dma_start3A_365 = arith.constant 0 : i32
        %dma_start3A_366 = tpu.memref_slice %arg2[%dma_start3A_364, %dma_start3A_365] : memref<10240x64xf32, #tpu.memory_space<hbm>> -> memref<640x64xf32, #tpu.memory_space<hbm>>
        tpu.enqueue_dma source(%dma_start3A_366 : memref<640x64xf32, #tpu.memory_space<hbm>>) target(%dma_start3A_363 : memref<640x64xf32, #tpu.memory_space<vmem_shared>>) target_semaphore(%run_scoped3A : memref<!tpu.dma_semaphore, #tpu.memory_space<semaphore_mem>>)
        %dma_wait3A_367 = arith.constant 8960 : i32
        %dma_wait3A_368 = arith.constant 0 : i32
        %dma_wait3A_369 = tpu.memref_slice %arg19[%dma_wait3A_367, %dma_wait3A_368] : memref<10240x64xf32, #tpu.memory_space<vmem_shared>> -> memref<640x64xf32, #tpu.memory_space<vmem_shared>>
        %dma_wait3A_370 = arith.constant 8960 : i32
        %dma_wait3A_371 = arith.constant 0 : i32
        %dma_wait3A_372 = tpu.memref_slice %arg2[%dma_wait3A_370, %dma_wait3A_371] : memref<10240x64xf32, #tpu.memory_space<hbm>> -> memref<640x64xf32, #tpu.memory_space<hbm>>
        tpu.wait_dma2 semaphore(%run_scoped3A : memref<!tpu.dma_semaphore, #tpu.memory_space<semaphore_mem>>) src(%dma_wait3A_372 : memref<640x64xf32, #tpu.memory_space<hbm>>) dst(%dma_wait3A_369 : memref<640x64xf32, #tpu.memory_space<vmem_shared>>)
        tpu.yield
      }) : () -> ()
    } else {
    }
    %eq3A_116 = arith.constant 0 : i32
    %eq3A_117 = arith.cmpi eq, %arg0, %eq3A_116 : i32
    %eq3A_118 = arith.constant 15 : i32
    %eq3A_119 = arith.cmpi eq, %arg1, %eq3A_118 : i32
    %and3A_120 = arith.andi %eq3A_117, %eq3A_119 : i1
    %convert_element_type3A_121 = arith.extui %and3A_120 : i1 to i32
    %cond3A_122 = arith.constant 0 : i32
    %cond3A_123 = arith.cmpi ne, %convert_element_type3A_121, %cond3A_122 : i32
    scf.if %cond3A_123 {
      "tpu.region"() ({
        %run_scoped3A = tpu.sem_alloc : memref<!tpu.dma_semaphore, #tpu.memory_space<semaphore_mem>>
        %dma_start3A_361 = arith.constant 9600 : i32
        %dma_start3A_362 = arith.constant 0 : i32
        %dma_start3A_363 = tpu.memref_slice %arg19[%dma_start3A_361, %dma_start3A_362] : memref<10240x64xf32, #tpu.memory_space<vmem_shared>> -> memref<640x64xf32, #tpu.memory_space<vmem_shared>>
        %dma_start3A_364 = arith.constant 9600 : i32
        %dma_start3A_365 = arith.constant 0 : i32
        %dma_start3A_366 = tpu.memref_slice %arg2[%dma_start3A_364, %dma_start3A_365] : memref<10240x64xf32, #tpu.memory_space<hbm>> -> memref<640x64xf32, #tpu.memory_space<hbm>>
        tpu.enqueue_dma source(%dma_start3A_366 : memref<640x64xf32, #tpu.memory_space<hbm>>) target(%dma_start3A_363 : memref<640x64xf32, #tpu.memory_space<vmem_shared>>) target_semaphore(%run_scoped3A : memref<!tpu.dma_semaphore, #tpu.memory_space<semaphore_mem>>)
        %dma_wait3A_367 = arith.constant 9600 : i32
        %dma_wait3A_368 = arith.constant 0 : i32
        %dma_wait3A_369 = tpu.memref_slice %arg19[%dma_wait3A_367, %dma_wait3A_368] : memref<10240x64xf32, #tpu.memory_space<vmem_shared>> -> memref<640x64xf32, #tpu.memory_space<vmem_shared>>
        %dma_wait3A_370 = arith.constant 9600 : i32
        %dma_wait3A_371 = arith.constant 0 : i32
        %dma_wait3A_372 = tpu.memref_slice %arg2[%dma_wait3A_370, %dma_wait3A_371] : memref<10240x64xf32, #tpu.memory_space<hbm>> -> memref<640x64xf32, #tpu.memory_space<hbm>>
        tpu.wait_dma2 semaphore(%run_scoped3A : memref<!tpu.dma_semaphore, #tpu.memory_space<semaphore_mem>>) src(%dma_wait3A_372 : memref<640x64xf32, #tpu.memory_space<hbm>>) dst(%dma_wait3A_369 : memref<640x64xf32, #tpu.memory_space<vmem_shared>>)
        tpu.yield
      }) : () -> ()
    } else {
    }
    %eq3A_124 = arith.constant 1 : i32
    %eq3A_125 = arith.cmpi eq, %arg0, %eq3A_124 : i32
    %eq3A_126 = arith.constant 0 : i32
    %eq3A_127 = arith.cmpi eq, %arg1, %eq3A_126 : i32
    %and3A_128 = arith.andi %eq3A_125, %eq3A_127 : i1
    %convert_element_type3A_129 = arith.extui %and3A_128 : i1 to i32
    %cond3A_130 = arith.constant 0 : i32
    %cond3A_131 = arith.cmpi ne, %convert_element_type3A_129, %cond3A_130 : i32
    scf.if %cond3A_131 {
      "tpu.region"() ({
        %run_scoped3A = tpu.sem_alloc : memref<!tpu.dma_semaphore, #tpu.memory_space<semaphore_mem>>
        %dma_start3A_361 = arith.constant 0 : i32
        %dma_start3A_362 = arith.constant 0 : i32
        %dma_start3A_363 = tpu.memref_slice %arg19[%dma_start3A_361, %dma_start3A_362] : memref<10240x64xf32, #tpu.memory_space<vmem_shared>> -> memref<640x64xf32, #tpu.memory_space<vmem_shared>>
        %dma_start3A_364 = arith.constant 0 : i32
        %dma_start3A_365 = arith.constant 0 : i32
        %dma_start3A_366 = tpu.memref_slice %arg3[%dma_start3A_364, %dma_start3A_365] : memref<10240x64xf32, #tpu.memory_space<hbm>> -> memref<640x64xf32, #tpu.memory_space<hbm>>
        tpu.enqueue_dma source(%dma_start3A_366 : memref<640x64xf32, #tpu.memory_space<hbm>>) target(%dma_start3A_363 : memref<640x64xf32, #tpu.memory_space<vmem_shared>>) target_semaphore(%run_scoped3A : memref<!tpu.dma_semaphore, #tpu.memory_space<semaphore_mem>>)
        %dma_wait3A_367 = arith.constant 0 : i32
        %dma_wait3A_368 = arith.constant 0 : i32
        %dma_wait3A_369 = tpu.memref_slice %arg19[%dma_wait3A_367, %dma_wait3A_368] : memref<10240x64xf32, #tpu.memory_space<vmem_shared>> -> memref<640x64xf32, #tpu.memory_space<vmem_shared>>
        %dma_wait3A_370 = arith.constant 0 : i32
        %dma_wait3A_371 = arith.constant 0 : i32
        %dma_wait3A_372 = tpu.memref_slice %arg3[%dma_wait3A_370, %dma_wait3A_371] : memref<10240x64xf32, #tpu.memory_space<hbm>> -> memref<640x64xf32, #tpu.memory_space<hbm>>
        tpu.wait_dma2 semaphore(%run_scoped3A : memref<!tpu.dma_semaphore, #tpu.memory_space<semaphore_mem>>) src(%dma_wait3A_372 : memref<640x64xf32, #tpu.memory_space<hbm>>) dst(%dma_wait3A_369 : memref<640x64xf32, #tpu.memory_space<vmem_shared>>)
        tpu.yield
      }) : () -> ()
    } else {
    }
    %eq3A_132 = arith.constant 1 : i32
    %eq3A_133 = arith.cmpi eq, %arg0, %eq3A_132 : i32
    %eq3A_134 = arith.constant 1 : i32
    %eq3A_135 = arith.cmpi eq, %arg1, %eq3A_134 : i32
    %and3A_136 = arith.andi %eq3A_133, %eq3A_135 : i1
    %convert_element_type3A_137 = arith.extui %and3A_136 : i1 to i32
    %cond3A_138 = arith.constant 0 : i32
    %cond3A_139 = arith.cmpi ne, %convert_element_type3A_137, %cond3A_138 : i32
    scf.if %cond3A_139 {
      "tpu.region"() ({
        %run_scoped3A = tpu.sem_alloc : memref<!tpu.dma_semaphore, #tpu.memory_space<semaphore_mem>>
        %dma_start3A_361 = arith.constant 640 : i32
        %dma_start3A_362 = arith.constant 0 : i32
        %dma_start3A_363 = tpu.memref_slice %arg19[%dma_start3A_361, %dma_start3A_362] : memref<10240x64xf32, #tpu.memory_space<vmem_shared>> -> memref<640x64xf32, #tpu.memory_space<vmem_shared>>
        %dma_start3A_364 = arith.constant 640 : i32
        %dma_start3A_365 = arith.constant 0 : i32
        %dma_start3A_366 = tpu.memref_slice %arg3[%dma_start3A_364, %dma_start3A_365] : memref<10240x64xf32, #tpu.memory_space<hbm>> -> memref<640x64xf32, #tpu.memory_space<hbm>>
        tpu.enqueue_dma source(%dma_start3A_366 : memref<640x64xf32, #tpu.memory_space<hbm>>) target(%dma_start3A_363 : memref<640x64xf32, #tpu.memory_space<vmem_shared>>) target_semaphore(%run_scoped3A : memref<!tpu.dma_semaphore, #tpu.memory_space<semaphore_mem>>)
        %dma_wait3A_367 = arith.constant 640 : i32
        %dma_wait3A_368 = arith.constant 0 : i32
        %dma_wait3A_369 = tpu.memref_slice %arg19[%dma_wait3A_367, %dma_wait3A_368] : memref<10240x64xf32, #tpu.memory_space<vmem_shared>> -> memref<640x64xf32, #tpu.memory_space<vmem_shared>>
        %dma_wait3A_370 = arith.constant 640 : i32
        %dma_wait3A_371 = arith.constant 0 : i32
        %dma_wait3A_372 = tpu.memref_slice %arg3[%dma_wait3A_370, %dma_wait3A_371] : memref<10240x64xf32, #tpu.memory_space<hbm>> -> memref<640x64xf32, #tpu.memory_space<hbm>>
        tpu.wait_dma2 semaphore(%run_scoped3A : memref<!tpu.dma_semaphore, #tpu.memory_space<semaphore_mem>>) src(%dma_wait3A_372 : memref<640x64xf32, #tpu.memory_space<hbm>>) dst(%dma_wait3A_369 : memref<640x64xf32, #tpu.memory_space<vmem_shared>>)
        tpu.yield
      }) : () -> ()
    } else {
    }
    %eq3A_140 = arith.constant 1 : i32
    %eq3A_141 = arith.cmpi eq, %arg0, %eq3A_140 : i32
    %eq3A_142 = arith.constant 2 : i32
    %eq3A_143 = arith.cmpi eq, %arg1, %eq3A_142 : i32
    %and3A_144 = arith.andi %eq3A_141, %eq3A_143 : i1
    %convert_element_type3A_145 = arith.extui %and3A_144 : i1 to i32
    %cond3A_146 = arith.constant 0 : i32
    %cond3A_147 = arith.cmpi ne, %convert_element_type3A_145, %cond3A_146 : i32
    scf.if %cond3A_147 {
      "tpu.region"() ({
        %run_scoped3A = tpu.sem_alloc : memref<!tpu.dma_semaphore, #tpu.memory_space<semaphore_mem>>
        %dma_start3A_361 = arith.constant 1280 : i32
        %dma_start3A_362 = arith.constant 0 : i32
        %dma_start3A_363 = tpu.memref_slice %arg19[%dma_start3A_361, %dma_start3A_362] : memref<10240x64xf32, #tpu.memory_space<vmem_shared>> -> memref<640x64xf32, #tpu.memory_space<vmem_shared>>
        %dma_start3A_364 = arith.constant 1280 : i32
        %dma_start3A_365 = arith.constant 0 : i32
        %dma_start3A_366 = tpu.memref_slice %arg3[%dma_start3A_364, %dma_start3A_365] : memref<10240x64xf32, #tpu.memory_space<hbm>> -> memref<640x64xf32, #tpu.memory_space<hbm>>
        tpu.enqueue_dma source(%dma_start3A_366 : memref<640x64xf32, #tpu.memory_space<hbm>>) target(%dma_start3A_363 : memref<640x64xf32, #tpu.memory_space<vmem_shared>>) target_semaphore(%run_scoped3A : memref<!tpu.dma_semaphore, #tpu.memory_space<semaphore_mem>>)
        %dma_wait3A_367 = arith.constant 1280 : i32
        %dma_wait3A_368 = arith.constant 0 : i32
        %dma_wait3A_369 = tpu.memref_slice %arg19[%dma_wait3A_367, %dma_wait3A_368] : memref<10240x64xf32, #tpu.memory_space<vmem_shared>> -> memref<640x64xf32, #tpu.memory_space<vmem_shared>>
        %dma_wait3A_370 = arith.constant 1280 : i32
        %dma_wait3A_371 = arith.constant 0 : i32
        %dma_wait3A_372 = tpu.memref_slice %arg3[%dma_wait3A_370, %dma_wait3A_371] : memref<10240x64xf32, #tpu.memory_space<hbm>> -> memref<640x64xf32, #tpu.memory_space<hbm>>
        tpu.wait_dma2 semaphore(%run_scoped3A : memref<!tpu.dma_semaphore, #tpu.memory_space<semaphore_mem>>) src(%dma_wait3A_372 : memref<640x64xf32, #tpu.memory_space<hbm>>) dst(%dma_wait3A_369 : memref<640x64xf32, #tpu.memory_space<vmem_shared>>)
        tpu.yield
      }) : () -> ()
    } else {
    }
    %eq3A_148 = arith.constant 1 : i32
    %eq3A_149 = arith.cmpi eq, %arg0, %eq3A_148 : i32
    %eq3A_150 = arith.constant 3 : i32
    %eq3A_151 = arith.cmpi eq, %arg1, %eq3A_150 : i32
    %and3A_152 = arith.andi %eq3A_149, %eq3A_151 : i1
    %convert_element_type3A_153 = arith.extui %and3A_152 : i1 to i32
    %cond3A_154 = arith.constant 0 : i32
    %cond3A_155 = arith.cmpi ne, %convert_element_type3A_153, %cond3A_154 : i32
    scf.if %cond3A_155 {
      "tpu.region"() ({
        %run_scoped3A = tpu.sem_alloc : memref<!tpu.dma_semaphore, #tpu.memory_space<semaphore_mem>>
        %dma_start3A_361 = arith.constant 1920 : i32
        %dma_start3A_362 = arith.constant 0 : i32
        %dma_start3A_363 = tpu.memref_slice %arg19[%dma_start3A_361, %dma_start3A_362] : memref<10240x64xf32, #tpu.memory_space<vmem_shared>> -> memref<640x64xf32, #tpu.memory_space<vmem_shared>>
        %dma_start3A_364 = arith.constant 1920 : i32
        %dma_start3A_365 = arith.constant 0 : i32
        %dma_start3A_366 = tpu.memref_slice %arg3[%dma_start3A_364, %dma_start3A_365] : memref<10240x64xf32, #tpu.memory_space<hbm>> -> memref<640x64xf32, #tpu.memory_space<hbm>>
        tpu.enqueue_dma source(%dma_start3A_366 : memref<640x64xf32, #tpu.memory_space<hbm>>) target(%dma_start3A_363 : memref<640x64xf32, #tpu.memory_space<vmem_shared>>) target_semaphore(%run_scoped3A : memref<!tpu.dma_semaphore, #tpu.memory_space<semaphore_mem>>)
        %dma_wait3A_367 = arith.constant 1920 : i32
        %dma_wait3A_368 = arith.constant 0 : i32
        %dma_wait3A_369 = tpu.memref_slice %arg19[%dma_wait3A_367, %dma_wait3A_368] : memref<10240x64xf32, #tpu.memory_space<vmem_shared>> -> memref<640x64xf32, #tpu.memory_space<vmem_shared>>
        %dma_wait3A_370 = arith.constant 1920 : i32
        %dma_wait3A_371 = arith.constant 0 : i32
        %dma_wait3A_372 = tpu.memref_slice %arg3[%dma_wait3A_370, %dma_wait3A_371] : memref<10240x64xf32, #tpu.memory_space<hbm>> -> memref<640x64xf32, #tpu.memory_space<hbm>>
        tpu.wait_dma2 semaphore(%run_scoped3A : memref<!tpu.dma_semaphore, #tpu.memory_space<semaphore_mem>>) src(%dma_wait3A_372 : memref<640x64xf32, #tpu.memory_space<hbm>>) dst(%dma_wait3A_369 : memref<640x64xf32, #tpu.memory_space<vmem_shared>>)
        tpu.yield
      }) : () -> ()
    } else {
    }
    %eq3A_156 = arith.constant 1 : i32
    %eq3A_157 = arith.cmpi eq, %arg0, %eq3A_156 : i32
    %eq3A_158 = arith.constant 4 : i32
    %eq3A_159 = arith.cmpi eq, %arg1, %eq3A_158 : i32
    %and3A_160 = arith.andi %eq3A_157, %eq3A_159 : i1
    %convert_element_type3A_161 = arith.extui %and3A_160 : i1 to i32
    %cond3A_162 = arith.constant 0 : i32
    %cond3A_163 = arith.cmpi ne, %convert_element_type3A_161, %cond3A_162 : i32
    scf.if %cond3A_163 {
      "tpu.region"() ({
        %run_scoped3A = tpu.sem_alloc : memref<!tpu.dma_semaphore, #tpu.memory_space<semaphore_mem>>
        %dma_start3A_361 = arith.constant 2560 : i32
        %dma_start3A_362 = arith.constant 0 : i32
        %dma_start3A_363 = tpu.memref_slice %arg19[%dma_start3A_361, %dma_start3A_362] : memref<10240x64xf32, #tpu.memory_space<vmem_shared>> -> memref<640x64xf32, #tpu.memory_space<vmem_shared>>
        %dma_start3A_364 = arith.constant 2560 : i32
        %dma_start3A_365 = arith.constant 0 : i32
        %dma_start3A_366 = tpu.memref_slice %arg3[%dma_start3A_364, %dma_start3A_365] : memref<10240x64xf32, #tpu.memory_space<hbm>> -> memref<640x64xf32, #tpu.memory_space<hbm>>
        tpu.enqueue_dma source(%dma_start3A_366 : memref<640x64xf32, #tpu.memory_space<hbm>>) target(%dma_start3A_363 : memref<640x64xf32, #tpu.memory_space<vmem_shared>>) target_semaphore(%run_scoped3A : memref<!tpu.dma_semaphore, #tpu.memory_space<semaphore_mem>>)
        %dma_wait3A_367 = arith.constant 2560 : i32
        %dma_wait3A_368 = arith.constant 0 : i32
        %dma_wait3A_369 = tpu.memref_slice %arg19[%dma_wait3A_367, %dma_wait3A_368] : memref<10240x64xf32, #tpu.memory_space<vmem_shared>> -> memref<640x64xf32, #tpu.memory_space<vmem_shared>>
        %dma_wait3A_370 = arith.constant 2560 : i32
        %dma_wait3A_371 = arith.constant 0 : i32
        %dma_wait3A_372 = tpu.memref_slice %arg3[%dma_wait3A_370, %dma_wait3A_371] : memref<10240x64xf32, #tpu.memory_space<hbm>> -> memref<640x64xf32, #tpu.memory_space<hbm>>
        tpu.wait_dma2 semaphore(%run_scoped3A : memref<!tpu.dma_semaphore, #tpu.memory_space<semaphore_mem>>) src(%dma_wait3A_372 : memref<640x64xf32, #tpu.memory_space<hbm>>) dst(%dma_wait3A_369 : memref<640x64xf32, #tpu.memory_space<vmem_shared>>)
        tpu.yield
      }) : () -> ()
    } else {
    }
    %eq3A_164 = arith.constant 1 : i32
    %eq3A_165 = arith.cmpi eq, %arg0, %eq3A_164 : i32
    %eq3A_166 = arith.constant 5 : i32
    %eq3A_167 = arith.cmpi eq, %arg1, %eq3A_166 : i32
    %and3A_168 = arith.andi %eq3A_165, %eq3A_167 : i1
    %convert_element_type3A_169 = arith.extui %and3A_168 : i1 to i32
    %cond3A_170 = arith.constant 0 : i32
    %cond3A_171 = arith.cmpi ne, %convert_element_type3A_169, %cond3A_170 : i32
    scf.if %cond3A_171 {
      "tpu.region"() ({
        %run_scoped3A = tpu.sem_alloc : memref<!tpu.dma_semaphore, #tpu.memory_space<semaphore_mem>>
        %dma_start3A_361 = arith.constant 3200 : i32
        %dma_start3A_362 = arith.constant 0 : i32
        %dma_start3A_363 = tpu.memref_slice %arg19[%dma_start3A_361, %dma_start3A_362] : memref<10240x64xf32, #tpu.memory_space<vmem_shared>> -> memref<640x64xf32, #tpu.memory_space<vmem_shared>>
        %dma_start3A_364 = arith.constant 3200 : i32
        %dma_start3A_365 = arith.constant 0 : i32
        %dma_start3A_366 = tpu.memref_slice %arg3[%dma_start3A_364, %dma_start3A_365] : memref<10240x64xf32, #tpu.memory_space<hbm>> -> memref<640x64xf32, #tpu.memory_space<hbm>>
        tpu.enqueue_dma source(%dma_start3A_366 : memref<640x64xf32, #tpu.memory_space<hbm>>) target(%dma_start3A_363 : memref<640x64xf32, #tpu.memory_space<vmem_shared>>) target_semaphore(%run_scoped3A : memref<!tpu.dma_semaphore, #tpu.memory_space<semaphore_mem>>)
        %dma_wait3A_367 = arith.constant 3200 : i32
        %dma_wait3A_368 = arith.constant 0 : i32
        %dma_wait3A_369 = tpu.memref_slice %arg19[%dma_wait3A_367, %dma_wait3A_368] : memref<10240x64xf32, #tpu.memory_space<vmem_shared>> -> memref<640x64xf32, #tpu.memory_space<vmem_shared>>
        %dma_wait3A_370 = arith.constant 3200 : i32
        %dma_wait3A_371 = arith.constant 0 : i32
        %dma_wait3A_372 = tpu.memref_slice %arg3[%dma_wait3A_370, %dma_wait3A_371] : memref<10240x64xf32, #tpu.memory_space<hbm>> -> memref<640x64xf32, #tpu.memory_space<hbm>>
        tpu.wait_dma2 semaphore(%run_scoped3A : memref<!tpu.dma_semaphore, #tpu.memory_space<semaphore_mem>>) src(%dma_wait3A_372 : memref<640x64xf32, #tpu.memory_space<hbm>>) dst(%dma_wait3A_369 : memref<640x64xf32, #tpu.memory_space<vmem_shared>>)
        tpu.yield
      }) : () -> ()
    } else {
    }
    %eq3A_172 = arith.constant 1 : i32
    %eq3A_173 = arith.cmpi eq, %arg0, %eq3A_172 : i32
    %eq3A_174 = arith.constant 6 : i32
    %eq3A_175 = arith.cmpi eq, %arg1, %eq3A_174 : i32
    %and3A_176 = arith.andi %eq3A_173, %eq3A_175 : i1
    %convert_element_type3A_177 = arith.extui %and3A_176 : i1 to i32
    %cond3A_178 = arith.constant 0 : i32
    %cond3A_179 = arith.cmpi ne, %convert_element_type3A_177, %cond3A_178 : i32
    scf.if %cond3A_179 {
      "tpu.region"() ({
        %run_scoped3A = tpu.sem_alloc : memref<!tpu.dma_semaphore, #tpu.memory_space<semaphore_mem>>
        %dma_start3A_361 = arith.constant 3840 : i32
        %dma_start3A_362 = arith.constant 0 : i32
        %dma_start3A_363 = tpu.memref_slice %arg19[%dma_start3A_361, %dma_start3A_362] : memref<10240x64xf32, #tpu.memory_space<vmem_shared>> -> memref<640x64xf32, #tpu.memory_space<vmem_shared>>
        %dma_start3A_364 = arith.constant 3840 : i32
        %dma_start3A_365 = arith.constant 0 : i32
        %dma_start3A_366 = tpu.memref_slice %arg3[%dma_start3A_364, %dma_start3A_365] : memref<10240x64xf32, #tpu.memory_space<hbm>> -> memref<640x64xf32, #tpu.memory_space<hbm>>
        tpu.enqueue_dma source(%dma_start3A_366 : memref<640x64xf32, #tpu.memory_space<hbm>>) target(%dma_start3A_363 : memref<640x64xf32, #tpu.memory_space<vmem_shared>>) target_semaphore(%run_scoped3A : memref<!tpu.dma_semaphore, #tpu.memory_space<semaphore_mem>>)
        %dma_wait3A_367 = arith.constant 3840 : i32
        %dma_wait3A_368 = arith.constant 0 : i32
        %dma_wait3A_369 = tpu.memref_slice %arg19[%dma_wait3A_367, %dma_wait3A_368] : memref<10240x64xf32, #tpu.memory_space<vmem_shared>> -> memref<640x64xf32, #tpu.memory_space<vmem_shared>>
        %dma_wait3A_370 = arith.constant 3840 : i32
        %dma_wait3A_371 = arith.constant 0 : i32
        %dma_wait3A_372 = tpu.memref_slice %arg3[%dma_wait3A_370, %dma_wait3A_371] : memref<10240x64xf32, #tpu.memory_space<hbm>> -> memref<640x64xf32, #tpu.memory_space<hbm>>
        tpu.wait_dma2 semaphore(%run_scoped3A : memref<!tpu.dma_semaphore, #tpu.memory_space<semaphore_mem>>) src(%dma_wait3A_372 : memref<640x64xf32, #tpu.memory_space<hbm>>) dst(%dma_wait3A_369 : memref<640x64xf32, #tpu.memory_space<vmem_shared>>)
        tpu.yield
      }) : () -> ()
    } else {
    }
    %eq3A_180 = arith.constant 1 : i32
    %eq3A_181 = arith.cmpi eq, %arg0, %eq3A_180 : i32
    %eq3A_182 = arith.constant 7 : i32
    %eq3A_183 = arith.cmpi eq, %arg1, %eq3A_182 : i32
    %and3A_184 = arith.andi %eq3A_181, %eq3A_183 : i1
    %convert_element_type3A_185 = arith.extui %and3A_184 : i1 to i32
    %cond3A_186 = arith.constant 0 : i32
    %cond3A_187 = arith.cmpi ne, %convert_element_type3A_185, %cond3A_186 : i32
    scf.if %cond3A_187 {
      "tpu.region"() ({
        %run_scoped3A = tpu.sem_alloc : memref<!tpu.dma_semaphore, #tpu.memory_space<semaphore_mem>>
        %dma_start3A_361 = arith.constant 4480 : i32
        %dma_start3A_362 = arith.constant 0 : i32
        %dma_start3A_363 = tpu.memref_slice %arg19[%dma_start3A_361, %dma_start3A_362] : memref<10240x64xf32, #tpu.memory_space<vmem_shared>> -> memref<640x64xf32, #tpu.memory_space<vmem_shared>>
        %dma_start3A_364 = arith.constant 4480 : i32
        %dma_start3A_365 = arith.constant 0 : i32
        %dma_start3A_366 = tpu.memref_slice %arg3[%dma_start3A_364, %dma_start3A_365] : memref<10240x64xf32, #tpu.memory_space<hbm>> -> memref<640x64xf32, #tpu.memory_space<hbm>>
        tpu.enqueue_dma source(%dma_start3A_366 : memref<640x64xf32, #tpu.memory_space<hbm>>) target(%dma_start3A_363 : memref<640x64xf32, #tpu.memory_space<vmem_shared>>) target_semaphore(%run_scoped3A : memref<!tpu.dma_semaphore, #tpu.memory_space<semaphore_mem>>)
        %dma_wait3A_367 = arith.constant 4480 : i32
        %dma_wait3A_368 = arith.constant 0 : i32
        %dma_wait3A_369 = tpu.memref_slice %arg19[%dma_wait3A_367, %dma_wait3A_368] : memref<10240x64xf32, #tpu.memory_space<vmem_shared>> -> memref<640x64xf32, #tpu.memory_space<vmem_shared>>
        %dma_wait3A_370 = arith.constant 4480 : i32
        %dma_wait3A_371 = arith.constant 0 : i32
        %dma_wait3A_372 = tpu.memref_slice %arg3[%dma_wait3A_370, %dma_wait3A_371] : memref<10240x64xf32, #tpu.memory_space<hbm>> -> memref<640x64xf32, #tpu.memory_space<hbm>>
        tpu.wait_dma2 semaphore(%run_scoped3A : memref<!tpu.dma_semaphore, #tpu.memory_space<semaphore_mem>>) src(%dma_wait3A_372 : memref<640x64xf32, #tpu.memory_space<hbm>>) dst(%dma_wait3A_369 : memref<640x64xf32, #tpu.memory_space<vmem_shared>>)
        tpu.yield
      }) : () -> ()
    } else {
    }
    %eq3A_188 = arith.constant 1 : i32
    %eq3A_189 = arith.cmpi eq, %arg0, %eq3A_188 : i32
    %eq3A_190 = arith.constant 8 : i32
    %eq3A_191 = arith.cmpi eq, %arg1, %eq3A_190 : i32
    %and3A_192 = arith.andi %eq3A_189, %eq3A_191 : i1
    %convert_element_type3A_193 = arith.extui %and3A_192 : i1 to i32
    %cond3A_194 = arith.constant 0 : i32
    %cond3A_195 = arith.cmpi ne, %convert_element_type3A_193, %cond3A_194 : i32
    scf.if %cond3A_195 {
      "tpu.region"() ({
        %run_scoped3A = tpu.sem_alloc : memref<!tpu.dma_semaphore, #tpu.memory_space<semaphore_mem>>
        %dma_start3A_361 = arith.constant 5120 : i32
        %dma_start3A_362 = arith.constant 0 : i32
        %dma_start3A_363 = tpu.memref_slice %arg19[%dma_start3A_361, %dma_start3A_362] : memref<10240x64xf32, #tpu.memory_space<vmem_shared>> -> memref<640x64xf32, #tpu.memory_space<vmem_shared>>
        %dma_start3A_364 = arith.constant 5120 : i32
        %dma_start3A_365 = arith.constant 0 : i32
        %dma_start3A_366 = tpu.memref_slice %arg3[%dma_start3A_364, %dma_start3A_365] : memref<10240x64xf32, #tpu.memory_space<hbm>> -> memref<640x64xf32, #tpu.memory_space<hbm>>
        tpu.enqueue_dma source(%dma_start3A_366 : memref<640x64xf32, #tpu.memory_space<hbm>>) target(%dma_start3A_363 : memref<640x64xf32, #tpu.memory_space<vmem_shared>>) target_semaphore(%run_scoped3A : memref<!tpu.dma_semaphore, #tpu.memory_space<semaphore_mem>>)
        %dma_wait3A_367 = arith.constant 5120 : i32
        %dma_wait3A_368 = arith.constant 0 : i32
        %dma_wait3A_369 = tpu.memref_slice %arg19[%dma_wait3A_367, %dma_wait3A_368] : memref<10240x64xf32, #tpu.memory_space<vmem_shared>> -> memref<640x64xf32, #tpu.memory_space<vmem_shared>>
        %dma_wait3A_370 = arith.constant 5120 : i32
        %dma_wait3A_371 = arith.constant 0 : i32
        %dma_wait3A_372 = tpu.memref_slice %arg3[%dma_wait3A_370, %dma_wait3A_371] : memref<10240x64xf32, #tpu.memory_space<hbm>> -> memref<640x64xf32, #tpu.memory_space<hbm>>
        tpu.wait_dma2 semaphore(%run_scoped3A : memref<!tpu.dma_semaphore, #tpu.memory_space<semaphore_mem>>) src(%dma_wait3A_372 : memref<640x64xf32, #tpu.memory_space<hbm>>) dst(%dma_wait3A_369 : memref<640x64xf32, #tpu.memory_space<vmem_shared>>)
        tpu.yield
      }) : () -> ()
    } else {
    }
    %eq3A_196 = arith.constant 1 : i32
    %eq3A_197 = arith.cmpi eq, %arg0, %eq3A_196 : i32
    %eq3A_198 = arith.constant 9 : i32
    %eq3A_199 = arith.cmpi eq, %arg1, %eq3A_198 : i32
    %and3A_200 = arith.andi %eq3A_197, %eq3A_199 : i1
    %convert_element_type3A_201 = arith.extui %and3A_200 : i1 to i32
    %cond3A_202 = arith.constant 0 : i32
    %cond3A_203 = arith.cmpi ne, %convert_element_type3A_201, %cond3A_202 : i32
    scf.if %cond3A_203 {
      "tpu.region"() ({
        %run_scoped3A = tpu.sem_alloc : memref<!tpu.dma_semaphore, #tpu.memory_space<semaphore_mem>>
        %dma_start3A_361 = arith.constant 5760 : i32
        %dma_start3A_362 = arith.constant 0 : i32
        %dma_start3A_363 = tpu.memref_slice %arg19[%dma_start3A_361, %dma_start3A_362] : memref<10240x64xf32, #tpu.memory_space<vmem_shared>> -> memref<640x64xf32, #tpu.memory_space<vmem_shared>>
        %dma_start3A_364 = arith.constant 5760 : i32
        %dma_start3A_365 = arith.constant 0 : i32
        %dma_start3A_366 = tpu.memref_slice %arg3[%dma_start3A_364, %dma_start3A_365] : memref<10240x64xf32, #tpu.memory_space<hbm>> -> memref<640x64xf32, #tpu.memory_space<hbm>>
        tpu.enqueue_dma source(%dma_start3A_366 : memref<640x64xf32, #tpu.memory_space<hbm>>) target(%dma_start3A_363 : memref<640x64xf32, #tpu.memory_space<vmem_shared>>) target_semaphore(%run_scoped3A : memref<!tpu.dma_semaphore, #tpu.memory_space<semaphore_mem>>)
        %dma_wait3A_367 = arith.constant 5760 : i32
        %dma_wait3A_368 = arith.constant 0 : i32
        %dma_wait3A_369 = tpu.memref_slice %arg19[%dma_wait3A_367, %dma_wait3A_368] : memref<10240x64xf32, #tpu.memory_space<vmem_shared>> -> memref<640x64xf32, #tpu.memory_space<vmem_shared>>
        %dma_wait3A_370 = arith.constant 5760 : i32
        %dma_wait3A_371 = arith.constant 0 : i32
        %dma_wait3A_372 = tpu.memref_slice %arg3[%dma_wait3A_370, %dma_wait3A_371] : memref<10240x64xf32, #tpu.memory_space<hbm>> -> memref<640x64xf32, #tpu.memory_space<hbm>>
        tpu.wait_dma2 semaphore(%run_scoped3A : memref<!tpu.dma_semaphore, #tpu.memory_space<semaphore_mem>>) src(%dma_wait3A_372 : memref<640x64xf32, #tpu.memory_space<hbm>>) dst(%dma_wait3A_369 : memref<640x64xf32, #tpu.memory_space<vmem_shared>>)
        tpu.yield
      }) : () -> ()
    } else {
    }
    %eq3A_204 = arith.constant 1 : i32
    %eq3A_205 = arith.cmpi eq, %arg0, %eq3A_204 : i32
    %eq3A_206 = arith.constant 10 : i32
    %eq3A_207 = arith.cmpi eq, %arg1, %eq3A_206 : i32
    %and3A_208 = arith.andi %eq3A_205, %eq3A_207 : i1
    %convert_element_type3A_209 = arith.extui %and3A_208 : i1 to i32
    %cond3A_210 = arith.constant 0 : i32
    %cond3A_211 = arith.cmpi ne, %convert_element_type3A_209, %cond3A_210 : i32
    scf.if %cond3A_211 {
      "tpu.region"() ({
        %run_scoped3A = tpu.sem_alloc : memref<!tpu.dma_semaphore, #tpu.memory_space<semaphore_mem>>
        %dma_start3A_361 = arith.constant 6400 : i32
        %dma_start3A_362 = arith.constant 0 : i32
        %dma_start3A_363 = tpu.memref_slice %arg19[%dma_start3A_361, %dma_start3A_362] : memref<10240x64xf32, #tpu.memory_space<vmem_shared>> -> memref<640x64xf32, #tpu.memory_space<vmem_shared>>
        %dma_start3A_364 = arith.constant 6400 : i32
        %dma_start3A_365 = arith.constant 0 : i32
        %dma_start3A_366 = tpu.memref_slice %arg3[%dma_start3A_364, %dma_start3A_365] : memref<10240x64xf32, #tpu.memory_space<hbm>> -> memref<640x64xf32, #tpu.memory_space<hbm>>
        tpu.enqueue_dma source(%dma_start3A_366 : memref<640x64xf32, #tpu.memory_space<hbm>>) target(%dma_start3A_363 : memref<640x64xf32, #tpu.memory_space<vmem_shared>>) target_semaphore(%run_scoped3A : memref<!tpu.dma_semaphore, #tpu.memory_space<semaphore_mem>>)
        %dma_wait3A_367 = arith.constant 6400 : i32
        %dma_wait3A_368 = arith.constant 0 : i32
        %dma_wait3A_369 = tpu.memref_slice %arg19[%dma_wait3A_367, %dma_wait3A_368] : memref<10240x64xf32, #tpu.memory_space<vmem_shared>> -> memref<640x64xf32, #tpu.memory_space<vmem_shared>>
        %dma_wait3A_370 = arith.constant 6400 : i32
        %dma_wait3A_371 = arith.constant 0 : i32
        %dma_wait3A_372 = tpu.memref_slice %arg3[%dma_wait3A_370, %dma_wait3A_371] : memref<10240x64xf32, #tpu.memory_space<hbm>> -> memref<640x64xf32, #tpu.memory_space<hbm>>
        tpu.wait_dma2 semaphore(%run_scoped3A : memref<!tpu.dma_semaphore, #tpu.memory_space<semaphore_mem>>) src(%dma_wait3A_372 : memref<640x64xf32, #tpu.memory_space<hbm>>) dst(%dma_wait3A_369 : memref<640x64xf32, #tpu.memory_space<vmem_shared>>)
        tpu.yield
      }) : () -> ()
    } else {
    }
    %eq3A_212 = arith.constant 1 : i32
    %eq3A_213 = arith.cmpi eq, %arg0, %eq3A_212 : i32
    %eq3A_214 = arith.constant 11 : i32
    %eq3A_215 = arith.cmpi eq, %arg1, %eq3A_214 : i32
    %and3A_216 = arith.andi %eq3A_213, %eq3A_215 : i1
    %convert_element_type3A_217 = arith.extui %and3A_216 : i1 to i32
    %cond3A_218 = arith.constant 0 : i32
    %cond3A_219 = arith.cmpi ne, %convert_element_type3A_217, %cond3A_218 : i32
    scf.if %cond3A_219 {
      "tpu.region"() ({
        %run_scoped3A = tpu.sem_alloc : memref<!tpu.dma_semaphore, #tpu.memory_space<semaphore_mem>>
        %dma_start3A_361 = arith.constant 7040 : i32
        %dma_start3A_362 = arith.constant 0 : i32
        %dma_start3A_363 = tpu.memref_slice %arg19[%dma_start3A_361, %dma_start3A_362] : memref<10240x64xf32, #tpu.memory_space<vmem_shared>> -> memref<640x64xf32, #tpu.memory_space<vmem_shared>>
        %dma_start3A_364 = arith.constant 7040 : i32
        %dma_start3A_365 = arith.constant 0 : i32
        %dma_start3A_366 = tpu.memref_slice %arg3[%dma_start3A_364, %dma_start3A_365] : memref<10240x64xf32, #tpu.memory_space<hbm>> -> memref<640x64xf32, #tpu.memory_space<hbm>>
        tpu.enqueue_dma source(%dma_start3A_366 : memref<640x64xf32, #tpu.memory_space<hbm>>) target(%dma_start3A_363 : memref<640x64xf32, #tpu.memory_space<vmem_shared>>) target_semaphore(%run_scoped3A : memref<!tpu.dma_semaphore, #tpu.memory_space<semaphore_mem>>)
        %dma_wait3A_367 = arith.constant 7040 : i32
        %dma_wait3A_368 = arith.constant 0 : i32
        %dma_wait3A_369 = tpu.memref_slice %arg19[%dma_wait3A_367, %dma_wait3A_368] : memref<10240x64xf32, #tpu.memory_space<vmem_shared>> -> memref<640x64xf32, #tpu.memory_space<vmem_shared>>
        %dma_wait3A_370 = arith.constant 7040 : i32
        %dma_wait3A_371 = arith.constant 0 : i32
        %dma_wait3A_372 = tpu.memref_slice %arg3[%dma_wait3A_370, %dma_wait3A_371] : memref<10240x64xf32, #tpu.memory_space<hbm>> -> memref<640x64xf32, #tpu.memory_space<hbm>>
        tpu.wait_dma2 semaphore(%run_scoped3A : memref<!tpu.dma_semaphore, #tpu.memory_space<semaphore_mem>>) src(%dma_wait3A_372 : memref<640x64xf32, #tpu.memory_space<hbm>>) dst(%dma_wait3A_369 : memref<640x64xf32, #tpu.memory_space<vmem_shared>>)
        tpu.yield
      }) : () -> ()
    } else {
    }
    %eq3A_220 = arith.constant 1 : i32
    %eq3A_221 = arith.cmpi eq, %arg0, %eq3A_220 : i32
    %eq3A_222 = arith.constant 12 : i32
    %eq3A_223 = arith.cmpi eq, %arg1, %eq3A_222 : i32
    %and3A_224 = arith.andi %eq3A_221, %eq3A_223 : i1
    %convert_element_type3A_225 = arith.extui %and3A_224 : i1 to i32
    %cond3A_226 = arith.constant 0 : i32
    %cond3A_227 = arith.cmpi ne, %convert_element_type3A_225, %cond3A_226 : i32
    scf.if %cond3A_227 {
      "tpu.region"() ({
        %run_scoped3A = tpu.sem_alloc : memref<!tpu.dma_semaphore, #tpu.memory_space<semaphore_mem>>
        %dma_start3A_361 = arith.constant 7680 : i32
        %dma_start3A_362 = arith.constant 0 : i32
        %dma_start3A_363 = tpu.memref_slice %arg19[%dma_start3A_361, %dma_start3A_362] : memref<10240x64xf32, #tpu.memory_space<vmem_shared>> -> memref<640x64xf32, #tpu.memory_space<vmem_shared>>
        %dma_start3A_364 = arith.constant 7680 : i32
        %dma_start3A_365 = arith.constant 0 : i32
        %dma_start3A_366 = tpu.memref_slice %arg3[%dma_start3A_364, %dma_start3A_365] : memref<10240x64xf32, #tpu.memory_space<hbm>> -> memref<640x64xf32, #tpu.memory_space<hbm>>
        tpu.enqueue_dma source(%dma_start3A_366 : memref<640x64xf32, #tpu.memory_space<hbm>>) target(%dma_start3A_363 : memref<640x64xf32, #tpu.memory_space<vmem_shared>>) target_semaphore(%run_scoped3A : memref<!tpu.dma_semaphore, #tpu.memory_space<semaphore_mem>>)
        %dma_wait3A_367 = arith.constant 7680 : i32
        %dma_wait3A_368 = arith.constant 0 : i32
        %dma_wait3A_369 = tpu.memref_slice %arg19[%dma_wait3A_367, %dma_wait3A_368] : memref<10240x64xf32, #tpu.memory_space<vmem_shared>> -> memref<640x64xf32, #tpu.memory_space<vmem_shared>>
        %dma_wait3A_370 = arith.constant 7680 : i32
        %dma_wait3A_371 = arith.constant 0 : i32
        %dma_wait3A_372 = tpu.memref_slice %arg3[%dma_wait3A_370, %dma_wait3A_371] : memref<10240x64xf32, #tpu.memory_space<hbm>> -> memref<640x64xf32, #tpu.memory_space<hbm>>
        tpu.wait_dma2 semaphore(%run_scoped3A : memref<!tpu.dma_semaphore, #tpu.memory_space<semaphore_mem>>) src(%dma_wait3A_372 : memref<640x64xf32, #tpu.memory_space<hbm>>) dst(%dma_wait3A_369 : memref<640x64xf32, #tpu.memory_space<vmem_shared>>)
        tpu.yield
      }) : () -> ()
    } else {
    }
    %eq3A_228 = arith.constant 1 : i32
    %eq3A_229 = arith.cmpi eq, %arg0, %eq3A_228 : i32
    %eq3A_230 = arith.constant 13 : i32
    %eq3A_231 = arith.cmpi eq, %arg1, %eq3A_230 : i32
    %and3A_232 = arith.andi %eq3A_229, %eq3A_231 : i1
    %convert_element_type3A_233 = arith.extui %and3A_232 : i1 to i32
    %cond3A_234 = arith.constant 0 : i32
    %cond3A_235 = arith.cmpi ne, %convert_element_type3A_233, %cond3A_234 : i32
    scf.if %cond3A_235 {
      "tpu.region"() ({
        %run_scoped3A = tpu.sem_alloc : memref<!tpu.dma_semaphore, #tpu.memory_space<semaphore_mem>>
        %dma_start3A_361 = arith.constant 8320 : i32
        %dma_start3A_362 = arith.constant 0 : i32
        %dma_start3A_363 = tpu.memref_slice %arg19[%dma_start3A_361, %dma_start3A_362] : memref<10240x64xf32, #tpu.memory_space<vmem_shared>> -> memref<640x64xf32, #tpu.memory_space<vmem_shared>>
        %dma_start3A_364 = arith.constant 8320 : i32
        %dma_start3A_365 = arith.constant 0 : i32
        %dma_start3A_366 = tpu.memref_slice %arg3[%dma_start3A_364, %dma_start3A_365] : memref<10240x64xf32, #tpu.memory_space<hbm>> -> memref<640x64xf32, #tpu.memory_space<hbm>>
        tpu.enqueue_dma source(%dma_start3A_366 : memref<640x64xf32, #tpu.memory_space<hbm>>) target(%dma_start3A_363 : memref<640x64xf32, #tpu.memory_space<vmem_shared>>) target_semaphore(%run_scoped3A : memref<!tpu.dma_semaphore, #tpu.memory_space<semaphore_mem>>)
        %dma_wait3A_367 = arith.constant 8320 : i32
        %dma_wait3A_368 = arith.constant 0 : i32
        %dma_wait3A_369 = tpu.memref_slice %arg19[%dma_wait3A_367, %dma_wait3A_368] : memref<10240x64xf32, #tpu.memory_space<vmem_shared>> -> memref<640x64xf32, #tpu.memory_space<vmem_shared>>
        %dma_wait3A_370 = arith.constant 8320 : i32
        %dma_wait3A_371 = arith.constant 0 : i32
        %dma_wait3A_372 = tpu.memref_slice %arg3[%dma_wait3A_370, %dma_wait3A_371] : memref<10240x64xf32, #tpu.memory_space<hbm>> -> memref<640x64xf32, #tpu.memory_space<hbm>>
        tpu.wait_dma2 semaphore(%run_scoped3A : memref<!tpu.dma_semaphore, #tpu.memory_space<semaphore_mem>>) src(%dma_wait3A_372 : memref<640x64xf32, #tpu.memory_space<hbm>>) dst(%dma_wait3A_369 : memref<640x64xf32, #tpu.memory_space<vmem_shared>>)
        tpu.yield
      }) : () -> ()
    } else {
    }
    %eq3A_236 = arith.constant 1 : i32
    %eq3A_237 = arith.cmpi eq, %arg0, %eq3A_236 : i32
    %eq3A_238 = arith.constant 14 : i32
    %eq3A_239 = arith.cmpi eq, %arg1, %eq3A_238 : i32
    %and3A_240 = arith.andi %eq3A_237, %eq3A_239 : i1
    %convert_element_type3A_241 = arith.extui %and3A_240 : i1 to i32
    %cond3A_242 = arith.constant 0 : i32
    %cond3A_243 = arith.cmpi ne, %convert_element_type3A_241, %cond3A_242 : i32
    scf.if %cond3A_243 {
      "tpu.region"() ({
        %run_scoped3A = tpu.sem_alloc : memref<!tpu.dma_semaphore, #tpu.memory_space<semaphore_mem>>
        %dma_start3A_361 = arith.constant 8960 : i32
        %dma_start3A_362 = arith.constant 0 : i32
        %dma_start3A_363 = tpu.memref_slice %arg19[%dma_start3A_361, %dma_start3A_362] : memref<10240x64xf32, #tpu.memory_space<vmem_shared>> -> memref<640x64xf32, #tpu.memory_space<vmem_shared>>
        %dma_start3A_364 = arith.constant 8960 : i32
        %dma_start3A_365 = arith.constant 0 : i32
        %dma_start3A_366 = tpu.memref_slice %arg3[%dma_start3A_364, %dma_start3A_365] : memref<10240x64xf32, #tpu.memory_space<hbm>> -> memref<640x64xf32, #tpu.memory_space<hbm>>
        tpu.enqueue_dma source(%dma_start3A_366 : memref<640x64xf32, #tpu.memory_space<hbm>>) target(%dma_start3A_363 : memref<640x64xf32, #tpu.memory_space<vmem_shared>>) target_semaphore(%run_scoped3A : memref<!tpu.dma_semaphore, #tpu.memory_space<semaphore_mem>>)
        %dma_wait3A_367 = arith.constant 8960 : i32
        %dma_wait3A_368 = arith.constant 0 : i32
        %dma_wait3A_369 = tpu.memref_slice %arg19[%dma_wait3A_367, %dma_wait3A_368] : memref<10240x64xf32, #tpu.memory_space<vmem_shared>> -> memref<640x64xf32, #tpu.memory_space<vmem_shared>>
        %dma_wait3A_370 = arith.constant 8960 : i32
        %dma_wait3A_371 = arith.constant 0 : i32
        %dma_wait3A_372 = tpu.memref_slice %arg3[%dma_wait3A_370, %dma_wait3A_371] : memref<10240x64xf32, #tpu.memory_space<hbm>> -> memref<640x64xf32, #tpu.memory_space<hbm>>
        tpu.wait_dma2 semaphore(%run_scoped3A : memref<!tpu.dma_semaphore, #tpu.memory_space<semaphore_mem>>) src(%dma_wait3A_372 : memref<640x64xf32, #tpu.memory_space<hbm>>) dst(%dma_wait3A_369 : memref<640x64xf32, #tpu.memory_space<vmem_shared>>)
        tpu.yield
      }) : () -> ()
    } else {
    }
    %eq3A_244 = arith.constant 1 : i32
    %eq3A_245 = arith.cmpi eq, %arg0, %eq3A_244 : i32
    %eq3A_246 = arith.constant 15 : i32
    %eq3A_247 = arith.cmpi eq, %arg1, %eq3A_246 : i32
    %and3A_248 = arith.andi %eq3A_245, %eq3A_247 : i1
    %convert_element_type3A_249 = arith.extui %and3A_248 : i1 to i32
    %cond3A_250 = arith.constant 0 : i32
    %cond3A_251 = arith.cmpi ne, %convert_element_type3A_249, %cond3A_250 : i32
    scf.if %cond3A_251 {
      "tpu.region"() ({
        %run_scoped3A = tpu.sem_alloc : memref<!tpu.dma_semaphore, #tpu.memory_space<semaphore_mem>>
        %dma_start3A_361 = arith.constant 9600 : i32
        %dma_start3A_362 = arith.constant 0 : i32
        %dma_start3A_363 = tpu.memref_slice %arg19[%dma_start3A_361, %dma_start3A_362] : memref<10240x64xf32, #tpu.memory_space<vmem_shared>> -> memref<640x64xf32, #tpu.memory_space<vmem_shared>>
        %dma_start3A_364 = arith.constant 9600 : i32
        %dma_start3A_365 = arith.constant 0 : i32
        %dma_start3A_366 = tpu.memref_slice %arg3[%dma_start3A_364, %dma_start3A_365] : memref<10240x64xf32, #tpu.memory_space<hbm>> -> memref<640x64xf32, #tpu.memory_space<hbm>>
        tpu.enqueue_dma source(%dma_start3A_366 : memref<640x64xf32, #tpu.memory_space<hbm>>) target(%dma_start3A_363 : memref<640x64xf32, #tpu.memory_space<vmem_shared>>) target_semaphore(%run_scoped3A : memref<!tpu.dma_semaphore, #tpu.memory_space<semaphore_mem>>)
        %dma_wait3A_367 = arith.constant 9600 : i32
        %dma_wait3A_368 = arith.constant 0 : i32
        %dma_wait3A_369 = tpu.memref_slice %arg19[%dma_wait3A_367, %dma_wait3A_368] : memref<10240x64xf32, #tpu.memory_space<vmem_shared>> -> memref<640x64xf32, #tpu.memory_space<vmem_shared>>
        %dma_wait3A_370 = arith.constant 9600 : i32
        %dma_wait3A_371 = arith.constant 0 : i32
        %dma_wait3A_372 = tpu.memref_slice %arg3[%dma_wait3A_370, %dma_wait3A_371] : memref<10240x64xf32, #tpu.memory_space<hbm>> -> memref<640x64xf32, #tpu.memory_space<hbm>>
        tpu.wait_dma2 semaphore(%run_scoped3A : memref<!tpu.dma_semaphore, #tpu.memory_space<semaphore_mem>>) src(%dma_wait3A_372 : memref<640x64xf32, #tpu.memory_space<hbm>>) dst(%dma_wait3A_369 : memref<640x64xf32, #tpu.memory_space<vmem_shared>>)
        tpu.yield
      }) : () -> ()
    } else {
    }
    %broadcast_in_dim3A = arith.constant 0.000000e+00 : f32
    %broadcast_in_dim3A_252 = vector.broadcast %broadcast_in_dim3A : f32 to vector<16xf32>
    %scan3A = arith.constant 0 : i32
    %scan3A_253 = arith.constant 0 : i32
    %scan3A_254 = arith.constant 128 : i32
    %scan3A_255 = arith.addi %scan3A_253, %scan3A_254 : i32
    %scan3A_256 = arith.constant 1 : i32
    scf.for %scan3A_361 = %scan3A_253 to %scan3A_255 step %scan3A_256  : i32 {
      %swap3A = arith.index_cast %scan3A_361 : i32 to index
      %swap3A_362 = arith.constant 0 : index
      %swap3A_363 = tpu.vector_load %arg7[%swap3A, %swap3A_362] {strides = array<i32>} : memref<128x64xf32, #tpu.memory_space<vmem>>, vector<1x16xf32>,
      %swap3A_364 = vector.shape_cast %swap3A_363 : vector<1x16xf32> to vector<16xf32>
      %swap3A_365 = vector.shape_cast %broadcast_in_dim3A_252 : vector<16xf32> to vector<1x16xf32>
      tpu.vector_store %arg7[%swap3A, %swap3A_362], %swap3A_365 {strides = array<i32>} : memref<128x64xf32, #tpu.memory_space<vmem>>, vector<1x16xf32>,
      %swap3A_366 = arith.index_cast %scan3A_361 : i32 to index
      %swap3A_367 = arith.constant 16 : index
      %swap3A_368 = tpu.vector_load %arg7[%swap3A_366, %swap3A_367] {strides = array<i32>} : memref<128x64xf32, #tpu.memory_space<vmem>>, vector<1x16xf32>,
      %swap3A_369 = vector.shape_cast %swap3A_368 : vector<1x16xf32> to vector<16xf32>
      %swap3A_370 = vector.shape_cast %broadcast_in_dim3A_252 : vector<16xf32> to vector<1x16xf32>
      tpu.vector_store %arg7[%swap3A_366, %swap3A_367], %swap3A_370 {strides = array<i32>} : memref<128x64xf32, #tpu.memory_space<vmem>>, vector<1x16xf32>,
      %swap3A_371 = arith.index_cast %scan3A_361 : i32 to index
      %swap3A_372 = arith.constant 32 : index
      %swap3A_373 = tpu.vector_load %arg7[%swap3A_371, %swap3A_372] {strides = array<i32>} : memref<128x64xf32, #tpu.memory_space<vmem>>, vector<1x16xf32>,
      %swap3A_374 = vector.shape_cast %swap3A_373 : vector<1x16xf32> to vector<16xf32>
      %swap3A_375 = vector.shape_cast %broadcast_in_dim3A_252 : vector<16xf32> to vector<1x16xf32>
      tpu.vector_store %arg7[%swap3A_371, %swap3A_372], %swap3A_375 {strides = array<i32>} : memref<128x64xf32, #tpu.memory_space<vmem>>, vector<1x16xf32>,
      %swap3A_376 = arith.index_cast %scan3A_361 : i32 to index
      %swap3A_377 = arith.constant 48 : index
      %swap3A_378 = tpu.vector_load %arg7[%swap3A_376, %swap3A_377] {strides = array<i32>} : memref<128x64xf32, #tpu.memory_space<vmem>>, vector<1x16xf32>,
      %swap3A_379 = vector.shape_cast %swap3A_378 : vector<1x16xf32> to vector<16xf32>
      %swap3A_380 = vector.shape_cast %broadcast_in_dim3A_252 : vector<16xf32> to vector<1x16xf32>
      tpu.vector_store %arg7[%swap3A_376, %swap3A_377], %swap3A_380 {strides = array<i32>} : memref<128x64xf32, #tpu.memory_space<vmem>>, vector<1x16xf32>,
    }
    %scan3A_257 = arith.constant 128 : i32
    %mul3A = arith.constant 640 : i32
    %mul3A_258 = arith.muli %arg1, %mul3A : i32
    %add3A = arith.constant 0 : i32
    %add3A_259 = arith.addi %mul3A_258, %add3A : i32
    "tpu.region"() ({
      %run_scoped3A = tpu.sem_alloc : memref<!tpu.dma_semaphore, #tpu.memory_space<semaphore_mem>>
      %dma_start3A_361 = arith.constant 0 : i32
      %dma_start3A_362 = tpu.memref_slice %arg20[%add3A_259, %dma_start3A_361] : memref<10240x64xf32, #tpu.memory_space<vmem_shared>> -> memref<128x64xf32, #tpu.memory_space<vmem_shared>>
      %dma_start3A_363 = arith.constant 0 : i32
      %dma_start3A_364 = tpu.memref_slice %arg20[%add3A_259, %dma_start3A_363] : memref<10240x64xf32, #tpu.memory_space<vmem_shared>> -> memref<128x64xf32, #tpu.memory_space<vmem_shared>>
      tpu.enqueue_dma source(%arg7 : memref<128x64xf32, #tpu.memory_space<vmem>>) target(%dma_start3A_364 : memref<128x64xf32, #tpu.memory_space<vmem_shared>>) target_semaphore(%run_scoped3A : memref<!tpu.dma_semaphore, #tpu.memory_space<semaphore_mem>>)
      %dma_wait3A_365 = arith.constant 0 : i32
      %dma_wait3A_366 = tpu.memref_slice %arg20[%add3A_259, %dma_wait3A_365] : memref<10240x64xf32, #tpu.memory_space<vmem_shared>> -> memref<128x64xf32, #tpu.memory_space<vmem_shared>>
      %dma_wait3A_367 = arith.constant 0 : i32
      %dma_wait3A_368 = tpu.memref_slice %arg20[%add3A_259, %dma_wait3A_367] : memref<10240x64xf32, #tpu.memory_space<vmem_shared>> -> memref<128x64xf32, #tpu.memory_space<vmem_shared>>
      tpu.wait_dma2 semaphore(%run_scoped3A : memref<!tpu.dma_semaphore, #tpu.memory_space<semaphore_mem>>) src(%arg7 : memref<128x64xf32, #tpu.memory_space<vmem>>) dst(%dma_wait3A_368 : memref<128x64xf32, #tpu.memory_space<vmem_shared>>)
      tpu.yield
    }) : () -> ()
    %mul3A_260 = arith.constant 640 : i32
    %mul3A_261 = arith.muli %arg1, %mul3A_260 : i32
    %add3A_262 = arith.constant 128 : i32
    %add3A_263 = arith.addi %mul3A_261, %add3A_262 : i32
    "tpu.region"() ({
      %run_scoped3A = tpu.sem_alloc : memref<!tpu.dma_semaphore, #tpu.memory_space<semaphore_mem>>
      %dma_start3A_361 = arith.constant 0 : i32
      %dma_start3A_362 = tpu.memref_slice %arg20[%add3A_263, %dma_start3A_361] : memref<10240x64xf32, #tpu.memory_space<vmem_shared>> -> memref<128x64xf32, #tpu.memory_space<vmem_shared>>
      %dma_start3A_363 = arith.constant 0 : i32
      %dma_start3A_364 = tpu.memref_slice %arg20[%add3A_263, %dma_start3A_363] : memref<10240x64xf32, #tpu.memory_space<vmem_shared>> -> memref<128x64xf32, #tpu.memory_space<vmem_shared>>
      tpu.enqueue_dma source(%arg7 : memref<128x64xf32, #tpu.memory_space<vmem>>) target(%dma_start3A_364 : memref<128x64xf32, #tpu.memory_space<vmem_shared>>) target_semaphore(%run_scoped3A : memref<!tpu.dma_semaphore, #tpu.memory_space<semaphore_mem>>)
      %dma_wait3A_365 = arith.constant 0 : i32
      %dma_wait3A_366 = tpu.memref_slice %arg20[%add3A_263, %dma_wait3A_365] : memref<10240x64xf32, #tpu.memory_space<vmem_shared>> -> memref<128x64xf32, #tpu.memory_space<vmem_shared>>
      %dma_wait3A_367 = arith.constant 0 : i32
      %dma_wait3A_368 = tpu.memref_slice %arg20[%add3A_263, %dma_wait3A_367] : memref<10240x64xf32, #tpu.memory_space<vmem_shared>> -> memref<128x64xf32, #tpu.memory_space<vmem_shared>>
      tpu.wait_dma2 semaphore(%run_scoped3A : memref<!tpu.dma_semaphore, #tpu.memory_space<semaphore_mem>>) src(%arg7 : memref<128x64xf32, #tpu.memory_space<vmem>>) dst(%dma_wait3A_368 : memref<128x64xf32, #tpu.memory_space<vmem_shared>>)
      tpu.yield
    }) : () -> ()
    %mul3A_264 = arith.constant 640 : i32
    %mul3A_265 = arith.muli %arg1, %mul3A_264 : i32
    %add3A_266 = arith.constant 256 : i32
    %add3A_267 = arith.addi %mul3A_265, %add3A_266 : i32
    "tpu.region"() ({
      %run_scoped3A = tpu.sem_alloc : memref<!tpu.dma_semaphore, #tpu.memory_space<semaphore_mem>>
      %dma_start3A_361 = arith.constant 0 : i32
      %dma_start3A_362 = tpu.memref_slice %arg20[%add3A_267, %dma_start3A_361] : memref<10240x64xf32, #tpu.memory_space<vmem_shared>> -> memref<128x64xf32, #tpu.memory_space<vmem_shared>>
      %dma_start3A_363 = arith.constant 0 : i32
      %dma_start3A_364 = tpu.memref_slice %arg20[%add3A_267, %dma_start3A_363] : memref<10240x64xf32, #tpu.memory_space<vmem_shared>> -> memref<128x64xf32, #tpu.memory_space<vmem_shared>>
      tpu.enqueue_dma source(%arg7 : memref<128x64xf32, #tpu.memory_space<vmem>>) target(%dma_start3A_364 : memref<128x64xf32, #tpu.memory_space<vmem_shared>>) target_semaphore(%run_scoped3A : memref<!tpu.dma_semaphore, #tpu.memory_space<semaphore_mem>>)
      %dma_wait3A_365 = arith.constant 0 : i32
      %dma_wait3A_366 = tpu.memref_slice %arg20[%add3A_267, %dma_wait3A_365] : memref<10240x64xf32, #tpu.memory_space<vmem_shared>> -> memref<128x64xf32, #tpu.memory_space<vmem_shared>>
      %dma_wait3A_367 = arith.constant 0 : i32
      %dma_wait3A_368 = tpu.memref_slice %arg20[%add3A_267, %dma_wait3A_367] : memref<10240x64xf32, #tpu.memory_space<vmem_shared>> -> memref<128x64xf32, #tpu.memory_space<vmem_shared>>
      tpu.wait_dma2 semaphore(%run_scoped3A : memref<!tpu.dma_semaphore, #tpu.memory_space<semaphore_mem>>) src(%arg7 : memref<128x64xf32, #tpu.memory_space<vmem>>) dst(%dma_wait3A_368 : memref<128x64xf32, #tpu.memory_space<vmem_shared>>)
      tpu.yield
    }) : () -> ()
    %mul3A_268 = arith.constant 640 : i32
    %mul3A_269 = arith.muli %arg1, %mul3A_268 : i32
    %add3A_270 = arith.constant 384 : i32
    %add3A_271 = arith.addi %mul3A_269, %add3A_270 : i32
    "tpu.region"() ({
      %run_scoped3A = tpu.sem_alloc : memref<!tpu.dma_semaphore, #tpu.memory_space<semaphore_mem>>
      %dma_start3A_361 = arith.constant 0 : i32
      %dma_start3A_362 = tpu.memref_slice %arg20[%add3A_271, %dma_start3A_361] : memref<10240x64xf32, #tpu.memory_space<vmem_shared>> -> memref<128x64xf32, #tpu.memory_space<vmem_shared>>
      %dma_start3A_363 = arith.constant 0 : i32
      %dma_start3A_364 = tpu.memref_slice %arg20[%add3A_271, %dma_start3A_363] : memref<10240x64xf32, #tpu.memory_space<vmem_shared>> -> memref<128x64xf32, #tpu.memory_space<vmem_shared>>
      tpu.enqueue_dma source(%arg7 : memref<128x64xf32, #tpu.memory_space<vmem>>) target(%dma_start3A_364 : memref<128x64xf32, #tpu.memory_space<vmem_shared>>) target_semaphore(%run_scoped3A : memref<!tpu.dma_semaphore, #tpu.memory_space<semaphore_mem>>)
      %dma_wait3A_365 = arith.constant 0 : i32
      %dma_wait3A_366 = tpu.memref_slice %arg20[%add3A_271, %dma_wait3A_365] : memref<10240x64xf32, #tpu.memory_space<vmem_shared>> -> memref<128x64xf32, #tpu.memory_space<vmem_shared>>
      %dma_wait3A_367 = arith.constant 0 : i32
      %dma_wait3A_368 = tpu.memref_slice %arg20[%add3A_271, %dma_wait3A_367] : memref<10240x64xf32, #tpu.memory_space<vmem_shared>> -> memref<128x64xf32, #tpu.memory_space<vmem_shared>>
      tpu.wait_dma2 semaphore(%run_scoped3A : memref<!tpu.dma_semaphore, #tpu.memory_space<semaphore_mem>>) src(%arg7 : memref<128x64xf32, #tpu.memory_space<vmem>>) dst(%dma_wait3A_368 : memref<128x64xf32, #tpu.memory_space<vmem_shared>>)
      tpu.yield
    }) : () -> ()
    %mul3A_272 = arith.constant 640 : i32
    %mul3A_273 = arith.muli %arg1, %mul3A_272 : i32
    %add3A_274 = arith.constant 512 : i32
    %add3A_275 = arith.addi %mul3A_273, %add3A_274 : i32
    "tpu.region"() ({
      %run_scoped3A = tpu.sem_alloc : memref<!tpu.dma_semaphore, #tpu.memory_space<semaphore_mem>>
      %dma_start3A_361 = arith.constant 0 : i32
      %dma_start3A_362 = tpu.memref_slice %arg20[%add3A_275, %dma_start3A_361] : memref<10240x64xf32, #tpu.memory_space<vmem_shared>> -> memref<128x64xf32, #tpu.memory_space<vmem_shared>>
      %dma_start3A_363 = arith.constant 0 : i32
      %dma_start3A_364 = tpu.memref_slice %arg20[%add3A_275, %dma_start3A_363] : memref<10240x64xf32, #tpu.memory_space<vmem_shared>> -> memref<128x64xf32, #tpu.memory_space<vmem_shared>>
      tpu.enqueue_dma source(%arg7 : memref<128x64xf32, #tpu.memory_space<vmem>>) target(%dma_start3A_364 : memref<128x64xf32, #tpu.memory_space<vmem_shared>>) target_semaphore(%run_scoped3A : memref<!tpu.dma_semaphore, #tpu.memory_space<semaphore_mem>>)
      %dma_wait3A_365 = arith.constant 0 : i32
      %dma_wait3A_366 = tpu.memref_slice %arg20[%add3A_275, %dma_wait3A_365] : memref<10240x64xf32, #tpu.memory_space<vmem_shared>> -> memref<128x64xf32, #tpu.memory_space<vmem_shared>>
      %dma_wait3A_367 = arith.constant 0 : i32
      %dma_wait3A_368 = tpu.memref_slice %arg20[%add3A_275, %dma_wait3A_367] : memref<10240x64xf32, #tpu.memory_space<vmem_shared>> -> memref<128x64xf32, #tpu.memory_space<vmem_shared>>
      tpu.wait_dma2 semaphore(%run_scoped3A : memref<!tpu.dma_semaphore, #tpu.memory_space<semaphore_mem>>) src(%arg7 : memref<128x64xf32, #tpu.memory_space<vmem>>) dst(%dma_wait3A_368 : memref<128x64xf32, #tpu.memory_space<vmem_shared>>)
      tpu.yield
    }) : () -> ()
    %barrier3A = arith.constant 0 : index
    tpu.barrier barrier_id(%barrier3A)
    %mul3A_276 = arith.constant 160 : i32
    %mul3A_277 = arith.muli %arg1, %mul3A_276 : i32
    %dma_start3A = arith.constant 0 : i32
    %dma_start3A_278 = tpu.memref_slice %arg4[%mul3A_277, %dma_start3A] : memref<2562x128xi32, #tpu.memory_space<hbm>> -> memref<1x128xi32, #tpu.memory_space<hbm>>
    %dma_start3A_279 = tpu.memref_squeeze %dma_start3A_278 : memref<1x128xi32, #tpu.memory_space<hbm>> -> memref<128xi32, #tpu.memory_space<hbm>>
    %dma_start3A_280 = arith.constant 0 : i32
    %dma_start3A_281 = tpu.memref_slice %arg4[%mul3A_277, %dma_start3A_280] : memref<2562x128xi32, #tpu.memory_space<hbm>> -> memref<1x128xi32, #tpu.memory_space<hbm>>
    %dma_start3A_282 = tpu.memref_squeeze %dma_start3A_281 : memref<1x128xi32, #tpu.memory_space<hbm>> -> memref<128xi32, #tpu.memory_space<hbm>>
    tpu.enqueue_dma source(%dma_start3A_282 : memref<128xi32, #tpu.memory_space<hbm>>) target(%arg15 : memref<128xi32, #tpu.memory_space<vmem>>) target_semaphore(%arg25 : memref<!tpu.dma_semaphore, #tpu.memory_space<semaphore_mem>>)
    %dma_start3A_283 = arith.constant 0 : i32
    %dma_start3A_284 = tpu.memref_slice %arg5[%mul3A_277, %dma_start3A_283] : memref<2562x128xi32, #tpu.memory_space<hbm>> -> memref<1x128xi32, #tpu.memory_space<hbm>>
    %dma_start3A_285 = tpu.memref_squeeze %dma_start3A_284 : memref<1x128xi32, #tpu.memory_space<hbm>> -> memref<128xi32, #tpu.memory_space<hbm>>
    %dma_start3A_286 = arith.constant 0 : i32
    %dma_start3A_287 = tpu.memref_slice %arg5[%mul3A_277, %dma_start3A_286] : memref<2562x128xi32, #tpu.memory_space<hbm>> -> memref<1x128xi32, #tpu.memory_space<hbm>>
    %dma_start3A_288 = tpu.memref_squeeze %dma_start3A_287 : memref<1x128xi32, #tpu.memory_space<hbm>> -> memref<128xi32, #tpu.memory_space<hbm>>
    tpu.enqueue_dma source(%dma_start3A_288 : memref<128xi32, #tpu.memory_space<hbm>>) target(%arg11 : memref<128xi32, #tpu.memory_space<vmem>>) target_semaphore(%arg25 : memref<!tpu.dma_semaphore, #tpu.memory_space<semaphore_mem>>)
    %add3A_289 = arith.constant 1 : i32
    %add3A_290 = arith.addi %mul3A_277, %add3A_289 : i32
    %dma_start3A_291 = arith.constant 0 : i32
    %dma_start3A_292 = tpu.memref_slice %arg4[%add3A_290, %dma_start3A_291] : memref<2562x128xi32, #tpu.memory_space<hbm>> -> memref<1x128xi32, #tpu.memory_space<hbm>>
    %dma_start3A_293 = tpu.memref_squeeze %dma_start3A_292 : memref<1x128xi32, #tpu.memory_space<hbm>> -> memref<128xi32, #tpu.memory_space<hbm>>
    %dma_start3A_294 = arith.constant 0 : i32
    %dma_start3A_295 = tpu.memref_slice %arg4[%add3A_290, %dma_start3A_294] : memref<2562x128xi32, #tpu.memory_space<hbm>> -> memref<1x128xi32, #tpu.memory_space<hbm>>
    %dma_start3A_296 = tpu.memref_squeeze %dma_start3A_295 : memref<1x128xi32, #tpu.memory_space<hbm>> -> memref<128xi32, #tpu.memory_space<hbm>>
    tpu.enqueue_dma source(%dma_start3A_296 : memref<128xi32, #tpu.memory_space<hbm>>) target(%arg16 : memref<128xi32, #tpu.memory_space<vmem>>) target_semaphore(%arg26 : memref<!tpu.dma_semaphore, #tpu.memory_space<semaphore_mem>>)
    %dma_start3A_297 = arith.constant 0 : i32
    %dma_start3A_298 = tpu.memref_slice %arg5[%add3A_290, %dma_start3A_297] : memref<2562x128xi32, #tpu.memory_space<hbm>> -> memref<1x128xi32, #tpu.memory_space<hbm>>
    %dma_start3A_299 = tpu.memref_squeeze %dma_start3A_298 : memref<1x128xi32, #tpu.memory_space<hbm>> -> memref<128xi32, #tpu.memory_space<hbm>>
    %dma_start3A_300 = arith.constant 0 : i32
    %dma_start3A_301 = tpu.memref_slice %arg5[%add3A_290, %dma_start3A_300] : memref<2562x128xi32, #tpu.memory_space<hbm>> -> memref<1x128xi32, #tpu.memory_space<hbm>>
    %dma_start3A_302 = tpu.memref_squeeze %dma_start3A_301 : memref<1x128xi32, #tpu.memory_space<hbm>> -> memref<128xi32, #tpu.memory_space<hbm>>
    tpu.enqueue_dma source(%dma_start3A_302 : memref<128xi32, #tpu.memory_space<hbm>>) target(%arg12 : memref<128xi32, #tpu.memory_space<vmem>>) target_semaphore(%arg26 : memref<!tpu.dma_semaphore, #tpu.memory_space<semaphore_mem>>)
    %dma_wait3A = arith.constant 0 : i32
    %dma_wait3A_303 = tpu.memref_slice %arg4[%mul3A_277, %dma_wait3A] : memref<2562x128xi32, #tpu.memory_space<hbm>> -> memref<1x128xi32, #tpu.memory_space<hbm>>
    %dma_wait3A_304 = tpu.memref_squeeze %dma_wait3A_303 : memref<1x128xi32, #tpu.memory_space<hbm>> -> memref<128xi32, #tpu.memory_space<hbm>>
    %dma_wait3A_305 = arith.constant 0 : i32
    %dma_wait3A_306 = tpu.memref_slice %arg4[%mul3A_277, %dma_wait3A_305] : memref<2562x128xi32, #tpu.memory_space<hbm>> -> memref<1x128xi32, #tpu.memory_space<hbm>>
    %dma_wait3A_307 = tpu.memref_squeeze %dma_wait3A_306 : memref<1x128xi32, #tpu.memory_space<hbm>> -> memref<128xi32, #tpu.memory_space<hbm>>
    tpu.wait_dma2 semaphore(%arg25 : memref<!tpu.dma_semaphore, #tpu.memory_space<semaphore_mem>>) src(%dma_wait3A_307 : memref<128xi32, #tpu.memory_space<hbm>>) dst(%arg15 : memref<128xi32, #tpu.memory_space<vmem>>)
    %dma_wait3A_308 = arith.constant 0 : i32
    %dma_wait3A_309 = tpu.memref_slice %arg5[%mul3A_277, %dma_wait3A_308] : memref<2562x128xi32, #tpu.memory_space<hbm>> -> memref<1x128xi32, #tpu.memory_space<hbm>>
    %dma_wait3A_310 = tpu.memref_squeeze %dma_wait3A_309 : memref<1x128xi32, #tpu.memory_space<hbm>> -> memref<128xi32, #tpu.memory_space<hbm>>
    %dma_wait3A_311 = arith.constant 0 : i32
    %dma_wait3A_312 = tpu.memref_slice %arg5[%mul3A_277, %dma_wait3A_311] : memref<2562x128xi32, #tpu.memory_space<hbm>> -> memref<1x128xi32, #tpu.memory_space<hbm>>
    %dma_wait3A_313 = tpu.memref_squeeze %dma_wait3A_312 : memref<1x128xi32, #tpu.memory_space<hbm>> -> memref<128xi32, #tpu.memory_space<hbm>>
    tpu.wait_dma2 semaphore(%arg25 : memref<!tpu.dma_semaphore, #tpu.memory_space<semaphore_mem>>) src(%dma_wait3A_313 : memref<128xi32, #tpu.memory_space<hbm>>) dst(%arg11 : memref<128xi32, #tpu.memory_space<vmem>>)
    %dma_start3A_314 = arith.constant 0 : i32
    %dma_start3A_315 = arith.constant 0 : i32
    %dma_start3A_316 = tpu.memref_slice %arg19[%dma_start3A_314, %dma_start3A_315] : memref<10240x64xf32, #tpu.memory_space<vmem_shared>> -> memref<10240x64xf32, #tpu.memory_space<vmem_shared>>
    tpu.enqueue_indirect_dma source(%dma_start3A_316 : memref<10240x64xf32, #tpu.memory_space<vmem_shared>>) target(%arg7 : memref<128x64xf32, #tpu.memory_space<vmem>>) offsets(%arg15 : memref<128xi32, #tpu.memory_space<vmem>>) semaphore(%arg21 : memref<!tpu.dma_semaphore, #tpu.memory_space<semaphore_mem>>)
    %dma_start3A_317 = arith.constant 10112 : i32
    %dma_start3A_318 = arith.constant 0 : i32
    %dma_start3A_319 = tpu.memref_slice %arg20[%dma_start3A_317, %dma_start3A_318] : memref<10240x64xf32, #tpu.memory_space<vmem_shared>> -> memref<128x64xf32, #tpu.memory_space<vmem_shared>>
    %dma_start3A_320 = arith.constant 10112 : i32
    %dma_start3A_321 = arith.constant 0 : i32
    %dma_start3A_322 = tpu.memref_slice %arg20[%dma_start3A_320, %dma_start3A_321] : memref<10240x64xf32, #tpu.memory_space<vmem_shared>> -> memref<128x64xf32, #tpu.memory_space<vmem_shared>>
    tpu.enqueue_dma source(%arg9 : memref<128x64xf32, #tpu.memory_space<vmem>>) target(%dma_start3A_322 : memref<128x64xf32, #tpu.memory_space<vmem_shared>>) target_semaphore(%arg31 : memref<!tpu.dma_semaphore, #tpu.memory_space<semaphore_mem>>)
    %dma_start3A_323 = arith.constant 10112 : i32
    %dma_start3A_324 = arith.constant 0 : i32
    %dma_start3A_325 = tpu.memref_slice %arg20[%dma_start3A_323, %dma_start3A_324] : memref<10240x64xf32, #tpu.memory_space<vmem_shared>> -> memref<128x64xf32, #tpu.memory_space<vmem_shared>>
    %dma_start3A_326 = arith.constant 10112 : i32
    %dma_start3A_327 = arith.constant 0 : i32
    %dma_start3A_328 = tpu.memref_slice %arg20[%dma_start3A_326, %dma_start3A_327] : memref<10240x64xf32, #tpu.memory_space<vmem_shared>> -> memref<128x64xf32, #tpu.memory_space<vmem_shared>>
    tpu.enqueue_dma source(%arg10 : memref<128x64xf32, #tpu.memory_space<vmem>>) target(%dma_start3A_328 : memref<128x64xf32, #tpu.memory_space<vmem_shared>>) target_semaphore(%arg32 : memref<!tpu.dma_semaphore, #tpu.memory_space<semaphore_mem>>)
    %scan3A_329 = arith.constant 0 : i32
    %scan3A_330 = arith.constant 0 : i32
    %scan3A_331 = arith.constant 40 : i32
    %scan3A_332 = arith.addi %scan3A_330, %scan3A_331 : i32
    %scan3A_333 = arith.constant 1 : i32
    scf.for %scan3A_361 = %scan3A_330 to %scan3A_332 step %scan3A_333  : i32 {
      %mul3A_362 = arith.constant 4 : i32
      %mul3A_363 = arith.muli %scan3A_361, %mul3A_362 : i32
      %add3A_364 = arith.addi %mul3A_277, %mul3A_363 : i32
      %add3A_365 = arith.constant 0 : i32
      %add3A_366 = arith.addi %add3A_364, %add3A_365 : i32
      %dma_wait3A_367 = arith.constant 0 : i32
      %dma_wait3A_368 = arith.constant 0 : i32
      %dma_wait3A_369 = tpu.memref_slice %arg19[%dma_wait3A_367, %dma_wait3A_368] : memref<10240x64xf32, #tpu.memory_space<vmem_shared>> -> memref<10240x64xf32, #tpu.memory_space<vmem_shared>>
      tpu.wait_indirect_dma semaphore(%arg21 : memref<!tpu.dma_semaphore, #tpu.memory_space<semaphore_mem>>) src(%dma_wait3A_369 : memref<10240x64xf32, #tpu.memory_space<vmem_shared>>) dst(%arg7 : memref<128x64xf32, #tpu.memory_space<vmem>>)
      %dma_start3A_370 = arith.constant 0 : i32
      %dma_start3A_371 = arith.constant 0 : i32
      %dma_start3A_372 = tpu.memref_slice %arg20[%dma_start3A_370, %dma_start3A_371] : memref<10240x64xf32, #tpu.memory_space<vmem_shared>> -> memref<10240x64xf32, #tpu.memory_space<vmem_shared>>
      tpu.enqueue_indirect_dma source(%arg7 : memref<128x64xf32, #tpu.memory_space<vmem>>) target(%dma_start3A_372 : memref<10240x64xf32, #tpu.memory_space<vmem_shared>>) offsets(%arg11 : memref<128xi32, #tpu.memory_space<vmem>>) semaphore(%arg29 : memref<!tpu.dma_semaphore, #tpu.memory_space<semaphore_mem>>) {add = true}
      %add3A_373 = arith.constant 1 : i32
      %add3A_374 = arith.addi %add3A_366, %add3A_373 : i32
      %dma_wait3A_375 = arith.constant 0 : i32
      %dma_wait3A_376 = tpu.memref_slice %arg4[%add3A_374, %dma_wait3A_375] : memref<2562x128xi32, #tpu.memory_space<hbm>> -> memref<1x128xi32, #tpu.memory_space<hbm>>
      %dma_wait3A_377 = tpu.memref_squeeze %dma_wait3A_376 : memref<1x128xi32, #tpu.memory_space<hbm>> -> memref<128xi32, #tpu.memory_space<hbm>>
      %dma_wait3A_378 = arith.constant 0 : i32
      %dma_wait3A_379 = tpu.memref_slice %arg4[%add3A_374, %dma_wait3A_378] : memref<2562x128xi32, #tpu.memory_space<hbm>> -> memref<1x128xi32, #tpu.memory_space<hbm>>
      %dma_wait3A_380 = tpu.memref_squeeze %dma_wait3A_379 : memref<1x128xi32, #tpu.memory_space<hbm>> -> memref<128xi32, #tpu.memory_space<hbm>>
      tpu.wait_dma2 semaphore(%arg26 : memref<!tpu.dma_semaphore, #tpu.memory_space<semaphore_mem>>) src(%dma_wait3A_380 : memref<128xi32, #tpu.memory_space<hbm>>) dst(%arg16 : memref<128xi32, #tpu.memory_space<vmem>>)
      %dma_wait3A_381 = arith.constant 0 : i32
      %dma_wait3A_382 = tpu.memref_slice %arg5[%add3A_374, %dma_wait3A_381] : memref<2562x128xi32, #tpu.memory_space<hbm>> -> memref<1x128xi32, #tpu.memory_space<hbm>>
      %dma_wait3A_383 = tpu.memref_squeeze %dma_wait3A_382 : memref<1x128xi32, #tpu.memory_space<hbm>> -> memref<128xi32, #tpu.memory_space<hbm>>
      %dma_wait3A_384 = arith.constant 0 : i32
      %dma_wait3A_385 = tpu.memref_slice %arg5[%add3A_374, %dma_wait3A_384] : memref<2562x128xi32, #tpu.memory_space<hbm>> -> memref<1x128xi32, #tpu.memory_space<hbm>>
      %dma_wait3A_386 = tpu.memref_squeeze %dma_wait3A_385 : memref<1x128xi32, #tpu.memory_space<hbm>> -> memref<128xi32, #tpu.memory_space<hbm>>
      tpu.wait_dma2 semaphore(%arg26 : memref<!tpu.dma_semaphore, #tpu.memory_space<semaphore_mem>>) src(%dma_wait3A_386 : memref<128xi32, #tpu.memory_space<hbm>>) dst(%arg12 : memref<128xi32, #tpu.memory_space<vmem>>)
      %dma_start3A_387 = arith.constant 0 : i32
      %dma_start3A_388 = arith.constant 0 : i32
      %dma_start3A_389 = tpu.memref_slice %arg19[%dma_start3A_387, %dma_start3A_388] : memref<10240x64xf32, #tpu.memory_space<vmem_shared>> -> memref<10240x64xf32, #tpu.memory_space<vmem_shared>>
      tpu.enqueue_indirect_dma source(%dma_start3A_389 : memref<10240x64xf32, #tpu.memory_space<vmem_shared>>) target(%arg8 : memref<128x64xf32, #tpu.memory_space<vmem>>) offsets(%arg16 : memref<128xi32, #tpu.memory_space<vmem>>) semaphore(%arg22 : memref<!tpu.dma_semaphore, #tpu.memory_space<semaphore_mem>>)
      %dma_wait3A_390 = arith.constant 0 : i32
      %dma_wait3A_391 = arith.constant 0 : i32
      %dma_wait3A_392 = tpu.memref_slice %arg20[%dma_wait3A_390, %dma_wait3A_391] : memref<10240x64xf32, #tpu.memory_space<vmem_shared>> -> memref<10240x64xf32, #tpu.memory_space<vmem_shared>>
      tpu.wait_indirect_dma semaphore(%arg31 : memref<!tpu.dma_semaphore, #tpu.memory_space<semaphore_mem>>) src(%arg9 : memref<128x64xf32, #tpu.memory_space<vmem>>) dst(%dma_wait3A_392 : memref<10240x64xf32, #tpu.memory_space<vmem_shared>>)
      %add3A_393 = arith.constant 2 : i32
      %add3A_394 = arith.addi %add3A_366, %add3A_393 : i32
      %dma_start3A_395 = arith.constant 0 : i32
      %dma_start3A_396 = tpu.memref_slice %arg4[%add3A_394, %dma_start3A_395] : memref<2562x128xi32, #tpu.memory_space<hbm>> -> memref<1x128xi32, #tpu.memory_space<hbm>>
      %dma_start3A_397 = tpu.memref_squeeze %dma_start3A_396 : memref<1x128xi32, #tpu.memory_space<hbm>> -> memref<128xi32, #tpu.memory_space<hbm>>
      %dma_start3A_398 = arith.constant 0 : i32
      %dma_start3A_399 = tpu.memref_slice %arg4[%add3A_394, %dma_start3A_398] : memref<2562x128xi32, #tpu.memory_space<hbm>> -> memref<1x128xi32, #tpu.memory_space<hbm>>
      %dma_start3A_400 = tpu.memref_squeeze %dma_start3A_399 : memref<1x128xi32, #tpu.memory_space<hbm>> -> memref<128xi32, #tpu.memory_space<hbm>>
      tpu.enqueue_dma source(%dma_start3A_400 : memref<128xi32, #tpu.memory_space<hbm>>) target(%arg17 : memref<128xi32, #tpu.memory_space<vmem>>) target_semaphore(%arg27 : memref<!tpu.dma_semaphore, #tpu.memory_space<semaphore_mem>>)
      %dma_start3A_401 = arith.constant 0 : i32
      %dma_start3A_402 = tpu.memref_slice %arg5[%add3A_394, %dma_start3A_401] : memref<2562x128xi32, #tpu.memory_space<hbm>> -> memref<1x128xi32, #tpu.memory_space<hbm>>
      %dma_start3A_403 = tpu.memref_squeeze %dma_start3A_402 : memref<1x128xi32, #tpu.memory_space<hbm>> -> memref<128xi32, #tpu.memory_space<hbm>>
      %dma_start3A_404 = arith.constant 0 : i32
      %dma_start3A_405 = tpu.memref_slice %arg5[%add3A_394, %dma_start3A_404] : memref<2562x128xi32, #tpu.memory_space<hbm>> -> memref<1x128xi32, #tpu.memory_space<hbm>>
      %dma_start3A_406 = tpu.memref_squeeze %dma_start3A_405 : memref<1x128xi32, #tpu.memory_space<hbm>> -> memref<128xi32, #tpu.memory_space<hbm>>
      tpu.enqueue_dma source(%dma_start3A_406 : memref<128xi32, #tpu.memory_space<hbm>>) target(%arg13 : memref<128xi32, #tpu.memory_space<vmem>>) target_semaphore(%arg27 : memref<!tpu.dma_semaphore, #tpu.memory_space<semaphore_mem>>)
      %add3A_407 = arith.constant 1 : i32
      %add3A_408 = arith.addi %add3A_364, %add3A_407 : i32
      %dma_wait3A_409 = arith.constant 0 : i32
      %dma_wait3A_410 = arith.constant 0 : i32
      %dma_wait3A_411 = tpu.memref_slice %arg19[%dma_wait3A_409, %dma_wait3A_410] : memref<10240x64xf32, #tpu.memory_space<vmem_shared>> -> memref<10240x64xf32, #tpu.memory_space<vmem_shared>>
      tpu.wait_indirect_dma semaphore(%arg22 : memref<!tpu.dma_semaphore, #tpu.memory_space<semaphore_mem>>) src(%dma_wait3A_411 : memref<10240x64xf32, #tpu.memory_space<vmem_shared>>) dst(%arg8 : memref<128x64xf32, #tpu.memory_space<vmem>>)
      %dma_start3A_412 = arith.constant 0 : i32
      %dma_start3A_413 = arith.constant 0 : i32
      %dma_start3A_414 = tpu.memref_slice %arg20[%dma_start3A_412, %dma_start3A_413] : memref<10240x64xf32, #tpu.memory_space<vmem_shared>> -> memref<10240x64xf32, #tpu.memory_space<vmem_shared>>
      tpu.enqueue_indirect_dma source(%arg8 : memref<128x64xf32, #tpu.memory_space<vmem>>) target(%dma_start3A_414 : memref<10240x64xf32, #tpu.memory_space<vmem_shared>>) offsets(%arg12 : memref<128xi32, #tpu.memory_space<vmem>>) semaphore(%arg30 : memref<!tpu.dma_semaphore, #tpu.memory_space<semaphore_mem>>) {add = true}
      %add3A_415 = arith.constant 1 : i32
      %add3A_416 = arith.addi %add3A_408, %add3A_415 : i32
      %dma_wait3A_417 = arith.constant 0 : i32
      %dma_wait3A_418 = tpu.memref_slice %arg4[%add3A_416, %dma_wait3A_417] : memref<2562x128xi32, #tpu.memory_space<hbm>> -> memref<1x128xi32, #tpu.memory_space<hbm>>
      %dma_wait3A_419 = tpu.memref_squeeze %dma_wait3A_418 : memref<1x128xi32, #tpu.memory_space<hbm>> -> memref<128xi32, #tpu.memory_space<hbm>>
      %dma_wait3A_420 = arith.constant 0 : i32
      %dma_wait3A_421 = tpu.memref_slice %arg4[%add3A_416, %dma_wait3A_420] : memref<2562x128xi32, #tpu.memory_space<hbm>> -> memref<1x128xi32, #tpu.memory_space<hbm>>
      %dma_wait3A_422 = tpu.memref_squeeze %dma_wait3A_421 : memref<1x128xi32, #tpu.memory_space<hbm>> -> memref<128xi32, #tpu.memory_space<hbm>>
      tpu.wait_dma2 semaphore(%arg27 : memref<!tpu.dma_semaphore, #tpu.memory_space<semaphore_mem>>) src(%dma_wait3A_422 : memref<128xi32, #tpu.memory_space<hbm>>) dst(%arg17 : memref<128xi32, #tpu.memory_space<vmem>>)
      %dma_wait3A_423 = arith.constant 0 : i32
      %dma_wait3A_424 = tpu.memref_slice %arg5[%add3A_416, %dma_wait3A_423] : memref<2562x128xi32, #tpu.memory_space<hbm>> -> memref<1x128xi32, #tpu.memory_space<hbm>>
      %dma_wait3A_425 = tpu.memref_squeeze %dma_wait3A_424 : memref<1x128xi32, #tpu.memory_space<hbm>> -> memref<128xi32, #tpu.memory_space<hbm>>
      %dma_wait3A_426 = arith.constant 0 : i32
      %dma_wait3A_427 = tpu.memref_slice %arg5[%add3A_416, %dma_wait3A_426] : memref<2562x128xi32, #tpu.memory_space<hbm>> -> memref<1x128xi32, #tpu.memory_space<hbm>>
      %dma_wait3A_428 = tpu.memref_squeeze %dma_wait3A_427 : memref<1x128xi32, #tpu.memory_space<hbm>> -> memref<128xi32, #tpu.memory_space<hbm>>
      tpu.wait_dma2 semaphore(%arg27 : memref<!tpu.dma_semaphore, #tpu.memory_space<semaphore_mem>>) src(%dma_wait3A_428 : memref<128xi32, #tpu.memory_space<hbm>>) dst(%arg13 : memref<128xi32, #tpu.memory_space<vmem>>)
      %dma_start3A_429 = arith.constant 0 : i32
      %dma_start3A_430 = arith.constant 0 : i32
      %dma_start3A_431 = tpu.memref_slice %arg19[%dma_start3A_429, %dma_start3A_430] : memref<10240x64xf32, #tpu.memory_space<vmem_shared>> -> memref<10240x64xf32, #tpu.memory_space<vmem_shared>>
      tpu.enqueue_indirect_dma source(%dma_start3A_431 : memref<10240x64xf32, #tpu.memory_space<vmem_shared>>) target(%arg9 : memref<128x64xf32, #tpu.memory_space<vmem>>) offsets(%arg17 : memref<128xi32, #tpu.memory_space<vmem>>) semaphore(%arg23 : memref<!tpu.dma_semaphore, #tpu.memory_space<semaphore_mem>>)
      %dma_wait3A_432 = arith.constant 0 : i32
      %dma_wait3A_433 = arith.constant 0 : i32
      %dma_wait3A_434 = tpu.memref_slice %arg20[%dma_wait3A_432, %dma_wait3A_433] : memref<10240x64xf32, #tpu.memory_space<vmem_shared>> -> memref<10240x64xf32, #tpu.memory_space<vmem_shared>>
      tpu.wait_indirect_dma semaphore(%arg32 : memref<!tpu.dma_semaphore, #tpu.memory_space<semaphore_mem>>) src(%arg10 : memref<128x64xf32, #tpu.memory_space<vmem>>) dst(%dma_wait3A_434 : memref<10240x64xf32, #tpu.memory_space<vmem_shared>>)
      %add3A_435 = arith.constant 2 : i32
      %add3A_436 = arith.addi %add3A_408, %add3A_435 : i32
      %dma_start3A_437 = arith.constant 0 : i32
      %dma_start3A_438 = tpu.memref_slice %arg4[%add3A_436, %dma_start3A_437] : memref<2562x128xi32, #tpu.memory_space<hbm>> -> memref<1x128xi32, #tpu.memory_space<hbm>>
      %dma_start3A_439 = tpu.memref_squeeze %dma_start3A_438 : memref<1x128xi32, #tpu.memory_space<hbm>> -> memref<128xi32, #tpu.memory_space<hbm>>
      %dma_start3A_440 = arith.constant 0 : i32
      %dma_start3A_441 = tpu.memref_slice %arg4[%add3A_436, %dma_start3A_440] : memref<2562x128xi32, #tpu.memory_space<hbm>> -> memref<1x128xi32, #tpu.memory_space<hbm>>
      %dma_start3A_442 = tpu.memref_squeeze %dma_start3A_441 : memref<1x128xi32, #tpu.memory_space<hbm>> -> memref<128xi32, #tpu.memory_space<hbm>>
      tpu.enqueue_dma source(%dma_start3A_442 : memref<128xi32, #tpu.memory_space<hbm>>) target(%arg18 : memref<128xi32, #tpu.memory_space<vmem>>) target_semaphore(%arg28 : memref<!tpu.dma_semaphore, #tpu.memory_space<semaphore_mem>>)
      %dma_start3A_443 = arith.constant 0 : i32
      %dma_start3A_444 = tpu.memref_slice %arg5[%add3A_436, %dma_start3A_443] : memref<2562x128xi32, #tpu.memory_space<hbm>> -> memref<1x128xi32, #tpu.memory_space<hbm>>
      %dma_start3A_445 = tpu.memref_squeeze %dma_start3A_444 : memref<1x128xi32, #tpu.memory_space<hbm>> -> memref<128xi32, #tpu.memory_space<hbm>>
      %dma_start3A_446 = arith.constant 0 : i32
      %dma_start3A_447 = tpu.memref_slice %arg5[%add3A_436, %dma_start3A_446] : memref<2562x128xi32, #tpu.memory_space<hbm>> -> memref<1x128xi32, #tpu.memory_space<hbm>>
      %dma_start3A_448 = tpu.memref_squeeze %dma_start3A_447 : memref<1x128xi32, #tpu.memory_space<hbm>> -> memref<128xi32, #tpu.memory_space<hbm>>
      tpu.enqueue_dma source(%dma_start3A_448 : memref<128xi32, #tpu.memory_space<hbm>>) target(%arg14 : memref<128xi32, #tpu.memory_space<vmem>>) target_semaphore(%arg28 : memref<!tpu.dma_semaphore, #tpu.memory_space<semaphore_mem>>)
      %add3A_449 = arith.constant 2 : i32
      %add3A_450 = arith.addi %add3A_364, %add3A_449 : i32
      %dma_wait3A_451 = arith.constant 0 : i32
      %dma_wait3A_452 = arith.constant 0 : i32
      %dma_wait3A_453 = tpu.memref_slice %arg19[%dma_wait3A_451, %dma_wait3A_452] : memref<10240x64xf32, #tpu.memory_space<vmem_shared>> -> memref<10240x64xf32, #tpu.memory_space<vmem_shared>>
      tpu.wait_indirect_dma semaphore(%arg23 : memref<!tpu.dma_semaphore, #tpu.memory_space<semaphore_mem>>) src(%dma_wait3A_453 : memref<10240x64xf32, #tpu.memory_space<vmem_shared>>) dst(%arg9 : memref<128x64xf32, #tpu.memory_space<vmem>>)
      %dma_start3A_454 = arith.constant 0 : i32
      %dma_start3A_455 = arith.constant 0 : i32
      %dma_start3A_456 = tpu.memref_slice %arg20[%dma_start3A_454, %dma_start3A_455] : memref<10240x64xf32, #tpu.memory_space<vmem_shared>> -> memref<10240x64xf32, #tpu.memory_space<vmem_shared>>
      tpu.enqueue_indirect_dma source(%arg9 : memref<128x64xf32, #tpu.memory_space<vmem>>) target(%dma_start3A_456 : memref<10240x64xf32, #tpu.memory_space<vmem_shared>>) offsets(%arg13 : memref<128xi32, #tpu.memory_space<vmem>>) semaphore(%arg31 : memref<!tpu.dma_semaphore, #tpu.memory_space<semaphore_mem>>) {add = true}
      %add3A_457 = arith.constant 1 : i32
      %add3A_458 = arith.addi %add3A_450, %add3A_457 : i32
      %dma_wait3A_459 = arith.constant 0 : i32
      %dma_wait3A_460 = tpu.memref_slice %arg4[%add3A_458, %dma_wait3A_459] : memref<2562x128xi32, #tpu.memory_space<hbm>> -> memref<1x128xi32, #tpu.memory_space<hbm>>
      %dma_wait3A_461 = tpu.memref_squeeze %dma_wait3A_460 : memref<1x128xi32, #tpu.memory_space<hbm>> -> memref<128xi32, #tpu.memory_space<hbm>>
      %dma_wait3A_462 = arith.constant 0 : i32
      %dma_wait3A_463 = tpu.memref_slice %arg4[%add3A_458, %dma_wait3A_462] : memref<2562x128xi32, #tpu.memory_space<hbm>> -> memref<1x128xi32, #tpu.memory_space<hbm>>
      %dma_wait3A_464 = tpu.memref_squeeze %dma_wait3A_463 : memref<1x128xi32, #tpu.memory_space<hbm>> -> memref<128xi32, #tpu.memory_space<hbm>>
      tpu.wait_dma2 semaphore(%arg28 : memref<!tpu.dma_semaphore, #tpu.memory_space<semaphore_mem>>) src(%dma_wait3A_464 : memref<128xi32, #tpu.memory_space<hbm>>) dst(%arg18 : memref<128xi32, #tpu.memory_space<vmem>>)
      %dma_wait3A_465 = arith.constant 0 : i32
      %dma_wait3A_466 = tpu.memref_slice %arg5[%add3A_458, %dma_wait3A_465] : memref<2562x128xi32, #tpu.memory_space<hbm>> -> memref<1x128xi32, #tpu.memory_space<hbm>>
      %dma_wait3A_467 = tpu.memref_squeeze %dma_wait3A_466 : memref<1x128xi32, #tpu.memory_space<hbm>> -> memref<128xi32, #tpu.memory_space<hbm>>
      %dma_wait3A_468 = arith.constant 0 : i32
      %dma_wait3A_469 = tpu.memref_slice %arg5[%add3A_458, %dma_wait3A_468] : memref<2562x128xi32, #tpu.memory_space<hbm>> -> memref<1x128xi32, #tpu.memory_space<hbm>>
      %dma_wait3A_470 = tpu.memref_squeeze %dma_wait3A_469 : memref<1x128xi32, #tpu.memory_space<hbm>> -> memref<128xi32, #tpu.memory_space<hbm>>
      tpu.wait_dma2 semaphore(%arg28 : memref<!tpu.dma_semaphore, #tpu.memory_space<semaphore_mem>>) src(%dma_wait3A_470 : memref<128xi32, #tpu.memory_space<hbm>>) dst(%arg14 : memref<128xi32, #tpu.memory_space<vmem>>)
      %dma_start3A_471 = arith.constant 0 : i32
      %dma_start3A_472 = arith.constant 0 : i32
      %dma_start3A_473 = tpu.memref_slice %arg19[%dma_start3A_471, %dma_start3A_472] : memref<10240x64xf32, #tpu.memory_space<vmem_shared>> -> memref<10240x64xf32, #tpu.memory_space<vmem_shared>>
      tpu.enqueue_indirect_dma source(%dma_start3A_473 : memref<10240x64xf32, #tpu.memory_space<vmem_shared>>) target(%arg10 : memref<128x64xf32, #tpu.memory_space<vmem>>) offsets(%arg18 : memref<128xi32, #tpu.memory_space<vmem>>) semaphore(%arg24 : memref<!tpu.dma_semaphore, #tpu.memory_space<semaphore_mem>>)
      %dma_wait3A_474 = arith.constant 0 : i32
      %dma_wait3A_475 = arith.constant 0 : i32
      %dma_wait3A_476 = tpu.memref_slice %arg20[%dma_wait3A_474, %dma_wait3A_475] : memref<10240x64xf32, #tpu.memory_space<vmem_shared>> -> memref<10240x64xf32, #tpu.memory_space<vmem_shared>>
      tpu.wait_indirect_dma semaphore(%arg29 : memref<!tpu.dma_semaphore, #tpu.memory_space<semaphore_mem>>) src(%arg7 : memref<128x64xf32, #tpu.memory_space<vmem>>) dst(%dma_wait3A_476 : memref<10240x64xf32, #tpu.memory_space<vmem_shared>>)
      %add3A_477 = arith.constant 2 : i32
      %add3A_478 = arith.addi %add3A_450, %add3A_477 : i32
      %dma_start3A_479 = arith.constant 0 : i32
      %dma_start3A_480 = tpu.memref_slice %arg4[%add3A_478, %dma_start3A_479] : memref<2562x128xi32, #tpu.memory_space<hbm>> -> memref<1x128xi32, #tpu.memory_space<hbm>>
      %dma_start3A_481 = tpu.memref_squeeze %dma_start3A_480 : memref<1x128xi32, #tpu.memory_space<hbm>> -> memref<128xi32, #tpu.memory_space<hbm>>
      %dma_start3A_482 = arith.constant 0 : i32
      %dma_start3A_483 = tpu.memref_slice %arg4[%add3A_478, %dma_start3A_482] : memref<2562x128xi32, #tpu.memory_space<hbm>> -> memref<1x128xi32, #tpu.memory_space<hbm>>
      %dma_start3A_484 = tpu.memref_squeeze %dma_start3A_483 : memref<1x128xi32, #tpu.memory_space<hbm>> -> memref<128xi32, #tpu.memory_space<hbm>>
      tpu.enqueue_dma source(%dma_start3A_484 : memref<128xi32, #tpu.memory_space<hbm>>) target(%arg15 : memref<128xi32, #tpu.memory_space<vmem>>) target_semaphore(%arg25 : memref<!tpu.dma_semaphore, #tpu.memory_space<semaphore_mem>>)
      %dma_start3A_485 = arith.constant 0 : i32
      %dma_start3A_486 = tpu.memref_slice %arg5[%add3A_478, %dma_start3A_485] : memref<2562x128xi32, #tpu.memory_space<hbm>> -> memref<1x128xi32, #tpu.memory_space<hbm>>
      %dma_start3A_487 = tpu.memref_squeeze %dma_start3A_486 : memref<1x128xi32, #tpu.memory_space<hbm>> -> memref<128xi32, #tpu.memory_space<hbm>>
      %dma_start3A_488 = arith.constant 0 : i32
      %dma_start3A_489 = tpu.memref_slice %arg5[%add3A_478, %dma_start3A_488] : memref<2562x128xi32, #tpu.memory_space<hbm>> -> memref<1x128xi32, #tpu.memory_space<hbm>>
      %dma_start3A_490 = tpu.memref_squeeze %dma_start3A_489 : memref<1x128xi32, #tpu.memory_space<hbm>> -> memref<128xi32, #tpu.memory_space<hbm>>
      tpu.enqueue_dma source(%dma_start3A_490 : memref<128xi32, #tpu.memory_space<hbm>>) target(%arg11 : memref<128xi32, #tpu.memory_space<vmem>>) target_semaphore(%arg25 : memref<!tpu.dma_semaphore, #tpu.memory_space<semaphore_mem>>)
      %add3A_491 = arith.constant 3 : i32
      %add3A_492 = arith.addi %add3A_364, %add3A_491 : i32
      %dma_wait3A_493 = arith.constant 0 : i32
      %dma_wait3A_494 = arith.constant 0 : i32
      %dma_wait3A_495 = tpu.memref_slice %arg19[%dma_wait3A_493, %dma_wait3A_494] : memref<10240x64xf32, #tpu.memory_space<vmem_shared>> -> memref<10240x64xf32, #tpu.memory_space<vmem_shared>>
      tpu.wait_indirect_dma semaphore(%arg24 : memref<!tpu.dma_semaphore, #tpu.memory_space<semaphore_mem>>) src(%dma_wait3A_495 : memref<10240x64xf32, #tpu.memory_space<vmem_shared>>) dst(%arg10 : memref<128x64xf32, #tpu.memory_space<vmem>>)
      %dma_start3A_496 = arith.constant 0 : i32
      %dma_start3A_497 = arith.constant 0 : i32
      %dma_start3A_498 = tpu.memref_slice %arg20[%dma_start3A_496, %dma_start3A_497] : memref<10240x64xf32, #tpu.memory_space<vmem_shared>> -> memref<10240x64xf32, #tpu.memory_space<vmem_shared>>
      tpu.enqueue_indirect_dma source(%arg10 : memref<128x64xf32, #tpu.memory_space<vmem>>) target(%dma_start3A_498 : memref<10240x64xf32, #tpu.memory_space<vmem_shared>>) offsets(%arg14 : memref<128xi32, #tpu.memory_space<vmem>>) semaphore(%arg32 : memref<!tpu.dma_semaphore, #tpu.memory_space<semaphore_mem>>) {add = true}
      %add3A_499 = arith.constant 1 : i32
      %add3A_500 = arith.addi %add3A_492, %add3A_499 : i32
      %dma_wait3A_501 = arith.constant 0 : i32
      %dma_wait3A_502 = tpu.memref_slice %arg4[%add3A_500, %dma_wait3A_501] : memref<2562x128xi32, #tpu.memory_space<hbm>> -> memref<1x128xi32, #tpu.memory_space<hbm>>
      %dma_wait3A_503 = tpu.memref_squeeze %dma_wait3A_502 : memref<1x128xi32, #tpu.memory_space<hbm>> -> memref<128xi32, #tpu.memory_space<hbm>>
      %dma_wait3A_504 = arith.constant 0 : i32
      %dma_wait3A_505 = tpu.memref_slice %arg4[%add3A_500, %dma_wait3A_504] : memref<2562x128xi32, #tpu.memory_space<hbm>> -> memref<1x128xi32, #tpu.memory_space<hbm>>
      %dma_wait3A_506 = tpu.memref_squeeze %dma_wait3A_505 : memref<1x128xi32, #tpu.memory_space<hbm>> -> memref<128xi32, #tpu.memory_space<hbm>>
      tpu.wait_dma2 semaphore(%arg25 : memref<!tpu.dma_semaphore, #tpu.memory_space<semaphore_mem>>) src(%dma_wait3A_506 : memref<128xi32, #tpu.memory_space<hbm>>) dst(%arg15 : memref<128xi32, #tpu.memory_space<vmem>>)
      %dma_wait3A_507 = arith.constant 0 : i32
      %dma_wait3A_508 = tpu.memref_slice %arg5[%add3A_500, %dma_wait3A_507] : memref<2562x128xi32, #tpu.memory_space<hbm>> -> memref<1x128xi32, #tpu.memory_space<hbm>>
      %dma_wait3A_509 = tpu.memref_squeeze %dma_wait3A_508 : memref<1x128xi32, #tpu.memory_space<hbm>> -> memref<128xi32, #tpu.memory_space<hbm>>
      %dma_wait3A_510 = arith.constant 0 : i32
      %dma_wait3A_511 = tpu.memref_slice %arg5[%add3A_500, %dma_wait3A_510] : memref<2562x128xi32, #tpu.memory_space<hbm>> -> memref<1x128xi32, #tpu.memory_space<hbm>>
      %dma_wait3A_512 = tpu.memref_squeeze %dma_wait3A_511 : memref<1x128xi32, #tpu.memory_space<hbm>> -> memref<128xi32, #tpu.memory_space<hbm>>
      tpu.wait_dma2 semaphore(%arg25 : memref<!tpu.dma_semaphore, #tpu.memory_space<semaphore_mem>>) src(%dma_wait3A_512 : memref<128xi32, #tpu.memory_space<hbm>>) dst(%arg11 : memref<128xi32, #tpu.memory_space<vmem>>)
      %dma_start3A_513 = arith.constant 0 : i32
      %dma_start3A_514 = arith.constant 0 : i32
      %dma_start3A_515 = tpu.memref_slice %arg19[%dma_start3A_513, %dma_start3A_514] : memref<10240x64xf32, #tpu.memory_space<vmem_shared>> -> memref<10240x64xf32, #tpu.memory_space<vmem_shared>>
      tpu.enqueue_indirect_dma source(%dma_start3A_515 : memref<10240x64xf32, #tpu.memory_space<vmem_shared>>) target(%arg7 : memref<128x64xf32, #tpu.memory_space<vmem>>) offsets(%arg15 : memref<128xi32, #tpu.memory_space<vmem>>) semaphore(%arg21 : memref<!tpu.dma_semaphore, #tpu.memory_space<semaphore_mem>>)
      %dma_wait3A_516 = arith.constant 0 : i32
      %dma_wait3A_517 = arith.constant 0 : i32
      %dma_wait3A_518 = tpu.memref_slice %arg20[%dma_wait3A_516, %dma_wait3A_517] : memref<10240x64xf32, #tpu.memory_space<vmem_shared>> -> memref<10240x64xf32, #tpu.memory_space<vmem_shared>>
      tpu.wait_indirect_dma semaphore(%arg30 : memref<!tpu.dma_semaphore, #tpu.memory_space<semaphore_mem>>) src(%arg8 : memref<128x64xf32, #tpu.memory_space<vmem>>) dst(%dma_wait3A_518 : memref<10240x64xf32, #tpu.memory_space<vmem_shared>>)
      %add3A_519 = arith.constant 2 : i32
      %add3A_520 = arith.addi %add3A_492, %add3A_519 : i32
      %dma_start3A_521 = arith.constant 0 : i32
      %dma_start3A_522 = tpu.memref_slice %arg4[%add3A_520, %dma_start3A_521] : memref<2562x128xi32, #tpu.memory_space<hbm>> -> memref<1x128xi32, #tpu.memory_space<hbm>>
      %dma_start3A_523 = tpu.memref_squeeze %dma_start3A_522 : memref<1x128xi32, #tpu.memory_space<hbm>> -> memref<128xi32, #tpu.memory_space<hbm>>
      %dma_start3A_524 = arith.constant 0 : i32
      %dma_start3A_525 = tpu.memref_slice %arg4[%add3A_520, %dma_start3A_524] : memref<2562x128xi32, #tpu.memory_space<hbm>> -> memref<1x128xi32, #tpu.memory_space<hbm>>
      %dma_start3A_526 = tpu.memref_squeeze %dma_start3A_525 : memref<1x128xi32, #tpu.memory_space<hbm>> -> memref<128xi32, #tpu.memory_space<hbm>>
      tpu.enqueue_dma source(%dma_start3A_526 : memref<128xi32, #tpu.memory_space<hbm>>) target(%arg16 : memref<128xi32, #tpu.memory_space<vmem>>) target_semaphore(%arg26 : memref<!tpu.dma_semaphore, #tpu.memory_space<semaphore_mem>>)
      %dma_start3A_527 = arith.constant 0 : i32
      %dma_start3A_528 = tpu.memref_slice %arg5[%add3A_520, %dma_start3A_527] : memref<2562x128xi32, #tpu.memory_space<hbm>> -> memref<1x128xi32, #tpu.memory_space<hbm>>
      %dma_start3A_529 = tpu.memref_squeeze %dma_start3A_528 : memref<1x128xi32, #tpu.memory_space<hbm>> -> memref<128xi32, #tpu.memory_space<hbm>>
      %dma_start3A_530 = arith.constant 0 : i32
      %dma_start3A_531 = tpu.memref_slice %arg5[%add3A_520, %dma_start3A_530] : memref<2562x128xi32, #tpu.memory_space<hbm>> -> memref<1x128xi32, #tpu.memory_space<hbm>>
      %dma_start3A_532 = tpu.memref_squeeze %dma_start3A_531 : memref<1x128xi32, #tpu.memory_space<hbm>> -> memref<128xi32, #tpu.memory_space<hbm>>
      tpu.enqueue_dma source(%dma_start3A_532 : memref<128xi32, #tpu.memory_space<hbm>>) target(%arg12 : memref<128xi32, #tpu.memory_space<vmem>>) target_semaphore(%arg26 : memref<!tpu.dma_semaphore, #tpu.memory_space<semaphore_mem>>)
    }
    %scan3A_334 = arith.constant 40 : i32
    %dma_wait3A_335 = arith.constant 0 : i32
    %dma_wait3A_336 = arith.constant 0 : i32
    %dma_wait3A_337 = tpu.memref_slice %arg19[%dma_wait3A_335, %dma_wait3A_336] : memref<10240x64xf32, #tpu.memory_space<vmem_shared>> -> memref<10240x64xf32, #tpu.memory_space<vmem_shared>>
    tpu.wait_indirect_dma semaphore(%arg21 : memref<!tpu.dma_semaphore, #tpu.memory_space<semaphore_mem>>) src(%dma_wait3A_337 : memref<10240x64xf32, #tpu.memory_space<vmem_shared>>) dst(%arg7 : memref<128x64xf32, #tpu.memory_space<vmem>>)
    %dma_wait3A_338 = arith.constant 0 : i32
    %dma_wait3A_339 = tpu.memref_slice %arg4[%mul3A_277, %dma_wait3A_338] : memref<2562x128xi32, #tpu.memory_space<hbm>> -> memref<1x128xi32, #tpu.memory_space<hbm>>
    %dma_wait3A_340 = tpu.memref_squeeze %dma_wait3A_339 : memref<1x128xi32, #tpu.memory_space<hbm>> -> memref<128xi32, #tpu.memory_space<hbm>>
    %dma_wait3A_341 = arith.constant 0 : i32
    %dma_wait3A_342 = tpu.memref_slice %arg4[%mul3A_277, %dma_wait3A_341] : memref<2562x128xi32, #tpu.memory_space<hbm>> -> memref<1x128xi32, #tpu.memory_space<hbm>>
    %dma_wait3A_343 = tpu.memref_squeeze %dma_wait3A_342 : memref<1x128xi32, #tpu.memory_space<hbm>> -> memref<128xi32, #tpu.memory_space<hbm>>
    tpu.wait_dma2 semaphore(%arg26 : memref<!tpu.dma_semaphore, #tpu.memory_space<semaphore_mem>>) src(%dma_wait3A_343 : memref<128xi32, #tpu.memory_space<hbm>>) dst(%arg16 : memref<128xi32, #tpu.memory_space<vmem>>)
    %dma_wait3A_344 = arith.constant 0 : i32
    %dma_wait3A_345 = tpu.memref_slice %arg5[%mul3A_277, %dma_wait3A_344] : memref<2562x128xi32, #tpu.memory_space<hbm>> -> memref<1x128xi32, #tpu.memory_space<hbm>>
    %dma_wait3A_346 = tpu.memref_squeeze %dma_wait3A_345 : memref<1x128xi32, #tpu.memory_space<hbm>> -> memref<128xi32, #tpu.memory_space<hbm>>
    %dma_wait3A_347 = arith.constant 0 : i32
    %dma_wait3A_348 = tpu.memref_slice %arg5[%mul3A_277, %dma_wait3A_347] : memref<2562x128xi32, #tpu.memory_space<hbm>> -> memref<1x128xi32, #tpu.memory_space<hbm>>
    %dma_wait3A_349 = tpu.memref_squeeze %dma_wait3A_348 : memref<1x128xi32, #tpu.memory_space<hbm>> -> memref<128xi32, #tpu.memory_space<hbm>>
    tpu.wait_dma2 semaphore(%arg26 : memref<!tpu.dma_semaphore, #tpu.memory_space<semaphore_mem>>) src(%dma_wait3A_349 : memref<128xi32, #tpu.memory_space<hbm>>) dst(%arg12 : memref<128xi32, #tpu.memory_space<vmem>>)
    %dma_wait3A_350 = arith.constant 0 : i32
    %dma_wait3A_351 = arith.constant 0 : i32
    %dma_wait3A_352 = tpu.memref_slice %arg20[%dma_wait3A_350, %dma_wait3A_351] : memref<10240x64xf32, #tpu.memory_space<vmem_shared>> -> memref<10240x64xf32, #tpu.memory_space<vmem_shared>>
    tpu.wait_indirect_dma semaphore(%arg31 : memref<!tpu.dma_semaphore, #tpu.memory_space<semaphore_mem>>) src(%arg9 : memref<128x64xf32, #tpu.memory_space<vmem>>) dst(%dma_wait3A_352 : memref<10240x64xf32, #tpu.memory_space<vmem_shared>>)
    %dma_wait3A_353 = arith.constant 0 : i32
    %dma_wait3A_354 = arith.constant 0 : i32
    %dma_wait3A_355 = tpu.memref_slice %arg20[%dma_wait3A_353, %dma_wait3A_354] : memref<10240x64xf32, #tpu.memory_space<vmem_shared>> -> memref<10240x64xf32, #tpu.memory_space<vmem_shared>>
    tpu.wait_indirect_dma semaphore(%arg32 : memref<!tpu.dma_semaphore, #tpu.memory_space<semaphore_mem>>) src(%arg10 : memref<128x64xf32, #tpu.memory_space<vmem>>) dst(%dma_wait3A_355 : memref<10240x64xf32, #tpu.memory_space<vmem_shared>>)
    %barrier3A_356 = arith.constant 0 : index
    tpu.barrier barrier_id(%barrier3A_356)
    %mul3A_357 = arith.constant 640 : i32
    %mul3A_358 = arith.muli %arg1, %mul3A_357 : i32
    %mul3A_359 = arith.constant 640 : i32
    %mul3A_360 = arith.muli %arg1, %mul3A_359 : i32
    "tpu.region"() ({
      %run_scoped3A = tpu.sem_alloc : memref<!tpu.dma_semaphore, #tpu.memory_space<semaphore_mem>>
      %dma_start3A_361 = arith.constant 0 : i32
      %dma_start3A_362 = tpu.memref_slice %arg6[%arg0, %mul3A_360, %dma_start3A_361] : memref<2x10240x64xf32, #tpu.memory_space<hbm>> -> memref<1x640x64xf32, #tpu.memory_space<hbm>>
      %dma_start3A_363 = tpu.memref_squeeze %dma_start3A_362 : memref<1x640x64xf32, #tpu.memory_space<hbm>> -> memref<640x64xf32, #tpu.memory_space<hbm>>
      %dma_start3A_364 = arith.constant 0 : i32
      %dma_start3A_365 = tpu.memref_slice %arg20[%mul3A_358, %dma_start3A_364] : memref<10240x64xf32, #tpu.memory_space<vmem_shared>> -> memref<640x64xf32, #tpu.memory_space<vmem_shared>>
      tpu.enqueue_dma source(%dma_start3A_365 : memref<640x64xf32, #tpu.memory_space<vmem_shared>>) target(%dma_start3A_363 : memref<640x64xf32, #tpu.memory_space<hbm>>) target_semaphore(%run_scoped3A : memref<!tpu.dma_semaphore, #tpu.memory_space<semaphore_mem>>)
      %dma_wait3A_366 = arith.constant 0 : i32
      %dma_wait3A_367 = tpu.memref_slice %arg6[%arg0, %mul3A_360, %dma_wait3A_366] : memref<2x10240x64xf32, #tpu.memory_space<hbm>> -> memref<1x640x64xf32, #tpu.memory_space<hbm>>
      %dma_wait3A_368 = tpu.memref_squeeze %dma_wait3A_367 : memref<1x640x64xf32, #tpu.memory_space<hbm>> -> memref<640x64xf32, #tpu.memory_space<hbm>>
      %dma_wait3A_369 = arith.constant 0 : i32
      %dma_wait3A_370 = tpu.memref_slice %arg20[%mul3A_358, %dma_wait3A_369] : memref<10240x64xf32, #tpu.memory_space<vmem_shared>> -> memref<640x64xf32, #tpu.memory_space<vmem_shared>>
      tpu.wait_dma2 semaphore(%run_scoped3A : memref<!tpu.dma_semaphore, #tpu.memory_space<semaphore_mem>>) src(%dma_wait3A_370 : memref<640x64xf32, #tpu.memory_space<vmem_shared>>) dst(%dma_wait3A_368 : memref<640x64xf32, #tpu.memory_space<hbm>>)
      tpu.yield
    }) : () -> ()
    return
  }
}

#map = affine_map<(d0, d1) -> (0, 0)>
#map1 = affine_map<(d0, d1) -> (0, 0, 0)>
module attributes {stable_mosaic.version = 14 : i64} {
  func.func @deg_pass(%arg0: i32, %arg1: i32, %arg2: memref<2562x128xi32, #tpu.memory_space<hbm>>, %arg3: memref<2x10240x16xf32, #tpu.memory_space<hbm>>, %arg4: memref<128x16xf32, #tpu.memory_space<vmem>>, %arg5: memref<128xi32, #tpu.memory_space<vmem>>, %arg6: memref<128xi32, #tpu.memory_space<vmem>>, %arg7: memref<10240x16xf32, #tpu.memory_space<vmem_shared>>, %arg8: memref<!tpu.dma_semaphore, #tpu.memory_space<semaphore_mem>>, %arg9: memref<!tpu.dma_semaphore, #tpu.memory_space<semaphore_mem>>) attributes {dimension_semantics = [#tpu.dimension_semantics<core_parallel>, #tpu.dimension_semantics<subcore_parallel>], iteration_bounds = array<i64: 2, 16>, scalar_prefetch = 0 : i64, scratch_operands = 6 : i64, tpu.core_type = #tpu.core_type<sc_vector_subcore>, window_params = [{transform_indices = #map}, {transform_indices = #map1}]} {
    %mul3A = arith.constant 16 : i32
    %mul3A_0 = arith.muli %arg0, %mul3A : i32
    %add3A = arith.addi %mul3A_0, %arg1 : i32
    %mul3A_1 = arith.constant 80 : i32
    %mul3A_2 = arith.muli %add3A, %mul3A_1 : i32
    %dma_start3A = arith.constant 0 : i32
    %dma_start3A_3 = tpu.memref_slice %arg2[%mul3A_2, %dma_start3A] : memref<2562x128xi32, #tpu.memory_space<hbm>> -> memref<1x128xi32, #tpu.memory_space<hbm>>
    %dma_start3A_4 = tpu.memref_squeeze %dma_start3A_3 : memref<1x128xi32, #tpu.memory_space<hbm>> -> memref<128xi32, #tpu.memory_space<hbm>>
    %dma_start3A_5 = arith.constant 0 : i32
    %dma_start3A_6 = tpu.memref_slice %arg2[%mul3A_2, %dma_start3A_5] : memref<2562x128xi32, #tpu.memory_space<hbm>> -> memref<1x128xi32, #tpu.memory_space<hbm>>
    %dma_start3A_7 = tpu.memref_squeeze %dma_start3A_6 : memref<1x128xi32, #tpu.memory_space<hbm>> -> memref<128xi32, #tpu.memory_space<hbm>>
    tpu.enqueue_dma source(%dma_start3A_7 : memref<128xi32, #tpu.memory_space<hbm>>) target(%arg5 : memref<128xi32, #tpu.memory_space<vmem>>) target_semaphore(%arg8 : memref<!tpu.dma_semaphore, #tpu.memory_space<semaphore_mem>>)
    %add3A_8 = arith.constant 1 : i32
    %add3A_9 = arith.addi %mul3A_2, %add3A_8 : i32
    %dma_start3A_10 = arith.constant 0 : i32
    %dma_start3A_11 = tpu.memref_slice %arg2[%add3A_9, %dma_start3A_10] : memref<2562x128xi32, #tpu.memory_space<hbm>> -> memref<1x128xi32, #tpu.memory_space<hbm>>
    %dma_start3A_12 = tpu.memref_squeeze %dma_start3A_11 : memref<1x128xi32, #tpu.memory_space<hbm>> -> memref<128xi32, #tpu.memory_space<hbm>>
    %dma_start3A_13 = arith.constant 0 : i32
    %dma_start3A_14 = tpu.memref_slice %arg2[%add3A_9, %dma_start3A_13] : memref<2562x128xi32, #tpu.memory_space<hbm>> -> memref<1x128xi32, #tpu.memory_space<hbm>>
    %dma_start3A_15 = tpu.memref_squeeze %dma_start3A_14 : memref<1x128xi32, #tpu.memory_space<hbm>> -> memref<128xi32, #tpu.memory_space<hbm>>
    tpu.enqueue_dma source(%dma_start3A_15 : memref<128xi32, #tpu.memory_space<hbm>>) target(%arg6 : memref<128xi32, #tpu.memory_space<vmem>>) target_semaphore(%arg9 : memref<!tpu.dma_semaphore, #tpu.memory_space<semaphore_mem>>)
    %broadcast_in_dim3A = arith.constant 0.000000e+00 : f32
    %broadcast_in_dim3A_16 = vector.broadcast %broadcast_in_dim3A : f32 to vector<16xf32>
    %scan3A = arith.constant 0 : i32
    %scan3A_17 = arith.constant 0 : i32
    %scan3A_18 = arith.constant 128 : i32
    %scan3A_19 = arith.addi %scan3A_17, %scan3A_18 : i32
    %scan3A_20 = arith.constant 1 : i32
    scf.for %scan3A_72 = %scan3A_17 to %scan3A_19 step %scan3A_20  : i32 {
      %swap3A = arith.index_cast %scan3A_72 : i32 to index
      %swap3A_73 = arith.constant 0 : index
      %swap3A_74 = tpu.vector_load %arg4[%swap3A, %swap3A_73] {strides = array<i32>} : memref<128x16xf32, #tpu.memory_space<vmem>>, vector<1x16xf32>,
      %swap3A_75 = vector.shape_cast %swap3A_74 : vector<1x16xf32> to vector<16xf32>
      %swap3A_76 = vector.shape_cast %broadcast_in_dim3A_16 : vector<16xf32> to vector<1x16xf32>
      tpu.vector_store %arg4[%swap3A, %swap3A_73], %swap3A_76 {strides = array<i32>} : memref<128x16xf32, #tpu.memory_space<vmem>>, vector<1x16xf32>,
    }
    %scan3A_21 = arith.constant 128 : i32
    %mul3A_22 = arith.constant 640 : i32
    %mul3A_23 = arith.muli %arg1, %mul3A_22 : i32
    %add3A_24 = arith.constant 0 : i32
    %add3A_25 = arith.addi %mul3A_23, %add3A_24 : i32
    "tpu.region"() ({
      %run_scoped3A = tpu.sem_alloc : memref<!tpu.dma_semaphore, #tpu.memory_space<semaphore_mem>>
      %dma_start3A_72 = arith.constant 0 : i32
      %dma_start3A_73 = tpu.memref_slice %arg7[%add3A_25, %dma_start3A_72] : memref<10240x16xf32, #tpu.memory_space<vmem_shared>> -> memref<128x16xf32, #tpu.memory_space<vmem_shared>>
      %dma_start3A_74 = arith.constant 0 : i32
      %dma_start3A_75 = tpu.memref_slice %arg7[%add3A_25, %dma_start3A_74] : memref<10240x16xf32, #tpu.memory_space<vmem_shared>> -> memref<128x16xf32, #tpu.memory_space<vmem_shared>>
      tpu.enqueue_dma source(%arg4 : memref<128x16xf32, #tpu.memory_space<vmem>>) target(%dma_start3A_75 : memref<128x16xf32, #tpu.memory_space<vmem_shared>>) target_semaphore(%run_scoped3A : memref<!tpu.dma_semaphore, #tpu.memory_space<semaphore_mem>>)
      %dma_wait3A_76 = arith.constant 0 : i32
      %dma_wait3A_77 = tpu.memref_slice %arg7[%add3A_25, %dma_wait3A_76] : memref<10240x16xf32, #tpu.memory_space<vmem_shared>> -> memref<128x16xf32, #tpu.memory_space<vmem_shared>>
      %dma_wait3A_78 = arith.constant 0 : i32
      %dma_wait3A_79 = tpu.memref_slice %arg7[%add3A_25, %dma_wait3A_78] : memref<10240x16xf32, #tpu.memory_space<vmem_shared>> -> memref<128x16xf32, #tpu.memory_space<vmem_shared>>
      tpu.wait_dma2 semaphore(%run_scoped3A : memref<!tpu.dma_semaphore, #tpu.memory_space<semaphore_mem>>) src(%arg4 : memref<128x16xf32, #tpu.memory_space<vmem>>) dst(%dma_wait3A_79 : memref<128x16xf32, #tpu.memory_space<vmem_shared>>)
      tpu.yield
    }) : () -> ()
    %mul3A_26 = arith.constant 640 : i32
    %mul3A_27 = arith.muli %arg1, %mul3A_26 : i32
    %add3A_28 = arith.constant 128 : i32
    %add3A_29 = arith.addi %mul3A_27, %add3A_28 : i32
    "tpu.region"() ({
      %run_scoped3A = tpu.sem_alloc : memref<!tpu.dma_semaphore, #tpu.memory_space<semaphore_mem>>
      %dma_start3A_72 = arith.constant 0 : i32
      %dma_start3A_73 = tpu.memref_slice %arg7[%add3A_29, %dma_start3A_72] : memref<10240x16xf32, #tpu.memory_space<vmem_shared>> -> memref<128x16xf32, #tpu.memory_space<vmem_shared>>
      %dma_start3A_74 = arith.constant 0 : i32
      %dma_start3A_75 = tpu.memref_slice %arg7[%add3A_29, %dma_start3A_74] : memref<10240x16xf32, #tpu.memory_space<vmem_shared>> -> memref<128x16xf32, #tpu.memory_space<vmem_shared>>
      tpu.enqueue_dma source(%arg4 : memref<128x16xf32, #tpu.memory_space<vmem>>) target(%dma_start3A_75 : memref<128x16xf32, #tpu.memory_space<vmem_shared>>) target_semaphore(%run_scoped3A : memref<!tpu.dma_semaphore, #tpu.memory_space<semaphore_mem>>)
      %dma_wait3A_76 = arith.constant 0 : i32
      %dma_wait3A_77 = tpu.memref_slice %arg7[%add3A_29, %dma_wait3A_76] : memref<10240x16xf32, #tpu.memory_space<vmem_shared>> -> memref<128x16xf32, #tpu.memory_space<vmem_shared>>
      %dma_wait3A_78 = arith.constant 0 : i32
      %dma_wait3A_79 = tpu.memref_slice %arg7[%add3A_29, %dma_wait3A_78] : memref<10240x16xf32, #tpu.memory_space<vmem_shared>> -> memref<128x16xf32, #tpu.memory_space<vmem_shared>>
      tpu.wait_dma2 semaphore(%run_scoped3A : memref<!tpu.dma_semaphore, #tpu.memory_space<semaphore_mem>>) src(%arg4 : memref<128x16xf32, #tpu.memory_space<vmem>>) dst(%dma_wait3A_79 : memref<128x16xf32, #tpu.memory_space<vmem_shared>>)
      tpu.yield
    }) : () -> ()
    %mul3A_30 = arith.constant 640 : i32
    %mul3A_31 = arith.muli %arg1, %mul3A_30 : i32
    %add3A_32 = arith.constant 256 : i32
    %add3A_33 = arith.addi %mul3A_31, %add3A_32 : i32
    "tpu.region"() ({
      %run_scoped3A = tpu.sem_alloc : memref<!tpu.dma_semaphore, #tpu.memory_space<semaphore_mem>>
      %dma_start3A_72 = arith.constant 0 : i32
      %dma_start3A_73 = tpu.memref_slice %arg7[%add3A_33, %dma_start3A_72] : memref<10240x16xf32, #tpu.memory_space<vmem_shared>> -> memref<128x16xf32, #tpu.memory_space<vmem_shared>>
      %dma_start3A_74 = arith.constant 0 : i32
      %dma_start3A_75 = tpu.memref_slice %arg7[%add3A_33, %dma_start3A_74] : memref<10240x16xf32, #tpu.memory_space<vmem_shared>> -> memref<128x16xf32, #tpu.memory_space<vmem_shared>>
      tpu.enqueue_dma source(%arg4 : memref<128x16xf32, #tpu.memory_space<vmem>>) target(%dma_start3A_75 : memref<128x16xf32, #tpu.memory_space<vmem_shared>>) target_semaphore(%run_scoped3A : memref<!tpu.dma_semaphore, #tpu.memory_space<semaphore_mem>>)
      %dma_wait3A_76 = arith.constant 0 : i32
      %dma_wait3A_77 = tpu.memref_slice %arg7[%add3A_33, %dma_wait3A_76] : memref<10240x16xf32, #tpu.memory_space<vmem_shared>> -> memref<128x16xf32, #tpu.memory_space<vmem_shared>>
      %dma_wait3A_78 = arith.constant 0 : i32
      %dma_wait3A_79 = tpu.memref_slice %arg7[%add3A_33, %dma_wait3A_78] : memref<10240x16xf32, #tpu.memory_space<vmem_shared>> -> memref<128x16xf32, #tpu.memory_space<vmem_shared>>
      tpu.wait_dma2 semaphore(%run_scoped3A : memref<!tpu.dma_semaphore, #tpu.memory_space<semaphore_mem>>) src(%arg4 : memref<128x16xf32, #tpu.memory_space<vmem>>) dst(%dma_wait3A_79 : memref<128x16xf32, #tpu.memory_space<vmem_shared>>)
      tpu.yield
    }) : () -> ()
    %mul3A_34 = arith.constant 640 : i32
    %mul3A_35 = arith.muli %arg1, %mul3A_34 : i32
    %add3A_36 = arith.constant 384 : i32
    %add3A_37 = arith.addi %mul3A_35, %add3A_36 : i32
    "tpu.region"() ({
      %run_scoped3A = tpu.sem_alloc : memref<!tpu.dma_semaphore, #tpu.memory_space<semaphore_mem>>
      %dma_start3A_72 = arith.constant 0 : i32
      %dma_start3A_73 = tpu.memref_slice %arg7[%add3A_37, %dma_start3A_72] : memref<10240x16xf32, #tpu.memory_space<vmem_shared>> -> memref<128x16xf32, #tpu.memory_space<vmem_shared>>
      %dma_start3A_74 = arith.constant 0 : i32
      %dma_start3A_75 = tpu.memref_slice %arg7[%add3A_37, %dma_start3A_74] : memref<10240x16xf32, #tpu.memory_space<vmem_shared>> -> memref<128x16xf32, #tpu.memory_space<vmem_shared>>
      tpu.enqueue_dma source(%arg4 : memref<128x16xf32, #tpu.memory_space<vmem>>) target(%dma_start3A_75 : memref<128x16xf32, #tpu.memory_space<vmem_shared>>) target_semaphore(%run_scoped3A : memref<!tpu.dma_semaphore, #tpu.memory_space<semaphore_mem>>)
      %dma_wait3A_76 = arith.constant 0 : i32
      %dma_wait3A_77 = tpu.memref_slice %arg7[%add3A_37, %dma_wait3A_76] : memref<10240x16xf32, #tpu.memory_space<vmem_shared>> -> memref<128x16xf32, #tpu.memory_space<vmem_shared>>
      %dma_wait3A_78 = arith.constant 0 : i32
      %dma_wait3A_79 = tpu.memref_slice %arg7[%add3A_37, %dma_wait3A_78] : memref<10240x16xf32, #tpu.memory_space<vmem_shared>> -> memref<128x16xf32, #tpu.memory_space<vmem_shared>>
      tpu.wait_dma2 semaphore(%run_scoped3A : memref<!tpu.dma_semaphore, #tpu.memory_space<semaphore_mem>>) src(%arg4 : memref<128x16xf32, #tpu.memory_space<vmem>>) dst(%dma_wait3A_79 : memref<128x16xf32, #tpu.memory_space<vmem_shared>>)
      tpu.yield
    }) : () -> ()
    %mul3A_38 = arith.constant 640 : i32
    %mul3A_39 = arith.muli %arg1, %mul3A_38 : i32
    %add3A_40 = arith.constant 512 : i32
    %add3A_41 = arith.addi %mul3A_39, %add3A_40 : i32
    "tpu.region"() ({
      %run_scoped3A = tpu.sem_alloc : memref<!tpu.dma_semaphore, #tpu.memory_space<semaphore_mem>>
      %dma_start3A_72 = arith.constant 0 : i32
      %dma_start3A_73 = tpu.memref_slice %arg7[%add3A_41, %dma_start3A_72] : memref<10240x16xf32, #tpu.memory_space<vmem_shared>> -> memref<128x16xf32, #tpu.memory_space<vmem_shared>>
      %dma_start3A_74 = arith.constant 0 : i32
      %dma_start3A_75 = tpu.memref_slice %arg7[%add3A_41, %dma_start3A_74] : memref<10240x16xf32, #tpu.memory_space<vmem_shared>> -> memref<128x16xf32, #tpu.memory_space<vmem_shared>>
      tpu.enqueue_dma source(%arg4 : memref<128x16xf32, #tpu.memory_space<vmem>>) target(%dma_start3A_75 : memref<128x16xf32, #tpu.memory_space<vmem_shared>>) target_semaphore(%run_scoped3A : memref<!tpu.dma_semaphore, #tpu.memory_space<semaphore_mem>>)
      %dma_wait3A_76 = arith.constant 0 : i32
      %dma_wait3A_77 = tpu.memref_slice %arg7[%add3A_41, %dma_wait3A_76] : memref<10240x16xf32, #tpu.memory_space<vmem_shared>> -> memref<128x16xf32, #tpu.memory_space<vmem_shared>>
      %dma_wait3A_78 = arith.constant 0 : i32
      %dma_wait3A_79 = tpu.memref_slice %arg7[%add3A_41, %dma_wait3A_78] : memref<10240x16xf32, #tpu.memory_space<vmem_shared>> -> memref<128x16xf32, #tpu.memory_space<vmem_shared>>
      tpu.wait_dma2 semaphore(%run_scoped3A : memref<!tpu.dma_semaphore, #tpu.memory_space<semaphore_mem>>) src(%arg4 : memref<128x16xf32, #tpu.memory_space<vmem>>) dst(%dma_wait3A_79 : memref<128x16xf32, #tpu.memory_space<vmem_shared>>)
      tpu.yield
    }) : () -> ()
    %broadcast_in_dim3A_42 = arith.constant 1.000000e+00 : f32
    %broadcast_in_dim3A_43 = vector.broadcast %broadcast_in_dim3A_42 : f32 to vector<16xf32>
    %scan3A_44 = arith.constant 0 : i32
    %scan3A_45 = arith.constant 0 : i32
    %scan3A_46 = arith.constant 128 : i32
    %scan3A_47 = arith.addi %scan3A_45, %scan3A_46 : i32
    %scan3A_48 = arith.constant 1 : i32
    scf.for %scan3A_72 = %scan3A_45 to %scan3A_47 step %scan3A_48  : i32 {
      %swap3A = arith.index_cast %scan3A_72 : i32 to index
      %swap3A_73 = arith.constant 0 : index
      %swap3A_74 = tpu.vector_load %arg4[%swap3A, %swap3A_73] {strides = array<i32>} : memref<128x16xf32, #tpu.memory_space<vmem>>, vector<1x16xf32>,
      %swap3A_75 = vector.shape_cast %swap3A_74 : vector<1x16xf32> to vector<16xf32>
      %swap3A_76 = vector.shape_cast %broadcast_in_dim3A_43 : vector<16xf32> to vector<1x16xf32>
      tpu.vector_store %arg4[%swap3A, %swap3A_73], %swap3A_76 {strides = array<i32>} : memref<128x16xf32, #tpu.memory_space<vmem>>, vector<1x16xf32>,
    }
    %scan3A_49 = arith.constant 128 : i32
    %barrier3A = arith.constant 0 : index
    tpu.barrier barrier_id(%barrier3A)
    %scan3A_50 = arith.constant 0 : i32
    %scan3A_51 = arith.constant 0 : i32
    %scan3A_52 = arith.constant 40 : i32
    %scan3A_53 = arith.addi %scan3A_51, %scan3A_52 : i32
    %scan3A_54 = arith.constant 1 : i32
    scf.for %scan3A_72 = %scan3A_51 to %scan3A_53 step %scan3A_54  : i32 {
      %mul3A_73 = arith.constant 2 : i32
      %mul3A_74 = arith.muli %mul3A_73, %scan3A_72 : i32
      %add3A_75 = arith.addi %mul3A_2, %mul3A_74 : i32
      %add3A_76 = arith.constant 0 : i32
      %add3A_77 = arith.addi %add3A_75, %add3A_76 : i32
      %dma_wait3A_78 = arith.constant 0 : i32
      %dma_wait3A_79 = tpu.memref_slice %arg2[%add3A_77, %dma_wait3A_78] : memref<2562x128xi32, #tpu.memory_space<hbm>> -> memref<1x128xi32, #tpu.memory_space<hbm>>
      %dma_wait3A_80 = tpu.memref_squeeze %dma_wait3A_79 : memref<1x128xi32, #tpu.memory_space<hbm>> -> memref<128xi32, #tpu.memory_space<hbm>>
      %dma_wait3A_81 = arith.constant 0 : i32
      %dma_wait3A_82 = tpu.memref_slice %arg2[%add3A_77, %dma_wait3A_81] : memref<2562x128xi32, #tpu.memory_space<hbm>> -> memref<1x128xi32, #tpu.memory_space<hbm>>
      %dma_wait3A_83 = tpu.memref_squeeze %dma_wait3A_82 : memref<1x128xi32, #tpu.memory_space<hbm>> -> memref<128xi32, #tpu.memory_space<hbm>>
      tpu.wait_dma2 semaphore(%arg8 : memref<!tpu.dma_semaphore, #tpu.memory_space<semaphore_mem>>) src(%dma_wait3A_83 : memref<128xi32, #tpu.memory_space<hbm>>) dst(%arg5 : memref<128xi32, #tpu.memory_space<vmem>>)
      "tpu.region"() ({
        %run_scoped3A = tpu.sem_alloc : memref<!tpu.dma_semaphore, #tpu.memory_space<semaphore_mem>>
        %dma_start3A_112 = arith.constant 0 : i32
        %dma_start3A_113 = arith.constant 0 : i32
        %dma_start3A_114 = tpu.memref_slice %arg7[%dma_start3A_112, %dma_start3A_113] : memref<10240x16xf32, #tpu.memory_space<vmem_shared>> -> memref<10240x16xf32, #tpu.memory_space<vmem_shared>>
        tpu.enqueue_indirect_dma source(%arg4 : memref<128x16xf32, #tpu.memory_space<vmem>>) target(%dma_start3A_114 : memref<10240x16xf32, #tpu.memory_space<vmem_shared>>) offsets(%arg5 : memref<128xi32, #tpu.memory_space<vmem>>) semaphore(%run_scoped3A : memref<!tpu.dma_semaphore, #tpu.memory_space<semaphore_mem>>) {add = true}
        %dma_wait3A_115 = arith.constant 0 : i32
        %dma_wait3A_116 = arith.constant 0 : i32
        %dma_wait3A_117 = tpu.memref_slice %arg7[%dma_wait3A_115, %dma_wait3A_116] : memref<10240x16xf32, #tpu.memory_space<vmem_shared>> -> memref<10240x16xf32, #tpu.memory_space<vmem_shared>>
        tpu.wait_indirect_dma semaphore(%run_scoped3A : memref<!tpu.dma_semaphore, #tpu.memory_space<semaphore_mem>>) src(%arg4 : memref<128x16xf32, #tpu.memory_space<vmem>>) dst(%dma_wait3A_117 : memref<10240x16xf32, #tpu.memory_space<vmem_shared>>)
        tpu.yield
      }) : () -> ()
      %add3A_84 = arith.constant 0 : i32
      %add3A_85 = arith.addi %add3A_75, %add3A_84 : i32
      %add3A_86 = arith.constant 2 : i32
      %add3A_87 = arith.addi %add3A_85, %add3A_86 : i32
      %dma_start3A_88 = arith.constant 0 : i32
      %dma_start3A_89 = tpu.memref_slice %arg2[%add3A_87, %dma_start3A_88] : memref<2562x128xi32, #tpu.memory_space<hbm>> -> memref<1x128xi32, #tpu.memory_space<hbm>>
      %dma_start3A_90 = tpu.memref_squeeze %dma_start3A_89 : memref<1x128xi32, #tpu.memory_space<hbm>> -> memref<128xi32, #tpu.memory_space<hbm>>
      %dma_start3A_91 = arith.constant 0 : i32
      %dma_start3A_92 = tpu.memref_slice %arg2[%add3A_87, %dma_start3A_91] : memref<2562x128xi32, #tpu.memory_space<hbm>> -> memref<1x128xi32, #tpu.memory_space<hbm>>
      %dma_start3A_93 = tpu.memref_squeeze %dma_start3A_92 : memref<1x128xi32, #tpu.memory_space<hbm>> -> memref<128xi32, #tpu.memory_space<hbm>>
      tpu.enqueue_dma source(%dma_start3A_93 : memref<128xi32, #tpu.memory_space<hbm>>) target(%arg5 : memref<128xi32, #tpu.memory_space<vmem>>) target_semaphore(%arg8 : memref<!tpu.dma_semaphore, #tpu.memory_space<semaphore_mem>>)
      %add3A_94 = arith.constant 1 : i32
      %add3A_95 = arith.addi %add3A_75, %add3A_94 : i32
      %dma_wait3A_96 = arith.constant 0 : i32
      %dma_wait3A_97 = tpu.memref_slice %arg2[%add3A_95, %dma_wait3A_96] : memref<2562x128xi32, #tpu.memory_space<hbm>> -> memref<1x128xi32, #tpu.memory_space<hbm>>
      %dma_wait3A_98 = tpu.memref_squeeze %dma_wait3A_97 : memref<1x128xi32, #tpu.memory_space<hbm>> -> memref<128xi32, #tpu.memory_space<hbm>>
      %dma_wait3A_99 = arith.constant 0 : i32
      %dma_wait3A_100 = tpu.memref_slice %arg2[%add3A_95, %dma_wait3A_99] : memref<2562x128xi32, #tpu.memory_space<hbm>> -> memref<1x128xi32, #tpu.memory_space<hbm>>
      %dma_wait3A_101 = tpu.memref_squeeze %dma_wait3A_100 : memref<1x128xi32, #tpu.memory_space<hbm>> -> memref<128xi32, #tpu.memory_space<hbm>>
      tpu.wait_dma2 semaphore(%arg9 : memref<!tpu.dma_semaphore, #tpu.memory_space<semaphore_mem>>) src(%dma_wait3A_101 : memref<128xi32, #tpu.memory_space<hbm>>) dst(%arg6 : memref<128xi32, #tpu.memory_space<vmem>>)
      "tpu.region"() ({
        %run_scoped3A = tpu.sem_alloc : memref<!tpu.dma_semaphore, #tpu.memory_space<semaphore_mem>>
        %dma_start3A_112 = arith.constant 0 : i32
        %dma_start3A_113 = arith.constant 0 : i32
        %dma_start3A_114 = tpu.memref_slice %arg7[%dma_start3A_112, %dma_start3A_113] : memref<10240x16xf32, #tpu.memory_space<vmem_shared>> -> memref<10240x16xf32, #tpu.memory_space<vmem_shared>>
        tpu.enqueue_indirect_dma source(%arg4 : memref<128x16xf32, #tpu.memory_space<vmem>>) target(%dma_start3A_114 : memref<10240x16xf32, #tpu.memory_space<vmem_shared>>) offsets(%arg6 : memref<128xi32, #tpu.memory_space<vmem>>) semaphore(%run_scoped3A : memref<!tpu.dma_semaphore, #tpu.memory_space<semaphore_mem>>) {add = true}
        %dma_wait3A_115 = arith.constant 0 : i32
        %dma_wait3A_116 = arith.constant 0 : i32
        %dma_wait3A_117 = tpu.memref_slice %arg7[%dma_wait3A_115, %dma_wait3A_116] : memref<10240x16xf32, #tpu.memory_space<vmem_shared>> -> memref<10240x16xf32, #tpu.memory_space<vmem_shared>>
        tpu.wait_indirect_dma semaphore(%run_scoped3A : memref<!tpu.dma_semaphore, #tpu.memory_space<semaphore_mem>>) src(%arg4 : memref<128x16xf32, #tpu.memory_space<vmem>>) dst(%dma_wait3A_117 : memref<10240x16xf32, #tpu.memory_space<vmem_shared>>)
        tpu.yield
      }) : () -> ()
      %add3A_102 = arith.constant 1 : i32
      %add3A_103 = arith.addi %add3A_75, %add3A_102 : i32
      %add3A_104 = arith.constant 2 : i32
      %add3A_105 = arith.addi %add3A_103, %add3A_104 : i32
      %dma_start3A_106 = arith.constant 0 : i32
      %dma_start3A_107 = tpu.memref_slice %arg2[%add3A_105, %dma_start3A_106] : memref<2562x128xi32, #tpu.memory_space<hbm>> -> memref<1x128xi32, #tpu.memory_space<hbm>>
      %dma_start3A_108 = tpu.memref_squeeze %dma_start3A_107 : memref<1x128xi32, #tpu.memory_space<hbm>> -> memref<128xi32, #tpu.memory_space<hbm>>
      %dma_start3A_109 = arith.constant 0 : i32
      %dma_start3A_110 = tpu.memref_slice %arg2[%add3A_105, %dma_start3A_109] : memref<2562x128xi32, #tpu.memory_space<hbm>> -> memref<1x128xi32, #tpu.memory_space<hbm>>
      %dma_start3A_111 = tpu.memref_squeeze %dma_start3A_110 : memref<1x128xi32, #tpu.memory_space<hbm>> -> memref<128xi32, #tpu.memory_space<hbm>>
      tpu.enqueue_dma source(%dma_start3A_111 : memref<128xi32, #tpu.memory_space<hbm>>) target(%arg6 : memref<128xi32, #tpu.memory_space<vmem>>) target_semaphore(%arg9 : memref<!tpu.dma_semaphore, #tpu.memory_space<semaphore_mem>>)
    }
    %scan3A_55 = arith.constant 40 : i32
    %dma_wait3A = arith.constant 0 : i32
    %dma_wait3A_56 = tpu.memref_slice %arg2[%mul3A_2, %dma_wait3A] : memref<2562x128xi32, #tpu.memory_space<hbm>> -> memref<1x128xi32, #tpu.memory_space<hbm>>
    %dma_wait3A_57 = tpu.memref_squeeze %dma_wait3A_56 : memref<1x128xi32, #tpu.memory_space<hbm>> -> memref<128xi32, #tpu.memory_space<hbm>>
    %dma_wait3A_58 = arith.constant 0 : i32
    %dma_wait3A_59 = tpu.memref_slice %arg2[%mul3A_2, %dma_wait3A_58] : memref<2562x128xi32, #tpu.memory_space<hbm>> -> memref<1x128xi32, #tpu.memory_space<hbm>>
    %dma_wait3A_60 = tpu.memref_squeeze %dma_wait3A_59 : memref<1x128xi32, #tpu.memory_space<hbm>> -> memref<128xi32, #tpu.memory_space<hbm>>
    tpu.wait_dma2 semaphore(%arg8 : memref<!tpu.dma_semaphore, #tpu.memory_space<semaphore_mem>>) src(%dma_wait3A_60 : memref<128xi32, #tpu.memory_space<hbm>>) dst(%arg5 : memref<128xi32, #tpu.memory_space<vmem>>)
    %dma_wait3A_61 = arith.constant 0 : i32
    %dma_wait3A_62 = tpu.memref_slice %arg2[%mul3A_2, %dma_wait3A_61] : memref<2562x128xi32, #tpu.memory_space<hbm>> -> memref<1x128xi32, #tpu.memory_space<hbm>>
    %dma_wait3A_63 = tpu.memref_squeeze %dma_wait3A_62 : memref<1x128xi32, #tpu.memory_space<hbm>> -> memref<128xi32, #tpu.memory_space<hbm>>
    %dma_wait3A_64 = arith.constant 0 : i32
    %dma_wait3A_65 = tpu.memref_slice %arg2[%mul3A_2, %dma_wait3A_64] : memref<2562x128xi32, #tpu.memory_space<hbm>> -> memref<1x128xi32, #tpu.memory_space<hbm>>
    %dma_wait3A_66 = tpu.memref_squeeze %dma_wait3A_65 : memref<1x128xi32, #tpu.memory_space<hbm>> -> memref<128xi32, #tpu.memory_space<hbm>>
    tpu.wait_dma2 semaphore(%arg9 : memref<!tpu.dma_semaphore, #tpu.memory_space<semaphore_mem>>) src(%dma_wait3A_66 : memref<128xi32, #tpu.memory_space<hbm>>) dst(%arg6 : memref<128xi32, #tpu.memory_space<vmem>>)
    %barrier3A_67 = arith.constant 0 : index
    tpu.barrier barrier_id(%barrier3A_67)
    %mul3A_68 = arith.constant 640 : i32
    %mul3A_69 = arith.muli %arg1, %mul3A_68 : i32
    %mul3A_70 = arith.constant 640 : i32
    %mul3A_71 = arith.muli %arg1, %mul3A_70 : i32
    "tpu.region"() ({
      %run_scoped3A = tpu.sem_alloc : memref<!tpu.dma_semaphore, #tpu.memory_space<semaphore_mem>>
      %dma_start3A_72 = arith.constant 0 : i32
      %dma_start3A_73 = tpu.memref_slice %arg3[%arg0, %mul3A_71, %dma_start3A_72] : memref<2x10240x16xf32, #tpu.memory_space<hbm>> -> memref<1x640x16xf32, #tpu.memory_space<hbm>>
      %dma_start3A_74 = tpu.memref_squeeze %dma_start3A_73 : memref<1x640x16xf32, #tpu.memory_space<hbm>> -> memref<640x16xf32, #tpu.memory_space<hbm>>
      %dma_start3A_75 = arith.constant 0 : i32
      %dma_start3A_76 = tpu.memref_slice %arg7[%mul3A_69, %dma_start3A_75] : memref<10240x16xf32, #tpu.memory_space<vmem_shared>> -> memref<640x16xf32, #tpu.memory_space<vmem_shared>>
      tpu.enqueue_dma source(%dma_start3A_76 : memref<640x16xf32, #tpu.memory_space<vmem_shared>>) target(%dma_start3A_74 : memref<640x16xf32, #tpu.memory_space<hbm>>) target_semaphore(%run_scoped3A : memref<!tpu.dma_semaphore, #tpu.memory_space<semaphore_mem>>)
      %dma_wait3A_77 = arith.constant 0 : i32
      %dma_wait3A_78 = tpu.memref_slice %arg3[%arg0, %mul3A_71, %dma_wait3A_77] : memref<2x10240x16xf32, #tpu.memory_space<hbm>> -> memref<1x640x16xf32, #tpu.memory_space<hbm>>
      %dma_wait3A_79 = tpu.memref_squeeze %dma_wait3A_78 : memref<1x640x16xf32, #tpu.memory_space<hbm>> -> memref<640x16xf32, #tpu.memory_space<hbm>>
      %dma_wait3A_80 = arith.constant 0 : i32
      %dma_wait3A_81 = tpu.memref_slice %arg7[%mul3A_69, %dma_wait3A_80] : memref<10240x16xf32, #tpu.memory_space<vmem_shared>> -> memref<640x16xf32, #tpu.memory_space<vmem_shared>>
      tpu.wait_dma2 semaphore(%run_scoped3A : memref<!tpu.dma_semaphore, #tpu.memory_space<semaphore_mem>>) src(%dma_wait3A_81 : memref<640x16xf32, #tpu.memory_space<vmem_shared>>) dst(%dma_wait3A_79 : memref<640x16xf32, #tpu.memory_space<hbm>>)
      tpu.yield
    }) : () -> ()
    return
  }
}

#map = affine_map<(d0, d1) -> (0, 0)>
#map1 = affine_map<(d0, d1) -> (0, 0, 0)>
module attributes {stable_mosaic.version = 14 : i64} {
  func.func @spmm(%arg0: i32, %arg1: i32, %arg2: memref<10240x80xf32, #tpu.memory_space<hbm>>, %arg3: memref<10240x80xf32, #tpu.memory_space<hbm>>, %arg4: memref<2562x128xi32, #tpu.memory_space<hbm>>, %arg5: memref<2562x128xi32, #tpu.memory_space<hbm>>, %arg6: memref<2x10240x80xf32, #tpu.memory_space<hbm>>, %arg7: memref<128x80xf32, #tpu.memory_space<vmem>>, %arg8: memref<128x80xf32, #tpu.memory_space<vmem>>, %arg9: memref<128xi32, #tpu.memory_space<vmem>>, %arg10: memref<128xi32, #tpu.memory_space<vmem>>, %arg11: memref<128xi32, #tpu.memory_space<vmem>>, %arg12: memref<128xi32, #tpu.memory_space<vmem>>, %arg13: memref<10240x80xf32, #tpu.memory_space<vmem_shared>>, %arg14: memref<10240x80xf32, #tpu.memory_space<vmem_shared>>, %arg15: memref<!tpu.dma_semaphore, #tpu.memory_space<semaphore_mem>>, %arg16: memref<!tpu.dma_semaphore, #tpu.memory_space<semaphore_mem>>, %arg17: memref<!tpu.dma_semaphore, #tpu.memory_space<semaphore_mem>>, %arg18: memref<!tpu.dma_semaphore, #tpu.memory_space<semaphore_mem>>, %arg19: memref<!tpu.dma_semaphore, #tpu.memory_space<semaphore_mem>>, %arg20: memref<!tpu.dma_semaphore, #tpu.memory_space<semaphore_mem>>) attributes {dimension_semantics = [#tpu.dimension_semantics<core_parallel>, #tpu.dimension_semantics<subcore_parallel>], iteration_bounds = array<i64: 2, 16>, scalar_prefetch = 0 : i64, scratch_operands = 14 : i64, tpu.core_type = #tpu.core_type<sc_vector_subcore>, window_params = [{transform_indices = #map}, {transform_indices = #map}, {transform_indices = #map}, {transform_indices = #map}, {transform_indices = #map1}]} {
    %eq3A = arith.constant 0 : i32
    %eq3A_0 = arith.cmpi eq, %arg0, %eq3A : i32
    %eq3A_1 = arith.constant 0 : i32
    %eq3A_2 = arith.cmpi eq, %arg1, %eq3A_1 : i32
    %and3A = arith.andi %eq3A_0, %eq3A_2 : i1
    %convert_element_type3A = arith.extui %and3A : i1 to i32
    %cond3A = arith.constant 0 : i32
    %cond3A_3 = arith.cmpi ne, %convert_element_type3A, %cond3A : i32
    scf.if %cond3A_3 {
      "tpu.region"() ({
        %run_scoped3A = tpu.sem_alloc : memref<!tpu.dma_semaphore, #tpu.memory_space<semaphore_mem>>
        %dma_start3A_337 = arith.constant 0 : i32
        %dma_start3A_338 = arith.constant 0 : i32
        %dma_start3A_339 = tpu.memref_slice %arg13[%dma_start3A_337, %dma_start3A_338] : memref<10240x80xf32, #tpu.memory_space<vmem_shared>> -> memref<640x80xf32, #tpu.memory_space<vmem_shared>>
        %dma_start3A_340 = arith.constant 0 : i32
        %dma_start3A_341 = arith.constant 0 : i32
        %dma_start3A_342 = tpu.memref_slice %arg2[%dma_start3A_340, %dma_start3A_341] : memref<10240x80xf32, #tpu.memory_space<hbm>> -> memref<640x80xf32, #tpu.memory_space<hbm>>
        tpu.enqueue_dma source(%dma_start3A_342 : memref<640x80xf32, #tpu.memory_space<hbm>>) target(%dma_start3A_339 : memref<640x80xf32, #tpu.memory_space<vmem_shared>>) target_semaphore(%run_scoped3A : memref<!tpu.dma_semaphore, #tpu.memory_space<semaphore_mem>>)
        %dma_wait3A_343 = arith.constant 0 : i32
        %dma_wait3A_344 = arith.constant 0 : i32
        %dma_wait3A_345 = tpu.memref_slice %arg13[%dma_wait3A_343, %dma_wait3A_344] : memref<10240x80xf32, #tpu.memory_space<vmem_shared>> -> memref<640x80xf32, #tpu.memory_space<vmem_shared>>
        %dma_wait3A_346 = arith.constant 0 : i32
        %dma_wait3A_347 = arith.constant 0 : i32
        %dma_wait3A_348 = tpu.memref_slice %arg2[%dma_wait3A_346, %dma_wait3A_347] : memref<10240x80xf32, #tpu.memory_space<hbm>> -> memref<640x80xf32, #tpu.memory_space<hbm>>
        tpu.wait_dma2 semaphore(%run_scoped3A : memref<!tpu.dma_semaphore, #tpu.memory_space<semaphore_mem>>) src(%dma_wait3A_348 : memref<640x80xf32, #tpu.memory_space<hbm>>) dst(%dma_wait3A_345 : memref<640x80xf32, #tpu.memory_space<vmem_shared>>)
        tpu.yield
      }) : () -> ()
    } else {
    }
    %eq3A_4 = arith.constant 0 : i32
    %eq3A_5 = arith.cmpi eq, %arg0, %eq3A_4 : i32
    %eq3A_6 = arith.constant 1 : i32
    %eq3A_7 = arith.cmpi eq, %arg1, %eq3A_6 : i32
    %and3A_8 = arith.andi %eq3A_5, %eq3A_7 : i1
    %convert_element_type3A_9 = arith.extui %and3A_8 : i1 to i32
    %cond3A_10 = arith.constant 0 : i32
    %cond3A_11 = arith.cmpi ne, %convert_element_type3A_9, %cond3A_10 : i32
    scf.if %cond3A_11 {
      "tpu.region"() ({
        %run_scoped3A = tpu.sem_alloc : memref<!tpu.dma_semaphore, #tpu.memory_space<semaphore_mem>>
        %dma_start3A_337 = arith.constant 640 : i32
        %dma_start3A_338 = arith.constant 0 : i32
        %dma_start3A_339 = tpu.memref_slice %arg13[%dma_start3A_337, %dma_start3A_338] : memref<10240x80xf32, #tpu.memory_space<vmem_shared>> -> memref<640x80xf32, #tpu.memory_space<vmem_shared>>
        %dma_start3A_340 = arith.constant 640 : i32
        %dma_start3A_341 = arith.constant 0 : i32
        %dma_start3A_342 = tpu.memref_slice %arg2[%dma_start3A_340, %dma_start3A_341] : memref<10240x80xf32, #tpu.memory_space<hbm>> -> memref<640x80xf32, #tpu.memory_space<hbm>>
        tpu.enqueue_dma source(%dma_start3A_342 : memref<640x80xf32, #tpu.memory_space<hbm>>) target(%dma_start3A_339 : memref<640x80xf32, #tpu.memory_space<vmem_shared>>) target_semaphore(%run_scoped3A : memref<!tpu.dma_semaphore, #tpu.memory_space<semaphore_mem>>)
        %dma_wait3A_343 = arith.constant 640 : i32
        %dma_wait3A_344 = arith.constant 0 : i32
        %dma_wait3A_345 = tpu.memref_slice %arg13[%dma_wait3A_343, %dma_wait3A_344] : memref<10240x80xf32, #tpu.memory_space<vmem_shared>> -> memref<640x80xf32, #tpu.memory_space<vmem_shared>>
        %dma_wait3A_346 = arith.constant 640 : i32
        %dma_wait3A_347 = arith.constant 0 : i32
        %dma_wait3A_348 = tpu.memref_slice %arg2[%dma_wait3A_346, %dma_wait3A_347] : memref<10240x80xf32, #tpu.memory_space<hbm>> -> memref<640x80xf32, #tpu.memory_space<hbm>>
        tpu.wait_dma2 semaphore(%run_scoped3A : memref<!tpu.dma_semaphore, #tpu.memory_space<semaphore_mem>>) src(%dma_wait3A_348 : memref<640x80xf32, #tpu.memory_space<hbm>>) dst(%dma_wait3A_345 : memref<640x80xf32, #tpu.memory_space<vmem_shared>>)
        tpu.yield
      }) : () -> ()
    } else {
    }
    %eq3A_12 = arith.constant 0 : i32
    %eq3A_13 = arith.cmpi eq, %arg0, %eq3A_12 : i32
    %eq3A_14 = arith.constant 2 : i32
    %eq3A_15 = arith.cmpi eq, %arg1, %eq3A_14 : i32
    %and3A_16 = arith.andi %eq3A_13, %eq3A_15 : i1
    %convert_element_type3A_17 = arith.extui %and3A_16 : i1 to i32
    %cond3A_18 = arith.constant 0 : i32
    %cond3A_19 = arith.cmpi ne, %convert_element_type3A_17, %cond3A_18 : i32
    scf.if %cond3A_19 {
      "tpu.region"() ({
        %run_scoped3A = tpu.sem_alloc : memref<!tpu.dma_semaphore, #tpu.memory_space<semaphore_mem>>
        %dma_start3A_337 = arith.constant 1280 : i32
        %dma_start3A_338 = arith.constant 0 : i32
        %dma_start3A_339 = tpu.memref_slice %arg13[%dma_start3A_337, %dma_start3A_338] : memref<10240x80xf32, #tpu.memory_space<vmem_shared>> -> memref<640x80xf32, #tpu.memory_space<vmem_shared>>
        %dma_start3A_340 = arith.constant 1280 : i32
        %dma_start3A_341 = arith.constant 0 : i32
        %dma_start3A_342 = tpu.memref_slice %arg2[%dma_start3A_340, %dma_start3A_341] : memref<10240x80xf32, #tpu.memory_space<hbm>> -> memref<640x80xf32, #tpu.memory_space<hbm>>
        tpu.enqueue_dma source(%dma_start3A_342 : memref<640x80xf32, #tpu.memory_space<hbm>>) target(%dma_start3A_339 : memref<640x80xf32, #tpu.memory_space<vmem_shared>>) target_semaphore(%run_scoped3A : memref<!tpu.dma_semaphore, #tpu.memory_space<semaphore_mem>>)
        %dma_wait3A_343 = arith.constant 1280 : i32
        %dma_wait3A_344 = arith.constant 0 : i32
        %dma_wait3A_345 = tpu.memref_slice %arg13[%dma_wait3A_343, %dma_wait3A_344] : memref<10240x80xf32, #tpu.memory_space<vmem_shared>> -> memref<640x80xf32, #tpu.memory_space<vmem_shared>>
        %dma_wait3A_346 = arith.constant 1280 : i32
        %dma_wait3A_347 = arith.constant 0 : i32
        %dma_wait3A_348 = tpu.memref_slice %arg2[%dma_wait3A_346, %dma_wait3A_347] : memref<10240x80xf32, #tpu.memory_space<hbm>> -> memref<640x80xf32, #tpu.memory_space<hbm>>
        tpu.wait_dma2 semaphore(%run_scoped3A : memref<!tpu.dma_semaphore, #tpu.memory_space<semaphore_mem>>) src(%dma_wait3A_348 : memref<640x80xf32, #tpu.memory_space<hbm>>) dst(%dma_wait3A_345 : memref<640x80xf32, #tpu.memory_space<vmem_shared>>)
        tpu.yield
      }) : () -> ()
    } else {
    }
    %eq3A_20 = arith.constant 0 : i32
    %eq3A_21 = arith.cmpi eq, %arg0, %eq3A_20 : i32
    %eq3A_22 = arith.constant 3 : i32
    %eq3A_23 = arith.cmpi eq, %arg1, %eq3A_22 : i32
    %and3A_24 = arith.andi %eq3A_21, %eq3A_23 : i1
    %convert_element_type3A_25 = arith.extui %and3A_24 : i1 to i32
    %cond3A_26 = arith.constant 0 : i32
    %cond3A_27 = arith.cmpi ne, %convert_element_type3A_25, %cond3A_26 : i32
    scf.if %cond3A_27 {
      "tpu.region"() ({
        %run_scoped3A = tpu.sem_alloc : memref<!tpu.dma_semaphore, #tpu.memory_space<semaphore_mem>>
        %dma_start3A_337 = arith.constant 1920 : i32
        %dma_start3A_338 = arith.constant 0 : i32
        %dma_start3A_339 = tpu.memref_slice %arg13[%dma_start3A_337, %dma_start3A_338] : memref<10240x80xf32, #tpu.memory_space<vmem_shared>> -> memref<640x80xf32, #tpu.memory_space<vmem_shared>>
        %dma_start3A_340 = arith.constant 1920 : i32
        %dma_start3A_341 = arith.constant 0 : i32
        %dma_start3A_342 = tpu.memref_slice %arg2[%dma_start3A_340, %dma_start3A_341] : memref<10240x80xf32, #tpu.memory_space<hbm>> -> memref<640x80xf32, #tpu.memory_space<hbm>>
        tpu.enqueue_dma source(%dma_start3A_342 : memref<640x80xf32, #tpu.memory_space<hbm>>) target(%dma_start3A_339 : memref<640x80xf32, #tpu.memory_space<vmem_shared>>) target_semaphore(%run_scoped3A : memref<!tpu.dma_semaphore, #tpu.memory_space<semaphore_mem>>)
        %dma_wait3A_343 = arith.constant 1920 : i32
        %dma_wait3A_344 = arith.constant 0 : i32
        %dma_wait3A_345 = tpu.memref_slice %arg13[%dma_wait3A_343, %dma_wait3A_344] : memref<10240x80xf32, #tpu.memory_space<vmem_shared>> -> memref<640x80xf32, #tpu.memory_space<vmem_shared>>
        %dma_wait3A_346 = arith.constant 1920 : i32
        %dma_wait3A_347 = arith.constant 0 : i32
        %dma_wait3A_348 = tpu.memref_slice %arg2[%dma_wait3A_346, %dma_wait3A_347] : memref<10240x80xf32, #tpu.memory_space<hbm>> -> memref<640x80xf32, #tpu.memory_space<hbm>>
        tpu.wait_dma2 semaphore(%run_scoped3A : memref<!tpu.dma_semaphore, #tpu.memory_space<semaphore_mem>>) src(%dma_wait3A_348 : memref<640x80xf32, #tpu.memory_space<hbm>>) dst(%dma_wait3A_345 : memref<640x80xf32, #tpu.memory_space<vmem_shared>>)
        tpu.yield
      }) : () -> ()
    } else {
    }
    %eq3A_28 = arith.constant 0 : i32
    %eq3A_29 = arith.cmpi eq, %arg0, %eq3A_28 : i32
    %eq3A_30 = arith.constant 4 : i32
    %eq3A_31 = arith.cmpi eq, %arg1, %eq3A_30 : i32
    %and3A_32 = arith.andi %eq3A_29, %eq3A_31 : i1
    %convert_element_type3A_33 = arith.extui %and3A_32 : i1 to i32
    %cond3A_34 = arith.constant 0 : i32
    %cond3A_35 = arith.cmpi ne, %convert_element_type3A_33, %cond3A_34 : i32
    scf.if %cond3A_35 {
      "tpu.region"() ({
        %run_scoped3A = tpu.sem_alloc : memref<!tpu.dma_semaphore, #tpu.memory_space<semaphore_mem>>
        %dma_start3A_337 = arith.constant 2560 : i32
        %dma_start3A_338 = arith.constant 0 : i32
        %dma_start3A_339 = tpu.memref_slice %arg13[%dma_start3A_337, %dma_start3A_338] : memref<10240x80xf32, #tpu.memory_space<vmem_shared>> -> memref<640x80xf32, #tpu.memory_space<vmem_shared>>
        %dma_start3A_340 = arith.constant 2560 : i32
        %dma_start3A_341 = arith.constant 0 : i32
        %dma_start3A_342 = tpu.memref_slice %arg2[%dma_start3A_340, %dma_start3A_341] : memref<10240x80xf32, #tpu.memory_space<hbm>> -> memref<640x80xf32, #tpu.memory_space<hbm>>
        tpu.enqueue_dma source(%dma_start3A_342 : memref<640x80xf32, #tpu.memory_space<hbm>>) target(%dma_start3A_339 : memref<640x80xf32, #tpu.memory_space<vmem_shared>>) target_semaphore(%run_scoped3A : memref<!tpu.dma_semaphore, #tpu.memory_space<semaphore_mem>>)
        %dma_wait3A_343 = arith.constant 2560 : i32
        %dma_wait3A_344 = arith.constant 0 : i32
        %dma_wait3A_345 = tpu.memref_slice %arg13[%dma_wait3A_343, %dma_wait3A_344] : memref<10240x80xf32, #tpu.memory_space<vmem_shared>> -> memref<640x80xf32, #tpu.memory_space<vmem_shared>>
        %dma_wait3A_346 = arith.constant 2560 : i32
        %dma_wait3A_347 = arith.constant 0 : i32
        %dma_wait3A_348 = tpu.memref_slice %arg2[%dma_wait3A_346, %dma_wait3A_347] : memref<10240x80xf32, #tpu.memory_space<hbm>> -> memref<640x80xf32, #tpu.memory_space<hbm>>
        tpu.wait_dma2 semaphore(%run_scoped3A : memref<!tpu.dma_semaphore, #tpu.memory_space<semaphore_mem>>) src(%dma_wait3A_348 : memref<640x80xf32, #tpu.memory_space<hbm>>) dst(%dma_wait3A_345 : memref<640x80xf32, #tpu.memory_space<vmem_shared>>)
        tpu.yield
      }) : () -> ()
    } else {
    }
    %eq3A_36 = arith.constant 0 : i32
    %eq3A_37 = arith.cmpi eq, %arg0, %eq3A_36 : i32
    %eq3A_38 = arith.constant 5 : i32
    %eq3A_39 = arith.cmpi eq, %arg1, %eq3A_38 : i32
    %and3A_40 = arith.andi %eq3A_37, %eq3A_39 : i1
    %convert_element_type3A_41 = arith.extui %and3A_40 : i1 to i32
    %cond3A_42 = arith.constant 0 : i32
    %cond3A_43 = arith.cmpi ne, %convert_element_type3A_41, %cond3A_42 : i32
    scf.if %cond3A_43 {
      "tpu.region"() ({
        %run_scoped3A = tpu.sem_alloc : memref<!tpu.dma_semaphore, #tpu.memory_space<semaphore_mem>>
        %dma_start3A_337 = arith.constant 3200 : i32
        %dma_start3A_338 = arith.constant 0 : i32
        %dma_start3A_339 = tpu.memref_slice %arg13[%dma_start3A_337, %dma_start3A_338] : memref<10240x80xf32, #tpu.memory_space<vmem_shared>> -> memref<640x80xf32, #tpu.memory_space<vmem_shared>>
        %dma_start3A_340 = arith.constant 3200 : i32
        %dma_start3A_341 = arith.constant 0 : i32
        %dma_start3A_342 = tpu.memref_slice %arg2[%dma_start3A_340, %dma_start3A_341] : memref<10240x80xf32, #tpu.memory_space<hbm>> -> memref<640x80xf32, #tpu.memory_space<hbm>>
        tpu.enqueue_dma source(%dma_start3A_342 : memref<640x80xf32, #tpu.memory_space<hbm>>) target(%dma_start3A_339 : memref<640x80xf32, #tpu.memory_space<vmem_shared>>) target_semaphore(%run_scoped3A : memref<!tpu.dma_semaphore, #tpu.memory_space<semaphore_mem>>)
        %dma_wait3A_343 = arith.constant 3200 : i32
        %dma_wait3A_344 = arith.constant 0 : i32
        %dma_wait3A_345 = tpu.memref_slice %arg13[%dma_wait3A_343, %dma_wait3A_344] : memref<10240x80xf32, #tpu.memory_space<vmem_shared>> -> memref<640x80xf32, #tpu.memory_space<vmem_shared>>
        %dma_wait3A_346 = arith.constant 3200 : i32
        %dma_wait3A_347 = arith.constant 0 : i32
        %dma_wait3A_348 = tpu.memref_slice %arg2[%dma_wait3A_346, %dma_wait3A_347] : memref<10240x80xf32, #tpu.memory_space<hbm>> -> memref<640x80xf32, #tpu.memory_space<hbm>>
        tpu.wait_dma2 semaphore(%run_scoped3A : memref<!tpu.dma_semaphore, #tpu.memory_space<semaphore_mem>>) src(%dma_wait3A_348 : memref<640x80xf32, #tpu.memory_space<hbm>>) dst(%dma_wait3A_345 : memref<640x80xf32, #tpu.memory_space<vmem_shared>>)
        tpu.yield
      }) : () -> ()
    } else {
    }
    %eq3A_44 = arith.constant 0 : i32
    %eq3A_45 = arith.cmpi eq, %arg0, %eq3A_44 : i32
    %eq3A_46 = arith.constant 6 : i32
    %eq3A_47 = arith.cmpi eq, %arg1, %eq3A_46 : i32
    %and3A_48 = arith.andi %eq3A_45, %eq3A_47 : i1
    %convert_element_type3A_49 = arith.extui %and3A_48 : i1 to i32
    %cond3A_50 = arith.constant 0 : i32
    %cond3A_51 = arith.cmpi ne, %convert_element_type3A_49, %cond3A_50 : i32
    scf.if %cond3A_51 {
      "tpu.region"() ({
        %run_scoped3A = tpu.sem_alloc : memref<!tpu.dma_semaphore, #tpu.memory_space<semaphore_mem>>
        %dma_start3A_337 = arith.constant 3840 : i32
        %dma_start3A_338 = arith.constant 0 : i32
        %dma_start3A_339 = tpu.memref_slice %arg13[%dma_start3A_337, %dma_start3A_338] : memref<10240x80xf32, #tpu.memory_space<vmem_shared>> -> memref<640x80xf32, #tpu.memory_space<vmem_shared>>
        %dma_start3A_340 = arith.constant 3840 : i32
        %dma_start3A_341 = arith.constant 0 : i32
        %dma_start3A_342 = tpu.memref_slice %arg2[%dma_start3A_340, %dma_start3A_341] : memref<10240x80xf32, #tpu.memory_space<hbm>> -> memref<640x80xf32, #tpu.memory_space<hbm>>
        tpu.enqueue_dma source(%dma_start3A_342 : memref<640x80xf32, #tpu.memory_space<hbm>>) target(%dma_start3A_339 : memref<640x80xf32, #tpu.memory_space<vmem_shared>>) target_semaphore(%run_scoped3A : memref<!tpu.dma_semaphore, #tpu.memory_space<semaphore_mem>>)
        %dma_wait3A_343 = arith.constant 3840 : i32
        %dma_wait3A_344 = arith.constant 0 : i32
        %dma_wait3A_345 = tpu.memref_slice %arg13[%dma_wait3A_343, %dma_wait3A_344] : memref<10240x80xf32, #tpu.memory_space<vmem_shared>> -> memref<640x80xf32, #tpu.memory_space<vmem_shared>>
        %dma_wait3A_346 = arith.constant 3840 : i32
        %dma_wait3A_347 = arith.constant 0 : i32
        %dma_wait3A_348 = tpu.memref_slice %arg2[%dma_wait3A_346, %dma_wait3A_347] : memref<10240x80xf32, #tpu.memory_space<hbm>> -> memref<640x80xf32, #tpu.memory_space<hbm>>
        tpu.wait_dma2 semaphore(%run_scoped3A : memref<!tpu.dma_semaphore, #tpu.memory_space<semaphore_mem>>) src(%dma_wait3A_348 : memref<640x80xf32, #tpu.memory_space<hbm>>) dst(%dma_wait3A_345 : memref<640x80xf32, #tpu.memory_space<vmem_shared>>)
        tpu.yield
      }) : () -> ()
    } else {
    }
    %eq3A_52 = arith.constant 0 : i32
    %eq3A_53 = arith.cmpi eq, %arg0, %eq3A_52 : i32
    %eq3A_54 = arith.constant 7 : i32
    %eq3A_55 = arith.cmpi eq, %arg1, %eq3A_54 : i32
    %and3A_56 = arith.andi %eq3A_53, %eq3A_55 : i1
    %convert_element_type3A_57 = arith.extui %and3A_56 : i1 to i32
    %cond3A_58 = arith.constant 0 : i32
    %cond3A_59 = arith.cmpi ne, %convert_element_type3A_57, %cond3A_58 : i32
    scf.if %cond3A_59 {
      "tpu.region"() ({
        %run_scoped3A = tpu.sem_alloc : memref<!tpu.dma_semaphore, #tpu.memory_space<semaphore_mem>>
        %dma_start3A_337 = arith.constant 4480 : i32
        %dma_start3A_338 = arith.constant 0 : i32
        %dma_start3A_339 = tpu.memref_slice %arg13[%dma_start3A_337, %dma_start3A_338] : memref<10240x80xf32, #tpu.memory_space<vmem_shared>> -> memref<640x80xf32, #tpu.memory_space<vmem_shared>>
        %dma_start3A_340 = arith.constant 4480 : i32
        %dma_start3A_341 = arith.constant 0 : i32
        %dma_start3A_342 = tpu.memref_slice %arg2[%dma_start3A_340, %dma_start3A_341] : memref<10240x80xf32, #tpu.memory_space<hbm>> -> memref<640x80xf32, #tpu.memory_space<hbm>>
        tpu.enqueue_dma source(%dma_start3A_342 : memref<640x80xf32, #tpu.memory_space<hbm>>) target(%dma_start3A_339 : memref<640x80xf32, #tpu.memory_space<vmem_shared>>) target_semaphore(%run_scoped3A : memref<!tpu.dma_semaphore, #tpu.memory_space<semaphore_mem>>)
        %dma_wait3A_343 = arith.constant 4480 : i32
        %dma_wait3A_344 = arith.constant 0 : i32
        %dma_wait3A_345 = tpu.memref_slice %arg13[%dma_wait3A_343, %dma_wait3A_344] : memref<10240x80xf32, #tpu.memory_space<vmem_shared>> -> memref<640x80xf32, #tpu.memory_space<vmem_shared>>
        %dma_wait3A_346 = arith.constant 4480 : i32
        %dma_wait3A_347 = arith.constant 0 : i32
        %dma_wait3A_348 = tpu.memref_slice %arg2[%dma_wait3A_346, %dma_wait3A_347] : memref<10240x80xf32, #tpu.memory_space<hbm>> -> memref<640x80xf32, #tpu.memory_space<hbm>>
        tpu.wait_dma2 semaphore(%run_scoped3A : memref<!tpu.dma_semaphore, #tpu.memory_space<semaphore_mem>>) src(%dma_wait3A_348 : memref<640x80xf32, #tpu.memory_space<hbm>>) dst(%dma_wait3A_345 : memref<640x80xf32, #tpu.memory_space<vmem_shared>>)
        tpu.yield
      }) : () -> ()
    } else {
    }
    %eq3A_60 = arith.constant 0 : i32
    %eq3A_61 = arith.cmpi eq, %arg0, %eq3A_60 : i32
    %eq3A_62 = arith.constant 8 : i32
    %eq3A_63 = arith.cmpi eq, %arg1, %eq3A_62 : i32
    %and3A_64 = arith.andi %eq3A_61, %eq3A_63 : i1
    %convert_element_type3A_65 = arith.extui %and3A_64 : i1 to i32
    %cond3A_66 = arith.constant 0 : i32
    %cond3A_67 = arith.cmpi ne, %convert_element_type3A_65, %cond3A_66 : i32
    scf.if %cond3A_67 {
      "tpu.region"() ({
        %run_scoped3A = tpu.sem_alloc : memref<!tpu.dma_semaphore, #tpu.memory_space<semaphore_mem>>
        %dma_start3A_337 = arith.constant 5120 : i32
        %dma_start3A_338 = arith.constant 0 : i32
        %dma_start3A_339 = tpu.memref_slice %arg13[%dma_start3A_337, %dma_start3A_338] : memref<10240x80xf32, #tpu.memory_space<vmem_shared>> -> memref<640x80xf32, #tpu.memory_space<vmem_shared>>
        %dma_start3A_340 = arith.constant 5120 : i32
        %dma_start3A_341 = arith.constant 0 : i32
        %dma_start3A_342 = tpu.memref_slice %arg2[%dma_start3A_340, %dma_start3A_341] : memref<10240x80xf32, #tpu.memory_space<hbm>> -> memref<640x80xf32, #tpu.memory_space<hbm>>
        tpu.enqueue_dma source(%dma_start3A_342 : memref<640x80xf32, #tpu.memory_space<hbm>>) target(%dma_start3A_339 : memref<640x80xf32, #tpu.memory_space<vmem_shared>>) target_semaphore(%run_scoped3A : memref<!tpu.dma_semaphore, #tpu.memory_space<semaphore_mem>>)
        %dma_wait3A_343 = arith.constant 5120 : i32
        %dma_wait3A_344 = arith.constant 0 : i32
        %dma_wait3A_345 = tpu.memref_slice %arg13[%dma_wait3A_343, %dma_wait3A_344] : memref<10240x80xf32, #tpu.memory_space<vmem_shared>> -> memref<640x80xf32, #tpu.memory_space<vmem_shared>>
        %dma_wait3A_346 = arith.constant 5120 : i32
        %dma_wait3A_347 = arith.constant 0 : i32
        %dma_wait3A_348 = tpu.memref_slice %arg2[%dma_wait3A_346, %dma_wait3A_347] : memref<10240x80xf32, #tpu.memory_space<hbm>> -> memref<640x80xf32, #tpu.memory_space<hbm>>
        tpu.wait_dma2 semaphore(%run_scoped3A : memref<!tpu.dma_semaphore, #tpu.memory_space<semaphore_mem>>) src(%dma_wait3A_348 : memref<640x80xf32, #tpu.memory_space<hbm>>) dst(%dma_wait3A_345 : memref<640x80xf32, #tpu.memory_space<vmem_shared>>)
        tpu.yield
      }) : () -> ()
    } else {
    }
    %eq3A_68 = arith.constant 0 : i32
    %eq3A_69 = arith.cmpi eq, %arg0, %eq3A_68 : i32
    %eq3A_70 = arith.constant 9 : i32
    %eq3A_71 = arith.cmpi eq, %arg1, %eq3A_70 : i32
    %and3A_72 = arith.andi %eq3A_69, %eq3A_71 : i1
    %convert_element_type3A_73 = arith.extui %and3A_72 : i1 to i32
    %cond3A_74 = arith.constant 0 : i32
    %cond3A_75 = arith.cmpi ne, %convert_element_type3A_73, %cond3A_74 : i32
    scf.if %cond3A_75 {
      "tpu.region"() ({
        %run_scoped3A = tpu.sem_alloc : memref<!tpu.dma_semaphore, #tpu.memory_space<semaphore_mem>>
        %dma_start3A_337 = arith.constant 5760 : i32
        %dma_start3A_338 = arith.constant 0 : i32
        %dma_start3A_339 = tpu.memref_slice %arg13[%dma_start3A_337, %dma_start3A_338] : memref<10240x80xf32, #tpu.memory_space<vmem_shared>> -> memref<640x80xf32, #tpu.memory_space<vmem_shared>>
        %dma_start3A_340 = arith.constant 5760 : i32
        %dma_start3A_341 = arith.constant 0 : i32
        %dma_start3A_342 = tpu.memref_slice %arg2[%dma_start3A_340, %dma_start3A_341] : memref<10240x80xf32, #tpu.memory_space<hbm>> -> memref<640x80xf32, #tpu.memory_space<hbm>>
        tpu.enqueue_dma source(%dma_start3A_342 : memref<640x80xf32, #tpu.memory_space<hbm>>) target(%dma_start3A_339 : memref<640x80xf32, #tpu.memory_space<vmem_shared>>) target_semaphore(%run_scoped3A : memref<!tpu.dma_semaphore, #tpu.memory_space<semaphore_mem>>)
        %dma_wait3A_343 = arith.constant 5760 : i32
        %dma_wait3A_344 = arith.constant 0 : i32
        %dma_wait3A_345 = tpu.memref_slice %arg13[%dma_wait3A_343, %dma_wait3A_344] : memref<10240x80xf32, #tpu.memory_space<vmem_shared>> -> memref<640x80xf32, #tpu.memory_space<vmem_shared>>
        %dma_wait3A_346 = arith.constant 5760 : i32
        %dma_wait3A_347 = arith.constant 0 : i32
        %dma_wait3A_348 = tpu.memref_slice %arg2[%dma_wait3A_346, %dma_wait3A_347] : memref<10240x80xf32, #tpu.memory_space<hbm>> -> memref<640x80xf32, #tpu.memory_space<hbm>>
        tpu.wait_dma2 semaphore(%run_scoped3A : memref<!tpu.dma_semaphore, #tpu.memory_space<semaphore_mem>>) src(%dma_wait3A_348 : memref<640x80xf32, #tpu.memory_space<hbm>>) dst(%dma_wait3A_345 : memref<640x80xf32, #tpu.memory_space<vmem_shared>>)
        tpu.yield
      }) : () -> ()
    } else {
    }
    %eq3A_76 = arith.constant 0 : i32
    %eq3A_77 = arith.cmpi eq, %arg0, %eq3A_76 : i32
    %eq3A_78 = arith.constant 10 : i32
    %eq3A_79 = arith.cmpi eq, %arg1, %eq3A_78 : i32
    %and3A_80 = arith.andi %eq3A_77, %eq3A_79 : i1
    %convert_element_type3A_81 = arith.extui %and3A_80 : i1 to i32
    %cond3A_82 = arith.constant 0 : i32
    %cond3A_83 = arith.cmpi ne, %convert_element_type3A_81, %cond3A_82 : i32
    scf.if %cond3A_83 {
      "tpu.region"() ({
        %run_scoped3A = tpu.sem_alloc : memref<!tpu.dma_semaphore, #tpu.memory_space<semaphore_mem>>
        %dma_start3A_337 = arith.constant 6400 : i32
        %dma_start3A_338 = arith.constant 0 : i32
        %dma_start3A_339 = tpu.memref_slice %arg13[%dma_start3A_337, %dma_start3A_338] : memref<10240x80xf32, #tpu.memory_space<vmem_shared>> -> memref<640x80xf32, #tpu.memory_space<vmem_shared>>
        %dma_start3A_340 = arith.constant 6400 : i32
        %dma_start3A_341 = arith.constant 0 : i32
        %dma_start3A_342 = tpu.memref_slice %arg2[%dma_start3A_340, %dma_start3A_341] : memref<10240x80xf32, #tpu.memory_space<hbm>> -> memref<640x80xf32, #tpu.memory_space<hbm>>
        tpu.enqueue_dma source(%dma_start3A_342 : memref<640x80xf32, #tpu.memory_space<hbm>>) target(%dma_start3A_339 : memref<640x80xf32, #tpu.memory_space<vmem_shared>>) target_semaphore(%run_scoped3A : memref<!tpu.dma_semaphore, #tpu.memory_space<semaphore_mem>>)
        %dma_wait3A_343 = arith.constant 6400 : i32
        %dma_wait3A_344 = arith.constant 0 : i32
        %dma_wait3A_345 = tpu.memref_slice %arg13[%dma_wait3A_343, %dma_wait3A_344] : memref<10240x80xf32, #tpu.memory_space<vmem_shared>> -> memref<640x80xf32, #tpu.memory_space<vmem_shared>>
        %dma_wait3A_346 = arith.constant 6400 : i32
        %dma_wait3A_347 = arith.constant 0 : i32
        %dma_wait3A_348 = tpu.memref_slice %arg2[%dma_wait3A_346, %dma_wait3A_347] : memref<10240x80xf32, #tpu.memory_space<hbm>> -> memref<640x80xf32, #tpu.memory_space<hbm>>
        tpu.wait_dma2 semaphore(%run_scoped3A : memref<!tpu.dma_semaphore, #tpu.memory_space<semaphore_mem>>) src(%dma_wait3A_348 : memref<640x80xf32, #tpu.memory_space<hbm>>) dst(%dma_wait3A_345 : memref<640x80xf32, #tpu.memory_space<vmem_shared>>)
        tpu.yield
      }) : () -> ()
    } else {
    }
    %eq3A_84 = arith.constant 0 : i32
    %eq3A_85 = arith.cmpi eq, %arg0, %eq3A_84 : i32
    %eq3A_86 = arith.constant 11 : i32
    %eq3A_87 = arith.cmpi eq, %arg1, %eq3A_86 : i32
    %and3A_88 = arith.andi %eq3A_85, %eq3A_87 : i1
    %convert_element_type3A_89 = arith.extui %and3A_88 : i1 to i32
    %cond3A_90 = arith.constant 0 : i32
    %cond3A_91 = arith.cmpi ne, %convert_element_type3A_89, %cond3A_90 : i32
    scf.if %cond3A_91 {
      "tpu.region"() ({
        %run_scoped3A = tpu.sem_alloc : memref<!tpu.dma_semaphore, #tpu.memory_space<semaphore_mem>>
        %dma_start3A_337 = arith.constant 7040 : i32
        %dma_start3A_338 = arith.constant 0 : i32
        %dma_start3A_339 = tpu.memref_slice %arg13[%dma_start3A_337, %dma_start3A_338] : memref<10240x80xf32, #tpu.memory_space<vmem_shared>> -> memref<640x80xf32, #tpu.memory_space<vmem_shared>>
        %dma_start3A_340 = arith.constant 7040 : i32
        %dma_start3A_341 = arith.constant 0 : i32
        %dma_start3A_342 = tpu.memref_slice %arg2[%dma_start3A_340, %dma_start3A_341] : memref<10240x80xf32, #tpu.memory_space<hbm>> -> memref<640x80xf32, #tpu.memory_space<hbm>>
        tpu.enqueue_dma source(%dma_start3A_342 : memref<640x80xf32, #tpu.memory_space<hbm>>) target(%dma_start3A_339 : memref<640x80xf32, #tpu.memory_space<vmem_shared>>) target_semaphore(%run_scoped3A : memref<!tpu.dma_semaphore, #tpu.memory_space<semaphore_mem>>)
        %dma_wait3A_343 = arith.constant 7040 : i32
        %dma_wait3A_344 = arith.constant 0 : i32
        %dma_wait3A_345 = tpu.memref_slice %arg13[%dma_wait3A_343, %dma_wait3A_344] : memref<10240x80xf32, #tpu.memory_space<vmem_shared>> -> memref<640x80xf32, #tpu.memory_space<vmem_shared>>
        %dma_wait3A_346 = arith.constant 7040 : i32
        %dma_wait3A_347 = arith.constant 0 : i32
        %dma_wait3A_348 = tpu.memref_slice %arg2[%dma_wait3A_346, %dma_wait3A_347] : memref<10240x80xf32, #tpu.memory_space<hbm>> -> memref<640x80xf32, #tpu.memory_space<hbm>>
        tpu.wait_dma2 semaphore(%run_scoped3A : memref<!tpu.dma_semaphore, #tpu.memory_space<semaphore_mem>>) src(%dma_wait3A_348 : memref<640x80xf32, #tpu.memory_space<hbm>>) dst(%dma_wait3A_345 : memref<640x80xf32, #tpu.memory_space<vmem_shared>>)
        tpu.yield
      }) : () -> ()
    } else {
    }
    %eq3A_92 = arith.constant 0 : i32
    %eq3A_93 = arith.cmpi eq, %arg0, %eq3A_92 : i32
    %eq3A_94 = arith.constant 12 : i32
    %eq3A_95 = arith.cmpi eq, %arg1, %eq3A_94 : i32
    %and3A_96 = arith.andi %eq3A_93, %eq3A_95 : i1
    %convert_element_type3A_97 = arith.extui %and3A_96 : i1 to i32
    %cond3A_98 = arith.constant 0 : i32
    %cond3A_99 = arith.cmpi ne, %convert_element_type3A_97, %cond3A_98 : i32
    scf.if %cond3A_99 {
      "tpu.region"() ({
        %run_scoped3A = tpu.sem_alloc : memref<!tpu.dma_semaphore, #tpu.memory_space<semaphore_mem>>
        %dma_start3A_337 = arith.constant 7680 : i32
        %dma_start3A_338 = arith.constant 0 : i32
        %dma_start3A_339 = tpu.memref_slice %arg13[%dma_start3A_337, %dma_start3A_338] : memref<10240x80xf32, #tpu.memory_space<vmem_shared>> -> memref<640x80xf32, #tpu.memory_space<vmem_shared>>
        %dma_start3A_340 = arith.constant 7680 : i32
        %dma_start3A_341 = arith.constant 0 : i32
        %dma_start3A_342 = tpu.memref_slice %arg2[%dma_start3A_340, %dma_start3A_341] : memref<10240x80xf32, #tpu.memory_space<hbm>> -> memref<640x80xf32, #tpu.memory_space<hbm>>
        tpu.enqueue_dma source(%dma_start3A_342 : memref<640x80xf32, #tpu.memory_space<hbm>>) target(%dma_start3A_339 : memref<640x80xf32, #tpu.memory_space<vmem_shared>>) target_semaphore(%run_scoped3A : memref<!tpu.dma_semaphore, #tpu.memory_space<semaphore_mem>>)
        %dma_wait3A_343 = arith.constant 7680 : i32
        %dma_wait3A_344 = arith.constant 0 : i32
        %dma_wait3A_345 = tpu.memref_slice %arg13[%dma_wait3A_343, %dma_wait3A_344] : memref<10240x80xf32, #tpu.memory_space<vmem_shared>> -> memref<640x80xf32, #tpu.memory_space<vmem_shared>>
        %dma_wait3A_346 = arith.constant 7680 : i32
        %dma_wait3A_347 = arith.constant 0 : i32
        %dma_wait3A_348 = tpu.memref_slice %arg2[%dma_wait3A_346, %dma_wait3A_347] : memref<10240x80xf32, #tpu.memory_space<hbm>> -> memref<640x80xf32, #tpu.memory_space<hbm>>
        tpu.wait_dma2 semaphore(%run_scoped3A : memref<!tpu.dma_semaphore, #tpu.memory_space<semaphore_mem>>) src(%dma_wait3A_348 : memref<640x80xf32, #tpu.memory_space<hbm>>) dst(%dma_wait3A_345 : memref<640x80xf32, #tpu.memory_space<vmem_shared>>)
        tpu.yield
      }) : () -> ()
    } else {
    }
    %eq3A_100 = arith.constant 0 : i32
    %eq3A_101 = arith.cmpi eq, %arg0, %eq3A_100 : i32
    %eq3A_102 = arith.constant 13 : i32
    %eq3A_103 = arith.cmpi eq, %arg1, %eq3A_102 : i32
    %and3A_104 = arith.andi %eq3A_101, %eq3A_103 : i1
    %convert_element_type3A_105 = arith.extui %and3A_104 : i1 to i32
    %cond3A_106 = arith.constant 0 : i32
    %cond3A_107 = arith.cmpi ne, %convert_element_type3A_105, %cond3A_106 : i32
    scf.if %cond3A_107 {
      "tpu.region"() ({
        %run_scoped3A = tpu.sem_alloc : memref<!tpu.dma_semaphore, #tpu.memory_space<semaphore_mem>>
        %dma_start3A_337 = arith.constant 8320 : i32
        %dma_start3A_338 = arith.constant 0 : i32
        %dma_start3A_339 = tpu.memref_slice %arg13[%dma_start3A_337, %dma_start3A_338] : memref<10240x80xf32, #tpu.memory_space<vmem_shared>> -> memref<640x80xf32, #tpu.memory_space<vmem_shared>>
        %dma_start3A_340 = arith.constant 8320 : i32
        %dma_start3A_341 = arith.constant 0 : i32
        %dma_start3A_342 = tpu.memref_slice %arg2[%dma_start3A_340, %dma_start3A_341] : memref<10240x80xf32, #tpu.memory_space<hbm>> -> memref<640x80xf32, #tpu.memory_space<hbm>>
        tpu.enqueue_dma source(%dma_start3A_342 : memref<640x80xf32, #tpu.memory_space<hbm>>) target(%dma_start3A_339 : memref<640x80xf32, #tpu.memory_space<vmem_shared>>) target_semaphore(%run_scoped3A : memref<!tpu.dma_semaphore, #tpu.memory_space<semaphore_mem>>)
        %dma_wait3A_343 = arith.constant 8320 : i32
        %dma_wait3A_344 = arith.constant 0 : i32
        %dma_wait3A_345 = tpu.memref_slice %arg13[%dma_wait3A_343, %dma_wait3A_344] : memref<10240x80xf32, #tpu.memory_space<vmem_shared>> -> memref<640x80xf32, #tpu.memory_space<vmem_shared>>
        %dma_wait3A_346 = arith.constant 8320 : i32
        %dma_wait3A_347 = arith.constant 0 : i32
        %dma_wait3A_348 = tpu.memref_slice %arg2[%dma_wait3A_346, %dma_wait3A_347] : memref<10240x80xf32, #tpu.memory_space<hbm>> -> memref<640x80xf32, #tpu.memory_space<hbm>>
        tpu.wait_dma2 semaphore(%run_scoped3A : memref<!tpu.dma_semaphore, #tpu.memory_space<semaphore_mem>>) src(%dma_wait3A_348 : memref<640x80xf32, #tpu.memory_space<hbm>>) dst(%dma_wait3A_345 : memref<640x80xf32, #tpu.memory_space<vmem_shared>>)
        tpu.yield
      }) : () -> ()
    } else {
    }
    %eq3A_108 = arith.constant 0 : i32
    %eq3A_109 = arith.cmpi eq, %arg0, %eq3A_108 : i32
    %eq3A_110 = arith.constant 14 : i32
    %eq3A_111 = arith.cmpi eq, %arg1, %eq3A_110 : i32
    %and3A_112 = arith.andi %eq3A_109, %eq3A_111 : i1
    %convert_element_type3A_113 = arith.extui %and3A_112 : i1 to i32
    %cond3A_114 = arith.constant 0 : i32
    %cond3A_115 = arith.cmpi ne, %convert_element_type3A_113, %cond3A_114 : i32
    scf.if %cond3A_115 {
      "tpu.region"() ({
        %run_scoped3A = tpu.sem_alloc : memref<!tpu.dma_semaphore, #tpu.memory_space<semaphore_mem>>
        %dma_start3A_337 = arith.constant 8960 : i32
        %dma_start3A_338 = arith.constant 0 : i32
        %dma_start3A_339 = tpu.memref_slice %arg13[%dma_start3A_337, %dma_start3A_338] : memref<10240x80xf32, #tpu.memory_space<vmem_shared>> -> memref<640x80xf32, #tpu.memory_space<vmem_shared>>
        %dma_start3A_340 = arith.constant 8960 : i32
        %dma_start3A_341 = arith.constant 0 : i32
        %dma_start3A_342 = tpu.memref_slice %arg2[%dma_start3A_340, %dma_start3A_341] : memref<10240x80xf32, #tpu.memory_space<hbm>> -> memref<640x80xf32, #tpu.memory_space<hbm>>
        tpu.enqueue_dma source(%dma_start3A_342 : memref<640x80xf32, #tpu.memory_space<hbm>>) target(%dma_start3A_339 : memref<640x80xf32, #tpu.memory_space<vmem_shared>>) target_semaphore(%run_scoped3A : memref<!tpu.dma_semaphore, #tpu.memory_space<semaphore_mem>>)
        %dma_wait3A_343 = arith.constant 8960 : i32
        %dma_wait3A_344 = arith.constant 0 : i32
        %dma_wait3A_345 = tpu.memref_slice %arg13[%dma_wait3A_343, %dma_wait3A_344] : memref<10240x80xf32, #tpu.memory_space<vmem_shared>> -> memref<640x80xf32, #tpu.memory_space<vmem_shared>>
        %dma_wait3A_346 = arith.constant 8960 : i32
        %dma_wait3A_347 = arith.constant 0 : i32
        %dma_wait3A_348 = tpu.memref_slice %arg2[%dma_wait3A_346, %dma_wait3A_347] : memref<10240x80xf32, #tpu.memory_space<hbm>> -> memref<640x80xf32, #tpu.memory_space<hbm>>
        tpu.wait_dma2 semaphore(%run_scoped3A : memref<!tpu.dma_semaphore, #tpu.memory_space<semaphore_mem>>) src(%dma_wait3A_348 : memref<640x80xf32, #tpu.memory_space<hbm>>) dst(%dma_wait3A_345 : memref<640x80xf32, #tpu.memory_space<vmem_shared>>)
        tpu.yield
      }) : () -> ()
    } else {
    }
    %eq3A_116 = arith.constant 0 : i32
    %eq3A_117 = arith.cmpi eq, %arg0, %eq3A_116 : i32
    %eq3A_118 = arith.constant 15 : i32
    %eq3A_119 = arith.cmpi eq, %arg1, %eq3A_118 : i32
    %and3A_120 = arith.andi %eq3A_117, %eq3A_119 : i1
    %convert_element_type3A_121 = arith.extui %and3A_120 : i1 to i32
    %cond3A_122 = arith.constant 0 : i32
    %cond3A_123 = arith.cmpi ne, %convert_element_type3A_121, %cond3A_122 : i32
    scf.if %cond3A_123 {
      "tpu.region"() ({
        %run_scoped3A = tpu.sem_alloc : memref<!tpu.dma_semaphore, #tpu.memory_space<semaphore_mem>>
        %dma_start3A_337 = arith.constant 9600 : i32
        %dma_start3A_338 = arith.constant 0 : i32
        %dma_start3A_339 = tpu.memref_slice %arg13[%dma_start3A_337, %dma_start3A_338] : memref<10240x80xf32, #tpu.memory_space<vmem_shared>> -> memref<640x80xf32, #tpu.memory_space<vmem_shared>>
        %dma_start3A_340 = arith.constant 9600 : i32
        %dma_start3A_341 = arith.constant 0 : i32
        %dma_start3A_342 = tpu.memref_slice %arg2[%dma_start3A_340, %dma_start3A_341] : memref<10240x80xf32, #tpu.memory_space<hbm>> -> memref<640x80xf32, #tpu.memory_space<hbm>>
        tpu.enqueue_dma source(%dma_start3A_342 : memref<640x80xf32, #tpu.memory_space<hbm>>) target(%dma_start3A_339 : memref<640x80xf32, #tpu.memory_space<vmem_shared>>) target_semaphore(%run_scoped3A : memref<!tpu.dma_semaphore, #tpu.memory_space<semaphore_mem>>)
        %dma_wait3A_343 = arith.constant 9600 : i32
        %dma_wait3A_344 = arith.constant 0 : i32
        %dma_wait3A_345 = tpu.memref_slice %arg13[%dma_wait3A_343, %dma_wait3A_344] : memref<10240x80xf32, #tpu.memory_space<vmem_shared>> -> memref<640x80xf32, #tpu.memory_space<vmem_shared>>
        %dma_wait3A_346 = arith.constant 9600 : i32
        %dma_wait3A_347 = arith.constant 0 : i32
        %dma_wait3A_348 = tpu.memref_slice %arg2[%dma_wait3A_346, %dma_wait3A_347] : memref<10240x80xf32, #tpu.memory_space<hbm>> -> memref<640x80xf32, #tpu.memory_space<hbm>>
        tpu.wait_dma2 semaphore(%run_scoped3A : memref<!tpu.dma_semaphore, #tpu.memory_space<semaphore_mem>>) src(%dma_wait3A_348 : memref<640x80xf32, #tpu.memory_space<hbm>>) dst(%dma_wait3A_345 : memref<640x80xf32, #tpu.memory_space<vmem_shared>>)
        tpu.yield
      }) : () -> ()
    } else {
    }
    %eq3A_124 = arith.constant 1 : i32
    %eq3A_125 = arith.cmpi eq, %arg0, %eq3A_124 : i32
    %eq3A_126 = arith.constant 0 : i32
    %eq3A_127 = arith.cmpi eq, %arg1, %eq3A_126 : i32
    %and3A_128 = arith.andi %eq3A_125, %eq3A_127 : i1
    %convert_element_type3A_129 = arith.extui %and3A_128 : i1 to i32
    %cond3A_130 = arith.constant 0 : i32
    %cond3A_131 = arith.cmpi ne, %convert_element_type3A_129, %cond3A_130 : i32
    scf.if %cond3A_131 {
      "tpu.region"() ({
        %run_scoped3A = tpu.sem_alloc : memref<!tpu.dma_semaphore, #tpu.memory_space<semaphore_mem>>
        %dma_start3A_337 = arith.constant 0 : i32
        %dma_start3A_338 = arith.constant 0 : i32
        %dma_start3A_339 = tpu.memref_slice %arg13[%dma_start3A_337, %dma_start3A_338] : memref<10240x80xf32, #tpu.memory_space<vmem_shared>> -> memref<640x80xf32, #tpu.memory_space<vmem_shared>>
        %dma_start3A_340 = arith.constant 0 : i32
        %dma_start3A_341 = arith.constant 0 : i32
        %dma_start3A_342 = tpu.memref_slice %arg3[%dma_start3A_340, %dma_start3A_341] : memref<10240x80xf32, #tpu.memory_space<hbm>> -> memref<640x80xf32, #tpu.memory_space<hbm>>
        tpu.enqueue_dma source(%dma_start3A_342 : memref<640x80xf32, #tpu.memory_space<hbm>>) target(%dma_start3A_339 : memref<640x80xf32, #tpu.memory_space<vmem_shared>>) target_semaphore(%run_scoped3A : memref<!tpu.dma_semaphore, #tpu.memory_space<semaphore_mem>>)
        %dma_wait3A_343 = arith.constant 0 : i32
        %dma_wait3A_344 = arith.constant 0 : i32
        %dma_wait3A_345 = tpu.memref_slice %arg13[%dma_wait3A_343, %dma_wait3A_344] : memref<10240x80xf32, #tpu.memory_space<vmem_shared>> -> memref<640x80xf32, #tpu.memory_space<vmem_shared>>
        %dma_wait3A_346 = arith.constant 0 : i32
        %dma_wait3A_347 = arith.constant 0 : i32
        %dma_wait3A_348 = tpu.memref_slice %arg3[%dma_wait3A_346, %dma_wait3A_347] : memref<10240x80xf32, #tpu.memory_space<hbm>> -> memref<640x80xf32, #tpu.memory_space<hbm>>
        tpu.wait_dma2 semaphore(%run_scoped3A : memref<!tpu.dma_semaphore, #tpu.memory_space<semaphore_mem>>) src(%dma_wait3A_348 : memref<640x80xf32, #tpu.memory_space<hbm>>) dst(%dma_wait3A_345 : memref<640x80xf32, #tpu.memory_space<vmem_shared>>)
        tpu.yield
      }) : () -> ()
    } else {
    }
    %eq3A_132 = arith.constant 1 : i32
    %eq3A_133 = arith.cmpi eq, %arg0, %eq3A_132 : i32
    %eq3A_134 = arith.constant 1 : i32
    %eq3A_135 = arith.cmpi eq, %arg1, %eq3A_134 : i32
    %and3A_136 = arith.andi %eq3A_133, %eq3A_135 : i1
    %convert_element_type3A_137 = arith.extui %and3A_136 : i1 to i32
    %cond3A_138 = arith.constant 0 : i32
    %cond3A_139 = arith.cmpi ne, %convert_element_type3A_137, %cond3A_138 : i32
    scf.if %cond3A_139 {
      "tpu.region"() ({
        %run_scoped3A = tpu.sem_alloc : memref<!tpu.dma_semaphore, #tpu.memory_space<semaphore_mem>>
        %dma_start3A_337 = arith.constant 640 : i32
        %dma_start3A_338 = arith.constant 0 : i32
        %dma_start3A_339 = tpu.memref_slice %arg13[%dma_start3A_337, %dma_start3A_338] : memref<10240x80xf32, #tpu.memory_space<vmem_shared>> -> memref<640x80xf32, #tpu.memory_space<vmem_shared>>
        %dma_start3A_340 = arith.constant 640 : i32
        %dma_start3A_341 = arith.constant 0 : i32
        %dma_start3A_342 = tpu.memref_slice %arg3[%dma_start3A_340, %dma_start3A_341] : memref<10240x80xf32, #tpu.memory_space<hbm>> -> memref<640x80xf32, #tpu.memory_space<hbm>>
        tpu.enqueue_dma source(%dma_start3A_342 : memref<640x80xf32, #tpu.memory_space<hbm>>) target(%dma_start3A_339 : memref<640x80xf32, #tpu.memory_space<vmem_shared>>) target_semaphore(%run_scoped3A : memref<!tpu.dma_semaphore, #tpu.memory_space<semaphore_mem>>)
        %dma_wait3A_343 = arith.constant 640 : i32
        %dma_wait3A_344 = arith.constant 0 : i32
        %dma_wait3A_345 = tpu.memref_slice %arg13[%dma_wait3A_343, %dma_wait3A_344] : memref<10240x80xf32, #tpu.memory_space<vmem_shared>> -> memref<640x80xf32, #tpu.memory_space<vmem_shared>>
        %dma_wait3A_346 = arith.constant 640 : i32
        %dma_wait3A_347 = arith.constant 0 : i32
        %dma_wait3A_348 = tpu.memref_slice %arg3[%dma_wait3A_346, %dma_wait3A_347] : memref<10240x80xf32, #tpu.memory_space<hbm>> -> memref<640x80xf32, #tpu.memory_space<hbm>>
        tpu.wait_dma2 semaphore(%run_scoped3A : memref<!tpu.dma_semaphore, #tpu.memory_space<semaphore_mem>>) src(%dma_wait3A_348 : memref<640x80xf32, #tpu.memory_space<hbm>>) dst(%dma_wait3A_345 : memref<640x80xf32, #tpu.memory_space<vmem_shared>>)
        tpu.yield
      }) : () -> ()
    } else {
    }
    %eq3A_140 = arith.constant 1 : i32
    %eq3A_141 = arith.cmpi eq, %arg0, %eq3A_140 : i32
    %eq3A_142 = arith.constant 2 : i32
    %eq3A_143 = arith.cmpi eq, %arg1, %eq3A_142 : i32
    %and3A_144 = arith.andi %eq3A_141, %eq3A_143 : i1
    %convert_element_type3A_145 = arith.extui %and3A_144 : i1 to i32
    %cond3A_146 = arith.constant 0 : i32
    %cond3A_147 = arith.cmpi ne, %convert_element_type3A_145, %cond3A_146 : i32
    scf.if %cond3A_147 {
      "tpu.region"() ({
        %run_scoped3A = tpu.sem_alloc : memref<!tpu.dma_semaphore, #tpu.memory_space<semaphore_mem>>
        %dma_start3A_337 = arith.constant 1280 : i32
        %dma_start3A_338 = arith.constant 0 : i32
        %dma_start3A_339 = tpu.memref_slice %arg13[%dma_start3A_337, %dma_start3A_338] : memref<10240x80xf32, #tpu.memory_space<vmem_shared>> -> memref<640x80xf32, #tpu.memory_space<vmem_shared>>
        %dma_start3A_340 = arith.constant 1280 : i32
        %dma_start3A_341 = arith.constant 0 : i32
        %dma_start3A_342 = tpu.memref_slice %arg3[%dma_start3A_340, %dma_start3A_341] : memref<10240x80xf32, #tpu.memory_space<hbm>> -> memref<640x80xf32, #tpu.memory_space<hbm>>
        tpu.enqueue_dma source(%dma_start3A_342 : memref<640x80xf32, #tpu.memory_space<hbm>>) target(%dma_start3A_339 : memref<640x80xf32, #tpu.memory_space<vmem_shared>>) target_semaphore(%run_scoped3A : memref<!tpu.dma_semaphore, #tpu.memory_space<semaphore_mem>>)
        %dma_wait3A_343 = arith.constant 1280 : i32
        %dma_wait3A_344 = arith.constant 0 : i32
        %dma_wait3A_345 = tpu.memref_slice %arg13[%dma_wait3A_343, %dma_wait3A_344] : memref<10240x80xf32, #tpu.memory_space<vmem_shared>> -> memref<640x80xf32, #tpu.memory_space<vmem_shared>>
        %dma_wait3A_346 = arith.constant 1280 : i32
        %dma_wait3A_347 = arith.constant 0 : i32
        %dma_wait3A_348 = tpu.memref_slice %arg3[%dma_wait3A_346, %dma_wait3A_347] : memref<10240x80xf32, #tpu.memory_space<hbm>> -> memref<640x80xf32, #tpu.memory_space<hbm>>
        tpu.wait_dma2 semaphore(%run_scoped3A : memref<!tpu.dma_semaphore, #tpu.memory_space<semaphore_mem>>) src(%dma_wait3A_348 : memref<640x80xf32, #tpu.memory_space<hbm>>) dst(%dma_wait3A_345 : memref<640x80xf32, #tpu.memory_space<vmem_shared>>)
        tpu.yield
      }) : () -> ()
    } else {
    }
    %eq3A_148 = arith.constant 1 : i32
    %eq3A_149 = arith.cmpi eq, %arg0, %eq3A_148 : i32
    %eq3A_150 = arith.constant 3 : i32
    %eq3A_151 = arith.cmpi eq, %arg1, %eq3A_150 : i32
    %and3A_152 = arith.andi %eq3A_149, %eq3A_151 : i1
    %convert_element_type3A_153 = arith.extui %and3A_152 : i1 to i32
    %cond3A_154 = arith.constant 0 : i32
    %cond3A_155 = arith.cmpi ne, %convert_element_type3A_153, %cond3A_154 : i32
    scf.if %cond3A_155 {
      "tpu.region"() ({
        %run_scoped3A = tpu.sem_alloc : memref<!tpu.dma_semaphore, #tpu.memory_space<semaphore_mem>>
        %dma_start3A_337 = arith.constant 1920 : i32
        %dma_start3A_338 = arith.constant 0 : i32
        %dma_start3A_339 = tpu.memref_slice %arg13[%dma_start3A_337, %dma_start3A_338] : memref<10240x80xf32, #tpu.memory_space<vmem_shared>> -> memref<640x80xf32, #tpu.memory_space<vmem_shared>>
        %dma_start3A_340 = arith.constant 1920 : i32
        %dma_start3A_341 = arith.constant 0 : i32
        %dma_start3A_342 = tpu.memref_slice %arg3[%dma_start3A_340, %dma_start3A_341] : memref<10240x80xf32, #tpu.memory_space<hbm>> -> memref<640x80xf32, #tpu.memory_space<hbm>>
        tpu.enqueue_dma source(%dma_start3A_342 : memref<640x80xf32, #tpu.memory_space<hbm>>) target(%dma_start3A_339 : memref<640x80xf32, #tpu.memory_space<vmem_shared>>) target_semaphore(%run_scoped3A : memref<!tpu.dma_semaphore, #tpu.memory_space<semaphore_mem>>)
        %dma_wait3A_343 = arith.constant 1920 : i32
        %dma_wait3A_344 = arith.constant 0 : i32
        %dma_wait3A_345 = tpu.memref_slice %arg13[%dma_wait3A_343, %dma_wait3A_344] : memref<10240x80xf32, #tpu.memory_space<vmem_shared>> -> memref<640x80xf32, #tpu.memory_space<vmem_shared>>
        %dma_wait3A_346 = arith.constant 1920 : i32
        %dma_wait3A_347 = arith.constant 0 : i32
        %dma_wait3A_348 = tpu.memref_slice %arg3[%dma_wait3A_346, %dma_wait3A_347] : memref<10240x80xf32, #tpu.memory_space<hbm>> -> memref<640x80xf32, #tpu.memory_space<hbm>>
        tpu.wait_dma2 semaphore(%run_scoped3A : memref<!tpu.dma_semaphore, #tpu.memory_space<semaphore_mem>>) src(%dma_wait3A_348 : memref<640x80xf32, #tpu.memory_space<hbm>>) dst(%dma_wait3A_345 : memref<640x80xf32, #tpu.memory_space<vmem_shared>>)
        tpu.yield
      }) : () -> ()
    } else {
    }
    %eq3A_156 = arith.constant 1 : i32
    %eq3A_157 = arith.cmpi eq, %arg0, %eq3A_156 : i32
    %eq3A_158 = arith.constant 4 : i32
    %eq3A_159 = arith.cmpi eq, %arg1, %eq3A_158 : i32
    %and3A_160 = arith.andi %eq3A_157, %eq3A_159 : i1
    %convert_element_type3A_161 = arith.extui %and3A_160 : i1 to i32
    %cond3A_162 = arith.constant 0 : i32
    %cond3A_163 = arith.cmpi ne, %convert_element_type3A_161, %cond3A_162 : i32
    scf.if %cond3A_163 {
      "tpu.region"() ({
        %run_scoped3A = tpu.sem_alloc : memref<!tpu.dma_semaphore, #tpu.memory_space<semaphore_mem>>
        %dma_start3A_337 = arith.constant 2560 : i32
        %dma_start3A_338 = arith.constant 0 : i32
        %dma_start3A_339 = tpu.memref_slice %arg13[%dma_start3A_337, %dma_start3A_338] : memref<10240x80xf32, #tpu.memory_space<vmem_shared>> -> memref<640x80xf32, #tpu.memory_space<vmem_shared>>
        %dma_start3A_340 = arith.constant 2560 : i32
        %dma_start3A_341 = arith.constant 0 : i32
        %dma_start3A_342 = tpu.memref_slice %arg3[%dma_start3A_340, %dma_start3A_341] : memref<10240x80xf32, #tpu.memory_space<hbm>> -> memref<640x80xf32, #tpu.memory_space<hbm>>
        tpu.enqueue_dma source(%dma_start3A_342 : memref<640x80xf32, #tpu.memory_space<hbm>>) target(%dma_start3A_339 : memref<640x80xf32, #tpu.memory_space<vmem_shared>>) target_semaphore(%run_scoped3A : memref<!tpu.dma_semaphore, #tpu.memory_space<semaphore_mem>>)
        %dma_wait3A_343 = arith.constant 2560 : i32
        %dma_wait3A_344 = arith.constant 0 : i32
        %dma_wait3A_345 = tpu.memref_slice %arg13[%dma_wait3A_343, %dma_wait3A_344] : memref<10240x80xf32, #tpu.memory_space<vmem_shared>> -> memref<640x80xf32, #tpu.memory_space<vmem_shared>>
        %dma_wait3A_346 = arith.constant 2560 : i32
        %dma_wait3A_347 = arith.constant 0 : i32
        %dma_wait3A_348 = tpu.memref_slice %arg3[%dma_wait3A_346, %dma_wait3A_347] : memref<10240x80xf32, #tpu.memory_space<hbm>> -> memref<640x80xf32, #tpu.memory_space<hbm>>
        tpu.wait_dma2 semaphore(%run_scoped3A : memref<!tpu.dma_semaphore, #tpu.memory_space<semaphore_mem>>) src(%dma_wait3A_348 : memref<640x80xf32, #tpu.memory_space<hbm>>) dst(%dma_wait3A_345 : memref<640x80xf32, #tpu.memory_space<vmem_shared>>)
        tpu.yield
      }) : () -> ()
    } else {
    }
    %eq3A_164 = arith.constant 1 : i32
    %eq3A_165 = arith.cmpi eq, %arg0, %eq3A_164 : i32
    %eq3A_166 = arith.constant 5 : i32
    %eq3A_167 = arith.cmpi eq, %arg1, %eq3A_166 : i32
    %and3A_168 = arith.andi %eq3A_165, %eq3A_167 : i1
    %convert_element_type3A_169 = arith.extui %and3A_168 : i1 to i32
    %cond3A_170 = arith.constant 0 : i32
    %cond3A_171 = arith.cmpi ne, %convert_element_type3A_169, %cond3A_170 : i32
    scf.if %cond3A_171 {
      "tpu.region"() ({
        %run_scoped3A = tpu.sem_alloc : memref<!tpu.dma_semaphore, #tpu.memory_space<semaphore_mem>>
        %dma_start3A_337 = arith.constant 3200 : i32
        %dma_start3A_338 = arith.constant 0 : i32
        %dma_start3A_339 = tpu.memref_slice %arg13[%dma_start3A_337, %dma_start3A_338] : memref<10240x80xf32, #tpu.memory_space<vmem_shared>> -> memref<640x80xf32, #tpu.memory_space<vmem_shared>>
        %dma_start3A_340 = arith.constant 3200 : i32
        %dma_start3A_341 = arith.constant 0 : i32
        %dma_start3A_342 = tpu.memref_slice %arg3[%dma_start3A_340, %dma_start3A_341] : memref<10240x80xf32, #tpu.memory_space<hbm>> -> memref<640x80xf32, #tpu.memory_space<hbm>>
        tpu.enqueue_dma source(%dma_start3A_342 : memref<640x80xf32, #tpu.memory_space<hbm>>) target(%dma_start3A_339 : memref<640x80xf32, #tpu.memory_space<vmem_shared>>) target_semaphore(%run_scoped3A : memref<!tpu.dma_semaphore, #tpu.memory_space<semaphore_mem>>)
        %dma_wait3A_343 = arith.constant 3200 : i32
        %dma_wait3A_344 = arith.constant 0 : i32
        %dma_wait3A_345 = tpu.memref_slice %arg13[%dma_wait3A_343, %dma_wait3A_344] : memref<10240x80xf32, #tpu.memory_space<vmem_shared>> -> memref<640x80xf32, #tpu.memory_space<vmem_shared>>
        %dma_wait3A_346 = arith.constant 3200 : i32
        %dma_wait3A_347 = arith.constant 0 : i32
        %dma_wait3A_348 = tpu.memref_slice %arg3[%dma_wait3A_346, %dma_wait3A_347] : memref<10240x80xf32, #tpu.memory_space<hbm>> -> memref<640x80xf32, #tpu.memory_space<hbm>>
        tpu.wait_dma2 semaphore(%run_scoped3A : memref<!tpu.dma_semaphore, #tpu.memory_space<semaphore_mem>>) src(%dma_wait3A_348 : memref<640x80xf32, #tpu.memory_space<hbm>>) dst(%dma_wait3A_345 : memref<640x80xf32, #tpu.memory_space<vmem_shared>>)
        tpu.yield
      }) : () -> ()
    } else {
    }
    %eq3A_172 = arith.constant 1 : i32
    %eq3A_173 = arith.cmpi eq, %arg0, %eq3A_172 : i32
    %eq3A_174 = arith.constant 6 : i32
    %eq3A_175 = arith.cmpi eq, %arg1, %eq3A_174 : i32
    %and3A_176 = arith.andi %eq3A_173, %eq3A_175 : i1
    %convert_element_type3A_177 = arith.extui %and3A_176 : i1 to i32
    %cond3A_178 = arith.constant 0 : i32
    %cond3A_179 = arith.cmpi ne, %convert_element_type3A_177, %cond3A_178 : i32
    scf.if %cond3A_179 {
      "tpu.region"() ({
        %run_scoped3A = tpu.sem_alloc : memref<!tpu.dma_semaphore, #tpu.memory_space<semaphore_mem>>
        %dma_start3A_337 = arith.constant 3840 : i32
        %dma_start3A_338 = arith.constant 0 : i32
        %dma_start3A_339 = tpu.memref_slice %arg13[%dma_start3A_337, %dma_start3A_338] : memref<10240x80xf32, #tpu.memory_space<vmem_shared>> -> memref<640x80xf32, #tpu.memory_space<vmem_shared>>
        %dma_start3A_340 = arith.constant 3840 : i32
        %dma_start3A_341 = arith.constant 0 : i32
        %dma_start3A_342 = tpu.memref_slice %arg3[%dma_start3A_340, %dma_start3A_341] : memref<10240x80xf32, #tpu.memory_space<hbm>> -> memref<640x80xf32, #tpu.memory_space<hbm>>
        tpu.enqueue_dma source(%dma_start3A_342 : memref<640x80xf32, #tpu.memory_space<hbm>>) target(%dma_start3A_339 : memref<640x80xf32, #tpu.memory_space<vmem_shared>>) target_semaphore(%run_scoped3A : memref<!tpu.dma_semaphore, #tpu.memory_space<semaphore_mem>>)
        %dma_wait3A_343 = arith.constant 3840 : i32
        %dma_wait3A_344 = arith.constant 0 : i32
        %dma_wait3A_345 = tpu.memref_slice %arg13[%dma_wait3A_343, %dma_wait3A_344] : memref<10240x80xf32, #tpu.memory_space<vmem_shared>> -> memref<640x80xf32, #tpu.memory_space<vmem_shared>>
        %dma_wait3A_346 = arith.constant 3840 : i32
        %dma_wait3A_347 = arith.constant 0 : i32
        %dma_wait3A_348 = tpu.memref_slice %arg3[%dma_wait3A_346, %dma_wait3A_347] : memref<10240x80xf32, #tpu.memory_space<hbm>> -> memref<640x80xf32, #tpu.memory_space<hbm>>
        tpu.wait_dma2 semaphore(%run_scoped3A : memref<!tpu.dma_semaphore, #tpu.memory_space<semaphore_mem>>) src(%dma_wait3A_348 : memref<640x80xf32, #tpu.memory_space<hbm>>) dst(%dma_wait3A_345 : memref<640x80xf32, #tpu.memory_space<vmem_shared>>)
        tpu.yield
      }) : () -> ()
    } else {
    }
    %eq3A_180 = arith.constant 1 : i32
    %eq3A_181 = arith.cmpi eq, %arg0, %eq3A_180 : i32
    %eq3A_182 = arith.constant 7 : i32
    %eq3A_183 = arith.cmpi eq, %arg1, %eq3A_182 : i32
    %and3A_184 = arith.andi %eq3A_181, %eq3A_183 : i1
    %convert_element_type3A_185 = arith.extui %and3A_184 : i1 to i32
    %cond3A_186 = arith.constant 0 : i32
    %cond3A_187 = arith.cmpi ne, %convert_element_type3A_185, %cond3A_186 : i32
    scf.if %cond3A_187 {
      "tpu.region"() ({
        %run_scoped3A = tpu.sem_alloc : memref<!tpu.dma_semaphore, #tpu.memory_space<semaphore_mem>>
        %dma_start3A_337 = arith.constant 4480 : i32
        %dma_start3A_338 = arith.constant 0 : i32
        %dma_start3A_339 = tpu.memref_slice %arg13[%dma_start3A_337, %dma_start3A_338] : memref<10240x80xf32, #tpu.memory_space<vmem_shared>> -> memref<640x80xf32, #tpu.memory_space<vmem_shared>>
        %dma_start3A_340 = arith.constant 4480 : i32
        %dma_start3A_341 = arith.constant 0 : i32
        %dma_start3A_342 = tpu.memref_slice %arg3[%dma_start3A_340, %dma_start3A_341] : memref<10240x80xf32, #tpu.memory_space<hbm>> -> memref<640x80xf32, #tpu.memory_space<hbm>>
        tpu.enqueue_dma source(%dma_start3A_342 : memref<640x80xf32, #tpu.memory_space<hbm>>) target(%dma_start3A_339 : memref<640x80xf32, #tpu.memory_space<vmem_shared>>) target_semaphore(%run_scoped3A : memref<!tpu.dma_semaphore, #tpu.memory_space<semaphore_mem>>)
        %dma_wait3A_343 = arith.constant 4480 : i32
        %dma_wait3A_344 = arith.constant 0 : i32
        %dma_wait3A_345 = tpu.memref_slice %arg13[%dma_wait3A_343, %dma_wait3A_344] : memref<10240x80xf32, #tpu.memory_space<vmem_shared>> -> memref<640x80xf32, #tpu.memory_space<vmem_shared>>
        %dma_wait3A_346 = arith.constant 4480 : i32
        %dma_wait3A_347 = arith.constant 0 : i32
        %dma_wait3A_348 = tpu.memref_slice %arg3[%dma_wait3A_346, %dma_wait3A_347] : memref<10240x80xf32, #tpu.memory_space<hbm>> -> memref<640x80xf32, #tpu.memory_space<hbm>>
        tpu.wait_dma2 semaphore(%run_scoped3A : memref<!tpu.dma_semaphore, #tpu.memory_space<semaphore_mem>>) src(%dma_wait3A_348 : memref<640x80xf32, #tpu.memory_space<hbm>>) dst(%dma_wait3A_345 : memref<640x80xf32, #tpu.memory_space<vmem_shared>>)
        tpu.yield
      }) : () -> ()
    } else {
    }
    %eq3A_188 = arith.constant 1 : i32
    %eq3A_189 = arith.cmpi eq, %arg0, %eq3A_188 : i32
    %eq3A_190 = arith.constant 8 : i32
    %eq3A_191 = arith.cmpi eq, %arg1, %eq3A_190 : i32
    %and3A_192 = arith.andi %eq3A_189, %eq3A_191 : i1
    %convert_element_type3A_193 = arith.extui %and3A_192 : i1 to i32
    %cond3A_194 = arith.constant 0 : i32
    %cond3A_195 = arith.cmpi ne, %convert_element_type3A_193, %cond3A_194 : i32
    scf.if %cond3A_195 {
      "tpu.region"() ({
        %run_scoped3A = tpu.sem_alloc : memref<!tpu.dma_semaphore, #tpu.memory_space<semaphore_mem>>
        %dma_start3A_337 = arith.constant 5120 : i32
        %dma_start3A_338 = arith.constant 0 : i32
        %dma_start3A_339 = tpu.memref_slice %arg13[%dma_start3A_337, %dma_start3A_338] : memref<10240x80xf32, #tpu.memory_space<vmem_shared>> -> memref<640x80xf32, #tpu.memory_space<vmem_shared>>
        %dma_start3A_340 = arith.constant 5120 : i32
        %dma_start3A_341 = arith.constant 0 : i32
        %dma_start3A_342 = tpu.memref_slice %arg3[%dma_start3A_340, %dma_start3A_341] : memref<10240x80xf32, #tpu.memory_space<hbm>> -> memref<640x80xf32, #tpu.memory_space<hbm>>
        tpu.enqueue_dma source(%dma_start3A_342 : memref<640x80xf32, #tpu.memory_space<hbm>>) target(%dma_start3A_339 : memref<640x80xf32, #tpu.memory_space<vmem_shared>>) target_semaphore(%run_scoped3A : memref<!tpu.dma_semaphore, #tpu.memory_space<semaphore_mem>>)
        %dma_wait3A_343 = arith.constant 5120 : i32
        %dma_wait3A_344 = arith.constant 0 : i32
        %dma_wait3A_345 = tpu.memref_slice %arg13[%dma_wait3A_343, %dma_wait3A_344] : memref<10240x80xf32, #tpu.memory_space<vmem_shared>> -> memref<640x80xf32, #tpu.memory_space<vmem_shared>>
        %dma_wait3A_346 = arith.constant 5120 : i32
        %dma_wait3A_347 = arith.constant 0 : i32
        %dma_wait3A_348 = tpu.memref_slice %arg3[%dma_wait3A_346, %dma_wait3A_347] : memref<10240x80xf32, #tpu.memory_space<hbm>> -> memref<640x80xf32, #tpu.memory_space<hbm>>
        tpu.wait_dma2 semaphore(%run_scoped3A : memref<!tpu.dma_semaphore, #tpu.memory_space<semaphore_mem>>) src(%dma_wait3A_348 : memref<640x80xf32, #tpu.memory_space<hbm>>) dst(%dma_wait3A_345 : memref<640x80xf32, #tpu.memory_space<vmem_shared>>)
        tpu.yield
      }) : () -> ()
    } else {
    }
    %eq3A_196 = arith.constant 1 : i32
    %eq3A_197 = arith.cmpi eq, %arg0, %eq3A_196 : i32
    %eq3A_198 = arith.constant 9 : i32
    %eq3A_199 = arith.cmpi eq, %arg1, %eq3A_198 : i32
    %and3A_200 = arith.andi %eq3A_197, %eq3A_199 : i1
    %convert_element_type3A_201 = arith.extui %and3A_200 : i1 to i32
    %cond3A_202 = arith.constant 0 : i32
    %cond3A_203 = arith.cmpi ne, %convert_element_type3A_201, %cond3A_202 : i32
    scf.if %cond3A_203 {
      "tpu.region"() ({
        %run_scoped3A = tpu.sem_alloc : memref<!tpu.dma_semaphore, #tpu.memory_space<semaphore_mem>>
        %dma_start3A_337 = arith.constant 5760 : i32
        %dma_start3A_338 = arith.constant 0 : i32
        %dma_start3A_339 = tpu.memref_slice %arg13[%dma_start3A_337, %dma_start3A_338] : memref<10240x80xf32, #tpu.memory_space<vmem_shared>> -> memref<640x80xf32, #tpu.memory_space<vmem_shared>>
        %dma_start3A_340 = arith.constant 5760 : i32
        %dma_start3A_341 = arith.constant 0 : i32
        %dma_start3A_342 = tpu.memref_slice %arg3[%dma_start3A_340, %dma_start3A_341] : memref<10240x80xf32, #tpu.memory_space<hbm>> -> memref<640x80xf32, #tpu.memory_space<hbm>>
        tpu.enqueue_dma source(%dma_start3A_342 : memref<640x80xf32, #tpu.memory_space<hbm>>) target(%dma_start3A_339 : memref<640x80xf32, #tpu.memory_space<vmem_shared>>) target_semaphore(%run_scoped3A : memref<!tpu.dma_semaphore, #tpu.memory_space<semaphore_mem>>)
        %dma_wait3A_343 = arith.constant 5760 : i32
        %dma_wait3A_344 = arith.constant 0 : i32
        %dma_wait3A_345 = tpu.memref_slice %arg13[%dma_wait3A_343, %dma_wait3A_344] : memref<10240x80xf32, #tpu.memory_space<vmem_shared>> -> memref<640x80xf32, #tpu.memory_space<vmem_shared>>
        %dma_wait3A_346 = arith.constant 5760 : i32
        %dma_wait3A_347 = arith.constant 0 : i32
        %dma_wait3A_348 = tpu.memref_slice %arg3[%dma_wait3A_346, %dma_wait3A_347] : memref<10240x80xf32, #tpu.memory_space<hbm>> -> memref<640x80xf32, #tpu.memory_space<hbm>>
        tpu.wait_dma2 semaphore(%run_scoped3A : memref<!tpu.dma_semaphore, #tpu.memory_space<semaphore_mem>>) src(%dma_wait3A_348 : memref<640x80xf32, #tpu.memory_space<hbm>>) dst(%dma_wait3A_345 : memref<640x80xf32, #tpu.memory_space<vmem_shared>>)
        tpu.yield
      }) : () -> ()
    } else {
    }
    %eq3A_204 = arith.constant 1 : i32
    %eq3A_205 = arith.cmpi eq, %arg0, %eq3A_204 : i32
    %eq3A_206 = arith.constant 10 : i32
    %eq3A_207 = arith.cmpi eq, %arg1, %eq3A_206 : i32
    %and3A_208 = arith.andi %eq3A_205, %eq3A_207 : i1
    %convert_element_type3A_209 = arith.extui %and3A_208 : i1 to i32
    %cond3A_210 = arith.constant 0 : i32
    %cond3A_211 = arith.cmpi ne, %convert_element_type3A_209, %cond3A_210 : i32
    scf.if %cond3A_211 {
      "tpu.region"() ({
        %run_scoped3A = tpu.sem_alloc : memref<!tpu.dma_semaphore, #tpu.memory_space<semaphore_mem>>
        %dma_start3A_337 = arith.constant 6400 : i32
        %dma_start3A_338 = arith.constant 0 : i32
        %dma_start3A_339 = tpu.memref_slice %arg13[%dma_start3A_337, %dma_start3A_338] : memref<10240x80xf32, #tpu.memory_space<vmem_shared>> -> memref<640x80xf32, #tpu.memory_space<vmem_shared>>
        %dma_start3A_340 = arith.constant 6400 : i32
        %dma_start3A_341 = arith.constant 0 : i32
        %dma_start3A_342 = tpu.memref_slice %arg3[%dma_start3A_340, %dma_start3A_341] : memref<10240x80xf32, #tpu.memory_space<hbm>> -> memref<640x80xf32, #tpu.memory_space<hbm>>
        tpu.enqueue_dma source(%dma_start3A_342 : memref<640x80xf32, #tpu.memory_space<hbm>>) target(%dma_start3A_339 : memref<640x80xf32, #tpu.memory_space<vmem_shared>>) target_semaphore(%run_scoped3A : memref<!tpu.dma_semaphore, #tpu.memory_space<semaphore_mem>>)
        %dma_wait3A_343 = arith.constant 6400 : i32
        %dma_wait3A_344 = arith.constant 0 : i32
        %dma_wait3A_345 = tpu.memref_slice %arg13[%dma_wait3A_343, %dma_wait3A_344] : memref<10240x80xf32, #tpu.memory_space<vmem_shared>> -> memref<640x80xf32, #tpu.memory_space<vmem_shared>>
        %dma_wait3A_346 = arith.constant 6400 : i32
        %dma_wait3A_347 = arith.constant 0 : i32
        %dma_wait3A_348 = tpu.memref_slice %arg3[%dma_wait3A_346, %dma_wait3A_347] : memref<10240x80xf32, #tpu.memory_space<hbm>> -> memref<640x80xf32, #tpu.memory_space<hbm>>
        tpu.wait_dma2 semaphore(%run_scoped3A : memref<!tpu.dma_semaphore, #tpu.memory_space<semaphore_mem>>) src(%dma_wait3A_348 : memref<640x80xf32, #tpu.memory_space<hbm>>) dst(%dma_wait3A_345 : memref<640x80xf32, #tpu.memory_space<vmem_shared>>)
        tpu.yield
      }) : () -> ()
    } else {
    }
    %eq3A_212 = arith.constant 1 : i32
    %eq3A_213 = arith.cmpi eq, %arg0, %eq3A_212 : i32
    %eq3A_214 = arith.constant 11 : i32
    %eq3A_215 = arith.cmpi eq, %arg1, %eq3A_214 : i32
    %and3A_216 = arith.andi %eq3A_213, %eq3A_215 : i1
    %convert_element_type3A_217 = arith.extui %and3A_216 : i1 to i32
    %cond3A_218 = arith.constant 0 : i32
    %cond3A_219 = arith.cmpi ne, %convert_element_type3A_217, %cond3A_218 : i32
    scf.if %cond3A_219 {
      "tpu.region"() ({
        %run_scoped3A = tpu.sem_alloc : memref<!tpu.dma_semaphore, #tpu.memory_space<semaphore_mem>>
        %dma_start3A_337 = arith.constant 7040 : i32
        %dma_start3A_338 = arith.constant 0 : i32
        %dma_start3A_339 = tpu.memref_slice %arg13[%dma_start3A_337, %dma_start3A_338] : memref<10240x80xf32, #tpu.memory_space<vmem_shared>> -> memref<640x80xf32, #tpu.memory_space<vmem_shared>>
        %dma_start3A_340 = arith.constant 7040 : i32
        %dma_start3A_341 = arith.constant 0 : i32
        %dma_start3A_342 = tpu.memref_slice %arg3[%dma_start3A_340, %dma_start3A_341] : memref<10240x80xf32, #tpu.memory_space<hbm>> -> memref<640x80xf32, #tpu.memory_space<hbm>>
        tpu.enqueue_dma source(%dma_start3A_342 : memref<640x80xf32, #tpu.memory_space<hbm>>) target(%dma_start3A_339 : memref<640x80xf32, #tpu.memory_space<vmem_shared>>) target_semaphore(%run_scoped3A : memref<!tpu.dma_semaphore, #tpu.memory_space<semaphore_mem>>)
        %dma_wait3A_343 = arith.constant 7040 : i32
        %dma_wait3A_344 = arith.constant 0 : i32
        %dma_wait3A_345 = tpu.memref_slice %arg13[%dma_wait3A_343, %dma_wait3A_344] : memref<10240x80xf32, #tpu.memory_space<vmem_shared>> -> memref<640x80xf32, #tpu.memory_space<vmem_shared>>
        %dma_wait3A_346 = arith.constant 7040 : i32
        %dma_wait3A_347 = arith.constant 0 : i32
        %dma_wait3A_348 = tpu.memref_slice %arg3[%dma_wait3A_346, %dma_wait3A_347] : memref<10240x80xf32, #tpu.memory_space<hbm>> -> memref<640x80xf32, #tpu.memory_space<hbm>>
        tpu.wait_dma2 semaphore(%run_scoped3A : memref<!tpu.dma_semaphore, #tpu.memory_space<semaphore_mem>>) src(%dma_wait3A_348 : memref<640x80xf32, #tpu.memory_space<hbm>>) dst(%dma_wait3A_345 : memref<640x80xf32, #tpu.memory_space<vmem_shared>>)
        tpu.yield
      }) : () -> ()
    } else {
    }
    %eq3A_220 = arith.constant 1 : i32
    %eq3A_221 = arith.cmpi eq, %arg0, %eq3A_220 : i32
    %eq3A_222 = arith.constant 12 : i32
    %eq3A_223 = arith.cmpi eq, %arg1, %eq3A_222 : i32
    %and3A_224 = arith.andi %eq3A_221, %eq3A_223 : i1
    %convert_element_type3A_225 = arith.extui %and3A_224 : i1 to i32
    %cond3A_226 = arith.constant 0 : i32
    %cond3A_227 = arith.cmpi ne, %convert_element_type3A_225, %cond3A_226 : i32
    scf.if %cond3A_227 {
      "tpu.region"() ({
        %run_scoped3A = tpu.sem_alloc : memref<!tpu.dma_semaphore, #tpu.memory_space<semaphore_mem>>
        %dma_start3A_337 = arith.constant 7680 : i32
        %dma_start3A_338 = arith.constant 0 : i32
        %dma_start3A_339 = tpu.memref_slice %arg13[%dma_start3A_337, %dma_start3A_338] : memref<10240x80xf32, #tpu.memory_space<vmem_shared>> -> memref<640x80xf32, #tpu.memory_space<vmem_shared>>
        %dma_start3A_340 = arith.constant 7680 : i32
        %dma_start3A_341 = arith.constant 0 : i32
        %dma_start3A_342 = tpu.memref_slice %arg3[%dma_start3A_340, %dma_start3A_341] : memref<10240x80xf32, #tpu.memory_space<hbm>> -> memref<640x80xf32, #tpu.memory_space<hbm>>
        tpu.enqueue_dma source(%dma_start3A_342 : memref<640x80xf32, #tpu.memory_space<hbm>>) target(%dma_start3A_339 : memref<640x80xf32, #tpu.memory_space<vmem_shared>>) target_semaphore(%run_scoped3A : memref<!tpu.dma_semaphore, #tpu.memory_space<semaphore_mem>>)
        %dma_wait3A_343 = arith.constant 7680 : i32
        %dma_wait3A_344 = arith.constant 0 : i32
        %dma_wait3A_345 = tpu.memref_slice %arg13[%dma_wait3A_343, %dma_wait3A_344] : memref<10240x80xf32, #tpu.memory_space<vmem_shared>> -> memref<640x80xf32, #tpu.memory_space<vmem_shared>>
        %dma_wait3A_346 = arith.constant 7680 : i32
        %dma_wait3A_347 = arith.constant 0 : i32
        %dma_wait3A_348 = tpu.memref_slice %arg3[%dma_wait3A_346, %dma_wait3A_347] : memref<10240x80xf32, #tpu.memory_space<hbm>> -> memref<640x80xf32, #tpu.memory_space<hbm>>
        tpu.wait_dma2 semaphore(%run_scoped3A : memref<!tpu.dma_semaphore, #tpu.memory_space<semaphore_mem>>) src(%dma_wait3A_348 : memref<640x80xf32, #tpu.memory_space<hbm>>) dst(%dma_wait3A_345 : memref<640x80xf32, #tpu.memory_space<vmem_shared>>)
        tpu.yield
      }) : () -> ()
    } else {
    }
    %eq3A_228 = arith.constant 1 : i32
    %eq3A_229 = arith.cmpi eq, %arg0, %eq3A_228 : i32
    %eq3A_230 = arith.constant 13 : i32
    %eq3A_231 = arith.cmpi eq, %arg1, %eq3A_230 : i32
    %and3A_232 = arith.andi %eq3A_229, %eq3A_231 : i1
    %convert_element_type3A_233 = arith.extui %and3A_232 : i1 to i32
    %cond3A_234 = arith.constant 0 : i32
    %cond3A_235 = arith.cmpi ne, %convert_element_type3A_233, %cond3A_234 : i32
    scf.if %cond3A_235 {
      "tpu.region"() ({
        %run_scoped3A = tpu.sem_alloc : memref<!tpu.dma_semaphore, #tpu.memory_space<semaphore_mem>>
        %dma_start3A_337 = arith.constant 8320 : i32
        %dma_start3A_338 = arith.constant 0 : i32
        %dma_start3A_339 = tpu.memref_slice %arg13[%dma_start3A_337, %dma_start3A_338] : memref<10240x80xf32, #tpu.memory_space<vmem_shared>> -> memref<640x80xf32, #tpu.memory_space<vmem_shared>>
        %dma_start3A_340 = arith.constant 8320 : i32
        %dma_start3A_341 = arith.constant 0 : i32
        %dma_start3A_342 = tpu.memref_slice %arg3[%dma_start3A_340, %dma_start3A_341] : memref<10240x80xf32, #tpu.memory_space<hbm>> -> memref<640x80xf32, #tpu.memory_space<hbm>>
        tpu.enqueue_dma source(%dma_start3A_342 : memref<640x80xf32, #tpu.memory_space<hbm>>) target(%dma_start3A_339 : memref<640x80xf32, #tpu.memory_space<vmem_shared>>) target_semaphore(%run_scoped3A : memref<!tpu.dma_semaphore, #tpu.memory_space<semaphore_mem>>)
        %dma_wait3A_343 = arith.constant 8320 : i32
        %dma_wait3A_344 = arith.constant 0 : i32
        %dma_wait3A_345 = tpu.memref_slice %arg13[%dma_wait3A_343, %dma_wait3A_344] : memref<10240x80xf32, #tpu.memory_space<vmem_shared>> -> memref<640x80xf32, #tpu.memory_space<vmem_shared>>
        %dma_wait3A_346 = arith.constant 8320 : i32
        %dma_wait3A_347 = arith.constant 0 : i32
        %dma_wait3A_348 = tpu.memref_slice %arg3[%dma_wait3A_346, %dma_wait3A_347] : memref<10240x80xf32, #tpu.memory_space<hbm>> -> memref<640x80xf32, #tpu.memory_space<hbm>>
        tpu.wait_dma2 semaphore(%run_scoped3A : memref<!tpu.dma_semaphore, #tpu.memory_space<semaphore_mem>>) src(%dma_wait3A_348 : memref<640x80xf32, #tpu.memory_space<hbm>>) dst(%dma_wait3A_345 : memref<640x80xf32, #tpu.memory_space<vmem_shared>>)
        tpu.yield
      }) : () -> ()
    } else {
    }
    %eq3A_236 = arith.constant 1 : i32
    %eq3A_237 = arith.cmpi eq, %arg0, %eq3A_236 : i32
    %eq3A_238 = arith.constant 14 : i32
    %eq3A_239 = arith.cmpi eq, %arg1, %eq3A_238 : i32
    %and3A_240 = arith.andi %eq3A_237, %eq3A_239 : i1
    %convert_element_type3A_241 = arith.extui %and3A_240 : i1 to i32
    %cond3A_242 = arith.constant 0 : i32
    %cond3A_243 = arith.cmpi ne, %convert_element_type3A_241, %cond3A_242 : i32
    scf.if %cond3A_243 {
      "tpu.region"() ({
        %run_scoped3A = tpu.sem_alloc : memref<!tpu.dma_semaphore, #tpu.memory_space<semaphore_mem>>
        %dma_start3A_337 = arith.constant 8960 : i32
        %dma_start3A_338 = arith.constant 0 : i32
        %dma_start3A_339 = tpu.memref_slice %arg13[%dma_start3A_337, %dma_start3A_338] : memref<10240x80xf32, #tpu.memory_space<vmem_shared>> -> memref<640x80xf32, #tpu.memory_space<vmem_shared>>
        %dma_start3A_340 = arith.constant 8960 : i32
        %dma_start3A_341 = arith.constant 0 : i32
        %dma_start3A_342 = tpu.memref_slice %arg3[%dma_start3A_340, %dma_start3A_341] : memref<10240x80xf32, #tpu.memory_space<hbm>> -> memref<640x80xf32, #tpu.memory_space<hbm>>
        tpu.enqueue_dma source(%dma_start3A_342 : memref<640x80xf32, #tpu.memory_space<hbm>>) target(%dma_start3A_339 : memref<640x80xf32, #tpu.memory_space<vmem_shared>>) target_semaphore(%run_scoped3A : memref<!tpu.dma_semaphore, #tpu.memory_space<semaphore_mem>>)
        %dma_wait3A_343 = arith.constant 8960 : i32
        %dma_wait3A_344 = arith.constant 0 : i32
        %dma_wait3A_345 = tpu.memref_slice %arg13[%dma_wait3A_343, %dma_wait3A_344] : memref<10240x80xf32, #tpu.memory_space<vmem_shared>> -> memref<640x80xf32, #tpu.memory_space<vmem_shared>>
        %dma_wait3A_346 = arith.constant 8960 : i32
        %dma_wait3A_347 = arith.constant 0 : i32
        %dma_wait3A_348 = tpu.memref_slice %arg3[%dma_wait3A_346, %dma_wait3A_347] : memref<10240x80xf32, #tpu.memory_space<hbm>> -> memref<640x80xf32, #tpu.memory_space<hbm>>
        tpu.wait_dma2 semaphore(%run_scoped3A : memref<!tpu.dma_semaphore, #tpu.memory_space<semaphore_mem>>) src(%dma_wait3A_348 : memref<640x80xf32, #tpu.memory_space<hbm>>) dst(%dma_wait3A_345 : memref<640x80xf32, #tpu.memory_space<vmem_shared>>)
        tpu.yield
      }) : () -> ()
    } else {
    }
    %eq3A_244 = arith.constant 1 : i32
    %eq3A_245 = arith.cmpi eq, %arg0, %eq3A_244 : i32
    %eq3A_246 = arith.constant 15 : i32
    %eq3A_247 = arith.cmpi eq, %arg1, %eq3A_246 : i32
    %and3A_248 = arith.andi %eq3A_245, %eq3A_247 : i1
    %convert_element_type3A_249 = arith.extui %and3A_248 : i1 to i32
    %cond3A_250 = arith.constant 0 : i32
    %cond3A_251 = arith.cmpi ne, %convert_element_type3A_249, %cond3A_250 : i32
    scf.if %cond3A_251 {
      "tpu.region"() ({
        %run_scoped3A = tpu.sem_alloc : memref<!tpu.dma_semaphore, #tpu.memory_space<semaphore_mem>>
        %dma_start3A_337 = arith.constant 9600 : i32
        %dma_start3A_338 = arith.constant 0 : i32
        %dma_start3A_339 = tpu.memref_slice %arg13[%dma_start3A_337, %dma_start3A_338] : memref<10240x80xf32, #tpu.memory_space<vmem_shared>> -> memref<640x80xf32, #tpu.memory_space<vmem_shared>>
        %dma_start3A_340 = arith.constant 9600 : i32
        %dma_start3A_341 = arith.constant 0 : i32
        %dma_start3A_342 = tpu.memref_slice %arg3[%dma_start3A_340, %dma_start3A_341] : memref<10240x80xf32, #tpu.memory_space<hbm>> -> memref<640x80xf32, #tpu.memory_space<hbm>>
        tpu.enqueue_dma source(%dma_start3A_342 : memref<640x80xf32, #tpu.memory_space<hbm>>) target(%dma_start3A_339 : memref<640x80xf32, #tpu.memory_space<vmem_shared>>) target_semaphore(%run_scoped3A : memref<!tpu.dma_semaphore, #tpu.memory_space<semaphore_mem>>)
        %dma_wait3A_343 = arith.constant 9600 : i32
        %dma_wait3A_344 = arith.constant 0 : i32
        %dma_wait3A_345 = tpu.memref_slice %arg13[%dma_wait3A_343, %dma_wait3A_344] : memref<10240x80xf32, #tpu.memory_space<vmem_shared>> -> memref<640x80xf32, #tpu.memory_space<vmem_shared>>
        %dma_wait3A_346 = arith.constant 9600 : i32
        %dma_wait3A_347 = arith.constant 0 : i32
        %dma_wait3A_348 = tpu.memref_slice %arg3[%dma_wait3A_346, %dma_wait3A_347] : memref<10240x80xf32, #tpu.memory_space<hbm>> -> memref<640x80xf32, #tpu.memory_space<hbm>>
        tpu.wait_dma2 semaphore(%run_scoped3A : memref<!tpu.dma_semaphore, #tpu.memory_space<semaphore_mem>>) src(%dma_wait3A_348 : memref<640x80xf32, #tpu.memory_space<hbm>>) dst(%dma_wait3A_345 : memref<640x80xf32, #tpu.memory_space<vmem_shared>>)
        tpu.yield
      }) : () -> ()
    } else {
    }
    %broadcast_in_dim3A = arith.constant 0.000000e+00 : f32
    %broadcast_in_dim3A_252 = vector.broadcast %broadcast_in_dim3A : f32 to vector<16xf32>
    %scan3A = arith.constant 0 : i32
    %scan3A_253 = arith.constant 0 : i32
    %scan3A_254 = arith.constant 128 : i32
    %scan3A_255 = arith.addi %scan3A_253, %scan3A_254 : i32
    %scan3A_256 = arith.constant 1 : i32
    scf.for %scan3A_337 = %scan3A_253 to %scan3A_255 step %scan3A_256  : i32 {
      %swap3A = arith.index_cast %scan3A_337 : i32 to index
      %swap3A_338 = arith.constant 0 : index
      %swap3A_339 = tpu.vector_load %arg7[%swap3A, %swap3A_338] {strides = array<i32>} : memref<128x80xf32, #tpu.memory_space<vmem>>, vector<1x16xf32>,
      %swap3A_340 = vector.shape_cast %swap3A_339 : vector<1x16xf32> to vector<16xf32>
      %swap3A_341 = vector.shape_cast %broadcast_in_dim3A_252 : vector<16xf32> to vector<1x16xf32>
      tpu.vector_store %arg7[%swap3A, %swap3A_338], %swap3A_341 {strides = array<i32>} : memref<128x80xf32, #tpu.memory_space<vmem>>, vector<1x16xf32>,
      %swap3A_342 = arith.index_cast %scan3A_337 : i32 to index
      %swap3A_343 = arith.constant 16 : index
      %swap3A_344 = tpu.vector_load %arg7[%swap3A_342, %swap3A_343] {strides = array<i32>} : memref<128x80xf32, #tpu.memory_space<vmem>>, vector<1x16xf32>,
      %swap3A_345 = vector.shape_cast %swap3A_344 : vector<1x16xf32> to vector<16xf32>
      %swap3A_346 = vector.shape_cast %broadcast_in_dim3A_252 : vector<16xf32> to vector<1x16xf32>
      tpu.vector_store %arg7[%swap3A_342, %swap3A_343], %swap3A_346 {strides = array<i32>} : memref<128x80xf32, #tpu.memory_space<vmem>>, vector<1x16xf32>,
      %swap3A_347 = arith.index_cast %scan3A_337 : i32 to index
      %swap3A_348 = arith.constant 32 : index
      %swap3A_349 = tpu.vector_load %arg7[%swap3A_347, %swap3A_348] {strides = array<i32>} : memref<128x80xf32, #tpu.memory_space<vmem>>, vector<1x16xf32>,
      %swap3A_350 = vector.shape_cast %swap3A_349 : vector<1x16xf32> to vector<16xf32>
      %swap3A_351 = vector.shape_cast %broadcast_in_dim3A_252 : vector<16xf32> to vector<1x16xf32>
      tpu.vector_store %arg7[%swap3A_347, %swap3A_348], %swap3A_351 {strides = array<i32>} : memref<128x80xf32, #tpu.memory_space<vmem>>, vector<1x16xf32>,
      %swap3A_352 = arith.index_cast %scan3A_337 : i32 to index
      %swap3A_353 = arith.constant 48 : index
      %swap3A_354 = tpu.vector_load %arg7[%swap3A_352, %swap3A_353] {strides = array<i32>} : memref<128x80xf32, #tpu.memory_space<vmem>>, vector<1x16xf32>,
      %swap3A_355 = vector.shape_cast %swap3A_354 : vector<1x16xf32> to vector<16xf32>
      %swap3A_356 = vector.shape_cast %broadcast_in_dim3A_252 : vector<16xf32> to vector<1x16xf32>
      tpu.vector_store %arg7[%swap3A_352, %swap3A_353], %swap3A_356 {strides = array<i32>} : memref<128x80xf32, #tpu.memory_space<vmem>>, vector<1x16xf32>,
      %swap3A_357 = arith.index_cast %scan3A_337 : i32 to index
      %swap3A_358 = arith.constant 64 : index
      %swap3A_359 = tpu.vector_load %arg7[%swap3A_357, %swap3A_358] {strides = array<i32>} : memref<128x80xf32, #tpu.memory_space<vmem>>, vector<1x16xf32>,
      %swap3A_360 = vector.shape_cast %swap3A_359 : vector<1x16xf32> to vector<16xf32>
      %swap3A_361 = vector.shape_cast %broadcast_in_dim3A_252 : vector<16xf32> to vector<1x16xf32>
      tpu.vector_store %arg7[%swap3A_357, %swap3A_358], %swap3A_361 {strides = array<i32>} : memref<128x80xf32, #tpu.memory_space<vmem>>, vector<1x16xf32>,
    }
    %scan3A_257 = arith.constant 128 : i32
    %mul3A = arith.constant 640 : i32
    %mul3A_258 = arith.muli %arg1, %mul3A : i32
    %add3A = arith.constant 0 : i32
    %add3A_259 = arith.addi %mul3A_258, %add3A : i32
    "tpu.region"() ({
      %run_scoped3A = tpu.sem_alloc : memref<!tpu.dma_semaphore, #tpu.memory_space<semaphore_mem>>
      %dma_start3A_337 = arith.constant 0 : i32
      %dma_start3A_338 = tpu.memref_slice %arg14[%add3A_259, %dma_start3A_337] : memref<10240x80xf32, #tpu.memory_space<vmem_shared>> -> memref<128x80xf32, #tpu.memory_space<vmem_shared>>
      %dma_start3A_339 = arith.constant 0 : i32
      %dma_start3A_340 = tpu.memref_slice %arg14[%add3A_259, %dma_start3A_339] : memref<10240x80xf32, #tpu.memory_space<vmem_shared>> -> memref<128x80xf32, #tpu.memory_space<vmem_shared>>
      tpu.enqueue_dma source(%arg7 : memref<128x80xf32, #tpu.memory_space<vmem>>) target(%dma_start3A_340 : memref<128x80xf32, #tpu.memory_space<vmem_shared>>) target_semaphore(%run_scoped3A : memref<!tpu.dma_semaphore, #tpu.memory_space<semaphore_mem>>)
      %dma_wait3A_341 = arith.constant 0 : i32
      %dma_wait3A_342 = tpu.memref_slice %arg14[%add3A_259, %dma_wait3A_341] : memref<10240x80xf32, #tpu.memory_space<vmem_shared>> -> memref<128x80xf32, #tpu.memory_space<vmem_shared>>
      %dma_wait3A_343 = arith.constant 0 : i32
      %dma_wait3A_344 = tpu.memref_slice %arg14[%add3A_259, %dma_wait3A_343] : memref<10240x80xf32, #tpu.memory_space<vmem_shared>> -> memref<128x80xf32, #tpu.memory_space<vmem_shared>>
      tpu.wait_dma2 semaphore(%run_scoped3A : memref<!tpu.dma_semaphore, #tpu.memory_space<semaphore_mem>>) src(%arg7 : memref<128x80xf32, #tpu.memory_space<vmem>>) dst(%dma_wait3A_344 : memref<128x80xf32, #tpu.memory_space<vmem_shared>>)
      tpu.yield
    }) : () -> ()
    %mul3A_260 = arith.constant 640 : i32
    %mul3A_261 = arith.muli %arg1, %mul3A_260 : i32
    %add3A_262 = arith.constant 128 : i32
    %add3A_263 = arith.addi %mul3A_261, %add3A_262 : i32
    "tpu.region"() ({
      %run_scoped3A = tpu.sem_alloc : memref<!tpu.dma_semaphore, #tpu.memory_space<semaphore_mem>>
      %dma_start3A_337 = arith.constant 0 : i32
      %dma_start3A_338 = tpu.memref_slice %arg14[%add3A_263, %dma_start3A_337] : memref<10240x80xf32, #tpu.memory_space<vmem_shared>> -> memref<128x80xf32, #tpu.memory_space<vmem_shared>>
      %dma_start3A_339 = arith.constant 0 : i32
      %dma_start3A_340 = tpu.memref_slice %arg14[%add3A_263, %dma_start3A_339] : memref<10240x80xf32, #tpu.memory_space<vmem_shared>> -> memref<128x80xf32, #tpu.memory_space<vmem_shared>>
      tpu.enqueue_dma source(%arg7 : memref<128x80xf32, #tpu.memory_space<vmem>>) target(%dma_start3A_340 : memref<128x80xf32, #tpu.memory_space<vmem_shared>>) target_semaphore(%run_scoped3A : memref<!tpu.dma_semaphore, #tpu.memory_space<semaphore_mem>>)
      %dma_wait3A_341 = arith.constant 0 : i32
      %dma_wait3A_342 = tpu.memref_slice %arg14[%add3A_263, %dma_wait3A_341] : memref<10240x80xf32, #tpu.memory_space<vmem_shared>> -> memref<128x80xf32, #tpu.memory_space<vmem_shared>>
      %dma_wait3A_343 = arith.constant 0 : i32
      %dma_wait3A_344 = tpu.memref_slice %arg14[%add3A_263, %dma_wait3A_343] : memref<10240x80xf32, #tpu.memory_space<vmem_shared>> -> memref<128x80xf32, #tpu.memory_space<vmem_shared>>
      tpu.wait_dma2 semaphore(%run_scoped3A : memref<!tpu.dma_semaphore, #tpu.memory_space<semaphore_mem>>) src(%arg7 : memref<128x80xf32, #tpu.memory_space<vmem>>) dst(%dma_wait3A_344 : memref<128x80xf32, #tpu.memory_space<vmem_shared>>)
      tpu.yield
    }) : () -> ()
    %mul3A_264 = arith.constant 640 : i32
    %mul3A_265 = arith.muli %arg1, %mul3A_264 : i32
    %add3A_266 = arith.constant 256 : i32
    %add3A_267 = arith.addi %mul3A_265, %add3A_266 : i32
    "tpu.region"() ({
      %run_scoped3A = tpu.sem_alloc : memref<!tpu.dma_semaphore, #tpu.memory_space<semaphore_mem>>
      %dma_start3A_337 = arith.constant 0 : i32
      %dma_start3A_338 = tpu.memref_slice %arg14[%add3A_267, %dma_start3A_337] : memref<10240x80xf32, #tpu.memory_space<vmem_shared>> -> memref<128x80xf32, #tpu.memory_space<vmem_shared>>
      %dma_start3A_339 = arith.constant 0 : i32
      %dma_start3A_340 = tpu.memref_slice %arg14[%add3A_267, %dma_start3A_339] : memref<10240x80xf32, #tpu.memory_space<vmem_shared>> -> memref<128x80xf32, #tpu.memory_space<vmem_shared>>
      tpu.enqueue_dma source(%arg7 : memref<128x80xf32, #tpu.memory_space<vmem>>) target(%dma_start3A_340 : memref<128x80xf32, #tpu.memory_space<vmem_shared>>) target_semaphore(%run_scoped3A : memref<!tpu.dma_semaphore, #tpu.memory_space<semaphore_mem>>)
      %dma_wait3A_341 = arith.constant 0 : i32
      %dma_wait3A_342 = tpu.memref_slice %arg14[%add3A_267, %dma_wait3A_341] : memref<10240x80xf32, #tpu.memory_space<vmem_shared>> -> memref<128x80xf32, #tpu.memory_space<vmem_shared>>
      %dma_wait3A_343 = arith.constant 0 : i32
      %dma_wait3A_344 = tpu.memref_slice %arg14[%add3A_267, %dma_wait3A_343] : memref<10240x80xf32, #tpu.memory_space<vmem_shared>> -> memref<128x80xf32, #tpu.memory_space<vmem_shared>>
      tpu.wait_dma2 semaphore(%run_scoped3A : memref<!tpu.dma_semaphore, #tpu.memory_space<semaphore_mem>>) src(%arg7 : memref<128x80xf32, #tpu.memory_space<vmem>>) dst(%dma_wait3A_344 : memref<128x80xf32, #tpu.memory_space<vmem_shared>>)
      tpu.yield
    }) : () -> ()
    %mul3A_268 = arith.constant 640 : i32
    %mul3A_269 = arith.muli %arg1, %mul3A_268 : i32
    %add3A_270 = arith.constant 384 : i32
    %add3A_271 = arith.addi %mul3A_269, %add3A_270 : i32
    "tpu.region"() ({
      %run_scoped3A = tpu.sem_alloc : memref<!tpu.dma_semaphore, #tpu.memory_space<semaphore_mem>>
      %dma_start3A_337 = arith.constant 0 : i32
      %dma_start3A_338 = tpu.memref_slice %arg14[%add3A_271, %dma_start3A_337] : memref<10240x80xf32, #tpu.memory_space<vmem_shared>> -> memref<128x80xf32, #tpu.memory_space<vmem_shared>>
      %dma_start3A_339 = arith.constant 0 : i32
      %dma_start3A_340 = tpu.memref_slice %arg14[%add3A_271, %dma_start3A_339] : memref<10240x80xf32, #tpu.memory_space<vmem_shared>> -> memref<128x80xf32, #tpu.memory_space<vmem_shared>>
      tpu.enqueue_dma source(%arg7 : memref<128x80xf32, #tpu.memory_space<vmem>>) target(%dma_start3A_340 : memref<128x80xf32, #tpu.memory_space<vmem_shared>>) target_semaphore(%run_scoped3A : memref<!tpu.dma_semaphore, #tpu.memory_space<semaphore_mem>>)
      %dma_wait3A_341 = arith.constant 0 : i32
      %dma_wait3A_342 = tpu.memref_slice %arg14[%add3A_271, %dma_wait3A_341] : memref<10240x80xf32, #tpu.memory_space<vmem_shared>> -> memref<128x80xf32, #tpu.memory_space<vmem_shared>>
      %dma_wait3A_343 = arith.constant 0 : i32
      %dma_wait3A_344 = tpu.memref_slice %arg14[%add3A_271, %dma_wait3A_343] : memref<10240x80xf32, #tpu.memory_space<vmem_shared>> -> memref<128x80xf32, #tpu.memory_space<vmem_shared>>
      tpu.wait_dma2 semaphore(%run_scoped3A : memref<!tpu.dma_semaphore, #tpu.memory_space<semaphore_mem>>) src(%arg7 : memref<128x80xf32, #tpu.memory_space<vmem>>) dst(%dma_wait3A_344 : memref<128x80xf32, #tpu.memory_space<vmem_shared>>)
      tpu.yield
    }) : () -> ()
    %mul3A_272 = arith.constant 640 : i32
    %mul3A_273 = arith.muli %arg1, %mul3A_272 : i32
    %add3A_274 = arith.constant 512 : i32
    %add3A_275 = arith.addi %mul3A_273, %add3A_274 : i32
    "tpu.region"() ({
      %run_scoped3A = tpu.sem_alloc : memref<!tpu.dma_semaphore, #tpu.memory_space<semaphore_mem>>
      %dma_start3A_337 = arith.constant 0 : i32
      %dma_start3A_338 = tpu.memref_slice %arg14[%add3A_275, %dma_start3A_337] : memref<10240x80xf32, #tpu.memory_space<vmem_shared>> -> memref<128x80xf32, #tpu.memory_space<vmem_shared>>
      %dma_start3A_339 = arith.constant 0 : i32
      %dma_start3A_340 = tpu.memref_slice %arg14[%add3A_275, %dma_start3A_339] : memref<10240x80xf32, #tpu.memory_space<vmem_shared>> -> memref<128x80xf32, #tpu.memory_space<vmem_shared>>
      tpu.enqueue_dma source(%arg7 : memref<128x80xf32, #tpu.memory_space<vmem>>) target(%dma_start3A_340 : memref<128x80xf32, #tpu.memory_space<vmem_shared>>) target_semaphore(%run_scoped3A : memref<!tpu.dma_semaphore, #tpu.memory_space<semaphore_mem>>)
      %dma_wait3A_341 = arith.constant 0 : i32
      %dma_wait3A_342 = tpu.memref_slice %arg14[%add3A_275, %dma_wait3A_341] : memref<10240x80xf32, #tpu.memory_space<vmem_shared>> -> memref<128x80xf32, #tpu.memory_space<vmem_shared>>
      %dma_wait3A_343 = arith.constant 0 : i32
      %dma_wait3A_344 = tpu.memref_slice %arg14[%add3A_275, %dma_wait3A_343] : memref<10240x80xf32, #tpu.memory_space<vmem_shared>> -> memref<128x80xf32, #tpu.memory_space<vmem_shared>>
      tpu.wait_dma2 semaphore(%run_scoped3A : memref<!tpu.dma_semaphore, #tpu.memory_space<semaphore_mem>>) src(%arg7 : memref<128x80xf32, #tpu.memory_space<vmem>>) dst(%dma_wait3A_344 : memref<128x80xf32, #tpu.memory_space<vmem_shared>>)
      tpu.yield
    }) : () -> ()
    %barrier3A = arith.constant 0 : index
    tpu.barrier barrier_id(%barrier3A)
    %mul3A_276 = arith.constant 160 : i32
    %mul3A_277 = arith.muli %arg1, %mul3A_276 : i32
    %dma_start3A = arith.constant 0 : i32
    %dma_start3A_278 = tpu.memref_slice %arg4[%mul3A_277, %dma_start3A] : memref<2562x128xi32, #tpu.memory_space<hbm>> -> memref<1x128xi32, #tpu.memory_space<hbm>>
    %dma_start3A_279 = tpu.memref_squeeze %dma_start3A_278 : memref<1x128xi32, #tpu.memory_space<hbm>> -> memref<128xi32, #tpu.memory_space<hbm>>
    %dma_start3A_280 = arith.constant 0 : i32
    %dma_start3A_281 = tpu.memref_slice %arg4[%mul3A_277, %dma_start3A_280] : memref<2562x128xi32, #tpu.memory_space<hbm>> -> memref<1x128xi32, #tpu.memory_space<hbm>>
    %dma_start3A_282 = tpu.memref_squeeze %dma_start3A_281 : memref<1x128xi32, #tpu.memory_space<hbm>> -> memref<128xi32, #tpu.memory_space<hbm>>
    tpu.enqueue_dma source(%dma_start3A_282 : memref<128xi32, #tpu.memory_space<hbm>>) target(%arg11 : memref<128xi32, #tpu.memory_space<vmem>>) target_semaphore(%arg17 : memref<!tpu.dma_semaphore, #tpu.memory_space<semaphore_mem>>)
    %dma_start3A_283 = arith.constant 0 : i32
    %dma_start3A_284 = tpu.memref_slice %arg5[%mul3A_277, %dma_start3A_283] : memref<2562x128xi32, #tpu.memory_space<hbm>> -> memref<1x128xi32, #tpu.memory_space<hbm>>
    %dma_start3A_285 = tpu.memref_squeeze %dma_start3A_284 : memref<1x128xi32, #tpu.memory_space<hbm>> -> memref<128xi32, #tpu.memory_space<hbm>>
    %dma_start3A_286 = arith.constant 0 : i32
    %dma_start3A_287 = tpu.memref_slice %arg5[%mul3A_277, %dma_start3A_286] : memref<2562x128xi32, #tpu.memory_space<hbm>> -> memref<1x128xi32, #tpu.memory_space<hbm>>
    %dma_start3A_288 = tpu.memref_squeeze %dma_start3A_287 : memref<1x128xi32, #tpu.memory_space<hbm>> -> memref<128xi32, #tpu.memory_space<hbm>>
    tpu.enqueue_dma source(%dma_start3A_288 : memref<128xi32, #tpu.memory_space<hbm>>) target(%arg9 : memref<128xi32, #tpu.memory_space<vmem>>) target_semaphore(%arg17 : memref<!tpu.dma_semaphore, #tpu.memory_space<semaphore_mem>>)
    %add3A_289 = arith.constant 1 : i32
    %add3A_290 = arith.addi %mul3A_277, %add3A_289 : i32
    %dma_start3A_291 = arith.constant 0 : i32
    %dma_start3A_292 = tpu.memref_slice %arg4[%add3A_290, %dma_start3A_291] : memref<2562x128xi32, #tpu.memory_space<hbm>> -> memref<1x128xi32, #tpu.memory_space<hbm>>
    %dma_start3A_293 = tpu.memref_squeeze %dma_start3A_292 : memref<1x128xi32, #tpu.memory_space<hbm>> -> memref<128xi32, #tpu.memory_space<hbm>>
    %dma_start3A_294 = arith.constant 0 : i32
    %dma_start3A_295 = tpu.memref_slice %arg4[%add3A_290, %dma_start3A_294] : memref<2562x128xi32, #tpu.memory_space<hbm>> -> memref<1x128xi32, #tpu.memory_space<hbm>>
    %dma_start3A_296 = tpu.memref_squeeze %dma_start3A_295 : memref<1x128xi32, #tpu.memory_space<hbm>> -> memref<128xi32, #tpu.memory_space<hbm>>
    tpu.enqueue_dma source(%dma_start3A_296 : memref<128xi32, #tpu.memory_space<hbm>>) target(%arg12 : memref<128xi32, #tpu.memory_space<vmem>>) target_semaphore(%arg18 : memref<!tpu.dma_semaphore, #tpu.memory_space<semaphore_mem>>)
    %dma_start3A_297 = arith.constant 0 : i32
    %dma_start3A_298 = tpu.memref_slice %arg5[%add3A_290, %dma_start3A_297] : memref<2562x128xi32, #tpu.memory_space<hbm>> -> memref<1x128xi32, #tpu.memory_space<hbm>>
    %dma_start3A_299 = tpu.memref_squeeze %dma_start3A_298 : memref<1x128xi32, #tpu.memory_space<hbm>> -> memref<128xi32, #tpu.memory_space<hbm>>
    %dma_start3A_300 = arith.constant 0 : i32
    %dma_start3A_301 = tpu.memref_slice %arg5[%add3A_290, %dma_start3A_300] : memref<2562x128xi32, #tpu.memory_space<hbm>> -> memref<1x128xi32, #tpu.memory_space<hbm>>
    %dma_start3A_302 = tpu.memref_squeeze %dma_start3A_301 : memref<1x128xi32, #tpu.memory_space<hbm>> -> memref<128xi32, #tpu.memory_space<hbm>>
    tpu.enqueue_dma source(%dma_start3A_302 : memref<128xi32, #tpu.memory_space<hbm>>) target(%arg10 : memref<128xi32, #tpu.memory_space<vmem>>) target_semaphore(%arg18 : memref<!tpu.dma_semaphore, #tpu.memory_space<semaphore_mem>>)
    %scan3A_303 = arith.constant 0 : i32
    %scan3A_304 = arith.constant 0 : i32
    %scan3A_305 = arith.constant 80 : i32
    %scan3A_306 = arith.addi %scan3A_304, %scan3A_305 : i32
    %scan3A_307 = arith.constant 1 : i32
    scf.for %scan3A_337 = %scan3A_304 to %scan3A_306 step %scan3A_307  : i32 {
      %mul3A_338 = arith.constant 2 : i32
      %mul3A_339 = arith.muli %mul3A_338, %scan3A_337 : i32
      %add3A_340 = arith.addi %mul3A_277, %mul3A_339 : i32
      %dma_wait3A_341 = arith.constant 0 : i32
      %dma_wait3A_342 = tpu.memref_slice %arg4[%add3A_340, %dma_wait3A_341] : memref<2562x128xi32, #tpu.memory_space<hbm>> -> memref<1x128xi32, #tpu.memory_space<hbm>>
      %dma_wait3A_343 = tpu.memref_squeeze %dma_wait3A_342 : memref<1x128xi32, #tpu.memory_space<hbm>> -> memref<128xi32, #tpu.memory_space<hbm>>
      %dma_wait3A_344 = arith.constant 0 : i32
      %dma_wait3A_345 = tpu.memref_slice %arg4[%add3A_340, %dma_wait3A_344] : memref<2562x128xi32, #tpu.memory_space<hbm>> -> memref<1x128xi32, #tpu.memory_space<hbm>>
      %dma_wait3A_346 = tpu.memref_squeeze %dma_wait3A_345 : memref<1x128xi32, #tpu.memory_space<hbm>> -> memref<128xi32, #tpu.memory_space<hbm>>
      tpu.wait_dma2 semaphore(%arg17 : memref<!tpu.dma_semaphore, #tpu.memory_space<semaphore_mem>>) src(%dma_wait3A_346 : memref<128xi32, #tpu.memory_space<hbm>>) dst(%arg11 : memref<128xi32, #tpu.memory_space<vmem>>)
      %dma_wait3A_347 = arith.constant 0 : i32
      %dma_wait3A_348 = tpu.memref_slice %arg5[%add3A_340, %dma_wait3A_347] : memref<2562x128xi32, #tpu.memory_space<hbm>> -> memref<1x128xi32, #tpu.memory_space<hbm>>
      %dma_wait3A_349 = tpu.memref_squeeze %dma_wait3A_348 : memref<1x128xi32, #tpu.memory_space<hbm>> -> memref<128xi32, #tpu.memory_space<hbm>>
      %dma_wait3A_350 = arith.constant 0 : i32
      %dma_wait3A_351 = tpu.memref_slice %arg5[%add3A_340, %dma_wait3A_350] : memref<2562x128xi32, #tpu.memory_space<hbm>> -> memref<1x128xi32, #tpu.memory_space<hbm>>
      %dma_wait3A_352 = tpu.memref_squeeze %dma_wait3A_351 : memref<1x128xi32, #tpu.memory_space<hbm>> -> memref<128xi32, #tpu.memory_space<hbm>>
      tpu.wait_dma2 semaphore(%arg17 : memref<!tpu.dma_semaphore, #tpu.memory_space<semaphore_mem>>) src(%dma_wait3A_352 : memref<128xi32, #tpu.memory_space<hbm>>) dst(%arg9 : memref<128xi32, #tpu.memory_space<vmem>>)
      %add3A_353 = arith.constant 1 : i32
      %add3A_354 = arith.addi %add3A_340, %add3A_353 : i32
      %dma_wait3A_355 = arith.constant 0 : i32
      %dma_wait3A_356 = tpu.memref_slice %arg4[%add3A_354, %dma_wait3A_355] : memref<2562x128xi32, #tpu.memory_space<hbm>> -> memref<1x128xi32, #tpu.memory_space<hbm>>
      %dma_wait3A_357 = tpu.memref_squeeze %dma_wait3A_356 : memref<1x128xi32, #tpu.memory_space<hbm>> -> memref<128xi32, #tpu.memory_space<hbm>>
      %dma_wait3A_358 = arith.constant 0 : i32
      %dma_wait3A_359 = tpu.memref_slice %arg4[%add3A_354, %dma_wait3A_358] : memref<2562x128xi32, #tpu.memory_space<hbm>> -> memref<1x128xi32, #tpu.memory_space<hbm>>
      %dma_wait3A_360 = tpu.memref_squeeze %dma_wait3A_359 : memref<1x128xi32, #tpu.memory_space<hbm>> -> memref<128xi32, #tpu.memory_space<hbm>>
      tpu.wait_dma2 semaphore(%arg18 : memref<!tpu.dma_semaphore, #tpu.memory_space<semaphore_mem>>) src(%dma_wait3A_360 : memref<128xi32, #tpu.memory_space<hbm>>) dst(%arg12 : memref<128xi32, #tpu.memory_space<vmem>>)
      %dma_wait3A_361 = arith.constant 0 : i32
      %dma_wait3A_362 = tpu.memref_slice %arg5[%add3A_354, %dma_wait3A_361] : memref<2562x128xi32, #tpu.memory_space<hbm>> -> memref<1x128xi32, #tpu.memory_space<hbm>>
      %dma_wait3A_363 = tpu.memref_squeeze %dma_wait3A_362 : memref<1x128xi32, #tpu.memory_space<hbm>> -> memref<128xi32, #tpu.memory_space<hbm>>
      %dma_wait3A_364 = arith.constant 0 : i32
      %dma_wait3A_365 = tpu.memref_slice %arg5[%add3A_354, %dma_wait3A_364] : memref<2562x128xi32, #tpu.memory_space<hbm>> -> memref<1x128xi32, #tpu.memory_space<hbm>>
      %dma_wait3A_366 = tpu.memref_squeeze %dma_wait3A_365 : memref<1x128xi32, #tpu.memory_space<hbm>> -> memref<128xi32, #tpu.memory_space<hbm>>
      tpu.wait_dma2 semaphore(%arg18 : memref<!tpu.dma_semaphore, #tpu.memory_space<semaphore_mem>>) src(%dma_wait3A_366 : memref<128xi32, #tpu.memory_space<hbm>>) dst(%arg10 : memref<128xi32, #tpu.memory_space<vmem>>)
      %dma_start3A_367 = arith.constant 0 : i32
      %dma_start3A_368 = arith.constant 0 : i32
      %dma_start3A_369 = tpu.memref_slice %arg13[%dma_start3A_367, %dma_start3A_368] : memref<10240x80xf32, #tpu.memory_space<vmem_shared>> -> memref<10240x80xf32, #tpu.memory_space<vmem_shared>>
      tpu.enqueue_indirect_dma source(%dma_start3A_369 : memref<10240x80xf32, #tpu.memory_space<vmem_shared>>) target(%arg7 : memref<128x80xf32, #tpu.memory_space<vmem>>) offsets(%arg11 : memref<128xi32, #tpu.memory_space<vmem>>) semaphore(%arg15 : memref<!tpu.dma_semaphore, #tpu.memory_space<semaphore_mem>>)
      %dma_start3A_370 = arith.constant 0 : i32
      %dma_start3A_371 = arith.constant 0 : i32
      %dma_start3A_372 = tpu.memref_slice %arg13[%dma_start3A_370, %dma_start3A_371] : memref<10240x80xf32, #tpu.memory_space<vmem_shared>> -> memref<10240x80xf32, #tpu.memory_space<vmem_shared>>
      tpu.enqueue_indirect_dma source(%dma_start3A_372 : memref<10240x80xf32, #tpu.memory_space<vmem_shared>>) target(%arg8 : memref<128x80xf32, #tpu.memory_space<vmem>>) offsets(%arg12 : memref<128xi32, #tpu.memory_space<vmem>>) semaphore(%arg16 : memref<!tpu.dma_semaphore, #tpu.memory_space<semaphore_mem>>)
      %dma_wait3A_373 = arith.constant 0 : i32
      %dma_wait3A_374 = arith.constant 0 : i32
      %dma_wait3A_375 = tpu.memref_slice %arg13[%dma_wait3A_373, %dma_wait3A_374] : memref<10240x80xf32, #tpu.memory_space<vmem_shared>> -> memref<10240x80xf32, #tpu.memory_space<vmem_shared>>
      tpu.wait_indirect_dma semaphore(%arg15 : memref<!tpu.dma_semaphore, #tpu.memory_space<semaphore_mem>>) src(%dma_wait3A_375 : memref<10240x80xf32, #tpu.memory_space<vmem_shared>>) dst(%arg7 : memref<128x80xf32, #tpu.memory_space<vmem>>)
      "tpu.region"() ({
        %run_scoped3A = tpu.sem_alloc : memref<!tpu.dma_semaphore, #tpu.memory_space<semaphore_mem>>
        %dma_start3A_407 = arith.constant 0 : i32
        %dma_start3A_408 = arith.constant 0 : i32
        %dma_start3A_409 = tpu.memref_slice %arg14[%dma_start3A_407, %dma_start3A_408] : memref<10240x80xf32, #tpu.memory_space<vmem_shared>> -> memref<10240x80xf32, #tpu.memory_space<vmem_shared>>
        tpu.enqueue_indirect_dma source(%arg7 : memref<128x80xf32, #tpu.memory_space<vmem>>) target(%dma_start3A_409 : memref<10240x80xf32, #tpu.memory_space<vmem_shared>>) offsets(%arg9 : memref<128xi32, #tpu.memory_space<vmem>>) semaphore(%run_scoped3A : memref<!tpu.dma_semaphore, #tpu.memory_space<semaphore_mem>>) {add = true}
        %dma_wait3A_410 = arith.constant 0 : i32
        %dma_wait3A_411 = arith.constant 0 : i32
        %dma_wait3A_412 = tpu.memref_slice %arg14[%dma_wait3A_410, %dma_wait3A_411] : memref<10240x80xf32, #tpu.memory_space<vmem_shared>> -> memref<10240x80xf32, #tpu.memory_space<vmem_shared>>
        tpu.wait_indirect_dma semaphore(%run_scoped3A : memref<!tpu.dma_semaphore, #tpu.memory_space<semaphore_mem>>) src(%arg7 : memref<128x80xf32, #tpu.memory_space<vmem>>) dst(%dma_wait3A_412 : memref<10240x80xf32, #tpu.memory_space<vmem_shared>>)
        tpu.yield
      }) : () -> ()
      %add3A_376 = arith.constant 2 : i32
      %add3A_377 = arith.addi %add3A_340, %add3A_376 : i32
      %dma_start3A_378 = arith.constant 0 : i32
      %dma_start3A_379 = tpu.memref_slice %arg4[%add3A_377, %dma_start3A_378] : memref<2562x128xi32, #tpu.memory_space<hbm>> -> memref<1x128xi32, #tpu.memory_space<hbm>>
      %dma_start3A_380 = tpu.memref_squeeze %dma_start3A_379 : memref<1x128xi32, #tpu.memory_space<hbm>> -> memref<128xi32, #tpu.memory_space<hbm>>
      %dma_start3A_381 = arith.constant 0 : i32
      %dma_start3A_382 = tpu.memref_slice %arg4[%add3A_377, %dma_start3A_381] : memref<2562x128xi32, #tpu.memory_space<hbm>> -> memref<1x128xi32, #tpu.memory_space<hbm>>
      %dma_start3A_383 = tpu.memref_squeeze %dma_start3A_382 : memref<1x128xi32, #tpu.memory_space<hbm>> -> memref<128xi32, #tpu.memory_space<hbm>>
      tpu.enqueue_dma source(%dma_start3A_383 : memref<128xi32, #tpu.memory_space<hbm>>) target(%arg11 : memref<128xi32, #tpu.memory_space<vmem>>) target_semaphore(%arg17 : memref<!tpu.dma_semaphore, #tpu.memory_space<semaphore_mem>>)
      %dma_start3A_384 = arith.constant 0 : i32
      %dma_start3A_385 = tpu.memref_slice %arg5[%add3A_377, %dma_start3A_384] : memref<2562x128xi32, #tpu.memory_space<hbm>> -> memref<1x128xi32, #tpu.memory_space<hbm>>
      %dma_start3A_386 = tpu.memref_squeeze %dma_start3A_385 : memref<1x128xi32, #tpu.memory_space<hbm>> -> memref<128xi32, #tpu.memory_space<hbm>>
      %dma_start3A_387 = arith.constant 0 : i32
      %dma_start3A_388 = tpu.memref_slice %arg5[%add3A_377, %dma_start3A_387] : memref<2562x128xi32, #tpu.memory_space<hbm>> -> memref<1x128xi32, #tpu.memory_space<hbm>>
      %dma_start3A_389 = tpu.memref_squeeze %dma_start3A_388 : memref<1x128xi32, #tpu.memory_space<hbm>> -> memref<128xi32, #tpu.memory_space<hbm>>
      tpu.enqueue_dma source(%dma_start3A_389 : memref<128xi32, #tpu.memory_space<hbm>>) target(%arg9 : memref<128xi32, #tpu.memory_space<vmem>>) target_semaphore(%arg17 : memref<!tpu.dma_semaphore, #tpu.memory_space<semaphore_mem>>)
      %dma_wait3A_390 = arith.constant 0 : i32
      %dma_wait3A_391 = arith.constant 0 : i32
      %dma_wait3A_392 = tpu.memref_slice %arg13[%dma_wait3A_390, %dma_wait3A_391] : memref<10240x80xf32, #tpu.memory_space<vmem_shared>> -> memref<10240x80xf32, #tpu.memory_space<vmem_shared>>
      tpu.wait_indirect_dma semaphore(%arg16 : memref<!tpu.dma_semaphore, #tpu.memory_space<semaphore_mem>>) src(%dma_wait3A_392 : memref<10240x80xf32, #tpu.memory_space<vmem_shared>>) dst(%arg8 : memref<128x80xf32, #tpu.memory_space<vmem>>)
      "tpu.region"() ({
        %run_scoped3A = tpu.sem_alloc : memref<!tpu.dma_semaphore, #tpu.memory_space<semaphore_mem>>
        %dma_start3A_407 = arith.constant 0 : i32
        %dma_start3A_408 = arith.constant 0 : i32
        %dma_start3A_409 = tpu.memref_slice %arg14[%dma_start3A_407, %dma_start3A_408] : memref<10240x80xf32, #tpu.memory_space<vmem_shared>> -> memref<10240x80xf32, #tpu.memory_space<vmem_shared>>
        tpu.enqueue_indirect_dma source(%arg8 : memref<128x80xf32, #tpu.memory_space<vmem>>) target(%dma_start3A_409 : memref<10240x80xf32, #tpu.memory_space<vmem_shared>>) offsets(%arg10 : memref<128xi32, #tpu.memory_space<vmem>>) semaphore(%run_scoped3A : memref<!tpu.dma_semaphore, #tpu.memory_space<semaphore_mem>>) {add = true}
        %dma_wait3A_410 = arith.constant 0 : i32
        %dma_wait3A_411 = arith.constant 0 : i32
        %dma_wait3A_412 = tpu.memref_slice %arg14[%dma_wait3A_410, %dma_wait3A_411] : memref<10240x80xf32, #tpu.memory_space<vmem_shared>> -> memref<10240x80xf32, #tpu.memory_space<vmem_shared>>
        tpu.wait_indirect_dma semaphore(%run_scoped3A : memref<!tpu.dma_semaphore, #tpu.memory_space<semaphore_mem>>) src(%arg8 : memref<128x80xf32, #tpu.memory_space<vmem>>) dst(%dma_wait3A_412 : memref<10240x80xf32, #tpu.memory_space<vmem_shared>>)
        tpu.yield
      }) : () -> ()
      %add3A_393 = arith.constant 3 : i32
      %add3A_394 = arith.addi %add3A_340, %add3A_393 : i32
      %dma_start3A_395 = arith.constant 0 : i32
      %dma_start3A_396 = tpu.memref_slice %arg4[%add3A_394, %dma_start3A_395] : memref<2562x128xi32, #tpu.memory_space<hbm>> -> memref<1x128xi32, #tpu.memory_space<hbm>>
      %dma_start3A_397 = tpu.memref_squeeze %dma_start3A_396 : memref<1x128xi32, #tpu.memory_space<hbm>> -> memref<128xi32, #tpu.memory_space<hbm>>
      %dma_start3A_398 = arith.constant 0 : i32
      %dma_start3A_399 = tpu.memref_slice %arg4[%add3A_394, %dma_start3A_398] : memref<2562x128xi32, #tpu.memory_space<hbm>> -> memref<1x128xi32, #tpu.memory_space<hbm>>
      %dma_start3A_400 = tpu.memref_squeeze %dma_start3A_399 : memref<1x128xi32, #tpu.memory_space<hbm>> -> memref<128xi32, #tpu.memory_space<hbm>>
      tpu.enqueue_dma source(%dma_start3A_400 : memref<128xi32, #tpu.memory_space<hbm>>) target(%arg12 : memref<128xi32, #tpu.memory_space<vmem>>) target_semaphore(%arg18 : memref<!tpu.dma_semaphore, #tpu.memory_space<semaphore_mem>>)
      %dma_start3A_401 = arith.constant 0 : i32
      %dma_start3A_402 = tpu.memref_slice %arg5[%add3A_394, %dma_start3A_401] : memref<2562x128xi32, #tpu.memory_space<hbm>> -> memref<1x128xi32, #tpu.memory_space<hbm>>
      %dma_start3A_403 = tpu.memref_squeeze %dma_start3A_402 : memref<1x128xi32, #tpu.memory_space<hbm>> -> memref<128xi32, #tpu.memory_space<hbm>>
      %dma_start3A_404 = arith.constant 0 : i32
      %dma_start3A_405 = tpu.memref_slice %arg5[%add3A_394, %dma_start3A_404] : memref<2562x128xi32, #tpu.memory_space<hbm>> -> memref<1x128xi32, #tpu.memory_space<hbm>>
      %dma_start3A_406 = tpu.memref_squeeze %dma_start3A_405 : memref<1x128xi32, #tpu.memory_space<hbm>> -> memref<128xi32, #tpu.memory_space<hbm>>
      tpu.enqueue_dma source(%dma_start3A_406 : memref<128xi32, #tpu.memory_space<hbm>>) target(%arg10 : memref<128xi32, #tpu.memory_space<vmem>>) target_semaphore(%arg18 : memref<!tpu.dma_semaphore, #tpu.memory_space<semaphore_mem>>)
    }
    %scan3A_308 = arith.constant 80 : i32
    %dma_wait3A = arith.constant 0 : i32
    %dma_wait3A_309 = tpu.memref_slice %arg4[%mul3A_277, %dma_wait3A] : memref<2562x128xi32, #tpu.memory_space<hbm>> -> memref<1x128xi32, #tpu.memory_space<hbm>>
    %dma_wait3A_310 = tpu.memref_squeeze %dma_wait3A_309 : memref<1x128xi32, #tpu.memory_space<hbm>> -> memref<128xi32, #tpu.memory_space<hbm>>
    %dma_wait3A_311 = arith.constant 0 : i32
    %dma_wait3A_312 = tpu.memref_slice %arg4[%mul3A_277, %dma_wait3A_311] : memref<2562x128xi32, #tpu.memory_space<hbm>> -> memref<1x128xi32, #tpu.memory_space<hbm>>
    %dma_wait3A_313 = tpu.memref_squeeze %dma_wait3A_312 : memref<1x128xi32, #tpu.memory_space<hbm>> -> memref<128xi32, #tpu.memory_space<hbm>>
    tpu.wait_dma2 semaphore(%arg17 : memref<!tpu.dma_semaphore, #tpu.memory_space<semaphore_mem>>) src(%dma_wait3A_313 : memref<128xi32, #tpu.memory_space<hbm>>) dst(%arg11 : memref<128xi32, #tpu.memory_space<vmem>>)
    %dma_wait3A_314 = arith.constant 0 : i32
    %dma_wait3A_315 = tpu.memref_slice %arg5[%mul3A_277, %dma_wait3A_314] : memref<2562x128xi32, #tpu.memory_space<hbm>> -> memref<1x128xi32, #tpu.memory_space<hbm>>
    %dma_wait3A_316 = tpu.memref_squeeze %dma_wait3A_315 : memref<1x128xi32, #tpu.memory_space<hbm>> -> memref<128xi32, #tpu.memory_space<hbm>>
    %dma_wait3A_317 = arith.constant 0 : i32
    %dma_wait3A_318 = tpu.memref_slice %arg5[%mul3A_277, %dma_wait3A_317] : memref<2562x128xi32, #tpu.memory_space<hbm>> -> memref<1x128xi32, #tpu.memory_space<hbm>>
    %dma_wait3A_319 = tpu.memref_squeeze %dma_wait3A_318 : memref<1x128xi32, #tpu.memory_space<hbm>> -> memref<128xi32, #tpu.memory_space<hbm>>
    tpu.wait_dma2 semaphore(%arg17 : memref<!tpu.dma_semaphore, #tpu.memory_space<semaphore_mem>>) src(%dma_wait3A_319 : memref<128xi32, #tpu.memory_space<hbm>>) dst(%arg9 : memref<128xi32, #tpu.memory_space<vmem>>)
    %dma_wait3A_320 = arith.constant 0 : i32
    %dma_wait3A_321 = tpu.memref_slice %arg4[%mul3A_277, %dma_wait3A_320] : memref<2562x128xi32, #tpu.memory_space<hbm>> -> memref<1x128xi32, #tpu.memory_space<hbm>>
    %dma_wait3A_322 = tpu.memref_squeeze %dma_wait3A_321 : memref<1x128xi32, #tpu.memory_space<hbm>> -> memref<128xi32, #tpu.memory_space<hbm>>
    %dma_wait3A_323 = arith.constant 0 : i32
    %dma_wait3A_324 = tpu.memref_slice %arg4[%mul3A_277, %dma_wait3A_323] : memref<2562x128xi32, #tpu.memory_space<hbm>> -> memref<1x128xi32, #tpu.memory_space<hbm>>
    %dma_wait3A_325 = tpu.memref_squeeze %dma_wait3A_324 : memref<1x128xi32, #tpu.memory_space<hbm>> -> memref<128xi32, #tpu.memory_space<hbm>>
    tpu.wait_dma2 semaphore(%arg18 : memref<!tpu.dma_semaphore, #tpu.memory_space<semaphore_mem>>) src(%dma_wait3A_325 : memref<128xi32, #tpu.memory_space<hbm>>) dst(%arg12 : memref<128xi32, #tpu.memory_space<vmem>>)
    %dma_wait3A_326 = arith.constant 0 : i32
    %dma_wait3A_327 = tpu.memref_slice %arg5[%mul3A_277, %dma_wait3A_326] : memref<2562x128xi32, #tpu.memory_space<hbm>> -> memref<1x128xi32, #tpu.memory_space<hbm>>
    %dma_wait3A_328 = tpu.memref_squeeze %dma_wait3A_327 : memref<1x128xi32, #tpu.memory_space<hbm>> -> memref<128xi32, #tpu.memory_space<hbm>>
    %dma_wait3A_329 = arith.constant 0 : i32
    %dma_wait3A_330 = tpu.memref_slice %arg5[%mul3A_277, %dma_wait3A_329] : memref<2562x128xi32, #tpu.memory_space<hbm>> -> memref<1x128xi32, #tpu.memory_space<hbm>>
    %dma_wait3A_331 = tpu.memref_squeeze %dma_wait3A_330 : memref<1x128xi32, #tpu.memory_space<hbm>> -> memref<128xi32, #tpu.memory_space<hbm>>
    tpu.wait_dma2 semaphore(%arg18 : memref<!tpu.dma_semaphore, #tpu.memory_space<semaphore_mem>>) src(%dma_wait3A_331 : memref<128xi32, #tpu.memory_space<hbm>>) dst(%arg10 : memref<128xi32, #tpu.memory_space<vmem>>)
    %barrier3A_332 = arith.constant 0 : index
    tpu.barrier barrier_id(%barrier3A_332)
    %mul3A_333 = arith.constant 640 : i32
    %mul3A_334 = arith.muli %arg1, %mul3A_333 : i32
    %mul3A_335 = arith.constant 640 : i32
    %mul3A_336 = arith.muli %arg1, %mul3A_335 : i32
    "tpu.region"() ({
      %run_scoped3A = tpu.sem_alloc : memref<!tpu.dma_semaphore, #tpu.memory_space<semaphore_mem>>
      %dma_start3A_337 = arith.constant 0 : i32
      %dma_start3A_338 = tpu.memref_slice %arg6[%arg0, %mul3A_336, %dma_start3A_337] : memref<2x10240x80xf32, #tpu.memory_space<hbm>> -> memref<1x640x80xf32, #tpu.memory_space<hbm>>
      %dma_start3A_339 = tpu.memref_squeeze %dma_start3A_338 : memref<1x640x80xf32, #tpu.memory_space<hbm>> -> memref<640x80xf32, #tpu.memory_space<hbm>>
      %dma_start3A_340 = arith.constant 0 : i32
      %dma_start3A_341 = tpu.memref_slice %arg14[%mul3A_334, %dma_start3A_340] : memref<10240x80xf32, #tpu.memory_space<vmem_shared>> -> memref<640x80xf32, #tpu.memory_space<vmem_shared>>
      tpu.enqueue_dma source(%dma_start3A_341 : memref<640x80xf32, #tpu.memory_space<vmem_shared>>) target(%dma_start3A_339 : memref<640x80xf32, #tpu.memory_space<hbm>>) target_semaphore(%run_scoped3A : memref<!tpu.dma_semaphore, #tpu.memory_space<semaphore_mem>>)
      %dma_wait3A_342 = arith.constant 0 : i32
      %dma_wait3A_343 = tpu.memref_slice %arg6[%arg0, %mul3A_336, %dma_wait3A_342] : memref<2x10240x80xf32, #tpu.memory_space<hbm>> -> memref<1x640x80xf32, #tpu.memory_space<hbm>>
      %dma_wait3A_344 = tpu.memref_squeeze %dma_wait3A_343 : memref<1x640x80xf32, #tpu.memory_space<hbm>> -> memref<640x80xf32, #tpu.memory_space<hbm>>
      %dma_wait3A_345 = arith.constant 0 : i32
      %dma_wait3A_346 = tpu.memref_slice %arg14[%mul3A_334, %dma_wait3A_345] : memref<10240x80xf32, #tpu.memory_space<vmem_shared>> -> memref<640x80xf32, #tpu.memory_space<vmem_shared>>
      tpu.wait_dma2 semaphore(%run_scoped3A : memref<!tpu.dma_semaphore, #tpu.memory_space<semaphore_mem>>) src(%dma_wait3A_346 : memref<640x80xf32, #tpu.memory_space<vmem_shared>>) dst(%dma_wait3A_344 : memref<640x80xf32, #tpu.memory_space<hbm>>)
      tpu.yield
    }) : () -> ()
    return
  }
}

module attributes {stable_mosaic.version = 14 : i64} {
  func.func @body(%arg0: i32, %arg1: memref<1000x128xf32, #tpu.memory_space<vmem>>, %arg2: memref<128x128xf32, #tpu.memory_space<vmem>>, %arg3: memref<1x128xf32, #tpu.memory_space<vmem>>, %arg4: memref<2x1000x16xf32, #tpu.memory_space<vmem>>, %arg5: memref<1000x128xf32, #tpu.memory_space<vmem>>, %arg6: memref<1000x80xf32, #tpu.memory_space<vmem>>, %arg7: memref<1000x80xf32, #tpu.memory_space<vmem>>, %arg8: memref<1000x1xf32, #tpu.memory_space<vmem>>) attributes {dimension_semantics = [#tpu.dimension_semantics<arbitrary>], iteration_bounds = array<i64: 10>, scalar_prefetch = 0 : i64, scratch_operands = 0 : i64, tpu.core_type = #tpu.core_type<tc>, window_params = [{transform_indices = @transform_0, window_bounds = array<i64: 1000, 128>}, {pipeline_mode = #tpu.pipeline_mode<synchronous>, transform_indices = @transform_1, window_bounds = array<i64: 128, 128>}, {pipeline_mode = #tpu.pipeline_mode<synchronous>, transform_indices = @transform_2, window_bounds = array<i64: 1, 128>}, {transform_indices = @transform_3, window_bounds = array<i64: 2, 1000, 16>}, {transform_indices = @transform_4, window_bounds = array<i64: 1000, 128>}, {transform_indices = @transform_5, window_bounds = array<i64: 1000, 80>}, {transform_indices = @transform_6, window_bounds = array<i64: 1000, 80>}, {transform_indices = @transform_7, window_bounds = array<i64: 1000, 1>}]} {
    %get3A = arith.constant 0 : index
    %get3A_0 = arith.constant 0 : index
    %get3A_1 = vector.load %arg1[%get3A, %get3A_0] : memref<1000x128xf32, #tpu.memory_space<vmem>>, vector<1000x128xf32>
    %get3A_2 = arith.constant 0 : index
    %get3A_3 = arith.constant 0 : index
    %get3A_4 = vector.load %arg2[%get3A_2, %get3A_3] : memref<128x128xf32, #tpu.memory_space<vmem>>, vector<128x128xf32>
    %dot_general3A = arith.constant dense<0.000000e+00> : vector<1000x128xf32>
    %dot_general3A_5 = tpu.matmul %get3A_1, %get3A_4, %dot_general3A {dimension_numbers = #tpu.dot_dimension_numbers<[1], [1], [0], [0], [0, 0, 1, 0], [], []>, precision = #tpu.contract_precision<fp32>, transpose_lhs_hint = false} : vector<1000x128xf32>, vector<128x128xf32>, vector<1000x128xf32> -> vector<1000x128xf32>
    %get3A_6 = arith.constant 0 : index
    %get3A_7 = arith.constant 0 : index
    %get3A_8 = vector.load %arg3[%get3A_6, %get3A_7] : memref<1x128xf32, #tpu.memory_space<vmem>>, vector<1x128xf32>
    %add3A = vector.broadcast %get3A_8 : vector<1x128xf32> to vector<1000x128xf32>
    %add3A_9 = arith.addf %dot_general3A_5, %add3A : vector<1000x128xf32>
    %max3A = arith.constant 0.000000e+00 : f32
    %max3A_10 = vector.broadcast %max3A : f32 to vector<1000x128xf32>
    %max3A_11 = arith.maximumf %add3A_9, %max3A_10 : vector<1000x128xf32>
    %get3A_12 = arith.constant 0 : index
    %get3A_13 = arith.constant 0 : index
    %get3A_14 = arith.constant 0 : index
    %get3A_15 = vector.load %arg4[%get3A_12, %get3A_13, %get3A_14] : memref<2x1000x16xf32, #tpu.memory_space<vmem>>, vector<1x1000x1xf32>
    %get3A_16 = vector.shape_cast %get3A_15 : vector<1x1000x1xf32> to vector<1000xf32>
    %get3A_17 = arith.constant 1 : index
    %get3A_18 = arith.constant 0 : index
    %get3A_19 = arith.constant 0 : index
    %get3A_20 = vector.load %arg4[%get3A_17, %get3A_18, %get3A_19] : memref<2x1000x16xf32, #tpu.memory_space<vmem>>, vector<1x1000x1xf32>
    %get3A_21 = vector.shape_cast %get3A_20 : vector<1x1000x1xf32> to vector<1000xf32>
    %add3A_22 = arith.addf %get3A_16, %get3A_21 : vector<1000xf32>
    %add3A_23 = arith.constant 1.000000e+00 : f32
    %add3A_24 = vector.broadcast %add3A_23 : f32 to vector<1000xf32>
    %add3A_25 = arith.addf %add3A_22, %add3A_24 : vector<1000xf32>
    %rsqrt3A = math.rsqrt %add3A_25 : vector<1000xf32>
    %broadcast_in_dim3A = vector.shape_cast %rsqrt3A : vector<1000xf32> to vector<1000x1xf32>
    %swap3A = arith.constant 0 : index
    %swap3A_26 = arith.constant 0 : index
    %swap3A_27 = vector.load %arg5[%swap3A, %swap3A_26] : memref<1000x128xf32, #tpu.memory_space<vmem>>, vector<1000x128xf32>
    tpu.vector_store %arg5[%swap3A, %swap3A_26], %max3A_11 {strides = array<i32>} : memref<1000x128xf32, #tpu.memory_space<vmem>>, vector<1000x128xf32>,
    %swap3A_28 = arith.constant 0 : index
    %swap3A_29 = arith.constant 0 : index
    %swap3A_30 = vector.load %arg8[%swap3A_28, %swap3A_29] : memref<1000x1xf32, #tpu.memory_space<vmem>>, vector<1000x1xf32>
    tpu.vector_store %arg8[%swap3A_28, %swap3A_29], %broadcast_in_dim3A {strides = array<i32>} : memref<1000x1xf32, #tpu.memory_space<vmem>>, vector<1000x1xf32>,
    %mul3A = vector.broadcast %broadcast_in_dim3A : vector<1000x1xf32> to vector<1000x128xf32>
    %mul3A_31 = arith.mulf %mul3A, %max3A_11 : vector<1000x128xf32>
    %broadcast_in_dim3A_32 = arith.constant 0.000000e+00 : f32
    %broadcast_in_dim3A_33 = vector.broadcast %broadcast_in_dim3A_32 : f32 to vector<1000x31xf32>
    %concatenate3A = tpu.concatenate %mul3A_31, %broadcast_in_dim3A, %broadcast_in_dim3A_33 in 1 : vector<1000x128xf32>, vector<1000x1xf32>, vector<1000x31xf32> -> vector<1000x160xf32>
    %slice3A = vector.extract_strided_slice %concatenate3A {offsets = [0, 0], sizes = [1000, 80], strides = [1, 1]} : vector<1000x160xf32> to vector<1000x80xf32>
    %swap3A_34 = arith.constant 0 : index
    %swap3A_35 = arith.constant 0 : index
    %swap3A_36 = vector.load %arg6[%swap3A_34, %swap3A_35] : memref<1000x80xf32, #tpu.memory_space<vmem>>, vector<1000x80xf32>
    tpu.vector_store %arg6[%swap3A_34, %swap3A_35], %slice3A {strides = array<i32>} : memref<1000x80xf32, #tpu.memory_space<vmem>>, vector<1000x80xf32>,
    %slice3A_37 = vector.extract_strided_slice %concatenate3A {offsets = [0, 80], sizes = [1000, 80], strides = [1, 1]} : vector<1000x160xf32> to vector<1000x80xf32>
    %swap3A_38 = arith.constant 0 : index
    %swap3A_39 = arith.constant 0 : index
    %swap3A_40 = vector.load %arg7[%swap3A_38, %swap3A_39] : memref<1000x80xf32, #tpu.memory_space<vmem>>, vector<1000x80xf32>
    tpu.vector_store %arg7[%swap3A_38, %swap3A_39], %slice3A_37 {strides = array<i32>} : memref<1000x80xf32, #tpu.memory_space<vmem>>, vector<1000x80xf32>,
    return
  }
  func.func @transform_0(%arg0: i32) -> (i32, i32) {
    %c0_i32 = arith.constant 0 : i32
    %c0_i32_0 = arith.constant 0 : i32
    return %arg0, %c0_i32 : i32, i32
  }
  func.func @transform_1(%arg0: i32) -> (i32, i32) {
    %c0_i32 = arith.constant 0 : i32
    %c0_i32_0 = arith.constant 0 : i32
    %c0_i32_1 = arith.constant 0 : i32
    return %c0_i32, %c0_i32_0 : i32, i32
  }
  func.func @transform_2(%arg0: i32) -> (i32, i32) {
    %c0_i32 = arith.constant 0 : i32
    %c0_i32_0 = arith.constant 0 : i32
    %c0_i32_1 = arith.constant 0 : i32
    return %c0_i32, %c0_i32_0 : i32, i32
  }
  func.func @transform_3(%arg0: i32) -> (i32, i32, i32) {
    %c0_i32 = arith.constant 0 : i32
    %c0_i32_0 = arith.constant 0 : i32
    %c0_i32_1 = arith.constant 0 : i32
    return %c0_i32, %arg0, %c0_i32_0 : i32, i32, i32
  }
  func.func @transform_4(%arg0: i32) -> (i32, i32) {
    %c0_i32 = arith.constant 0 : i32
    %c0_i32_0 = arith.constant 0 : i32
    return %arg0, %c0_i32 : i32, i32
  }
  func.func @transform_5(%arg0: i32) -> (i32, i32) {
    %c0_i32 = arith.constant 0 : i32
    %c0_i32_0 = arith.constant 0 : i32
    return %arg0, %c0_i32 : i32, i32
  }
  func.func @transform_6(%arg0: i32) -> (i32, i32) {
    %c0_i32 = arith.constant 0 : i32
    %c0_i32_0 = arith.constant 0 : i32
    return %arg0, %c0_i32 : i32, i32
  }
  func.func @transform_7(%arg0: i32) -> (i32, i32) {
    %c0_i32 = arith.constant 0 : i32
    %c0_i32_0 = arith.constant 0 : i32
    return %arg0, %c0_i32 : i32, i32
  }
}

module attributes {stable_mosaic.version = 14 : i64} {
  func.func @body(%arg0: i32, %arg1: memref<2x1000x80xf32, #tpu.memory_space<vmem>>, %arg2: memref<1000x1xf32, #tpu.memory_space<vmem>>, %arg3: memref<1000x128xf32, #tpu.memory_space<vmem>>, %arg4: memref<1000x128xf32, #tpu.memory_space<vmem>>, %arg5: memref<1000x64xf32, #tpu.memory_space<vmem>>, %arg6: memref<1000x64xf32, #tpu.memory_space<vmem>>, %arg7: memref<1000x2xf32, #tpu.memory_space<vmem>>) attributes {dimension_semantics = [#tpu.dimension_semantics<arbitrary>], iteration_bounds = array<i64: 10>, scalar_prefetch = 0 : i64, scratch_operands = 0 : i64, tpu.core_type = #tpu.core_type<tc>, window_params = [{transform_indices = @transform_0, window_bounds = array<i64: 2, 1000, 80>}, {transform_indices = @transform_1, window_bounds = array<i64: 1000, 1>}, {transform_indices = @transform_2, window_bounds = array<i64: 1000, 128>}, {transform_indices = @transform_3, window_bounds = array<i64: 1000, 128>}, {transform_indices = @transform_4, window_bounds = array<i64: 1000, 64>}, {transform_indices = @transform_5, window_bounds = array<i64: 1000, 64>}, {transform_indices = @transform_6, window_bounds = array<i64: 1000, 2>}]} {
    %get3A = arith.constant 0 : index
    %get3A_0 = arith.constant 0 : index
    %get3A_1 = arith.constant 0 : index
    %get3A_2 = vector.load %arg1[%get3A, %get3A_0, %get3A_1] : memref<2x1000x80xf32, #tpu.memory_space<vmem>>, vector<1x1000x80xf32>
    %get3A_3 = vector.shape_cast %get3A_2 : vector<1x1000x80xf32> to vector<1000x80xf32>
    %get3A_4 = arith.constant 1 : index
    %get3A_5 = arith.constant 0 : index
    %get3A_6 = arith.constant 0 : index
    %get3A_7 = vector.load %arg1[%get3A_4, %get3A_5, %get3A_6] : memref<2x1000x80xf32, #tpu.memory_space<vmem>>, vector<1x1000x80xf32>
    %get3A_8 = vector.shape_cast %get3A_7 : vector<1x1000x80xf32> to vector<1000x80xf32>
    %concatenate3A = tpu.concatenate %get3A_3, %get3A_8 in 1 : vector<1000x80xf32>, vector<1000x80xf32> -> vector<1000x160xf32>
    %slice3A = vector.extract_strided_slice %concatenate3A {offsets = [0, 0], sizes = [1000, 128], strides = [1, 1]} : vector<1000x160xf32> to vector<1000x128xf32>
    %slice3A_9 = vector.extract_strided_slice %concatenate3A {offsets = [0, 128], sizes = [1000, 1], strides = [1, 1]} : vector<1000x160xf32> to vector<1000x1xf32>
    %get3A_10 = arith.constant 0 : index
    %get3A_11 = arith.constant 0 : index
    %get3A_12 = vector.load %arg2[%get3A_10, %get3A_11] : memref<1000x1xf32, #tpu.memory_space<vmem>>, vector<1000x1xf32>
    %mul3A = arith.mulf %get3A_12, %slice3A_9 : vector<1000x1xf32>
    %mul3A_13 = arith.mulf %get3A_12, %get3A_12 : vector<1000x1xf32>
    %add3A = arith.addf %mul3A, %mul3A_13 : vector<1000x1xf32>
    %add3A_14 = arith.constant 1.000000e-01 : f32
    %add3A_15 = vector.broadcast %add3A_14 : f32 to vector<1000x1xf32>
    %add3A_16 = arith.addf %add3A_15, %add3A : vector<1000x1xf32>
    %div3A = arith.constant 1.000000e+00 : f32
    %div3A_17 = vector.broadcast %div3A : f32 to vector<1000x1xf32>
    %div3A_18 = arith.divf %div3A_17, %add3A_16 : vector<1000x1xf32>
    %mul3A_19 = arith.constant 1.000000e-01 : f32
    %mul3A_20 = vector.broadcast %mul3A_19 : f32 to vector<1000x1xf32>
    %mul3A_21 = arith.mulf %mul3A_20, %div3A_18 : vector<1000x1xf32>
    %get3A_22 = arith.constant 0 : index
    %get3A_23 = arith.constant 0 : index
    %get3A_24 = vector.load %arg3[%get3A_22, %get3A_23] : memref<1000x128xf32, #tpu.memory_space<vmem>>, vector<1000x128xf32>
    %mul3A_25 = vector.broadcast %get3A_12 : vector<1000x1xf32> to vector<1000x128xf32>
    %mul3A_26 = arith.mulf %mul3A_25, %slice3A : vector<1000x128xf32>
    %mul3A_27 = arith.mulf %get3A_12, %get3A_12 : vector<1000x1xf32>
    %mul3A_28 = vector.broadcast %mul3A_27 : vector<1000x1xf32> to vector<1000x128xf32>
    %mul3A_29 = arith.mulf %mul3A_28, %get3A_24 : vector<1000x128xf32>
    %add3A_30 = arith.addf %mul3A_26, %mul3A_29 : vector<1000x128xf32>
    %mul3A_31 = vector.broadcast %div3A_18 : vector<1000x1xf32> to vector<1000x128xf32>
    %mul3A_32 = arith.mulf %mul3A_31, %add3A_30 : vector<1000x128xf32>
    %mul3A_33 = vector.broadcast %mul3A_21 : vector<1000x1xf32> to vector<1000x128xf32>
    %mul3A_34 = arith.mulf %mul3A_33, %get3A_24 : vector<1000x128xf32>
    %add3A_35 = arith.addf %mul3A_32, %mul3A_34 : vector<1000x128xf32>
    %swap3A = arith.constant 0 : index
    %swap3A_36 = arith.constant 0 : index
    %swap3A_37 = vector.load %arg4[%swap3A, %swap3A_36] : memref<1000x128xf32, #tpu.memory_space<vmem>>, vector<1000x128xf32>
    tpu.vector_store %arg4[%swap3A, %swap3A_36], %add3A_35 {strides = array<i32>} : memref<1000x128xf32, #tpu.memory_space<vmem>>, vector<1000x128xf32>,
    %mul3A_38 = vector.broadcast %get3A_12 : vector<1000x1xf32> to vector<1000x128xf32>
    %mul3A_39 = arith.mulf %mul3A_38, %add3A_35 : vector<1000x128xf32>
    %slice3A_40 = vector.extract_strided_slice %mul3A_39 {offsets = [0, 0], sizes = [1000, 64], strides = [1, 1]} : vector<1000x128xf32> to vector<1000x64xf32>
    %swap3A_41 = arith.constant 0 : index
    %swap3A_42 = arith.constant 0 : index
    %swap3A_43 = vector.load %arg5[%swap3A_41, %swap3A_42] : memref<1000x64xf32, #tpu.memory_space<vmem>>, vector<1000x64xf32>
    tpu.vector_store %arg5[%swap3A_41, %swap3A_42], %slice3A_40 {strides = array<i32>} : memref<1000x64xf32, #tpu.memory_space<vmem>>, vector<1000x64xf32>,
    %slice3A_44 = vector.extract_strided_slice %mul3A_39 {offsets = [0, 64], sizes = [1000, 64], strides = [1, 1]} : vector<1000x128xf32> to vector<1000x64xf32>
    %swap3A_45 = arith.constant 0 : index
    %swap3A_46 = arith.constant 0 : index
    %swap3A_47 = vector.load %arg6[%swap3A_45, %swap3A_46] : memref<1000x64xf32, #tpu.memory_space<vmem>>, vector<1000x64xf32>
    tpu.vector_store %arg6[%swap3A_45, %swap3A_46], %slice3A_44 {strides = array<i32>} : memref<1000x64xf32, #tpu.memory_space<vmem>>, vector<1000x64xf32>,
    %concatenate3A_48 = tpu.concatenate %div3A_18, %mul3A_21 in 1 : vector<1000x1xf32>, vector<1000x1xf32> -> vector<1000x2xf32>
    %swap3A_49 = arith.constant 0 : index
    %swap3A_50 = arith.constant 0 : index
    %swap3A_51 = vector.load %arg7[%swap3A_49, %swap3A_50] : memref<1000x2xf32, #tpu.memory_space<vmem>>, vector<1000x2xf32>
    tpu.vector_store %arg7[%swap3A_49, %swap3A_50], %concatenate3A_48 {strides = array<i32>} : memref<1000x2xf32, #tpu.memory_space<vmem>>, vector<1000x2xf32>,
    return
  }
  func.func @transform_0(%arg0: i32) -> (i32, i32, i32) {
    %c0_i32 = arith.constant 0 : i32
    %c0_i32_0 = arith.constant 0 : i32
    %c0_i32_1 = arith.constant 0 : i32
    return %c0_i32, %arg0, %c0_i32_0 : i32, i32, i32
  }
  func.func @transform_1(%arg0: i32) -> (i32, i32) {
    %c0_i32 = arith.constant 0 : i32
    %c0_i32_0 = arith.constant 0 : i32
    return %arg0, %c0_i32 : i32, i32
  }
  func.func @transform_2(%arg0: i32) -> (i32, i32) {
    %c0_i32 = arith.constant 0 : i32
    %c0_i32_0 = arith.constant 0 : i32
    return %arg0, %c0_i32 : i32, i32
  }
  func.func @transform_3(%arg0: i32) -> (i32, i32) {
    %c0_i32 = arith.constant 0 : i32
    %c0_i32_0 = arith.constant 0 : i32
    return %arg0, %c0_i32 : i32, i32
  }
  func.func @transform_4(%arg0: i32) -> (i32, i32) {
    %c0_i32 = arith.constant 0 : i32
    %c0_i32_0 = arith.constant 0 : i32
    return %arg0, %c0_i32 : i32, i32
  }
  func.func @transform_5(%arg0: i32) -> (i32, i32) {
    %c0_i32 = arith.constant 0 : i32
    %c0_i32_0 = arith.constant 0 : i32
    return %arg0, %c0_i32 : i32, i32
  }
  func.func @transform_6(%arg0: i32) -> (i32, i32) {
    %c0_i32 = arith.constant 0 : i32
    %c0_i32_0 = arith.constant 0 : i32
    return %arg0, %c0_i32 : i32, i32
  }
}

module attributes {stable_mosaic.version = 14 : i64} {
  func.func @body(%arg0: i32, %arg1: memref<2x1000x64xf32, #tpu.memory_space<vmem>>, %arg2: memref<1000x1xf32, #tpu.memory_space<vmem>>, %arg3: memref<1000x128xf32, #tpu.memory_space<vmem>>, %arg4: memref<1000x128xf32, #tpu.memory_space<vmem>>, %arg5: memref<1000x2xf32, #tpu.memory_space<vmem>>, %arg6: memref<64x128xf32, #tpu.memory_space<vmem>>, %arg7: memref<1x64xf32, #tpu.memory_space<vmem>>, %arg8: memref<1000x64xf32, #tpu.memory_space<vmem>>) attributes {dimension_semantics = [#tpu.dimension_semantics<arbitrary>], iteration_bounds = array<i64: 10>, scalar_prefetch = 0 : i64, scratch_operands = 0 : i64, tpu.core_type = #tpu.core_type<tc>, window_params = [{transform_indices = @transform_0, window_bounds = array<i64: 2, 1000, 64>}, {transform_indices = @transform_1, window_bounds = array<i64: 1000, 1>}, {transform_indices = @transform_2, window_bounds = array<i64: 1000, 128>}, {transform_indices = @transform_3, window_bounds = array<i64: 1000, 128>}, {transform_indices = @transform_4, window_bounds = array<i64: 1000, 2>}, {pipeline_mode = #tpu.pipeline_mode<synchronous>, transform_indices = @transform_5, window_bounds = array<i64: 64, 128>}, {pipeline_mode = #tpu.pipeline_mode<synchronous>, transform_indices = @transform_6, window_bounds = array<i64: 1, 64>}, {transform_indices = @transform_7, window_bounds = array<i64: 1000, 64>}]} {
    %get3A = arith.constant 0 : index
    %get3A_0 = arith.constant 0 : index
    %get3A_1 = arith.constant 0 : index
    %get3A_2 = vector.load %arg1[%get3A, %get3A_0, %get3A_1] : memref<2x1000x64xf32, #tpu.memory_space<vmem>>, vector<1x1000x64xf32>
    %get3A_3 = vector.shape_cast %get3A_2 : vector<1x1000x64xf32> to vector<1000x64xf32>
    %get3A_4 = arith.constant 1 : index
    %get3A_5 = arith.constant 0 : index
    %get3A_6 = arith.constant 0 : index
    %get3A_7 = vector.load %arg1[%get3A_4, %get3A_5, %get3A_6] : memref<2x1000x64xf32, #tpu.memory_space<vmem>>, vector<1x1000x64xf32>
    %get3A_8 = vector.shape_cast %get3A_7 : vector<1x1000x64xf32> to vector<1000x64xf32>
    %concatenate3A = tpu.concatenate %get3A_3, %get3A_8 in 1 : vector<1000x64xf32>, vector<1000x64xf32> -> vector<1000x128xf32>
    %get3A_9 = arith.constant 0 : index
    %get3A_10 = arith.constant 0 : index
    %get3A_11 = vector.load %arg2[%get3A_9, %get3A_10] : memref<1000x1xf32, #tpu.memory_space<vmem>>, vector<1000x1xf32>
    %get3A_12 = arith.constant 0 : index
    %get3A_13 = arith.constant 0 : index
    %get3A_14 = vector.load %arg5[%get3A_12, %get3A_13] : memref<1000x2xf32, #tpu.memory_space<vmem>>, vector<1000x1xf32>
    %get3A_15 = arith.constant 0 : index
    %get3A_16 = arith.constant 1 : index
    %get3A_17 = vector.load %arg5[%get3A_15, %get3A_16] : memref<1000x2xf32, #tpu.memory_space<vmem>>, vector<1000x1xf32>
    %get3A_18 = arith.constant 0 : index
    %get3A_19 = arith.constant 0 : index
    %get3A_20 = vector.load %arg3[%get3A_18, %get3A_19] : memref<1000x128xf32, #tpu.memory_space<vmem>>, vector<1000x128xf32>
    %mul3A = vector.broadcast %get3A_11 : vector<1000x1xf32> to vector<1000x128xf32>
    %mul3A_21 = arith.mulf %mul3A, %concatenate3A : vector<1000x128xf32>
    %mul3A_22 = arith.mulf %get3A_11, %get3A_11 : vector<1000x1xf32>
    %mul3A_23 = vector.broadcast %mul3A_22 : vector<1000x1xf32> to vector<1000x128xf32>
    %mul3A_24 = arith.mulf %mul3A_23, %get3A_20 : vector<1000x128xf32>
    %add3A = arith.addf %mul3A_21, %mul3A_24 : vector<1000x128xf32>
    %mul3A_25 = vector.broadcast %get3A_14 : vector<1000x1xf32> to vector<1000x128xf32>
    %mul3A_26 = arith.mulf %mul3A_25, %add3A : vector<1000x128xf32>
    %get3A_27 = arith.constant 0 : index
    %get3A_28 = arith.constant 0 : index
    %get3A_29 = vector.load %arg4[%get3A_27, %get3A_28] : memref<1000x128xf32, #tpu.memory_space<vmem>>, vector<1000x128xf32>
    %mul3A_30 = vector.broadcast %get3A_17 : vector<1000x1xf32> to vector<1000x128xf32>
    %mul3A_31 = arith.mulf %mul3A_30, %get3A_29 : vector<1000x128xf32>
    %add3A_32 = arith.addf %mul3A_26, %mul3A_31 : vector<1000x128xf32>
    %get3A_33 = arith.constant 0 : index
    %get3A_34 = arith.constant 0 : index
    %get3A_35 = vector.load %arg6[%get3A_33, %get3A_34] : memref<64x128xf32, #tpu.memory_space<vmem>>, vector<64x128xf32>
    %dot_general3A = arith.constant dense<0.000000e+00> : vector<1000x64xf32>
    %dot_general3A_36 = tpu.matmul %add3A_32, %get3A_35, %dot_general3A {dimension_numbers = #tpu.dot_dimension_numbers<[1], [1], [0], [0], [0, 0, 1, 0], [], []>, precision = #tpu.contract_precision<fp32>, transpose_lhs_hint = false} : vector<1000x128xf32>, vector<64x128xf32>, vector<1000x64xf32> -> vector<1000x64xf32>
    %get3A_37 = arith.constant 0 : index
    %get3A_38 = arith.constant 0 : index
    %get3A_39 = vector.load %arg7[%get3A_37, %get3A_38] : memref<1x64xf32, #tpu.memory_space<vmem>>, vector<1x64xf32>
    %add3A_40 = vector.broadcast %get3A_39 : vector<1x64xf32> to vector<1000x64xf32>
    %add3A_41 = arith.addf %dot_general3A_36, %add3A_40 : vector<1000x64xf32>
    %reduce_max3A = arith.constant dense<0xFF800000> : vector<1000xf32>
    %reduce_max3A_42 = vector.multi_reduction <maximumf>, %add3A_41, %reduce_max3A [1] : vector<1000x64xf32> to vector<1000xf32>
    %broadcast_in_dim3A = vector.shape_cast %reduce_max3A_42 : vector<1000xf32> to vector<1000x1xf32>
    %sub3A = vector.broadcast %broadcast_in_dim3A : vector<1000x1xf32> to vector<1000x64xf32>
    %sub3A_43 = arith.subf %add3A_41, %sub3A : vector<1000x64xf32>
    %exp3A = math.exp %sub3A_43 : vector<1000x64xf32>
    %reduce_sum3A = arith.constant dense<0.000000e+00> : vector<1000xf32>
    %reduce_sum3A_44 = vector.multi_reduction <add>, %exp3A, %reduce_sum3A [1] : vector<1000x64xf32> to vector<1000xf32>
    %broadcast_in_dim3A_45 = vector.shape_cast %reduce_sum3A_44 : vector<1000xf32> to vector<1000x1xf32>
    %log3A = math.log %broadcast_in_dim3A_45 : vector<1000x1xf32>
    %add3A_46 = arith.addf %broadcast_in_dim3A, %log3A : vector<1000x1xf32>
    %sub3A_47 = vector.broadcast %add3A_46 : vector<1000x1xf32> to vector<1000x64xf32>
    %sub3A_48 = arith.subf %add3A_41, %sub3A_47 : vector<1000x64xf32>
    %swap3A = arith.constant 0 : index
    %swap3A_49 = arith.constant 0 : index
    %swap3A_50 = vector.load %arg8[%swap3A, %swap3A_49] : memref<1000x64xf32, #tpu.memory_space<vmem>>, vector<1000x64xf32>
    tpu.vector_store %arg8[%swap3A, %swap3A_49], %sub3A_48 {strides = array<i32>} : memref<1000x64xf32, #tpu.memory_space<vmem>>, vector<1000x64xf32>,
    return
  }
  func.func @transform_0(%arg0: i32) -> (i32, i32, i32) {
    %c0_i32 = arith.constant 0 : i32
    %c0_i32_0 = arith.constant 0 : i32
    %c0_i32_1 = arith.constant 0 : i32
    return %c0_i32, %arg0, %c0_i32_0 : i32, i32, i32
  }
  func.func @transform_1(%arg0: i32) -> (i32, i32) {
    %c0_i32 = arith.constant 0 : i32
    %c0_i32_0 = arith.constant 0 : i32
    return %arg0, %c0_i32 : i32, i32
  }
  func.func @transform_2(%arg0: i32) -> (i32, i32) {
    %c0_i32 = arith.constant 0 : i32
    %c0_i32_0 = arith.constant 0 : i32
    return %arg0, %c0_i32 : i32, i32
  }
  func.func @transform_3(%arg0: i32) -> (i32, i32) {
    %c0_i32 = arith.constant 0 : i32
    %c0_i32_0 = arith.constant 0 : i32
    return %arg0, %c0_i32 : i32, i32
  }
  func.func @transform_4(%arg0: i32) -> (i32, i32) {
    %c0_i32 = arith.constant 0 : i32
    %c0_i32_0 = arith.constant 0 : i32
    return %arg0, %c0_i32 : i32, i32
  }
  func.func @transform_5(%arg0: i32) -> (i32, i32) {
    %c0_i32 = arith.constant 0 : i32
    %c0_i32_0 = arith.constant 0 : i32
    %c0_i32_1 = arith.constant 0 : i32
    return %c0_i32, %c0_i32_0 : i32, i32
  }
  func.func @transform_6(%arg0: i32) -> (i32, i32) {
    %c0_i32 = arith.constant 0 : i32
    %c0_i32_0 = arith.constant 0 : i32
    %c0_i32_1 = arith.constant 0 : i32
    return %c0_i32, %c0_i32_0 : i32, i32
  }
  func.func @transform_7(%arg0: i32) -> (i32, i32) {
    %c0_i32 = arith.constant 0 : i32
    %c0_i32_0 = arith.constant 0 : i32
    return %arg0, %c0_i32 : i32, i32
  }
}

</mosaic_0001>

<sc_bundles>
// kernel: kernel.11.cloned.1.call-start
scs
__scs_entry_jumppad:
0x0: {  	(pc) =	sbr.rel $0x88, $3  }
0x1: {  	(tag) =	ssettag $0x0;
	lr =	simm.s32 $0x1  }
0x2: {  	[smem:$0x3F9B] =	sst lr;
	_ =	strace $0xD0000000  }
0x3: {  	_ = 	snop  }
0x4: {  	_ = 	snop  }
0x5: {  	_ = 	snop  }
0x6: {  	_ = 	snop  }
0x7: {  	_ = 	snop  }
__scs_overlays_trampoline_lowered:
0x8: {  	[smem:$0x3FAA] =	sst s0  }
0x9: {  	[smem:$0x3FAB] =	sst s1  }
0xa: {  	[smem:$0x3FAC] =	sst s2  }
0xb: {  	[smem:$0x3FAD] =	sst s3  }
0xc: {  	[smem:$0x3FAE] =	sst s4  }
0xd: {  	[smem:$0x3FAF] =	sst s5  }
0xe: {  	[smem:$0x3FB0] =	sst s6  }
0xf: {  	[smem:$0x3FB1] =	sst s7  }
0x10: {  	[smem:$0x3FB2] =	sst s8  }
0x11: {  	[smem:$0x3FB3] =	sst s9;
	s0 =	simm.s32 @!p0 $0x0  }
0x12: {  	s1 =	sld [smem:$0x3F99];
	s0 =	simm.s32 @p0 $0x1  }
0x13: {  	[smem:$0x3FB4] =	sst s0;
	s0 =	simm.s32 @!p1 $0x0  }
0x14: {  	s2 =	sld [smem:$0x3F98];
	s0 =	simm.s32 @p1 $0x1  }
0x15: {  	[smem:$0x3FB5] =	sst s0;
	s0 =	simm.s32 @!p2 $0x0  }
0x16: {  	s3 =	sld [smem:$0x3FDB];
	s0 =	simm.s32 @p2 $0x1  }
0x17: {  	s4 =	simm.s32 $0x1BF5;
	[smem:$0x3FB7] =	sst s0  }
0x18: {  	s0 =	sld [smem:$0x3F9A];
	_ =	swait.ge [sflag:s4], $0x0  }
0x19: {  	s7 =	sld [smem:$0x3F9B]  }
0x1a: {  	s8 =	sadd.s32 $0xFFFFE003, lr  }
0x1b: {  	s9 =	sadd.s32 $0xFFFFFEF7, lr;
	s5 =	simm.s32 $0xFFFFFFFF;
	p2 =	slt.u32 s8, $0xFFFFF086  }
0x1c: {  	p1 =	slt.u32 s9, $0xF7A;
	s5 =	simm.s32 @!p2 $0x0  }
0x1d: {  	s5 =	simm.s32 @p1 $0x1;
	p0 =	seq.s32 s7, s2  }
0x1e: {  	s7 =	smul.u32 @!p0 $0xF7A, s2;
	p2 =	seq.s32 @!p0 s5, $0x0  }
0x1f: {  	s9 =	smul.u32 $0xF7A, s1;
	s8 =	simm.s32 @!p0 $0x1BF5;
	p2 =	por !p2, p0  }
0x20: {  	[sflag:s8] =	ssyncset.s32 @!p0 $0xFFFFF086;
	s6 =	sadd.s32 @!p0 s3, s7;
	s7 =	simm.s32 @!p0 $0x108  }
0x21: {  	s3 =	sadd.s32 s3, s9;
	s6 =	sadd.s32 @!p0 $0x88, s6;
	s7 =	simm.s32 @p2 $0x1082  }
0x22: {  	[simem:s7], [sflag:s8] =	dma.local @!p0 [hbm:s6], $0xF7A  }
0x23: {  	s9 =	sor.u32 $0xD0000000, s2;
	s6 =	simm.s32 $0x108;
	_ =	swait.ge @!p0 [sflag:s8], $0x0  }
0x24: {  	s3 =	sadd.s32 $0x88, s3;
	s6 =	simm.s32 @!p1 $0x1082;
	[sflag:s4] =	ssyncset.s32 $0xFFFFF086  }
0x25: {  	[simem:s6], [sflag:s4] =	dma.local [hbm:s3], $0xF7A  }
0x26: {  	[smem:$0x3F9B] =	sst s1;
	(tag) =	ssettag s2;
	_ =	strace s9  }
0x27: {  	s1 =	sld [smem:$0x3FAB]  }
0x28: {  	s2 =	sld [smem:$0x3FAC]  }
0x29: {  	s4 =	sld [smem:$0x3FAE]  }
0x2a: {  	p0 =	seq.s32 s5, $0x0;
	s5 =	sld [smem:$0x3FAF]  }
0x2b: {  	s6 =	sld [smem:$0x3FB0]  }
0x2c: {  	s7 =	sld [smem:$0x3FB1]  }
0x2d: {  	s3 =	simm.s32 $0x108;
	s8 =	sld [smem:$0x3FB2]  }
0x2e: {  	s3 =	simm.s32 @!p0 $0x1082;
	s9 =	sld [smem:$0x3FB3]  }
0x2f: {  	lr =	sadd.s32 s0, s3;
	s0 =	sld [smem:$0x3FAA]  }
0x30: {  	s3 =	sld [smem:$0x3FAD]  }
0x31: {  	[smem:$0x3FB6] =	sst s10  }
0x32: {  	s10 =	sld [smem:$0x3FB4];
	_ =	sdelay $0x3  }
0x33: {  	p0 =	seq.s32 s10, $0x1;
	s10 =	sld [smem:$0x3FB6];
	_ =	sdelay $0x3  }
0x34: {  	[smem:$0x3FB6] =	sst s10  }
0x35: {  	s10 =	sld [smem:$0x3FB5];
	_ =	sdelay $0x3  }
0x36: {  	p1 =	seq.s32 s10, $0x1;
	s10 =	sld [smem:$0x3FB6];
	_ =	sdelay $0x3  }
0x37: {  	[smem:$0x3FB6] =	sst s10  }
0x38: {  	s10 =	sld [smem:$0x3FB7]  }
0x39: {  	_ = 	snop;
	(pc) =	sbr.ind lr, $3  }
0x3a: {  	_ = 	snop  }
0x3b: {  	_ = 	snop  }
0x3c: {  	p2 =	seq.s32 s10, $0x1;
	s10 =	sld [smem:$0x3FB6]  }
0x3d: {  	_ =	shalt  }
0x3e: {  	_ =	shalt  }
0x3f: {  	_ =	shalt  }
0x40: {  	_ =	shalt  }
0x41: {  	_ =	shalt  }
0x42: {  	_ =	shalt  }
0x43: {  	_ =	shalt  }
0x44: {  	_ =	shalt  }
0x45: {  	_ =	shalt  }
0x46: {  	_ =	shalt  }
0x47: {  	_ =	shalt  }
0x48: {  	_ =	shalt  }
0x49: {  	_ =	shalt  }
0x4a: {  	_ =	shalt  }
0x4b: {  	_ =	shalt  }
0x4c: {  	_ =	shalt  }
0x4d: {  	_ =	shalt  }
0x4e: {  	_ =	shalt  }
0x4f: {  	_ =	shalt  }
0x50: {  	_ =	shalt  }
0x51: {  	_ =	shalt  }
0x52: {  	_ =	shalt  }
0x53: {  	_ =	shalt  }
0x54: {  	_ =	shalt  }
0x55: {  	_ =	shalt  }
0x56: {  	_ =	shalt  }
0x57: {  	_ =	shalt  }
0x58: {  	_ =	shalt  }
0x59: {  	_ =	shalt  }
0x5a: {  	_ =	shalt  }
0x5b: {  	_ =	shalt  }
0x5c: {  	_ =	shalt  }
0x5d: {  	_ =	shalt  }
0x5e: {  	_ =	shalt  }
0x5f: {  	_ =	shalt  }
0x60: {  	_ =	shalt  }
0x61: {  	_ =	shalt  }
0x62: {  	_ =	shalt  }
0x63: {  	_ =	shalt  }
0x64: {  	_ =	shalt  }
0x65: {  	_ =	shalt  }
0x66: {  	_ =	shalt  }
0x67: {  	_ =	shalt  }
0x68: {  	_ =	shalt  }
0x69: {  	_ =	shalt  }
0x6a: {  	_ =	shalt  }
0x6b: {  	_ =	shalt  }
0x6c: {  	_ =	shalt  }
0x6d: {  	_ =	shalt  }
0x6e: {  	_ =	shalt  }
0x6f: {  	_ =	shalt  }
0x70: {  	_ =	shalt  }
0x71: {  	_ =	shalt  }
0x72: {  	_ =	shalt  }
0x73: {  	_ =	shalt  }
0x74: {  	_ =	shalt  }
0x75: {  	_ =	shalt  }
0x76: {  	_ =	shalt  }
0x77: {  	_ =	shalt  }
0x78: {  	_ =	shalt  }
0x79: {  	_ =	shalt  }
0x7a: {  	_ =	shalt  }
0x7b: {  	_ =	shalt  }
0x7c: {  	_ =	shalt  }
0x7d: {  	_ =	shalt  }
0x7e: {  	_ =	shalt  }
0x7f: {  	_ =	shalt  }
0x80: {  	_ =	shalt  }
0x81: {  	_ =	shalt  }
0x82: {  	_ =	shalt  }
0x83: {  	_ =	shalt  }
0x84: {  	_ =	shalt  }
0x85: {  	_ =	shalt  }
0x86: {  	_ =	shalt  }
0x87: {  	_ =	shalt  }
.Lfunc_end0:
.L_simem_size_0:
called_computation.1_lowered:
.L_overlay_start_0:
0x88: {  	s2 =	sld [smem:$0x3FD9]  }
0x89: {  	s3 =	sld [smem:$0x3FFE];
	_ =	sdelay $0x1  }
0x8a: {  	s1 =	srdreg.scid  }
0x8b: {  	s0 =	sand.u32 $0x1, s1  }
0x8c: {  	s17 =	sshll.u32 s0, $0xA;
	s2 =	sadd.s32 s3, s2  }
0x8d: {  	s2 =	sadd.s32 s2, s17  }
0x8e: {  	[smem:$0x3FC2] =	sst s2  }
0x8f: {  	_ = 	snop  }
0x90: {  	s2 =	sld [smem:$0x3FD0];
	(tm) =	ssettm $0x1  }
0x91: {  	s18 =	sld [smem:$0x3FFB];
	_ =	sdelay $0x3  }
0x92: {  	_ =	strace s18  }
0x93: {  	s3 =	sld [smem:$0x3FFC];
	_ =	sdelay $0x3  }
0x94: {  	_ =	strace s3  }
0x95: {  	s3 =	sld [smem:$0x3FFD];
	_ =	sdelay $0x3  }
0x96: {  	_ =	strace s3  }
0x97: {  	_ =	strace $0x8FFFFFFF  }
0x98: {  	s19 =	sld [smem:$0x3FDB];
	_ =	sdelay $0x1  }
0x99: {  	s4 =	simm.s32 $_scs_section_size  }
0x9a: {  	s5 =	simm.s32 $_size__tile_overlayer_lowered;
	s6 =	simm.s32 $_tile_overlayer_lowered  }
0x9b: {  	s22 =	simm.s32 $0x1BFF;
	s21 =	sshll.u32 s6, $0x1;
	s3 =	sadd.s32 s4, s19  }
0x9c: {  	s7 =	simm.s32 $0x0;
	s20 =	sshll.u32 s5, $0x1;
	s5 =	sadd.s32 s21, s3  }
0x9d: {  	[timem:s7], [sflag:s22] =	dma.local [hbm:s5], s20  }
0x9e: {  	_ =	swait.ge [sflag:s22], s20  }
0x9f: {  	s4 =	ssub.s32 $0x0, s20;
	[sflag:s22] =	ssyncset.done $0x0  }
0xa0: {  	[sflag:s22] =	ssyncadd.s32 s4;
	_ =	sdelay $0x1  }
0xa1: {  	s23 =	simm.s32 $0x1B8B  }
0xa2: {  	_ =	swait.ge [sflag:s23], $0x1  }
0xa3: {  	[sflag:s23] =	ssyncset.done $0x0  }
0xa4: {  	s25 =	simm.s32 $0x1B8E;
	s24 =	sld [smem:$0x3FFE];
	[sflag:s23] =	ssyncadd.s32 $0xFFFFFFFF  }
0xa5: {  	s26 =	simm.s32 $execute0_lowered;
	[smem:$0x3FD2] =	sst s25  }
0xa6: {  	s5 =	sshll.u32 s26, $0x1;
	_ =	strace $0x80000049;
	[dreg:$0x1] =	wrdreg $0xFFFFFFFF  }
0xa7: {  	s28 =	simm.s32 $_size_execute0_lowered;
	s3 =	sadd.s32 s3, s5;
	[dreg:$0x0] =	wrdreg $0x0  }
0xa8: {  	s5 =	sshll.u32 s28, $0x1;
	[dreg:$0x2] =	wrdreg s3  }
0xa9: {  	[dreg:$0x3] =	wrdreg s5  }
0xaa: {  	[dreg:$0x4] =	wrdreg $0xC0  }
0xab: {  	_ =	task [dreg:s7], $0x5FFFF  }
0xac: {  	[dreg:$0x1] =	wrdreg $0xFFFFFFFF  }
0xad: {  	[dreg:$0x0] =	wrdreg $0x60  }
0xae: {  	[dreg:$0x2] =	wrdreg s24  }
0xaf: {  	[dreg:$0x3] =	wrdreg s2  }
0xb0: {  	[dreg:$0x4] =	wrdreg $0x52000  }
0xb1: {  	[dreg:$0x5] =	wrdreg $0x11A000  }
0xb2: {  	[dreg:$0x6] =	wrdreg $0x9  }
0xb3: {  	_ =	task.clear_ibuf [dreg:s7], $0x7FFFF;
	_ =	strace $0x90000049  }
0xb4: {  	s29 =	simm.s32 $0x9;
	_ =	strace $0x8000004B  }
0xb5: {  	_ =	swait.ge [sflag:s29], $0x1  }
0xb6: {  	[sflag:s29] =	ssyncadd.s32 $0xFFFFFFFF  }
0xb7: {  	_ =	strace $0x9000004B  }
0xb8: {  	_ =	sfence  }
0xb9: {  	s30 =	sld [smem:$0x0];
	_ =	sdelay $0x2  }
0xba: {  	s31 =	sshll.u32 s1, $0xD;
	s1 =	sshrl.u32 s1, $0x2  }
0xbb: {  	s3 =	sand.u32 $0x4000, s31;
	s1 =	sadd.s32 s1, s30  }
0xbc: {  	s0 =	sor.u32 s3, s0;
	s1 =	sshll.u32 s1, $0x11  }
0xbd: {  	s0 =	sor.u32 s1, s0  }
0xbe: {  	s0 =	sadd.s32 $0x8F2B, s0  }
0xbf: {  	[sflag:s0] =	ssyncadd.remote.s32 $0x1  }
0xc0: {  	_ =	sfence.sel $0xFFFF  }
0xc1: {  	[dreg:$0x0] =	wrdreg $0xFFFFFFFF;
	(pc) =	sbr.abs _section_cstart, $3  }
0xc2: {  	[dreg:$0x1] =	wrdreg $0xFFFFFFFF  }
0xc3: {  	_ =	task.clear_ibuf [dreg:s7], $0x2FFFF;
	_ =	strace $0x9FFFFFFF  }
0xc4: {  	(tm) =	ssettm $0x7FFFFFFF  }
0xc5: {  	_ =	shalt  }
tec
execute0_lowered:
.L_overlay_start_1:
0x0: {  	(tag) =	ssettag $0x1  }
0x1: {  	s0 =	rddreg [dreg:$0x0]  }
0x2: {  	s10 =	rddreg [dreg:$0x1]  }
0x3: {  	s1 =	rddreg [dreg:$0x2]  }
0x4: {  	s3 =	rddreg [dreg:$0x3]  }
0x5: {  	s5 =	srdreg.scid;
	s2 =	stileid.u32  }
0x6: {  	s4 =	simm.s32 $0x0;
	s30 =	simm.s32 $0x5;
	s31 =	simm.s32 $0x5100  }
0x7: {  	s5 =	sand.u32 $0x1, s5;
	[smem:$0x7FF] =	sst s4;
	s8 =	sadd.s32 $0x16000, s0  }
0x8: {  	s14 =	sadd.s32 $0x2F000, s0;
	_ =	strace $0x8000004A;
	[dreg:$0x5] =	wrdreg s8  }
0x9: {  	s6 =	smul.u32 $0xC800, s2;
	s16 =	sadd.s32 $0x2D700, s0;
	[dreg:$0x6] =	wrdreg s14  }
0xa: {  	s11 =	sadd.s32 $0xBE00, s0;
	s17 =	sadd.s32 $0x2BE00, s0;
	[dreg:$0x8] =	wrdreg s16  }
0xb: {  	p0 =	seq.s32 s2, $0x1;
	s18 =	sadd.s32 $0x2A500, s0;
	[dreg:$0x9] =	wrdreg s17  }
0xc: {  	p3 =	seq.s32 s2, $0x3;
	s19 =	sadd.s32 $0x28C00, s0;
	[dreg:$0xa] =	wrdreg s18  }
0xd: {  	p4 =	seq.s32 s2, $0x4;
	s20 =	sadd.s32 $0x27300, s0;
	[dreg:$0xb] =	wrdreg s19  }
0xe: {  	s21 =	smul.u32 $0xA00, s2;
	s22 =	sadd.s32 $0x25A00, s0;
	[dreg:$0xc] =	wrdreg s20  }
0xf: {  	s23 =	sadd.s32 $0x24100, s0;
	s24 =	sadd.s32 $0x22800, s0;
	[dreg:$0xd] =	wrdreg s22  }
0x10: {  	s25 =	smul.u32 $0x32000, s2;
	s26 =	sadd.s32 $0x20F00, s0;
	[dreg:$0xe] =	wrdreg s23  }
0x11: {  	s29 =	sadd.s32 $0x1F600, s0;
	s7 =	smul.u32 $0xC8000, s5;
	[dreg:$0xf] =	wrdreg s24  }
0x12: {  	s9 =	ssub.s32 $0x2, s5;
	p1 =	seq.s32 s5, $0x0;
	[dreg:$0x10] =	wrdreg s26  }
0x13: {  	s15 =	sor.u32 s2, s5;
	[dreg:$0x11] =	wrdreg s29;
	s14 =	sadd.s32 $0x17900, s0  }
0x14: {  	s20 =	sadd.s32 $0x32200, s0;
	s22 =	sadd.s32 $0x35400, s0;
	[dreg:$0x7] =	wrdreg s15  }
0x15: {  	s23 =	sadd.s32 $0x36D00, s0;
	s24 =	sadd.s32 $0x38600, s0;
	[dreg:$0x16] =	wrdreg s14  }
0x16: {  	s26 =	sadd.s32 $0x3B800, s0;
	s29 =	sadd.s32 $0x3D100, s0;
	[dreg:$0x18] =	wrdreg s20  }
0x17: {  	s12 =	sshrl.u32 s9, $0x1;
	p2 =	por !p1, !p0;
	[dreg:$0x1a] =	wrdreg s22  }
0x18: {  	p5 =	por !p1, !p3;
	p6 =	por !p1, !p4;
	[dreg:$0x1b] =	wrdreg s23  }
0x19: {  	s16 =	sadd.s32 s11, s21;
	s13 =	sor.u32 $0x10, s21;
	[dreg:$0x1c] =	wrdreg s24  }
0x1a: {  	s17 =	sadd.s32 s10, s21;
	s15 =	sadd.s32 $0x30900, s0;
	[dreg:$0x1e] =	wrdreg s26  }
0x1b: {  	s21 =	sadd.s32 $0x33B00, s0;
	[dreg:$0x1f] =	wrdreg s29;
	s14 =	sadd.s32 $0x44E00, s0  }
0x1c: {  	s20 =	sadd.s32 $0xBB800, s1;
	s29 =	sadd.s32 $0xAF000, s1;
	s7 =	sadd.s32 s6, s7  }
0x1d: {  	s9 =	ssub.s32 s9, s12;
	p2 =	por !p2, !p2;
	s7 =	sshrl.u32 s7, $0x3  }
0x1e: {  	s18 =	sadd.s32 s11, s13;
	s8 =	sadd.s32 s7, s0;
	s7 =	simm.s32 @!p2 $0x0  }
0x1f: {  	[dreg:$0x17] =	wrdreg s15;
	s7 =	simm.s32 @p2 $0x1;
	p2 =	seq.s32 s2, $0x2  }
0x20: {  	s19 =	sadd.s32 s10, s13;
	[smem:$0x7C9] =	sst s7;
	s7 =	simm.s32 @!p2 $0x0  }
0x21: {  	[dreg:$0x19] =	wrdreg s21;
	s7 =	simm.s32 @p2 $0x1;
	p2 =	por !p1, !p2  }
0x22: {  	s10 =	sadd.s32 $0x1DD00, s0;
	[smem:$0x7EB] =	sst s14;
	p2 =	por !p2, !p2  }
0x23: {  	s11 =	sadd.s32 $0x1C400, s0;
	[smem:$0x7CA] =	sst s7;
	s7 =	simm.s32 @!p2 $0x0  }
0x24: {  	s12 =	sadd.s32 $0x1AB00, s0;
	[smem:$0x7EF] =	sst s20;
	s7 =	simm.s32 @p2 $0x1  }
0x25: {  	s13 =	sadd.s32 $0x19200, s0;
	[smem:$0x7CB] =	sst s7;
	s7 =	simm.s32 @!p3 $0x0  }
0x26: {  	s21 =	sadd.s32 s6, s3;
	[smem:$0x7F0] =	sst s29;
	s7 =	simm.s32 @p3 $0x1  }
0x27: {  	s6 =	sadd.s32 $0x96000, s1;
	[smem:$0x7CC] =	sst s7;
	s7 =	simm.s32 @!p4 $0x0  }
0x28: {  	[dreg:$0x12] =	wrdreg s10;
	p2 =	por !p5, !p5;
	s7 =	simm.s32 @p4 $0x1  }
0x29: {  	s14 =	sadd.s32 $0x32000, s1;
	[smem:$0x7CD] =	sst s7;
	s7 =	simm.s32 @!p2 $0x0  }
0x2a: {  	[dreg:$0x13] =	wrdreg s11;
	s7 =	simm.s32 @p2 $0x1;
	p2 =	por !p6, !p6  }
0x2b: {  	s20 =	sadd.s32 $0x19000, s1;
	[smem:$0x7CE] =	sst s7;
	s7 =	simm.s32 @!p2 $0x0  }
0x2c: {  	[dreg:$0x14] =	wrdreg s12;
	s7 =	simm.s32 @p2 $0x1;
	p2 =	seq.s32 s2, $0x5  }
0x2d: {  	s29 =	sadd.s32 $0xC800, s1;
	[smem:$0x7CF] =	sst s7;
	s7 =	simm.s32 @!p2 $0x0  }
0x2e: {  	[dreg:$0x15] =	wrdreg s13;
	s7 =	simm.s32 @p2 $0x1;
	p2 =	por !p1, !p2  }
0x2f: {  	s10 =	sadd.s32 $0x3EA00, s0;
	s11 =	sadd.s32 $0x40300, s0;
	p2 =	por !p2, !p2  }
0x30: {  	s12 =	sadd.s32 $0x41C00, s0;
	[smem:$0x7D0] =	sst s7;
	s7 =	simm.s32 @!p2 $0x0  }
0x31: {  	[smem:$0x7F2] =	sst s6;
	p3 =	seq.s32 s2, $0x6;
	s7 =	simm.s32 @p2 $0x1  }
0x32: {  	s13 =	sadd.s32 $0x43500, s0;
	[smem:$0x7D1] =	sst s7;
	s7 =	simm.s32 @!p3 $0x0  }
0x33: {  	[smem:$0x7FA] =	sst s14;
	p4 =	seq.s32 s2, $0x7;
	s7 =	simm.s32 @p3 $0x1  }
0x34: {  	p3 =	por !p1, !p3;
	[smem:$0x7D2] =	sst s7;
	s7 =	simm.s32 @!p4 $0x0  }
0x35: {  	[smem:$0x7FC] =	sst s20;
	p2 =	por !p3, !p3;
	s7 =	simm.s32 @p4 $0x1  }
0x36: {  	p4 =	por !p1, !p4;
	[smem:$0x7D3] =	sst s7;
	s7 =	simm.s32 @!p2 $0x0  }
0x37: {  	[smem:$0x7FD] =	sst s29;
	s7 =	simm.s32 @p2 $0x1;
	p2 =	por !p4, !p4  }
0x38: {  	s26 =	smax.u32 s9, $0x1;
	[smem:$0x7D4] =	sst s7;
	s7 =	simm.s32 @!p2 $0x0  }
0x39: {  	[smem:$0x7E7] =	sst s10;
	s7 =	simm.s32 @p2 $0x1;
	p2 =	seq.s32 s2, $0x8  }
0x3a: {  	s9 =	sadd.s32 $0x70800, s1;
	[smem:$0x7D5] =	sst s7;
	s7 =	simm.s32 @!p2 $0x0  }
0x3b: {  	[smem:$0x7E8] =	sst s11;
	s7 =	simm.s32 @p2 $0x1;
	p2 =	por !p1, !p2  }
0x3c: {  	s6 =	simm.s32 $0x5180;
	[smem:$0x7E9] =	sst s12;
	p2 =	por !p2, !p2  }
0x3d: {  	s20 =	simm.s32 $0x4;
	[smem:$0x7D6] =	sst s7;
	s7 =	simm.s32 @!p2 $0x0  }
0x3e: {  	[smem:$0x7EA] =	sst s13;
	p3 =	seq.s32 s2, $0x9;
	s7 =	simm.s32 @p2 $0x1  }
0x3f: {  	s14 =	simm.s32 $0x0;
	[smem:$0x7D7] =	sst s7;
	s7 =	simm.s32 @!p3 $0x0  }
0x40: {  	[smem:$0x7F5] =	sst s9;
	p4 =	seq.s32 s2, $0xA;
	s7 =	simm.s32 @p3 $0x1  }
0x41: {  	p5 =	por !p1, !p3;
	[smem:$0x7D8] =	sst s7;
	s7 =	simm.s32 @!p4 $0x0  }
0x42: {  	s10 =	sadd.s32 $0x64000, s1;
	p2 =	por !p5, !p5;
	s7 =	simm.s32 @p4 $0x1  }
0x43: {  	p6 =	por !p1, !p4;
	[smem:$0x7D9] =	sst s7;
	s7 =	simm.s32 @!p2 $0x0  }
0x44: {  	s11 =	sadd.s32 $0x57800, s1;
	s7 =	simm.s32 @p2 $0x1;
	p2 =	por !p6, !p6  }
0x45: {  	s12 =	sadd.s32 $0x4B000, s1;
	[smem:$0x7DA] =	sst s7;
	s7 =	simm.s32 @!p2 $0x0  }
0x46: {  	[smem:$0x7F6] =	sst s10;
	s7 =	simm.s32 @p2 $0x1;
	p2 =	seq.s32 s2, $0xB  }
0x47: {  	s13 =	sadd.s32 $0x3E800, s1;
	[smem:$0x7DB] =	sst s7;
	s7 =	simm.s32 @!p2 $0x0  }
0x48: {  	[smem:$0x7F7] =	sst s11;
	s7 =	simm.s32 @p2 $0x1;
	p2 =	por !p1, !p2  }
0x49: {  	s9 =	simm.s32 $0x3;
	[smem:$0x7F8] =	sst s12;
	p2 =	por !p2, !p2  }
0x4a: {  	s28 =	sadd.s32 $0x48000, s8;
	[smem:$0x7DC] =	sst s7;
	s7 =	simm.s32 @!p2 $0x0  }
0x4b: {  	[smem:$0x7F9] =	sst s13;
	p3 =	seq.s32 s2, $0xC;
	s7 =	simm.s32 @p2 $0x1  }
0x4c: {  	s8 =	sadd.s32 $0x7D000, s1;
	[smem:$0x7DD] =	sst s7;
	s7 =	simm.s32 @!p3 $0x0  }
0x4d: {  	s10 =	simm.s32 $0x80;
	p4 =	seq.s32 s2, $0xD;
	s7 =	simm.s32 @p3 $0x1  }
0x4e: {  	p3 =	por !p1, !p3;
	[smem:$0x7DE] =	sst s7;
	s7 =	simm.s32 @!p4 $0x0  }
0x4f: {  	[smem:$0x7F4] =	sst s8;
	p2 =	por !p3, !p3;
	s7 =	simm.s32 @p4 $0x1  }
0x50: {  	p5 =	por !p1, !p4;
	[smem:$0x7DF] =	sst s7;
	s7 =	simm.s32 @!p2 $0x0  }
0x51: {  	p6 =	seq.s32 s2, $0x0;
	p3 =	seq.s32 s2, $0xE;
	s7 =	simm.s32 @p2 $0x1  }
0x52: {  	p2 =	por !p5, !p5;
	p5 =	seq.s32 s5, $0x1;
	s5 =	simm.s32 @!p3 $0x0  }
0x53: {  	p4 =	seq.s32 s2, $0xF;
	[smem:$0x7E0] =	sst s7;
	s5 =	simm.s32 @p3 $0x1  }
0x54: {  	p3 =	por !p1, !p3;
	[smem:$0x7E2] =	sst s5;
	s5 =	simm.s32 @!p4 $0x0  }
0x55: {  	s7 =	simm.s32 @!p2 $0x0;
	p3 =	por !p3, !p3;
	s5 =	simm.s32 @p4 $0x1  }
0x56: {  	p1 =	por !p1, !p4;
	[smem:$0x7E3] =	sst s5;
	s5 =	simm.s32 @!p3 $0x0  }
0x57: {  	s7 =	simm.s32 @p2 $0x1;
	p1 =	por !p1, !p1;
	s5 =	simm.s32 @p3 $0x1  }
0x58: {  	p2 =	por !p6, !p5;
	[smem:$0x7E4] =	sst s5;
	s5 =	simm.s32 @!p1 $0x0  }
0x59: {  	[smem:$0x7E1] =	sst s7;
	s5 =	simm.s32 @p1 $0x1;
	p1 =	por !p2, !p2  }
0x5a: {  	s7 =	sadd.s32 $0x89800, s1;
	[smem:$0x7E5] =	sst s5;
	s5 =	simm.s32 @!p1 $0x0  }
0x5b: {  	s11 =	simm.s32 $0x2800;
	[smem:$0x7F3] =	sst s7;
	s5 =	simm.s32 @p1 $0x1  }
0x5c: {  	[smem:$0x7E6] =	sst s5;
	s5 =	sshrl.u32 s25, $0x2;
	s25 =	sadd.s32 $0x39F00, s0  }
0x5d: {  	p0 =	por !p0, !p5;
	s0 =	sadd.s32 $0x46700, s0;
	[dreg:$0x1d] =	wrdreg s25  }
0x5e: {  	s12 =	simm.s32 $0x1;
	p0 =	por !p0, !p0;
	[smem:$0x7EC] =	sst s0  }
0x5f: {  	s15 =	sadd.s32 s5, s3;
	s0 =	simm.s32 @!p5 $0x0;
	s5 =	sadd.s32 $0xA2800, s1  }
0x60: {  	s22 =	sadd.s32 $0x2800, s15;
	s23 =	sadd.s32 $0x5000, s15;
	s24 =	sadd.s32 $0x7800, s15  }
0x61: {  	s25 =	sadd.s32 $0xA000, s15;
	s0 =	simm.s32 @p5 $0x1;
	[smem:$0x7F1] =	sst s5  }
0x62: {  	s15 =	sadd.s32 $0x25800, s1;
	[smem:$0x7ED] =	sst s0;
	s0 =	simm.s32 @!p0 $0x0  }
0x63: {  	s13 =	simm.s32 $0x2;
	[smem:$0x7FB] =	sst s15;
	s0 =	simm.s32 @p0 $0x1  }
0x64: {  	v0 =	vimm.f32 $0.0e+00;
	s8 =	simm.s32 $0x5080;
	[smem:$0x7EE] =	sst s0;
	s0 =	simm.s32 $0x5000  }
.LBB2_1:
0x65: {  	s5 =	rddreg [dreg:$0x7]  }
0x66: {  	p0 =	sne.s32 s5, $0x0  }
0x67: {  	s5 =	sshll.u32 @!p0 s2, $0x6  }
0x68: {  	s7 =	rddreg [dreg:$0x5];
	s15 =	sshrl.u32 @!p0 s1, $0x3;
	s5 =	sor.u32 @!p0 $0x1C05, s5  }
0x69: {  	[spmem:s15], [sflag:s5] =	dma.local @!p0 [hbm:s7], $0x1900  }
0x6a: {  	s5 =	simm.s32 @!p0 $0x5  }
0x6b: {  	_ =	swait.ge @!p0 [sflag:s5], $0x1900  }
0x6c: {  	s29 =	sld [smem:$0x7C9];
	_ =	sdelay $0x1  }
0x6d: {  	[sflag:s5] =	ssyncset.done @!p0 $0x0  }
0x6e: {  	[sflag:s5] =	ssyncadd.s32 @!p0 $0xFFFFE700;
	p0 =	seq.s32 s29, $0x1  }
.Ltmp0:
0x6f: {  	_ = 	snop;
	(pc) =	sbr.rel @!p0 .LBB2_5-.Ltmp0, $1  }
0x70: {  	_ =	sdelay $0x3  }
0x71: {  	s5 =	sld [smem:$0x7FD];
	_ =	sdelay $0x1  }
0x72: {  	s7 =	rddreg [dreg:$0x16]  }
0x73: {  	s15 =	simm.s32 $0x1C45;
	p0 =	por $0x0, $0x0;
	s5 =	sshrl.u32 s5, $0x3  }
0x74: {  	[spmem:s5], [sflag:s15] =	dma.local [hbm:s7], $0x1900  }
0x75: {  	s5 =	simm.s32 @!p0 $0x0  }
0x76: {  	_ =	swait.ge [sflag:s30], $0x1900;
	s5 =	simm.s32 @p0 $0x1;
	p0 =	por $0x0, $0x0  }
0x77: {  	[smem:$0x7C1] =	sst s5;
	s5 =	simm.s32 @!p0 $0x0  }
0x78: {  	s5 =	simm.s32 @p0 $0x1;
	p0 =	por $0x0, $0x0  }
0x79: {  	[smem:$0x7C2] =	sst s5;
	s5 =	simm.s32 @!p0 $0x0  }
0x7a: {  	p2 =	por $0x0, $0x0;
	s5 =	simm.s32 @p0 $0x1  }
0x7b: {  	[smem:$0x7C3] =	sst s5;
	s5 =	simm.s32 @!p2 $0x0  }
0x7c: {  	s5 =	simm.s32 @p2 $0x1;
	p2 =	por $0x0, $0x0  }
0x7d: {  	[smem:$0x7C4] =	sst s5;
	s5 =	simm.s32 @!p2 $0x0  }
0x7e: {  	s5 =	simm.s32 @p2 $0x1;
	p2 =	por $0x0, $0x0  }
0x7f: {  	[smem:$0x7C5] =	sst s5;
	s5 =	simm.s32 @!p2 $0x0  }
0x80: {  	p4 =	por $0x0, $0x0;
	s5 =	simm.s32 @p2 $0x1;
	p2 =	por $0x0, $0x0  }
0x81: {  	p3 =	por $0x0, $0x0;
	[smem:$0x7C6] =	sst s5;
	s5 =	simm.s32 @!p2 $0x0  }
0x82: {  	p6 =	por $0x0, $0x0;
	s5 =	simm.s32 @p2 $0x1;
	p2 =	por $0x0, $0x0  }
0x83: {  	p1 =	por $0x0, $0x0;
	[smem:$0x7C7] =	sst s5;
	s5 =	simm.s32 @!p2 $0x0  }
0x84: {  	p5 =	por $0x0, $0x0;
	[sflag:s30] =	ssyncset.done $0x0;
	s5 =	simm.s32 @p2 $0x1  }
0x85: {  	[sflag:s30] =	ssyncadd.s32 $0xFFFFE700;
	p0 =	por $0x0, $0x0;
	[smem:$0x7C8] =	sst s5  }
.LBB2_3:
0x86: {  	s5 =	sld [smem:$0x7EE];
	_ =	sdelay $0x2  }
0x87: {  	p2 =	seq.s32 s5, $0x1  }
.Ltmp1:
0x88: {  	_ = 	snop;
	(pc) =	sbr.rel @!p2 .LBB2_4-.Ltmp1, $1  }
0x89: {  	_ =	sdelay $0x3  }
.Ltmp2:
0x8a: {  	s5 =	sld [smem:$0x7FD];
	(pc) =	sbr.rel .LBB2_36-.Ltmp2, $4  }
0x8b: {  	_ = 	snop  }
0x8c: {  	s7 =	rddreg [dreg:$0x17]  }
0x8d: {  	s15 =	simm.s32 $0x1C45;
	p2 =	por $0x1, $0x1;
	s5 =	sshrl.u32 s5, $0x3  }
0x8e: {  	[spmem:s5], [sflag:s15] =	dma.local [hbm:s7], $0x1900  }
.LBB2_5:
0x8f: {  	s5 =	sld [smem:$0x7CB];
	_ =	sdelay $0x2  }
0x90: {  	p0 =	seq.s32 s5, $0x1  }
.Ltmp3:
0x91: {  	_ = 	snop;
	(pc) =	sbr.rel @!p0 .LBB2_7-.Ltmp3, $1  }
0x92: {  	_ =	sdelay $0x3  }
0x93: {  	s5 =	sld [smem:$0x7FC];
	_ =	sdelay $0x1  }
0x94: {  	s7 =	rddreg [dreg:$0x15]  }
0x95: {  	s15 =	simm.s32 $0x1C85;
	p0 =	por $0x0, $0x0;
	s5 =	sshrl.u32 s5, $0x3  }
0x96: {  	[spmem:s5], [sflag:s15] =	dma.local [hbm:s7], $0x1900  }
0x97: {  	s5 =	simm.s32 @!p0 $0x0  }
0x98: {  	s5 =	simm.s32 @p0 $0x1;
	p0 =	por $0x0, $0x0  }
0x99: {  	[smem:$0x7C8] =	sst s5;
	s5 =	simm.s32 @!p0 $0x0  }
0x9a: {  	s5 =	simm.s32 @p0 $0x1;
	p0 =	por $0x0, $0x0  }
0x9b: {  	[smem:$0x7C7] =	sst s5;
	s5 =	simm.s32 @!p0 $0x0  }
0x9c: {  	s5 =	simm.s32 @p0 $0x1;
	p0 =	por $0x0, $0x0  }
0x9d: {  	[smem:$0x7C6] =	sst s5;
	s5 =	simm.s32 @!p0 $0x0  }
0x9e: {  	s5 =	simm.s32 @p0 $0x1;
	p0 =	por $0x0, $0x0  }
0x9f: {  	[smem:$0x7C5] =	sst s5;
	s5 =	simm.s32 @!p0 $0x0  }
0xa0: {  	p2 =	por $0x0, $0x0;
	s5 =	simm.s32 @p0 $0x1  }
0xa1: {  	[smem:$0x7C4] =	sst s5;
	s5 =	simm.s32 @!p2 $0x0  }
0xa2: {  	p6 =	por $0x1, $0x1;
	s5 =	simm.s32 @p2 $0x1;
	p2 =	por $0x0, $0x0  }
0xa3: {  	p5 =	por $0x0, $0x0;
	[smem:$0x7C3] =	sst s5;
	s5 =	simm.s32 @!p2 $0x0  }
0xa4: {  	s29 =	sld [smem:$0x7ED];
	s5 =	simm.s32 @p2 $0x1;
	p2 =	por $0x0, $0x0  }
0xa5: {  	p1 =	por $0x0, $0x0;
	[smem:$0x7C2] =	sst s5;
	s5 =	simm.s32 @!p2 $0x0  }
0xa6: {  	p3 =	por $0x0, $0x0;
	p4 =	por $0x0, $0x0;
	s5 =	simm.s32 @p2 $0x1  }
0xa7: {  	p0 =	por $0x0, $0x0;
	p2 =	seq.s32 s29, $0x1;
	[smem:$0x7C1] =	sst s5  }
.LBB2_36:
0xa8: {  	s5 =	simm.s32 @!p5 $0x0  }
0xa9: {  	s5 =	simm.s32 @p5 $0x1  }
0xaa: {  	[smem:$0x7C0] =	sst s5;
	s5 =	simm.s32 @!p4 $0x0  }
.Ltmp4:
0xab: {  	s5 =	simm.s32 @p4 $0x1;
	(pc) =	sbr.rel .LBB2_37-.Ltmp4, $4  }
0xac: {  	[smem:$0x7BF] =	sst s5  }
0xad: {  	_ =	swait.ge [sflag:s30], $0x1900  }
0xae: {  	[sflag:s30] =	ssyncset.done $0x0  }
0xaf: {  	[sflag:s30] =	ssyncadd.s32 $0xFFFFE700  }
.LBB2_4:
0xb0: {  	s5 =	simm.s32 @!p4 $0x0  }
0xb1: {  	s29 =	sld [smem:$0x7ED];
	s5 =	simm.s32 @p4 $0x1  }
0xb2: {  	[smem:$0x7BF] =	sst s5;
	s5 =	simm.s32 @!p5 $0x0  }
0xb3: {  	s5 =	simm.s32 @p5 $0x1  }
0xb4: {  	p2 =	seq.s32 s29, $0x1;
	[smem:$0x7C0] =	sst s5  }
.LBB2_37:
0xb5: {  	p4 =	por !p6, !p2  }
.Ltmp5:
0xb6: {  	_ = 	snop;
	(pc) =	sbr.rel @p4 .LBB2_85-.Ltmp5, $2  }
0xb7: {  	s5 =	sld [smem:$0x7C3];
	_ =	sdelay $0x2  }
0xb8: {  	p5 =	seq.s32 s5, $0x1  }
0xb9: {  	s7 =	sld [smem:$0x7C1];
	_ =	sdelay $0x2  }
0xba: {  	p4 =	seq.s32 s7, $0x1  }
0xbb: {  	s7 =	simm.s32 @!p4 $0x0  }
0xbc: {  	s7 =	simm.s32 @p4 $0x1  }
0xbd: {  	[smem:$0x7C1] =	sst s7  }
0xbe: {  	s7 =	sld [smem:$0x7C6];
	_ =	sdelay $0x1  }
0xbf: {  	s15 =	rddreg [dreg:$0x18]  }
0xc0: {  	s29 =	stileid.u32;
	s5 =	sld [smem:$0x7FC];
	p6 =	seq.s32 s7, $0x1  }
.LBB2_39:
0xc1: {  	_ = 	snop  }
0xc2: {  	s29 =	sshll.u32 s29, $0x6  }
.Ltmp6:
0xc3: {  	s29 =	sor.u32 $0x1C05, s29;
	s5 =	sshrl.u32 s5, $0x3;
	(pc) =	sbr.rel .LBB2_40-.Ltmp6, $4  }
0xc4: {  	[spmem:s5], [sflag:s29] =	dma.local [hbm:s15], $0x1900  }
0xc5: {  	_ =	swait.ge [sflag:s30], $0x1900  }
0xc6: {  	[sflag:s30] =	ssyncset.done $0x0  }
0xc7: {  	[sflag:s30] =	ssyncadd.s32 $0xFFFFE700  }
.LBB2_85:
0xc8: {  	s5 =	sld [smem:$0x7C1];
	_ =	sdelay $0x2  }
0xc9: {  	s7 =	sld [smem:$0x7C2];
	p4 =	seq.s32 s5, $0x1  }
0xca: {  	p4 =	por @!p6 p4, p4  }
0xcb: {  	s5 =	simm.s32 @!p4 $0x0  }
0xcc: {  	s15 =	sld [smem:$0x7BF];
	s5 =	simm.s32 @p4 $0x1;
	p4 =	seq.s32 s7, $0x1  }
0xcd: {  	p4 =	por @!p6 p4, p4  }
0xce: {  	[smem:$0x7C1] =	sst s5;
	s5 =	simm.s32 @!p4 $0x0  }
0xcf: {  	s5 =	simm.s32 @p4 $0x1;
	p4 =	seq.s32 s15, $0x1  }
0xd0: {  	s29 =	sld [smem:$0x7C4];
	p4 =	por @!p6 p4, p4  }
0xd1: {  	[smem:$0x7C2] =	sst s5;
	s5 =	simm.s32 @!p4 $0x0  }
0xd2: {  	p5 =	por @!p6 p5, p5;
	s7 =	sld [smem:$0x7C5];
	s5 =	simm.s32 @p4 $0x1  }
0xd3: {  	p4 =	seq.s32 s29, $0x1;
	[smem:$0x7BF] =	sst s5;
	s5 =	simm.s32 @!p5 $0x0  }
0xd4: {  	p4 =	por @!p6 p4, p4;
	s5 =	simm.s32 @p5 $0x1  }
0xd5: {  	[smem:$0x7C3] =	sst s5;
	s5 =	simm.s32 @!p4 $0x0  }
0xd6: {  	s29 =	sld [smem:$0x7C7];
	s5 =	simm.s32 @p4 $0x1;
	p4 =	seq.s32 s7, $0x1  }
0xd7: {  	s15 =	sld [smem:$0x7C6];
	p4 =	por @!p6 p4, p4  }
0xd8: {  	[smem:$0x7C4] =	sst s5;
	s5 =	simm.s32 @!p4 $0x0  }
0xd9: {  	s7 =	sld [smem:$0x7C8];
	s5 =	simm.s32 @p4 $0x1;
	p4 =	seq.s32 s29, $0x1  }
0xda: {  	p4 =	por @!p6 p4, p4  }
0xdb: {  	p5 =	seq.s32 s15, $0x1;
	[smem:$0x7C5] =	sst s5;
	s5 =	simm.s32 @!p4 $0x0  }
0xdc: {  	s15 =	sld [smem:$0x7C0];
	s5 =	simm.s32 @p4 $0x1;
	p4 =	seq.s32 s7, $0x1  }
0xdd: {  	p4 =	por @!p6 p4, p4  }
0xde: {  	[smem:$0x7C7] =	sst s5;
	s5 =	simm.s32 @!p4 $0x0  }
0xdf: {  	p2 =	por @!p6 p2, p2;
	s5 =	simm.s32 @p4 $0x1;
	p4 =	seq.s32 s15, $0x1  }
0xe0: {  	p0 =	por @!p6 p0, p0;
	s29 =	sld [smem:$0x7C3];
	p4 =	por @!p6 p4, p4  }
0xe1: {  	p3 =	por @!p6 p3, p3;
	[smem:$0x7C8] =	sst s5;
	s5 =	simm.s32 @!p4 $0x0  }
0xe2: {  	p1 =	por @!p6 p1, p1;
	p5 =	por @!p6 p5, p5;
	s5 =	simm.s32 @p4 $0x1  }
0xe3: {  	p6 =	por p5, p5;
	p5 =	seq.s32 s29, $0x1;
	[smem:$0x7C0] =	sst s5  }
.LBB2_40:
0xe4: {  	p4 =	por !p1, !p2  }
.Ltmp7:
0xe5: {  	_ = 	snop;
	(pc) =	sbr.rel @p4 .LBB2_86-.Ltmp7, $4  }
0xe6: {  	_ = 	snop  }
0xe7: {  	s5 =	simm.s32 @!p5 $0x0  }
0xe8: {  	s5 =	simm.s32 @p5 $0x1  }
0xe9: {  	[smem:$0x7C3] =	sst s5  }
0xea: {  	s7 =	sld [smem:$0x7C0];
	_ =	sdelay $0x2  }
0xeb: {  	p1 =	seq.s32 s7, $0x1  }
0xec: {  	s7 =	simm.s32 @!p1 $0x0  }
0xed: {  	s7 =	simm.s32 @p1 $0x1  }
0xee: {  	[smem:$0x7C0] =	sst s7  }
0xef: {  	s7 =	sld [smem:$0x7C8];
	_ =	sdelay $0x2  }
0xf0: {  	p1 =	seq.s32 s7, $0x1  }
0xf1: {  	s7 =	simm.s32 @!p1 $0x0  }
0xf2: {  	s7 =	simm.s32 @p1 $0x1  }
0xf3: {  	[smem:$0x7C8] =	sst s7  }
0xf4: {  	s7 =	sld [smem:$0x7BF];
	_ =	sdelay $0x2  }
0xf5: {  	p1 =	seq.s32 s7, $0x1  }
0xf6: {  	s29 =	rddreg [dreg:$0x19];
	s7 =	simm.s32 @!p1 $0x0  }
0xf7: {  	s5 =	sld [smem:$0x7FB];
	s7 =	simm.s32 @p1 $0x1  }
0xf8: {  	s15 =	stileid.u32;
	[smem:$0x7BF] =	sst s7  }
.LBB2_42:
0xf9: {  	s15 =	sshll.u32 s15, $0x6  }
.Ltmp8:
0xfa: {  	s15 =	sor.u32 $0x1C05, s15;
	s5 =	sshrl.u32 s5, $0x3;
	(pc) =	sbr.rel .LBB2_43-.Ltmp8, $4  }
0xfb: {  	[spmem:s5], [sflag:s15] =	dma.local [hbm:s29], $0x1900  }
0xfc: {  	_ =	swait.ge [sflag:s30], $0x1900  }
0xfd: {  	[sflag:s30] =	ssyncset.done $0x0  }
0xfe: {  	[sflag:s30] =	ssyncadd.s32 $0xFFFFE700  }
.LBB2_86:
0xff: {  	s5 =	sld [smem:$0x7C0];
	_ =	sdelay $0x2  }
0x100: {  	s29 =	sld [smem:$0x7C8];
	p4 =	seq.s32 s5, $0x1  }
0x101: {  	p4 =	por @!p1 p4, p4  }
0x102: {  	s5 =	simm.s32 @!p4 $0x0  }
0x103: {  	s7 =	sld [smem:$0x7C7];
	s5 =	simm.s32 @p4 $0x1;
	p4 =	seq.s32 s29, $0x1  }
0x104: {  	p4 =	por @!p1 p4, p4  }
0x105: {  	[smem:$0x7C0] =	sst s5;
	s5 =	simm.s32 @!p4 $0x0  }
0x106: {  	s5 =	simm.s32 @p4 $0x1;
	p4 =	seq.s32 s7, $0x1  }
0x107: {  	s15 =	sld [smem:$0x7C5];
	p4 =	por @!p1 p4, p4  }
0x108: {  	[smem:$0x7C8] =	sst s5;
	s5 =	simm.s32 @!p4 $0x0  }
0x109: {  	p6 =	por @!p1 p6, p6;
	s29 =	sld [smem:$0x7C4];
	s5 =	simm.s32 @p4 $0x1  }
0x10a: {  	p4 =	seq.s32 s15, $0x1;
	[smem:$0x7C7] =	sst s5;
	s5 =	simm.s32 @!p6 $0x0  }
0x10b: {  	p4 =	por @!p1 p4, p4;
	s5 =	simm.s32 @p6 $0x1  }
0x10c: {  	[smem:$0x7C6] =	sst s5;
	s5 =	simm.s32 @!p4 $0x0  }
0x10d: {  	s7 =	sld [smem:$0x7C3];
	s5 =	simm.s32 @p4 $0x1;
	p4 =	seq.s32 s29, $0x1  }
0x10e: {  	p4 =	por @!p1 p4, p4  }
0x10f: {  	[smem:$0x7C5] =	sst s5;
	s5 =	simm.s32 @!p4 $0x0  }
0x110: {  	s15 =	sld [smem:$0x7BF];
	s5 =	simm.s32 @p4 $0x1;
	p4 =	seq.s32 s7, $0x1  }
0x111: {  	p4 =	por @!p1 p4, p4  }
0x112: {  	[smem:$0x7C4] =	sst s5;
	s5 =	simm.s32 @!p4 $0x0  }
0x113: {  	s29 =	sld [smem:$0x7C1];
	s5 =	simm.s32 @p4 $0x1;
	p4 =	seq.s32 s15, $0x1  }
0x114: {  	p4 =	por @!p1 p4, p4  }
0x115: {  	[smem:$0x7C3] =	sst s5;
	s5 =	simm.s32 @!p4 $0x0  }
0x116: {  	p6 =	seq.s32 s29, $0x1;
	s7 =	sld [smem:$0x7C2];
	s5 =	simm.s32 @p4 $0x1  }
0x117: {  	[smem:$0x7BF] =	sst s5;
	s5 =	simm.s32 @!p6 $0x0  }
0x118: {  	s5 =	simm.s32 @p6 $0x1  }
0x119: {  	[smem:$0x7C1] =	sst s5  }
0x11a: {  	p6 =	seq.s32 s7, $0x1;
	s15 =	sld [smem:$0x7C1]  }
0x11b: {  	p6 =	por @!p1 p6, p6  }
0x11c: {  	s5 =	simm.s32 @!p6 $0x0  }
0x11d: {  	s5 =	simm.s32 @p6 $0x1;
	p6 =	seq.s32 s15, $0x1  }
0x11e: {  	s29 =	sld [smem:$0x7C6];
	p6 =	por @!p1 p6, p6  }
0x11f: {  	[smem:$0x7C2] =	sst s5;
	s5 =	simm.s32 @!p6 $0x0  }
0x120: {  	p3 =	por @!p1 p3, p3;
	p0 =	por @!p1 p0, p0;
	s5 =	simm.s32 @p6 $0x1  }
0x121: {  	p2 =	por @!p1 p2, p2;
	p6 =	seq.s32 s29, $0x1;
	[smem:$0x7C1] =	sst s5  }
.LBB2_43:
0x122: {  	p1 =	por !p3, !p2  }
.Ltmp9:
0x123: {  	_ = 	snop;
	(pc) =	sbr.rel @p1 .LBB2_87-.Ltmp9, $1  }
0x124: {  	_ =	sdelay $0x3  }
0x125: {  	s7 =	sld [smem:$0x7C2];
	_ =	sdelay $0x2  }
0x126: {  	s5 =	simm.s32 @!p0 $0x0;
	p5 =	seq.s32 s7, $0x1;
	s7 =	sld [smem:$0x7C5]  }
0x127: {  	s29 =	rddreg [dreg:$0x1a];
	s5 =	simm.s32 @p0 $0x1  }
0x128: {  	[smem:$0x7BE] =	sst s5  }
0x129: {  	s15 =	stileid.u32;
	s5 =	sld [smem:$0x7FA];
	p3 =	seq.s32 s7, $0x1  }
.LBB2_45:
0x12a: {  	_ = 	snop  }
0x12b: {  	s15 =	sshll.u32 s15, $0x6  }
.Ltmp10:
0x12c: {  	s15 =	sor.u32 $0x1C05, s15;
	s5 =	sshrl.u32 s5, $0x3;
	(pc) =	sbr.rel .LBB2_46-.Ltmp10, $4  }
0x12d: {  	[spmem:s5], [sflag:s15] =	dma.local [hbm:s29], $0x1900  }
0x12e: {  	_ =	swait.ge [sflag:s30], $0x1900  }
0x12f: {  	[sflag:s30] =	ssyncset.done $0x0  }
0x130: {  	[sflag:s30] =	ssyncadd.s32 $0xFFFFE700  }
.LBB2_87:
0x131: {  	s5 =	sld [smem:$0x7C1];
	_ =	sdelay $0x1  }
0x132: {  	s15 =	sld [smem:$0x7BF]  }
0x133: {  	p1 =	seq.s32 s5, $0x1  }
0x134: {  	p1 =	por @!p3 p1, p1  }
0x135: {  	s29 =	sld [smem:$0x7C3];
	p4 =	seq.s32 s15, $0x1;
	s5 =	simm.s32 @!p1 $0x0  }
0x136: {  	s7 =	sld [smem:$0x7C2];
	p4 =	por @!p3 p4, p4;
	s5 =	simm.s32 @p1 $0x1  }
0x137: {  	[smem:$0x7C1] =	sst s5;
	s5 =	simm.s32 @!p4 $0x0  }
0x138: {  	s5 =	simm.s32 @p4 $0x1;
	p4 =	seq.s32 s29, $0x1  }
0x139: {  	p1 =	seq.s32 s7, $0x1;
	s7 =	sld [smem:$0x7C4];
	p4 =	por @!p3 p4, p4  }
0x13a: {  	[smem:$0x7BF] =	sst s5;
	s5 =	simm.s32 @!p4 $0x0  }
0x13b: {  	p0 =	por @!p3 p0, p0;
	s5 =	simm.s32 @p4 $0x1  }
0x13c: {  	[smem:$0x7C3] =	sst s5;
	s5 =	simm.s32 @!p0 $0x0  }
0x13d: {  	s15 =	sld [smem:$0x7C5];
	s5 =	simm.s32 @p0 $0x1;
	p0 =	seq.s32 s7, $0x1  }
0x13e: {  	s29 =	sld [smem:$0x7C7];
	p0 =	por @!p3 p0, p0  }
0x13f: {  	p6 =	por @!p3 p6, p6;
	[smem:$0x7BE] =	sst s5;
	s5 =	simm.s32 @!p0 $0x0  }
0x140: {  	s5 =	simm.s32 @p0 $0x1;
	p0 =	seq.s32 s15, $0x1;
	s15 =	sld [smem:$0x7C8]  }
0x141: {  	p4 =	seq.s32 s29, $0x1;
	[smem:$0x7C4] =	sst s5;
	s5 =	simm.s32 @!p6 $0x0  }
0x142: {  	p4 =	por @!p3 p4, p4;
	s7 =	sld [smem:$0x7C0];
	s5 =	simm.s32 @p6 $0x1  }
0x143: {  	[smem:$0x7C6] =	sst s5;
	s5 =	simm.s32 @!p4 $0x0;
	p6 =	seq.s32 s15, $0x1  }
0x144: {  	p2 =	por @!p3 p2, p2;
	s5 =	simm.s32 @p4 $0x1;
	p6 =	por @!p3 p6, p6  }
0x145: {  	p5 =	seq.s32 s7, $0x1;
	[smem:$0x7C7] =	sst s5;
	s5 =	simm.s32 @!p6 $0x0  }
0x146: {  	p5 =	por @!p3 p5, p5;
	s29 =	sld [smem:$0x7C6];
	s5 =	simm.s32 @p6 $0x1  }
0x147: {  	p0 =	por @!p3 p0, p0;
	[smem:$0x7C8] =	sst s5;
	s5 =	simm.s32 @!p5 $0x0  }
0x148: {  	p1 =	por @!p3 p1, p1;
	p3 =	por p0, p0;
	s5 =	simm.s32 @p5 $0x1  }
0x149: {  	p6 =	seq.s32 s29, $0x1;
	p5 =	por p1, p1;
	[smem:$0x7C0] =	sst s5  }
.LBB2_46:
0x14a: {  	s5 =	sld [smem:$0x7C4];
	_ =	sdelay $0x2  }
0x14b: {  	p4 =	seq.s32 s5, $0x1  }
0x14c: {  	p1 =	por !p4, !p2  }
.Ltmp11:
0x14d: {  	_ = 	snop;
	(pc) =	sbr.rel @p1 .LBB2_88-.Ltmp11, $1  }
0x14e: {  	_ =	sdelay $0x3  }
0x14f: {  	s7 =	sld [smem:$0x7C7];
	_ =	sdelay $0x2  }
0x150: {  	p0 =	seq.s32 s7, $0x1  }
0x151: {  	s29 =	rddreg [dreg:$0x1b];
	s7 =	simm.s32 @!p0 $0x0  }
0x152: {  	s5 =	sld [smem:$0x7F9];
	s7 =	simm.s32 @p0 $0x1  }
0x153: {  	p1 =	por p5, p5;
	s15 =	stileid.u32;
	[smem:$0x7C7] =	sst s7  }
.LBB2_48:
0x154: {  	s15 =	sshll.u32 s15, $0x6  }
0x155: {  	s15 =	sor.u32 $0x1C05, s15;
	s5 =	sshrl.u32 s5, $0x3  }
0x156: {  	[spmem:s5], [sflag:s15] =	dma.local [hbm:s29], $0x1900  }
.Ltmp12:
0x157: {  	_ =	swait.ge [sflag:s30], $0x1900;
	(pc) =	sbr.rel .LBB2_49-.Ltmp12, $3  }
0x158: {  	s29 =	sld [smem:$0x7BE];
	_ =	sdelay $0x1  }
0x159: {  	[sflag:s30] =	ssyncset.done $0x0  }
0x15a: {  	[sflag:s30] =	ssyncadd.s32 $0xFFFFE700;
	p5 =	seq.s32 s29, $0x1  }
.LBB2_88:
0x15b: {  	s5 =	sld [smem:$0x7C0];
	_ =	sdelay $0x2  }
0x15c: {  	s29 =	sld [smem:$0x7C8];
	p1 =	seq.s32 s5, $0x1  }
0x15d: {  	s7 =	sld [smem:$0x7C7];
	p1 =	por @!p4 p1, p1  }
0x15e: {  	p6 =	por @!p4 p6, p6;
	s5 =	simm.s32 @!p1 $0x0  }
0x15f: {  	s15 =	sld [smem:$0x7BE];
	s5 =	simm.s32 @p1 $0x1;
	p1 =	seq.s32 s29, $0x1  }
0x160: {  	p0 =	seq.s32 s7, $0x1;
	s7 =	sld [smem:$0x7BF];
	p1 =	por @!p4 p1, p1  }
0x161: {  	p3 =	por @!p4 p3, p3;
	[smem:$0x7C0] =	sst s5;
	s5 =	simm.s32 @!p1 $0x0  }
0x162: {  	p0 =	por @!p4 p0, p0;
	s29 =	sld [smem:$0x7C3];
	s5 =	simm.s32 @p1 $0x1  }
0x163: {  	p1 =	por p5, p5;
	[smem:$0x7C8] =	sst s5;
	s5 =	simm.s32 @!p0 $0x0  }
0x164: {  	p5 =	seq.s32 s15, $0x1;
	s5 =	simm.s32 @p0 $0x1;
	p0 =	por p3, p3  }
0x165: {  	p3 =	seq.s32 s29, $0x1;
	[smem:$0x7C7] =	sst s5;
	s5 =	simm.s32 @!p6 $0x0  }
0x166: {  	s15 =	sld [smem:$0x7C1];
	p3 =	por @!p4 p3, p3;
	s5 =	simm.s32 @p6 $0x1  }
0x167: {  	[smem:$0x7C6] =	sst s5;
	s5 =	simm.s32 @!p3 $0x0  }
0x168: {  	s5 =	simm.s32 @p3 $0x1;
	p3 =	por p0, p0;
	p0 =	seq.s32 s7, $0x1  }
0x169: {  	p0 =	por @!p4 p0, p0  }
0x16a: {  	p6 =	seq.s32 s15, $0x1;
	[smem:$0x7C3] =	sst s5;
	s5 =	simm.s32 @!p0 $0x0  }
0x16b: {  	p6 =	por @!p4 p6, p6;
	s29 =	sld [smem:$0x7C6];
	s5 =	simm.s32 @p0 $0x1  }
0x16c: {  	[smem:$0x7BF] =	sst s5;
	s5 =	simm.s32 @!p6 $0x0  }
0x16d: {  	p2 =	por @!p4 p2, p2;
	p5 =	por @!p4 p5, p5;
	s5 =	simm.s32 @p6 $0x1  }
0x16e: {  	p1 =	por @!p4 p1, p1;
	p6 =	seq.s32 s29, $0x1;
	[smem:$0x7C1] =	sst s5  }
.LBB2_49:
0x16f: {  	p0 =	por !p5, !p2  }
.Ltmp13:
0x170: {  	_ = 	snop;
	(pc) =	sbr.rel @p0 .LBB2_89-.Ltmp13, $1  }
0x171: {  	_ =	sdelay $0x3  }
0x172: {  	s7 =	sld [smem:$0x7C7];
	_ =	sdelay $0x1  }
0x173: {  	s29 =	rddreg [dreg:$0x1c];
	s15 =	stileid.u32  }
0x174: {  	s5 =	sld [smem:$0x7F8];
	p5 =	por p1, p1;
	p1 =	seq.s32 s7, $0x1  }
.LBB2_51:
0x175: {  	_ = 	snop  }
0x176: {  	s15 =	sshll.u32 s15, $0x6  }
.Ltmp14:
0x177: {  	s15 =	sor.u32 $0x1C05, s15;
	s5 =	sshrl.u32 s5, $0x3;
	(pc) =	sbr.rel .LBB2_52-.Ltmp14, $4  }
0x178: {  	[spmem:s5], [sflag:s15] =	dma.local [hbm:s29], $0x1900  }
0x179: {  	_ =	swait.ge [sflag:s30], $0x1900  }
0x17a: {  	[sflag:s30] =	ssyncset.done $0x0  }
0x17b: {  	[sflag:s30] =	ssyncadd.s32 $0xFFFFE700  }
.LBB2_89:
0x17c: {  	s5 =	sld [smem:$0x7C1];
	_ =	sdelay $0x2  }
0x17d: {  	p0 =	seq.s32 s5, $0x1  }
0x17e: {  	s29 =	sld [smem:$0x7BF];
	p0 =	por @!p5 p0, p0  }
0x17f: {  	s5 =	simm.s32 @!p0 $0x0  }
0x180: {  	s7 =	sld [smem:$0x7C3];
	s5 =	simm.s32 @p0 $0x1  }
0x181: {  	p0 =	seq.s32 s29, $0x1;
	[smem:$0x7C1] =	sst s5;
	s5 =	simm.s32 @!p6 $0x0  }
0x182: {  	p0 =	por @!p5 p0, p0;
	s5 =	simm.s32 @p6 $0x1  }
0x183: {  	[smem:$0x7C6] =	sst s5;
	s5 =	simm.s32 @!p0 $0x0  }
0x184: {  	s5 =	simm.s32 @p0 $0x1;
	p0 =	seq.s32 s7, $0x1;
	s15 =	sld [smem:$0x7C6]  }
0x185: {  	p0 =	por @!p5 p0, p0  }
0x186: {  	[smem:$0x7BF] =	sst s5;
	s5 =	simm.s32 @!p0 $0x0  }
0x187: {  	s7 =	sld [smem:$0x7C8];
	s5 =	simm.s32 @p0 $0x1;
	p0 =	seq.s32 s15, $0x1  }
0x188: {  	p0 =	por @!p5 p0, p0  }
0x189: {  	[smem:$0x7C3] =	sst s5;
	s5 =	simm.s32 @!p0 $0x0  }
0x18a: {  	s15 =	sld [smem:$0x7C0];
	s5 =	simm.s32 @p0 $0x1;
	p0 =	seq.s32 s7, $0x1  }
0x18b: {  	s29 =	sld [smem:$0x7C7];
	p0 =	por @!p5 p0, p0  }
0x18c: {  	p4 =	por p1, p1;
	[smem:$0x7C6] =	sst s5;
	s5 =	simm.s32 @!p0 $0x0  }
0x18d: {  	p4 =	por @!p5 p1, p1;
	s5 =	simm.s32 @p0 $0x1;
	p0 =	seq.s32 s15, $0x1  }
0x18e: {  	p1 =	seq.s32 s29, $0x1;
	s29 =	sld [smem:$0x7C6];
	p0 =	por @!p5 p0, p0  }
0x18f: {  	p2 =	por @!p5 p2, p2;
	[smem:$0x7C8] =	sst s5;
	s5 =	simm.s32 @!p0 $0x0  }
0x190: {  	p3 =	por @!p5 p3, p3;
	p1 =	por @!p5 p1, p1;
	s5 =	simm.s32 @p0 $0x1  }
0x191: {  	p5 =	por p4, p4;
	p6 =	seq.s32 s29, $0x1;
	[smem:$0x7C0] =	sst s5  }
.LBB2_52:
0x192: {  	p0 =	por !p3, !p2  }
.Ltmp15:
0x193: {  	_ = 	snop;
	(pc) =	sbr.rel @p0 .LBB2_90-.Ltmp15, $1  }
0x194: {  	_ =	sdelay $0x3  }
0x195: {  	s15 =	rddreg [dreg:$0x1d]  }
0x196: {  	s29 =	stileid.u32;
	s5 =	sld [smem:$0x7F7]  }
.LBB2_54:
0x197: {  	_ = 	snop  }
0x198: {  	s29 =	sshll.u32 s29, $0x6  }
.Ltmp16:
0x199: {  	s29 =	sor.u32 $0x1C05, s29;
	s5 =	sshrl.u32 s5, $0x3;
	(pc) =	sbr.rel .LBB2_55-.Ltmp16, $4  }
0x19a: {  	[spmem:s5], [sflag:s29] =	dma.local [hbm:s15], $0x1900  }
0x19b: {  	_ =	swait.ge [sflag:s30], $0x1900  }
0x19c: {  	[sflag:s30] =	ssyncset.done $0x0  }
0x19d: {  	[sflag:s30] =	ssyncadd.s32 $0xFFFFE700  }
.LBB2_90:
0x19e: {  	s5 =	sld [smem:$0x7C0];
	_ =	sdelay $0x2  }
0x19f: {  	s29 =	sld [smem:$0x7C8];
	p0 =	seq.s32 s5, $0x1  }
0x1a0: {  	p0 =	por @!p3 p0, p0  }
0x1a1: {  	s5 =	simm.s32 @!p0 $0x0  }
0x1a2: {  	s7 =	sld [smem:$0x7C3];
	s5 =	simm.s32 @p0 $0x1;
	p0 =	seq.s32 s29, $0x1  }
0x1a3: {  	p0 =	por @!p3 p0, p0  }
0x1a4: {  	[smem:$0x7C0] =	sst s5;
	s5 =	simm.s32 @!p0 $0x0  }
0x1a5: {  	s15 =	sld [smem:$0x7BF];
	s5 =	simm.s32 @p0 $0x1;
	p0 =	seq.s32 s7, $0x1  }
0x1a6: {  	p0 =	por @!p3 p0, p0  }
0x1a7: {  	[smem:$0x7C8] =	sst s5;
	s5 =	simm.s32 @!p0 $0x0  }
0x1a8: {  	s29 =	sld [smem:$0x7C1];
	s5 =	simm.s32 @p0 $0x1;
	p0 =	seq.s32 s15, $0x1  }
0x1a9: {  	p0 =	por @!p3 p0, p0  }
0x1aa: {  	[smem:$0x7C3] =	sst s5;
	s5 =	simm.s32 @!p0 $0x0  }
0x1ab: {  	s5 =	simm.s32 @p0 $0x1;
	p0 =	seq.s32 s29, $0x1  }
0x1ac: {  	p0 =	por @!p3 p0, p0  }
0x1ad: {  	[smem:$0x7BF] =	sst s5;
	s5 =	simm.s32 @!p0 $0x0  }
0x1ae: {  	p1 =	por @!p3 p1, p1;
	p6 =	por @!p3 p6, p6;
	s5 =	simm.s32 @p0 $0x1  }
0x1af: {  	p5 =	por @!p3 p5, p5;
	p2 =	por @!p3 p2, p2;
	[smem:$0x7C1] =	sst s5  }
.LBB2_55:
0x1b0: {  	s5 =	sld [smem:$0x7C3];
	_ =	sdelay $0x2  }
0x1b1: {  	p3 =	seq.s32 s5, $0x1  }
0x1b2: {  	p0 =	por !p3, !p2  }
.Ltmp17:
0x1b3: {  	_ = 	snop;
	(pc) =	sbr.rel @p0 .LBB2_91-.Ltmp17, $1  }
0x1b4: {  	_ =	sdelay $0x3  }
0x1b5: {  	s15 =	rddreg [dreg:$0x1e]  }
0x1b6: {  	s29 =	stileid.u32;
	s5 =	sld [smem:$0x7F6]  }
.LBB2_57:
0x1b7: {  	_ = 	snop  }
0x1b8: {  	s29 =	sshll.u32 s29, $0x6  }
.Ltmp18:
0x1b9: {  	s29 =	sor.u32 $0x1C05, s29;
	s5 =	sshrl.u32 s5, $0x3;
	(pc) =	sbr.rel .LBB2_58-.Ltmp18, $4  }
0x1ba: {  	[spmem:s5], [sflag:s29] =	dma.local [hbm:s15], $0x1900  }
0x1bb: {  	_ =	swait.ge [sflag:s30], $0x1900  }
0x1bc: {  	[sflag:s30] =	ssyncset.done $0x0  }
0x1bd: {  	[sflag:s30] =	ssyncadd.s32 $0xFFFFE700  }
.LBB2_91:
0x1be: {  	s5 =	sld [smem:$0x7C1];
	_ =	sdelay $0x2  }
0x1bf: {  	s7 =	sld [smem:$0x7BF];
	p0 =	seq.s32 s5, $0x1  }
0x1c0: {  	p0 =	por @!p3 p0, p0  }
0x1c1: {  	s5 =	simm.s32 @!p0 $0x0  }
0x1c2: {  	s15 =	sld [smem:$0x7C8];
	s5 =	simm.s32 @p0 $0x1;
	p0 =	seq.s32 s7, $0x1  }
0x1c3: {  	p0 =	por @!p3 p0, p0  }
0x1c4: {  	[smem:$0x7C1] =	sst s5;
	s5 =	simm.s32 @!p0 $0x0  }
0x1c5: {  	s29 =	sld [smem:$0x7C0];
	s5 =	simm.s32 @p0 $0x1;
	p0 =	seq.s32 s15, $0x1  }
0x1c6: {  	p0 =	por @!p3 p0, p0  }
0x1c7: {  	[smem:$0x7BF] =	sst s5;
	s5 =	simm.s32 @!p0 $0x0  }
0x1c8: {  	s5 =	simm.s32 @p0 $0x1;
	p0 =	seq.s32 s29, $0x1  }
0x1c9: {  	p0 =	por @!p3 p0, p0  }
0x1ca: {  	[smem:$0x7C8] =	sst s5;
	s5 =	simm.s32 @!p0 $0x0  }
0x1cb: {  	p2 =	por @!p3 p2, p2;
	p5 =	por @!p3 p5, p5;
	s5 =	simm.s32 @p0 $0x1  }
0x1cc: {  	p6 =	por @!p3 p6, p6;
	p1 =	por @!p3 p1, p1;
	[smem:$0x7C0] =	sst s5  }
.LBB2_58:
0x1cd: {  	p0 =	por !p6, !p2  }
.Ltmp19:
0x1ce: {  	_ = 	snop;
	(pc) =	sbr.rel @p0 .LBB2_92-.Ltmp19, $1  }
0x1cf: {  	_ =	sdelay $0x3  }
0x1d0: {  	s15 =	rddreg [dreg:$0x1f]  }
0x1d1: {  	s29 =	stileid.u32;
	s5 =	sld [smem:$0x7F5]  }
.LBB2_60:
0x1d2: {  	_ = 	snop  }
0x1d3: {  	s29 =	sshll.u32 s29, $0x6  }
.Ltmp20:
0x1d4: {  	s29 =	sor.u32 $0x1C05, s29;
	s5 =	sshrl.u32 s5, $0x3;
	(pc) =	sbr.rel .LBB2_61-.Ltmp20, $4  }
0x1d5: {  	[spmem:s5], [sflag:s29] =	dma.local [hbm:s15], $0x1900  }
0x1d6: {  	_ =	swait.ge [sflag:s30], $0x1900  }
0x1d7: {  	[sflag:s30] =	ssyncset.done $0x0  }
0x1d8: {  	[sflag:s30] =	ssyncadd.s32 $0xFFFFE700  }
.LBB2_92:
0x1d9: {  	s5 =	sld [smem:$0x7C0];
	_ =	sdelay $0x2  }
0x1da: {  	s7 =	sld [smem:$0x7C8];
	p0 =	seq.s32 s5, $0x1  }
0x1db: {  	p0 =	por @!p6 p0, p0  }
0x1dc: {  	s5 =	simm.s32 @!p0 $0x0  }
0x1dd: {  	s15 =	sld [smem:$0x7BF];
	s5 =	simm.s32 @p0 $0x1;
	p0 =	seq.s32 s7, $0x1  }
0x1de: {  	p0 =	por @!p6 p0, p0  }
0x1df: {  	[smem:$0x7C0] =	sst s5;
	s5 =	simm.s32 @!p0 $0x0  }
0x1e0: {  	s29 =	sld [smem:$0x7C1];
	s5 =	simm.s32 @p0 $0x1;
	p0 =	seq.s32 s15, $0x1  }
0x1e1: {  	p0 =	por @!p6 p0, p0  }
0x1e2: {  	[smem:$0x7C8] =	sst s5;
	s5 =	simm.s32 @!p0 $0x0  }
0x1e3: {  	s5 =	simm.s32 @p0 $0x1;
	p0 =	seq.s32 s29, $0x1  }
0x1e4: {  	p0 =	por @!p6 p0, p0  }
0x1e5: {  	[smem:$0x7BF] =	sst s5;
	s5 =	simm.s32 @!p0 $0x0  }
0x1e6: {  	p1 =	por @!p6 p1, p1;
	s5 =	simm.s32 @p0 $0x1  }
0x1e7: {  	p5 =	por @!p6 p5, p5;
	p2 =	por @!p6 p2, p2;
	[smem:$0x7C1] =	sst s5  }
.LBB2_61:
0x1e8: {  	s5 =	sld [smem:$0x7BF];
	_ =	sdelay $0x2  }
0x1e9: {  	p0 =	seq.s32 s5, $0x1  }
0x1ea: {  	p0 =	por !p0, !p2  }
.Ltmp21:
0x1eb: {  	_ = 	snop;
	(pc) =	sbr.rel @p0 .LBB2_93-.Ltmp21, $1  }
0x1ec: {  	_ =	sdelay $0x3  }
0x1ed: {  	s7 =	sld [smem:$0x7C8];
	_ =	sdelay $0x1  }
0x1ee: {  	s15 =	sld [smem:$0x7E7]  }
0x1ef: {  	s29 =	stileid.u32;
	s5 =	sld [smem:$0x7F4];
	p4 =	seq.s32 s7, $0x1  }
.LBB2_63:
0x1f0: {  	_ = 	snop  }
0x1f1: {  	s29 =	sshll.u32 s29, $0x6  }
.Ltmp22:
0x1f2: {  	s29 =	sor.u32 $0x1C05, s29;
	s5 =	sshrl.u32 s5, $0x3;
	(pc) =	sbr.rel .LBB2_64-.Ltmp22, $4  }
0x1f3: {  	[spmem:s5], [sflag:s29] =	dma.local [hbm:s15], $0x1900  }
0x1f4: {  	_ =	swait.ge [sflag:s30], $0x1900  }
0x1f5: {  	[sflag:s30] =	ssyncset.done $0x0  }
0x1f6: {  	[sflag:s30] =	ssyncadd.s32 $0xFFFFE700  }
.LBB2_93:
0x1f7: {  	s5 =	sld [smem:$0x7BF]  }
0x1f8: {  	s7 =	sld [smem:$0x7C1];
	_ =	sdelay $0x1  }
0x1f9: {  	s29 =	sld [smem:$0x7C0]  }
0x1fa: {  	p4 =	seq.s32 s5, $0x1;
	p0 =	seq.s32 s7, $0x1  }
0x1fb: {  	s15 =	sld [smem:$0x7C8];
	p0 =	por @!p4 p0, p0  }
0x1fc: {  	p3 =	seq.s32 s29, $0x1;
	s5 =	simm.s32 @!p0 $0x0  }
0x1fd: {  	p2 =	por @!p4 p2, p2;
	p3 =	por @!p4 p3, p3;
	s5 =	simm.s32 @p0 $0x1  }
0x1fe: {  	p0 =	seq.s32 s15, $0x1;
	[smem:$0x7C1] =	sst s5;
	s5 =	simm.s32 @!p3 $0x0  }
0x1ff: {  	p5 =	por @!p4 p5, p5;
	p0 =	por @!p4 p0, p0;
	s5 =	simm.s32 @p3 $0x1  }
0x200: {  	p1 =	por @!p4 p1, p1;
	p4 =	por p0, p0;
	[smem:$0x7C0] =	sst s5  }
.LBB2_64:
0x201: {  	p0 =	por !p1, !p2  }
.Ltmp23:
0x202: {  	_ = 	snop;
	(pc) =	sbr.rel @p0 .LBB2_94-.Ltmp23, $1  }
0x203: {  	_ =	sdelay $0x3  }
0x204: {  	s15 =	sld [smem:$0x7E8]  }
0x205: {  	s5 =	stileid.u32;
	s29 =	sld [smem:$0x7F3]  }
.LBB2_66:
0x206: {  	_ = 	snop  }
0x207: {  	s5 =	sshll.u32 s5, $0x6  }
.Ltmp24:
0x208: {  	s5 =	sor.u32 $0x1C05, s5;
	s29 =	sshrl.u32 s29, $0x3;
	(pc) =	sbr.rel .LBB2_67-.Ltmp24, $4  }
0x209: {  	[spmem:s29], [sflag:s5] =	dma.local [hbm:s15], $0x1900  }
0x20a: {  	_ =	swait.ge [sflag:s30], $0x1900  }
0x20b: {  	[sflag:s30] =	ssyncset.done $0x0  }
0x20c: {  	[sflag:s30] =	ssyncadd.s32 $0xFFFFE700  }
.LBB2_94:
0x20d: {  	s5 =	sld [smem:$0x7C0];
	_ =	sdelay $0x2  }
0x20e: {  	s29 =	sld [smem:$0x7C1];
	p0 =	seq.s32 s5, $0x1  }
0x20f: {  	p0 =	por @!p1 p0, p0  }
0x210: {  	s5 =	simm.s32 @!p0 $0x0  }
0x211: {  	s5 =	simm.s32 @p0 $0x1;
	p0 =	seq.s32 s29, $0x1  }
0x212: {  	p0 =	por @!p1 p0, p0  }
0x213: {  	[smem:$0x7C0] =	sst s5;
	s5 =	simm.s32 @!p0 $0x0  }
0x214: {  	p4 =	por @!p1 p4, p4;
	s5 =	simm.s32 @p0 $0x1  }
0x215: {  	p5 =	por @!p1 p5, p5;
	p2 =	por @!p1 p2, p2;
	[smem:$0x7C1] =	sst s5  }
.LBB2_67:
0x216: {  	p0 =	por !p5, !p2  }
.Ltmp25:
0x217: {  	_ = 	snop;
	(pc) =	sbr.rel @p0 .LBB2_95-.Ltmp25, $1  }
0x218: {  	_ =	sdelay $0x3  }
0x219: {  	s15 =	sld [smem:$0x7E9]  }
0x21a: {  	s5 =	stileid.u32;
	s29 =	sld [smem:$0x7F2]  }
.LBB2_69:
0x21b: {  	_ = 	snop  }
0x21c: {  	s5 =	sshll.u32 s5, $0x6  }
.Ltmp26:
0x21d: {  	s5 =	sor.u32 $0x1C05, s5;
	s29 =	sshrl.u32 s29, $0x3;
	(pc) =	sbr.rel .LBB2_70-.Ltmp26, $4  }
0x21e: {  	[spmem:s29], [sflag:s5] =	dma.local [hbm:s15], $0x1900  }
0x21f: {  	_ =	swait.ge [sflag:s30], $0x1900  }
0x220: {  	[sflag:s30] =	ssyncset.done $0x0  }
0x221: {  	[sflag:s30] =	ssyncadd.s32 $0xFFFFE700  }
.LBB2_95:
0x222: {  	s5 =	sld [smem:$0x7C1];
	_ =	sdelay $0x2  }
0x223: {  	s29 =	sld [smem:$0x7C0];
	p0 =	seq.s32 s5, $0x1  }
0x224: {  	p0 =	por @!p5 p0, p0  }
0x225: {  	s5 =	simm.s32 @!p0 $0x0  }
0x226: {  	s5 =	simm.s32 @p0 $0x1;
	p0 =	seq.s32 s29, $0x1  }
0x227: {  	p0 =	por @!p5 p0, p0  }
0x228: {  	[smem:$0x7C1] =	sst s5;
	s5 =	simm.s32 @!p0 $0x0  }
0x229: {  	s5 =	simm.s32 @p0 $0x1  }
0x22a: {  	p2 =	por @!p5 p2, p2;
	p4 =	por @!p5 p4, p4;
	[smem:$0x7C0] =	sst s5  }
.LBB2_70:
0x22b: {  	p0 =	por !p4, !p2  }
.Ltmp27:
0x22c: {  	_ = 	snop;
	(pc) =	sbr.rel @p0 .LBB2_96-.Ltmp27, $1  }
0x22d: {  	_ =	sdelay $0x3  }
0x22e: {  	s15 =	sld [smem:$0x7EA]  }
0x22f: {  	s5 =	stileid.u32;
	s29 =	sld [smem:$0x7F1]  }
.LBB2_72:
0x230: {  	_ = 	snop  }
0x231: {  	s5 =	sshll.u32 s5, $0x6  }
.Ltmp28:
0x232: {  	s5 =	sor.u32 $0x1C05, s5;
	s29 =	sshrl.u32 s29, $0x3;
	(pc) =	sbr.rel .LBB2_73-.Ltmp28, $4  }
0x233: {  	[spmem:s29], [sflag:s5] =	dma.local [hbm:s15], $0x1900  }
0x234: {  	_ =	swait.ge [sflag:s30], $0x1900  }
0x235: {  	[sflag:s30] =	ssyncset.done $0x0  }
0x236: {  	[sflag:s30] =	ssyncadd.s32 $0xFFFFE700  }
.LBB2_96:
0x237: {  	s5 =	sld [smem:$0x7C0];
	_ =	sdelay $0x2  }
0x238: {  	s29 =	sld [smem:$0x7C1];
	p0 =	seq.s32 s5, $0x1  }
0x239: {  	p0 =	por @!p4 p0, p0  }
0x23a: {  	s5 =	simm.s32 @!p0 $0x0  }
0x23b: {  	s5 =	simm.s32 @p0 $0x1;
	p0 =	seq.s32 s29, $0x1  }
0x23c: {  	p0 =	por @!p4 p0, p0  }
0x23d: {  	[smem:$0x7C0] =	sst s5;
	s5 =	simm.s32 @!p0 $0x0  }
0x23e: {  	s5 =	simm.s32 @p0 $0x1  }
0x23f: {  	p2 =	por @!p4 p2, p2;
	[smem:$0x7C1] =	sst s5  }
.LBB2_73:
0x240: {  	s5 =	sld [smem:$0x7C1];
	_ =	sdelay $0x2  }
0x241: {  	p0 =	seq.s32 s5, $0x1  }
0x242: {  	p0 =	por !p0, !p2  }
.Ltmp29:
0x243: {  	_ = 	snop;
	(pc) =	sbr.rel @p0 .LBB2_97-.Ltmp29, $1  }
0x244: {  	_ =	sdelay $0x3  }
0x245: {  	s15 =	sld [smem:$0x7EB]  }
0x246: {  	s5 =	stileid.u32;
	s29 =	sld [smem:$0x7F0]  }
.LBB2_75:
0x247: {  	_ = 	snop  }
0x248: {  	s5 =	sshll.u32 s5, $0x6  }
.Ltmp30:
0x249: {  	s5 =	sor.u32 $0x1C05, s5;
	s29 =	sshrl.u32 s29, $0x3;
	(pc) =	sbr.rel .LBB2_76-.Ltmp30, $4  }
0x24a: {  	[spmem:s29], [sflag:s5] =	dma.local [hbm:s15], $0x1900  }
0x24b: {  	_ =	swait.ge [sflag:s30], $0x1900  }
0x24c: {  	[sflag:s30] =	ssyncset.done $0x0  }
0x24d: {  	[sflag:s30] =	ssyncadd.s32 $0xFFFFE700  }
.LBB2_97:
0x24e: {  	s5 =	sld [smem:$0x7C1]  }
0x24f: {  	s29 =	sld [smem:$0x7C0];
	_ =	sdelay $0x2  }
0x250: {  	p0 =	seq.s32 s5, $0x1;
	p1 =	seq.s32 s29, $0x1  }
0x251: {  	p1 =	por @!p0 p1, p1  }
0x252: {  	s5 =	simm.s32 @!p1 $0x0  }
0x253: {  	s5 =	simm.s32 @p1 $0x1  }
0x254: {  	p2 =	por @!p0 p2, p2;
	[smem:$0x7C0] =	sst s5  }
.LBB2_76:
0x255: {  	s5 =	sld [smem:$0x7C0];
	_ =	sdelay $0x2  }
0x256: {  	p0 =	seq.s32 s5, $0x1  }
0x257: {  	p0 =	por !p0, !p2  }
.Ltmp31:
0x258: {  	_ = 	snop;
	(pc) =	sbr.rel @p0 .LBB2_79-.Ltmp31, $1  }
0x259: {  	_ =	sdelay $0x3  }
0x25a: {  	s7 =	sld [smem:$0x7EF]  }
0x25b: {  	s29 =	sld [smem:$0x7EC]  }
0x25c: {  	s5 =	sshll.u32 s2, $0x6  }
0x25d: {  	s5 =	sor.u32 $0x1C05, s5;
	s15 =	sshrl.u32 s7, $0x3  }
0x25e: {  	[spmem:s15], [sflag:s5] =	dma.local [hbm:s29], $0x1900  }
.LBB2_78:
0x25f: {  	_ =	swait.ge [sflag:s30], $0x1900  }
0x260: {  	[sflag:s30] =	ssyncset.done $0x0  }
0x261: {  	[sflag:s30] =	ssyncadd.s32 $0xFFFFE700  }
.LBB2_79:
0x262: {  	s15 =	simm.s32 $0x140;
	s29 =	simm.s32 $0x0  }
.LBB2_80:
0x263: {  	p0 =	sne.s32 s15, $0x9EC0;
	[tilespmem:s29+$0x40] =	vst v0;
	s5 =	smov.u32 s15;
	s15 =	sadd.s32 $0x140, s15  }
.Ltmp32:
0x264: {  	[tilespmem:s29+$0x30] =	vst v0;
	(pc) =	sbr.rel @p0 .LBB2_80-.Ltmp32, $4  }
0x265: {  	[tilespmem:s29+$0x20] =	vst v0  }
0x266: {  	[tilespmem:s29+$0x0] =	vst v0  }
0x267: {  	[tilespmem:s29+$0x10] =	vst v0  }
0x268: {  	s29 =	sshra.s32 s5, $0x2  }
0x269: {  	[tilespmem:s29+$0x40] =	vst v0  }
0x26a: {  	[tilespmem:s29+$0x30] =	vst v0  }
0x26b: {  	[tilespmem:s29+$0x20] =	vst v0  }
0x26c: {  	[tilespmem:s29+$0x0] =	vst v0  }
0x26d: {  	[tilespmem:s29+$0x10] =	vst v0  }
0x26e: {  	[spmem:s21] =	stream.linear.scatter [tilespmem:s4], [sflag:$0x5], $0x2800, $0x38;
	[tilespmem:$0x1E200] =	vst v63  }
0x26f: {  	_ =	swait.ge [sflag:s30], $0x2800  }
0x270: {  	[sflag:s30] =	ssyncset.done $0x0  }
0x271: {  	[sflag:s30] =	ssyncadd.s32 $0xFFFFD800  }
0x272: {  	[spmem:s22] =	stream.linear.scatter [tilespmem:s4], [sflag:$0x5], $0x2800, $0x38;
	[tilespmem:$0x1E200] =	vst v63  }
0x273: {  	_ =	swait.ge [sflag:s30], $0x2800  }
0x274: {  	[sflag:s30] =	ssyncset.done $0x0  }
0x275: {  	[sflag:s30] =	ssyncadd.s32 $0xFFFFD800  }
0x276: {  	[spmem:s23] =	stream.linear.scatter [tilespmem:s4], [sflag:$0x5], $0x2800, $0x38;
	[tilespmem:$0x1E200] =	vst v63  }
0x277: {  	_ =	swait.ge [sflag:s30], $0x2800  }
0x278: {  	[sflag:s30] =	ssyncset.done $0x0  }
0x279: {  	[sflag:s30] =	ssyncadd.s32 $0xFFFFD800  }
0x27a: {  	[spmem:s24] =	stream.linear.scatter [tilespmem:s4], [sflag:$0x5], $0x2800, $0x38;
	[tilespmem:$0x1E200] =	vst v63  }
0x27b: {  	_ =	swait.ge [sflag:s30], $0x2800  }
0x27c: {  	[sflag:s30] =	ssyncset.done $0x0  }
0x27d: {  	[sflag:s30] =	ssyncadd.s32 $0xFFFFD800  }
0x27e: {  	[spmem:s25] =	stream.linear.scatter [tilespmem:s4], [sflag:$0x5], $0x2800, $0x38;
	[tilespmem:$0x1E200] =	vst v63  }
0x27f: {  	_ =	swait.ge [sflag:s30], $0x2800  }
0x280: {  	[sflag:s30] =	ssyncset.done $0x0  }
0x281: {  	[sflag:s30] =	ssyncadd.s32 $0xFFFFD800  }
0x282: {  	[bflag:$0x0] =	sbarrier.arrive $0xFFFF  }
0x283: {  	[tilespmem:s31], [sflag:$0x3] =	stream.linear.gather [hbm4b:s16+s4], $0x80, $0x38;
	[tilespmem:$0x1E200] =	vst v63  }
0x284: {  	_ = 	snop  }
0x285: {  	[tilespmem:s0], [sflag:$0x3] =	stream.linear.gather [hbm4b:s17+s4], $0x80, $0x38;
	[tilespmem:$0x1E200] =	vst v63  }
0x286: {  	_ = 	snop  }
0x287: {  	[tilespmem:s6], [sflag:$0x4] =	stream.linear.gather [hbm4b:s18+s4], $0x80, $0x38;
	[tilespmem:$0x1E200] =	vst v63  }
0x288: {  	_ = 	snop  }
0x289: {  	[tilespmem:s8], [sflag:$0x4] =	stream.linear.gather [hbm4b:s19+s4], $0x80, $0x38;
	[tilespmem:$0x1E200] =	vst v63  }
0x28a: {  	_ =	swait.ge [sflag:s9], $0x80  }
0x28b: {  	[sflag:s9] =	ssyncset.done $0x0  }
0x28c: {  	[sflag:s9] =	ssyncadd.s32 $0xFFFFFF80  }
0x28d: {  	_ =	swait.ge [sflag:s9], $0x80  }
0x28e: {  	[sflag:s9] =	ssyncset.done $0x0  }
0x28f: {  	[sflag:s9] =	ssyncadd.s32 $0xFFFFFF80  }
0x290: {  	_ =	swait.ge [sflag:s20], $0x80  }
0x291: {  	[sflag:s20] =	ssyncset.done $0x0  }
0x292: {  	[sflag:s20] =	ssyncadd.s32 $0xFFFFFF80  }
0x293: {  	_ =	swait.ge [sflag:s20], $0x80  }
0x294: {  	[sflag:s20] =	ssyncset.done $0x0  }
0x295: {  	[sflag:s20] =	ssyncadd.s32 $0xFFFFFF80  }
0x296: {  	[tilespmem:s4], [sflag:$0x1] =	stream.indirect.gather [spmem:s1], $0x50, s31, s10, $0xb8;
	[tilespmem:$0x1E200] =	vst v63  }
0x297: {  	_ = 	snop  }
0x298: {  	[tilespmem:s11], [sflag:$0x2] =	stream.indirect.gather [spmem:s1], $0x50, s6, s10, $0xb8;
	[tilespmem:$0x1E200] =	vst v63  }
0x299: {  	_ =	swait.ge [sflag:s12], $0x2800  }
0x29a: {  	[sflag:s12] =	ssyncset.done $0x0  }
0x29b: {  	[sflag:s12] =	ssyncadd.s32 $0xFFFFD800  }
0x29c: {  	[spmem:s3] =	stream.indirect.scatter.add.f32 [tilespmem:s4], [sflag:$0x5], $0x50, s0, s10, $0xb8;
	[tilespmem:$0x1E200] =	vst v63  }
0x29d: {  	_ =	swait.ge [sflag:s30], $0x2800  }
0x29e: {  	s5 =	sadd.s32 $0xFFFFF600, s16;
	[sflag:s30] =	ssyncset.done $0x0  }
0x29f: {  	s7 =	sadd.s32 $0xFFFFF600, s17;
	s15 =	sadd.s32 $0xA20, s5;
	[sflag:s30] =	ssyncadd.s32 $0xFFFFD800  }
0x2a0: {  	[tilespmem:s31], [sflag:$0x3] =	stream.linear.gather [hbm4b:s15+s4], $0x80, $0x38;
	[tilespmem:$0x1E200] =	vst v63  }
0x2a1: {  	s15 =	sadd.s32 $0xA20, s7  }
0x2a2: {  	[tilespmem:s0], [sflag:$0x3] =	stream.linear.gather [hbm4b:s15+s4], $0x80, $0x38;
	[tilespmem:$0x1E200] =	vst v63  }
0x2a3: {  	_ =	swait.ge [sflag:s13], $0x2800  }
0x2a4: {  	[sflag:s13] =	ssyncset.done $0x0  }
0x2a5: {  	[sflag:s13] =	ssyncadd.s32 $0xFFFFD800  }
0x2a6: {  	[spmem:s3] =	stream.indirect.scatter.add.f32 [tilespmem:s11], [sflag:$0x5], $0x50, s8, s10, $0xb8;
	[tilespmem:$0x1E200] =	vst v63  }
0x2a7: {  	_ =	swait.ge [sflag:s30], $0x2800  }
0x2a8: {  	[sflag:s30] =	ssyncset.done $0x0  }
0x2a9: {  	s5 =	sadd.s32 $0xA30, s5;
	[sflag:s30] =	ssyncadd.s32 $0xFFFFD800  }
0x2aa: {  	[tilespmem:s6], [sflag:$0x4] =	stream.linear.gather [hbm4b:s5+s4], $0x80, $0x38;
	[tilespmem:$0x1E200] =	vst v63  }
0x2ab: {  	s29 =	simm.s32 $0xFFFFF620;
	s5 =	sadd.s32 $0xA30, s7  }
.LBB2_82:
0x2ac: {  	[tilespmem:s8], [sflag:$0x4] =	stream.linear.gather [hbm4b:s5+s4], $0x80, $0x38;
	[tilespmem:$0x1E200] =	vst v63  }
0x2ad: {  	s5 =	smov.u32 s29  }
0x2ae: {  	p0 =	sne.s32 s29, $0xFFFFFFE0;
	s29 =	sadd.s32 $0x20, s29;
	_ =	swait.ge [sflag:s9], $0x80  }
0x2af: {  	[sflag:s9] =	ssyncset.done $0x0  }
0x2b0: {  	[sflag:s9] =	ssyncadd.s32 $0xFFFFFF80  }
0x2b1: {  	_ =	swait.ge [sflag:s9], $0x80  }
0x2b2: {  	[sflag:s9] =	ssyncset.done $0x0  }
0x2b3: {  	[sflag:s9] =	ssyncadd.s32 $0xFFFFFF80  }
0x2b4: {  	_ =	swait.ge [sflag:s20], $0x80  }
0x2b5: {  	[sflag:s20] =	ssyncset.done $0x0  }
0x2b6: {  	[sflag:s20] =	ssyncadd.s32 $0xFFFFFF80  }
0x2b7: {  	_ =	swait.ge [sflag:s20], $0x80  }
0x2b8: {  	[sflag:s20] =	ssyncset.done $0x0  }
0x2b9: {  	[sflag:s20] =	ssyncadd.s32 $0xFFFFFF80  }
0x2ba: {  	[tilespmem:s4], [sflag:$0x1] =	stream.indirect.gather [spmem:s1], $0x50, s31, s10, $0xb8;
	[tilespmem:$0x1E200] =	vst v63  }
0x2bb: {  	_ = 	snop  }
0x2bc: {  	[tilespmem:s11], [sflag:$0x2] =	stream.indirect.gather [spmem:s1], $0x50, s6, s10, $0xb8;
	[tilespmem:$0x1E200] =	vst v63  }
0x2bd: {  	_ =	swait.ge [sflag:s12], $0x2800  }
0x2be: {  	[sflag:s12] =	ssyncset.done $0x0  }
0x2bf: {  	[sflag:s12] =	ssyncadd.s32 $0xFFFFD800  }
0x2c0: {  	[spmem:s3] =	stream.indirect.scatter.add.f32 [tilespmem:s4], [sflag:$0x5], $0x50, s0, s10, $0xb8;
	[tilespmem:$0x1E200] =	vst v63  }
0x2c1: {  	_ =	swait.ge [sflag:s30], $0x2800  }
0x2c2: {  	s7 =	sadd.s32 s5, s16;
	[sflag:s30] =	ssyncset.done $0x0  }
0x2c3: {  	s5 =	sadd.s32 s5, s17;
	s15 =	sadd.s32 $0xA20, s7;
	[sflag:s30] =	ssyncadd.s32 $0xFFFFD800  }
0x2c4: {  	[tilespmem:s31], [sflag:$0x3] =	stream.linear.gather [hbm4b:s15+s4], $0x80, $0x38;
	[tilespmem:$0x1E200] =	vst v63  }
0x2c5: {  	s15 =	sadd.s32 $0xA20, s5  }
0x2c6: {  	[tilespmem:s0], [sflag:$0x3] =	stream.linear.gather [hbm4b:s15+s4], $0x80, $0x38;
	[tilespmem:$0x1E200] =	vst v63  }
0x2c7: {  	_ =	swait.ge [sflag:s13], $0x2800  }
0x2c8: {  	[sflag:s13] =	ssyncset.done $0x0  }
0x2c9: {  	[sflag:s13] =	ssyncadd.s32 $0xFFFFD800  }
0x2ca: {  	[spmem:s3] =	stream.indirect.scatter.add.f32 [tilespmem:s11], [sflag:$0x5], $0x50, s8, s10, $0xb8;
	[tilespmem:$0x1E200] =	vst v63  }
.Ltmp33:
0x2cb: {  	_ =	swait.ge [sflag:s30], $0x2800;
	(pc) =	sbr.rel @p0 .LBB2_82-.Ltmp33, $4  }
0x2cc: {  	[sflag:s30] =	ssyncset.done $0x0  }
0x2cd: {  	s7 =	sadd.s32 $0xA30, s7;
	[sflag:s30] =	ssyncadd.s32 $0xFFFFD800  }
0x2ce: {  	[tilespmem:s6], [sflag:$0x4] =	stream.linear.gather [hbm4b:s7+s4], $0x80, $0x38;
	[tilespmem:$0x1E200] =	vst v63  }
0x2cf: {  	s5 =	sadd.s32 $0xA30, s5  }
0x2d0: {  	[tilespmem:s8], [sflag:$0x4] =	stream.linear.gather [hbm4b:s5+s4], $0x80, $0x38;
	[tilespmem:$0x1E200] =	vst v63  }
0x2d1: {  	_ =	swait.ge [sflag:s9], $0x80  }
0x2d2: {  	[sflag:s9] =	ssyncset.done $0x0  }
0x2d3: {  	[sflag:s9] =	ssyncadd.s32 $0xFFFFFF80  }
0x2d4: {  	_ =	swait.ge [sflag:s9], $0x80  }
0x2d5: {  	[sflag:s9] =	ssyncset.done $0x0  }
0x2d6: {  	[sflag:s9] =	ssyncadd.s32 $0xFFFFFF80  }
0x2d7: {  	_ =	swait.ge [sflag:s20], $0x80  }
0x2d8: {  	[sflag:s20] =	ssyncset.done $0x0  }
0x2d9: {  	[sflag:s20] =	ssyncadd.s32 $0xFFFFFF80  }
0x2da: {  	_ =	swait.ge [sflag:s20], $0x80  }
0x2db: {  	s29 =	sshll.u32 s2, $0x6;
	[sflag:s20] =	ssyncset.done $0x0  }
0x2dc: {  	s7 =	sshrl.u32 s21, $0x3;
	s14 =	sadd.s32 $0x1, s14;
	[sflag:s20] =	ssyncadd.s32 $0xFFFFFF80  }
0x2dd: {  	s5 =	sor.u32 $0x1C05, s29;
	p0 =	sne.s32 s14, s26;
	[bflag:$0x0] =	sbarrier.arrive $0xFFFF  }
0x2de: {  	[hbm:s28], [sflag:s5] =	dma.local [spmem:s7], $0x1900  }
.Ltmp34:
0x2df: {  	_ = 	snop;
	(pc) =	sbr.rel @p0 .LBB2_1-.Ltmp34, $4  }
.Ltmp35:
0x2e0: {  	_ = 	snop;
	(pc) =	sbr.rel @!p0 .LBB2_84-.Ltmp35, $4  }
0x2e1: {  	_ =	swait.ge [sflag:s30], $0x1900  }
0x2e2: {  	[sflag:s30] =	ssyncset.done $0x0  }
0x2e3: {  	[sflag:s30] =	ssyncadd.s32 $0xFFFFE700  }
0x2e4: {  	_ = 	snop  }
.LBB2_7:
0x2e5: {  	s5 =	sld [smem:$0x7CE];
	_ =	sdelay $0x2  }
0x2e6: {  	p0 =	seq.s32 s5, $0x1  }
.Ltmp36:
0x2e7: {  	_ = 	snop;
	(pc) =	sbr.rel @!p0 .LBB2_9-.Ltmp36, $1  }
0x2e8: {  	_ =	sdelay $0x3  }
0x2e9: {  	p0 =	por $0x0, $0x0  }
0x2ea: {  	s5 =	simm.s32 @!p0 $0x0  }
0x2eb: {  	s5 =	simm.s32 @p0 $0x1;
	p0 =	por $0x0, $0x0  }
0x2ec: {  	[smem:$0x7C1] =	sst s5;
	s5 =	simm.s32 @!p0 $0x0  }
0x2ed: {  	s5 =	simm.s32 @p0 $0x1;
	p0 =	por $0x0, $0x0  }
0x2ee: {  	[smem:$0x7C2] =	sst s5;
	s5 =	simm.s32 @!p0 $0x0  }
0x2ef: {  	p2 =	por $0x0, $0x0;
	s7 =	sld [smem:$0x7ED];
	s5 =	simm.s32 @p0 $0x1  }
0x2f0: {  	p1 =	por $0x1, $0x1;
	[smem:$0x7BF] =	sst s5;
	s5 =	simm.s32 @!p2 $0x0  }
0x2f1: {  	s29 =	simm.s32 $0x3;
	s5 =	simm.s32 @p2 $0x1;
	p2 =	por $0x0, $0x0  }
0x2f2: {  	p4 =	por $0x0, $0x0;
	[smem:$0x7C4] =	sst s5;
	s5 =	simm.s32 @!p2 $0x0  }
0x2f3: {  	s5 =	simm.s32 @p2 $0x1;
	p2 =	seq.s32 s7, $0x1;
	s7 =	simm.s32 @!p4 $0x0  }
0x2f4: {  	s15 =	rddreg [dreg:$0x14];
	s7 =	simm.s32 @p4 $0x1;
	p4 =	por $0x0, $0x0  }
.Ltmp37:
0x2f5: {  	[smem:$0x7C7] =	sst s7;
	s7 =	simm.s32 @!p4 $0x0;
	(pc) =	sbr.rel .LBB2_39-.Ltmp37, $4  }
0x2f6: {  	[smem:$0x7C5] =	sst s5;
	s7 =	simm.s32 @p4 $0x1;
	p4 =	por $0x0, $0x0  }
0x2f7: {  	p5 =	por $0x0, $0x0;
	[smem:$0x7C8] =	sst s7;
	s7 =	simm.s32 @!p4 $0x0  }
0x2f8: {  	p3 =	por $0x0, $0x0;
	s5 =	sld [smem:$0x7FB];
	s7 =	simm.s32 @p4 $0x1  }
0x2f9: {  	p6 =	por $0x0, $0x0;
	p0 =	por $0x0, $0x0;
	[smem:$0x7C0] =	sst s7  }
.LBB2_9:
0x2fa: {  	s5 =	sld [smem:$0x7CF];
	_ =	sdelay $0x2  }
0x2fb: {  	p0 =	seq.s32 s5, $0x1  }
.Ltmp38:
0x2fc: {  	_ = 	snop;
	(pc) =	sbr.rel @!p0 .LBB2_11-.Ltmp38, $1  }
0x2fd: {  	_ =	sdelay $0x3  }
0x2fe: {  	p0 =	por $0x0, $0x0  }
0x2ff: {  	s5 =	simm.s32 @!p0 $0x0  }
0x300: {  	s5 =	simm.s32 @p0 $0x1;
	p0 =	por $0x0, $0x0  }
0x301: {  	[smem:$0x7C0] =	sst s5;
	s5 =	simm.s32 @!p0 $0x0  }
0x302: {  	s5 =	simm.s32 @p0 $0x1;
	p0 =	por $0x0, $0x0  }
0x303: {  	[smem:$0x7C8] =	sst s5;
	s5 =	simm.s32 @!p0 $0x0  }
0x304: {  	s5 =	simm.s32 @p0 $0x1;
	p0 =	por $0x0, $0x0  }
0x305: {  	[smem:$0x7C7] =	sst s5;
	s5 =	simm.s32 @!p0 $0x0  }
0x306: {  	s5 =	simm.s32 @p0 $0x1;
	p0 =	por $0x0, $0x0  }
0x307: {  	[smem:$0x7C5] =	sst s5;
	s5 =	simm.s32 @!p0 $0x0  }
0x308: {  	p1 =	por $0x0, $0x0;
	s5 =	simm.s32 @p0 $0x1  }
0x309: {  	[smem:$0x7C4] =	sst s5;
	s5 =	simm.s32 @!p1 $0x0  }
0x30a: {  	s5 =	simm.s32 @p1 $0x1;
	p1 =	por $0x0, $0x0  }
0x30b: {  	s7 =	simm.s32 @!p1 $0x0  }
0x30c: {  	s7 =	simm.s32 @p1 $0x1;
	p1 =	por $0x0, $0x0  }
0x30d: {  	[smem:$0x7BF] =	sst s7;
	s7 =	simm.s32 @!p1 $0x0  }
0x30e: {  	s7 =	simm.s32 @p1 $0x1;
	p1 =	por $0x0, $0x0  }
0x30f: {  	[smem:$0x7C2] =	sst s7;
	s7 =	simm.s32 @!p1 $0x0  }
0x310: {  	s7 =	simm.s32 @p1 $0x1  }
.Ltmp39:
0x311: {  	[smem:$0x7C1] =	sst s7;
	(pc) =	sbr.rel .LBB2_42-.Ltmp39, $4  }
0x312: {  	s7 =	sld [smem:$0x7ED]  }
0x313: {  	p3 =	por $0x1, $0x1;
	[smem:$0x7C3] =	sst s5  }
0x314: {  	s15 =	simm.s32 $0x4;
	p6 =	por $0x0, $0x0;
	s5 =	sld [smem:$0x7FA]  }
0x315: {  	s29 =	rddreg [dreg:$0x13];
	p0 =	por $0x0, $0x0;
	p2 =	seq.s32 s7, $0x1  }
.LBB2_11:
0x316: {  	s5 =	sld [smem:$0x7D1];
	_ =	sdelay $0x2  }
0x317: {  	p0 =	seq.s32 s5, $0x1  }
.Ltmp40:
0x318: {  	_ = 	snop;
	(pc) =	sbr.rel @!p0 .LBB2_13-.Ltmp40, $1  }
0x319: {  	_ =	sdelay $0x3  }
0x31a: {  	p0 =	por $0x1, $0x1  }
0x31b: {  	s5 =	simm.s32 @!p0 $0x0  }
0x31c: {  	p1 =	por $0x0, $0x0;
	s5 =	simm.s32 @p0 $0x1  }
0x31d: {  	[smem:$0x7C4] =	sst s5;
	s5 =	simm.s32 @!p1 $0x0  }
0x31e: {  	s7 =	sld [smem:$0x7ED];
	p0 =	por $0x0, $0x0;
	s5 =	simm.s32 @p1 $0x1  }
0x31f: {  	[smem:$0x7C1] =	sst s5;
	s5 =	simm.s32 @!p0 $0x0  }
0x320: {  	s29 =	rddreg [dreg:$0x12];
	p1 =	por $0x0, $0x0;
	s5 =	simm.s32 @p0 $0x1  }
0x321: {  	p2 =	seq.s32 s7, $0x1;
	[smem:$0x7BF] =	sst s5;
	s5 =	simm.s32 @!p1 $0x0  }
0x322: {  	p0 =	por $0x0, $0x0;
	s5 =	simm.s32 @p1 $0x1;
	p1 =	por $0x0, $0x0  }
0x323: {  	[smem:$0x7C3] =	sst s5;
	s5 =	simm.s32 @!p0 $0x0;
	s7 =	simm.s32 @!p1 $0x0  }
0x324: {  	s5 =	simm.s32 @p0 $0x1;
	s7 =	simm.s32 @p1 $0x1;
	p1 =	por $0x0, $0x0  }
.Ltmp41:
0x325: {  	[smem:$0x7C7] =	sst s7;
	s7 =	simm.s32 @!p1 $0x0;
	(pc) =	sbr.rel .LBB2_45-.Ltmp41, $4  }
0x326: {  	[smem:$0x7BE] =	sst s5;
	s7 =	simm.s32 @p1 $0x1;
	p1 =	por $0x0, $0x0  }
0x327: {  	s15 =	simm.s32 $0x5;
	[smem:$0x7C8] =	sst s7;
	s7 =	simm.s32 @!p1 $0x0  }
0x328: {  	p5 =	por $0x0, $0x0;
	s5 =	sld [smem:$0x7F9];
	s7 =	simm.s32 @p1 $0x1  }
0x329: {  	p3 =	por $0x0, $0x0;
	p6 =	por $0x0, $0x0;
	[smem:$0x7C0] =	sst s7  }
.LBB2_13:
0x32a: {  	s5 =	sld [smem:$0x7D4];
	_ =	sdelay $0x2  }
0x32b: {  	p0 =	seq.s32 s5, $0x1  }
.Ltmp42:
0x32c: {  	_ = 	snop;
	(pc) =	sbr.rel @!p0 .LBB2_15-.Ltmp42, $1  }
0x32d: {  	_ =	sdelay $0x3  }
0x32e: {  	p0 =	por $0x1, $0x1  }
0x32f: {  	s5 =	simm.s32 @!p0 $0x0  }
0x330: {  	s5 =	simm.s32 @p0 $0x1;
	p0 =	por $0x0, $0x0  }
0x331: {  	[smem:$0x7BE] =	sst s5;
	s5 =	simm.s32 @!p0 $0x0  }
0x332: {  	s5 =	simm.s32 @p0 $0x1;
	p0 =	por $0x0, $0x0  }
0x333: {  	[smem:$0x7C0] =	sst s5;
	s5 =	simm.s32 @!p0 $0x0  }
0x334: {  	s5 =	simm.s32 @p0 $0x1;
	p0 =	por $0x0, $0x0  }
0x335: {  	[smem:$0x7C8] =	sst s5;
	s5 =	simm.s32 @!p0 $0x0  }
0x336: {  	s5 =	simm.s32 @p0 $0x1;
	p0 =	por $0x0, $0x0  }
0x337: {  	[smem:$0x7C7] =	sst s5;
	s5 =	simm.s32 @!p0 $0x0  }
0x338: {  	s5 =	simm.s32 @p0 $0x1;
	p0 =	por $0x0, $0x0  }
0x339: {  	s7 =	simm.s32 @!p0 $0x0  }
0x33a: {  	s7 =	simm.s32 @p0 $0x1;
	p0 =	por $0x0, $0x0  }
0x33b: {  	[smem:$0x7BF] =	sst s7;
	s7 =	simm.s32 @!p0 $0x0  }
0x33c: {  	s7 =	simm.s32 @p0 $0x1  }
.Ltmp43:
0x33d: {  	[smem:$0x7C1] =	sst s7;
	(pc) =	sbr.rel .LBB2_48-.Ltmp43, $4  }
0x33e: {  	s7 =	sld [smem:$0x7ED]  }
0x33f: {  	s15 =	simm.s32 $0x6;
	[smem:$0x7C3] =	sst s5  }
0x340: {  	p6 =	por $0x0, $0x0;
	p3 =	por $0x0, $0x0;
	s5 =	sld [smem:$0x7F8]  }
0x341: {  	s29 =	rddreg [dreg:$0x11];
	p1 =	por $0x0, $0x0;
	p2 =	seq.s32 s7, $0x1  }
.LBB2_15:
0x342: {  	s5 =	sld [smem:$0x7D5];
	_ =	sdelay $0x2  }
0x343: {  	p0 =	seq.s32 s5, $0x1  }
.Ltmp44:
0x344: {  	_ = 	snop;
	(pc) =	sbr.rel @!p0 .LBB2_17-.Ltmp44, $1  }
0x345: {  	_ =	sdelay $0x3  }
0x346: {  	p0 =	por $0x0, $0x0  }
0x347: {  	s5 =	simm.s32 @!p0 $0x0  }
0x348: {  	s5 =	simm.s32 @p0 $0x1;
	p0 =	por $0x0, $0x0  }
0x349: {  	[smem:$0x7C1] =	sst s5;
	s5 =	simm.s32 @!p0 $0x0  }
0x34a: {  	s7 =	sld [smem:$0x7ED];
	s5 =	simm.s32 @p0 $0x1;
	p0 =	por $0x0, $0x0  }
0x34b: {  	p3 =	por $0x1, $0x1;
	[smem:$0x7BF] =	sst s5;
	s5 =	simm.s32 @!p0 $0x0  }
0x34c: {  	s29 =	rddreg [dreg:$0x10];
	s5 =	simm.s32 @p0 $0x1;
	p0 =	por $0x0, $0x0  }
.Ltmp45:
0x34d: {  	p2 =	seq.s32 s7, $0x1;
	s7 =	simm.s32 @!p0 $0x0;
	(pc) =	sbr.rel .LBB2_51-.Ltmp45, $4  }
0x34e: {  	[smem:$0x7C3] =	sst s5;
	s7 =	simm.s32 @p0 $0x1;
	p0 =	por $0x0, $0x0  }
0x34f: {  	s15 =	simm.s32 $0x7;
	[smem:$0x7C8] =	sst s7;
	s7 =	simm.s32 @!p0 $0x0  }
0x350: {  	p5 =	por $0x0, $0x0;
	s5 =	sld [smem:$0x7F7];
	s7 =	simm.s32 @p0 $0x1  }
0x351: {  	p6 =	por $0x0, $0x0;
	p1 =	por $0x0, $0x0;
	[smem:$0x7C0] =	sst s7  }
.LBB2_17:
0x352: {  	s5 =	sld [smem:$0x7D7];
	_ =	sdelay $0x2  }
0x353: {  	p0 =	seq.s32 s5, $0x1  }
.Ltmp46:
0x354: {  	_ = 	snop;
	(pc) =	sbr.rel @!p0 .LBB2_19-.Ltmp46, $1  }
0x355: {  	_ =	sdelay $0x3  }
0x356: {  	p0 =	por $0x1, $0x1  }
0x357: {  	s5 =	simm.s32 @!p0 $0x0  }
0x358: {  	s5 =	simm.s32 @p0 $0x1;
	p0 =	por $0x0, $0x0  }
0x359: {  	[smem:$0x7C3] =	sst s5;
	s5 =	simm.s32 @!p0 $0x0  }
0x35a: {  	s5 =	simm.s32 @p0 $0x1;
	p0 =	por $0x0, $0x0  }
0x35b: {  	[smem:$0x7C0] =	sst s5;
	s5 =	simm.s32 @!p0 $0x0  }
0x35c: {  	s5 =	simm.s32 @p0 $0x1;
	p0 =	por $0x0, $0x0  }
0x35d: {  	s7 =	simm.s32 @!p0 $0x0  }
0x35e: {  	s7 =	simm.s32 @p0 $0x1;
	p0 =	por $0x0, $0x0  }
0x35f: {  	[smem:$0x7BF] =	sst s7;
	s7 =	simm.s32 @!p0 $0x0  }
0x360: {  	s7 =	simm.s32 @p0 $0x1  }
.Ltmp47:
0x361: {  	[smem:$0x7C1] =	sst s7;
	(pc) =	sbr.rel .LBB2_54-.Ltmp47, $4  }
0x362: {  	s7 =	sld [smem:$0x7ED]  }
0x363: {  	s29 =	simm.s32 $0x8;
	s15 =	rddreg [dreg:$0xf]  }
0x364: {  	p1 =	por $0x0, $0x0;
	p6 =	por $0x0, $0x0;
	[smem:$0x7C8] =	sst s5  }
0x365: {  	p5 =	por $0x0, $0x0;
	s5 =	sld [smem:$0x7F6];
	p2 =	seq.s32 s7, $0x1  }
.LBB2_19:
0x366: {  	s5 =	sld [smem:$0x7DA];
	_ =	sdelay $0x2  }
0x367: {  	p0 =	seq.s32 s5, $0x1  }
.Ltmp48:
0x368: {  	_ = 	snop;
	(pc) =	sbr.rel @!p0 .LBB2_21-.Ltmp48, $1  }
0x369: {  	_ =	sdelay $0x3  }
0x36a: {  	p0 =	por $0x0, $0x0  }
0x36b: {  	s5 =	simm.s32 @!p0 $0x0  }
0x36c: {  	s7 =	sld [smem:$0x7ED];
	s5 =	simm.s32 @p0 $0x1;
	p0 =	por $0x0, $0x0  }
0x36d: {  	[smem:$0x7C1] =	sst s5;
	s5 =	simm.s32 @!p0 $0x0  }
0x36e: {  	s15 =	rddreg [dreg:$0xe];
	s5 =	simm.s32 @p0 $0x1;
	p0 =	por $0x0, $0x0  }
.Ltmp49:
0x36f: {  	p2 =	seq.s32 s7, $0x1;
	s7 =	simm.s32 @!p0 $0x0;
	(pc) =	sbr.rel .LBB2_57-.Ltmp49, $4  }
0x370: {  	[smem:$0x7BF] =	sst s5;
	s7 =	simm.s32 @p0 $0x1;
	p0 =	por $0x0, $0x0  }
0x371: {  	p6 =	por $0x1, $0x1;
	[smem:$0x7C8] =	sst s7;
	s7 =	simm.s32 @!p0 $0x0  }
0x372: {  	s29 =	simm.s32 $0x9;
	s5 =	sld [smem:$0x7F5];
	s7 =	simm.s32 @p0 $0x1  }
0x373: {  	p5 =	por $0x0, $0x0;
	p1 =	por $0x0, $0x0;
	[smem:$0x7C0] =	sst s7  }
.LBB2_21:
0x374: {  	s5 =	sld [smem:$0x7DB];
	_ =	sdelay $0x2  }
0x375: {  	p0 =	seq.s32 s5, $0x1  }
.Ltmp50:
0x376: {  	_ = 	snop;
	(pc) =	sbr.rel @!p0 .LBB2_23-.Ltmp50, $1  }
0x377: {  	_ =	sdelay $0x3  }
0x378: {  	p0 =	por $0x1, $0x1  }
0x379: {  	s5 =	simm.s32 @!p0 $0x0  }
0x37a: {  	s5 =	simm.s32 @p0 $0x1;
	p0 =	por $0x0, $0x0  }
0x37b: {  	[smem:$0x7BF] =	sst s5;
	s5 =	simm.s32 @!p0 $0x0  }
0x37c: {  	s5 =	simm.s32 @p0 $0x1;
	p0 =	por $0x0, $0x0  }
0x37d: {  	[smem:$0x7C0] =	sst s5;
	s5 =	simm.s32 @!p0 $0x0  }
0x37e: {  	s5 =	simm.s32 @p0 $0x1;
	p0 =	por $0x0, $0x0  }
0x37f: {  	s7 =	simm.s32 @!p0 $0x0  }
0x380: {  	s7 =	simm.s32 @p0 $0x1  }
.Ltmp51:
0x381: {  	[smem:$0x7C1] =	sst s7;
	(pc) =	sbr.rel .LBB2_60-.Ltmp51, $4  }
0x382: {  	s7 =	sld [smem:$0x7ED]  }
0x383: {  	s15 =	rddreg [dreg:$0xd]  }
0x384: {  	s29 =	simm.s32 $0xA;
	p1 =	por $0x0, $0x0;
	[smem:$0x7C8] =	sst s5  }
0x385: {  	p5 =	por $0x0, $0x0;
	s5 =	sld [smem:$0x7F4];
	p2 =	seq.s32 s7, $0x1  }
.LBB2_23:
0x386: {  	s5 =	sld [smem:$0x7DD];
	_ =	sdelay $0x2  }
0x387: {  	p0 =	seq.s32 s5, $0x1  }
.Ltmp52:
0x388: {  	_ = 	snop;
	(pc) =	sbr.rel @!p0 .LBB2_25-.Ltmp52, $1  }
0x389: {  	_ =	sdelay $0x3  }
0x38a: {  	p0 =	por $0x0, $0x0;
	s7 =	sld [smem:$0x7ED]  }
.Ltmp53:
0x38b: {  	p1 =	por $0x1, $0x1;
	s5 =	simm.s32 @!p0 $0x0;
	(pc) =	sbr.rel .LBB2_63-.Ltmp53, $4  }
0x38c: {  	s15 =	rddreg [dreg:$0xc];
	s5 =	simm.s32 @p0 $0x1;
	p0 =	por $0x0, $0x0  }
0x38d: {  	[smem:$0x7C1] =	sst s5;
	p2 =	seq.s32 s7, $0x1;
	s7 =	simm.s32 @!p0 $0x0  }
0x38e: {  	s29 =	simm.s32 $0xB;
	s5 =	sld [smem:$0x7F3];
	s7 =	simm.s32 @p0 $0x1  }
0x38f: {  	p5 =	por $0x0, $0x0;
	p4 =	por $0x0, $0x0;
	[smem:$0x7C0] =	sst s7  }
.LBB2_25:
0x390: {  	s5 =	sld [smem:$0x7E0];
	_ =	sdelay $0x2  }
0x391: {  	p0 =	seq.s32 s5, $0x1  }
.Ltmp54:
0x392: {  	_ = 	snop;
	(pc) =	sbr.rel @!p0 .LBB2_27-.Ltmp54, $1  }
0x393: {  	_ =	sdelay $0x3  }
0x394: {  	p0 =	por $0x0, $0x0  }
0x395: {  	s5 =	simm.s32 @!p0 $0x0  }
0x396: {  	s5 =	simm.s32 @p0 $0x1;
	p0 =	por $0x0, $0x0  }
0x397: {  	s7 =	simm.s32 @!p0 $0x0  }
0x398: {  	s7 =	simm.s32 @p0 $0x1  }
.Ltmp55:
0x399: {  	[smem:$0x7C1] =	sst s7;
	(pc) =	sbr.rel .LBB2_66-.Ltmp55, $4  }
0x39a: {  	s7 =	sld [smem:$0x7ED]  }
0x39b: {  	s15 =	rddreg [dreg:$0xb]  }
0x39c: {  	p5 =	por $0x1, $0x1;
	s29 =	sld [smem:$0x7F2];
	p4 =	por $0x0, $0x0  }
0x39d: {  	[smem:$0x7C0] =	sst s5;
	s5 =	simm.s32 $0xC;
	p2 =	seq.s32 s7, $0x1  }
.LBB2_27:
0x39e: {  	s5 =	sld [smem:$0x7E1];
	_ =	sdelay $0x2  }
0x39f: {  	p0 =	seq.s32 s5, $0x1  }
.Ltmp56:
0x3a0: {  	_ = 	snop;
	(pc) =	sbr.rel @!p0 .LBB2_29-.Ltmp56, $1  }
0x3a1: {  	_ =	sdelay $0x3  }
0x3a2: {  	p0 =	por $0x0, $0x0;
	s7 =	sld [smem:$0x7ED]  }
.Ltmp57:
0x3a3: {  	s5 =	simm.s32 @!p0 $0x0;
	(pc) =	sbr.rel .LBB2_69-.Ltmp57, $4  }
0x3a4: {  	s15 =	rddreg [dreg:$0xa];
	s5 =	simm.s32 @p0 $0x1;
	p0 =	por $0x0, $0x0  }
0x3a5: {  	s29 =	sld [smem:$0x7F1];
	p2 =	seq.s32 s7, $0x1;
	s7 =	simm.s32 @!p0 $0x0  }
0x3a6: {  	[smem:$0x7C1] =	sst s5;
	s7 =	simm.s32 @p0 $0x1  }
0x3a7: {  	p4 =	por $0x1, $0x1;
	s5 =	simm.s32 $0xD;
	[smem:$0x7C0] =	sst s7  }
.LBB2_29:
0x3a8: {  	s5 =	sld [smem:$0x7E4];
	_ =	sdelay $0x2  }
0x3a9: {  	p0 =	seq.s32 s5, $0x1  }
.Ltmp58:
0x3aa: {  	_ = 	snop;
	(pc) =	sbr.rel @!p0 .LBB2_31-.Ltmp58, $1  }
0x3ab: {  	_ =	sdelay $0x3  }
0x3ac: {  	p0 =	por $0x1, $0x1  }
.Ltmp59:
0x3ad: {  	s15 =	rddreg [dreg:$0x9];
	s5 =	simm.s32 @!p0 $0x0;
	(pc) =	sbr.rel .LBB2_72-.Ltmp59, $4  }
0x3ae: {  	s7 =	sld [smem:$0x7ED];
	s5 =	simm.s32 @p0 $0x1;
	p0 =	por $0x0, $0x0  }
0x3af: {  	[smem:$0x7C1] =	sst s5;
	s5 =	simm.s32 @!p0 $0x0  }
0x3b0: {  	s29 =	sld [smem:$0x7F0];
	s5 =	simm.s32 @p0 $0x1  }
0x3b1: {  	p2 =	seq.s32 s7, $0x1;
	[smem:$0x7C0] =	sst s5;
	s5 =	simm.s32 $0xE  }
.LBB2_31:
0x3b2: {  	s5 =	sld [smem:$0x7E5];
	_ =	sdelay $0x2  }
0x3b3: {  	p0 =	seq.s32 s5, $0x1  }
.Ltmp60:
0x3b4: {  	_ = 	snop;
	(pc) =	sbr.rel @!p0 .LBB2_33-.Ltmp60, $1  }
0x3b5: {  	_ =	sdelay $0x3  }
.Ltmp61:
0x3b6: {  	(pc) =	sbr.rel .LBB2_75-.Ltmp61, $4  }
0x3b7: {  	p0 =	por $0x1, $0x1;
	s7 =	sld [smem:$0x7ED]  }
0x3b8: {  	s15 =	rddreg [dreg:$0x8];
	s5 =	simm.s32 @!p0 $0x0  }
0x3b9: {  	s29 =	sld [smem:$0x7EF];
	s5 =	simm.s32 @p0 $0x1  }
0x3ba: {  	[smem:$0x7C0] =	sst s5;
	s5 =	simm.s32 $0xF;
	p2 =	seq.s32 s7, $0x1  }
.LBB2_33:
0x3bb: {  	s5 =	sld [smem:$0x7E2]  }
0x3bc: {  	s29 =	sld [smem:$0x7D9]  }
0x3bd: {  	s15 =	sld [smem:$0x7DE]  }
0x3be: {  	s7 =	sld [smem:$0x7D6];
	p0 =	seq.s32 s5, $0x1  }
0x3bf: {  	p4 =	seq.s32 s29, $0x1;
	s29 =	sld [smem:$0x7CD];
	s5 =	simm.s32 @!p0 $0x0  }
0x3c0: {  	s5 =	simm.s32 @p0 $0x1;
	p0 =	seq.s32 s15, $0x1;
	s15 =	sld [smem:$0x7D2]  }
0x3c1: {  	[smem:$0x7C1] =	sst s5  }
0x3c2: {  	s5 =	simm.s32 @!p0 $0x0;
	p3 =	seq.s32 s29, $0x1;
	s29 =	sld [smem:$0x7D0]  }
0x3c3: {  	s5 =	simm.s32 @p0 $0x1;
	p0 =	seq.s32 s7, $0x1;
	s7 =	sld [smem:$0x7CA]  }
0x3c4: {  	[smem:$0x7C2] =	sst s5;
	s5 =	simm.s32 @!p0 $0x0  }
0x3c5: {  	s5 =	simm.s32 @p0 $0x1;
	p0 =	seq.s32 s15, $0x1;
	s15 =	sld [smem:$0x7CC]  }
0x3c6: {  	p6 =	seq.s32 s7, $0x1;
	s7 =	sld [smem:$0x7D3]  }
0x3c7: {  	p2 =	seq.s32 s29, $0x1;
	[smem:$0x7C3] =	sst s5  }
0x3c8: {  	s5 =	simm.s32 @!p2 $0x0;
	p1 =	seq.s32 s15, $0x1;
	s15 =	sld [smem:$0x7D8]  }
0x3c9: {  	s29 =	sld [smem:$0x7DC];
	s5 =	simm.s32 @p2 $0x1;
	p2 =	seq.s32 s7, $0x1  }
0x3ca: {  	[smem:$0x7C4] =	sst s5;
	s5 =	simm.s32 @!p2 $0x0  }
0x3cb: {  	s7 =	sld [smem:$0x7DF];
	s5 =	simm.s32 @p2 $0x1;
	p2 =	seq.s32 s15, $0x1  }
0x3cc: {  	[smem:$0x7C5] =	sst s5;
	s5 =	simm.s32 @!p2 $0x0  }
0x3cd: {  	s5 =	simm.s32 @p2 $0x1;
	p2 =	seq.s32 s29, $0x1;
	s29 =	sld [smem:$0x7E6]  }
0x3ce: {  	[smem:$0x7C6] =	sst s5;
	s5 =	simm.s32 @!p2 $0x0  }
0x3cf: {  	s5 =	simm.s32 @p2 $0x1;
	p2 =	seq.s32 s7, $0x1  }
0x3d0: {  	[smem:$0x7C7] =	sst s5;
	s5 =	simm.s32 @!p2 $0x0  }
0x3d1: {  	s5 =	simm.s32 @p2 $0x1;
	p2 =	seq.s32 s29, $0x1  }
.Ltmp62:
0x3d2: {  	_ = 	snop;
	(pc) =	sbr.rel @!p2 .LBB2_3-.Ltmp62, $2  }
0x3d3: {  	s15 =	sld [smem:$0x7E3];
	_ =	sdelay $0x2  }
0x3d4: {  	p5 =	seq.s32 s15, $0x1;
	[smem:$0x7C8] =	sst s5  }
.Ltmp63:
0x3d5: {  	(pc) =	sbr.rel .LBB2_78-.Ltmp63, $3  }
0x3d6: {  	_ =	sdelay $0x1  }
0x3d7: {  	s5 =	sshrl.u32 s1, $0x3;
	s7 =	rddreg [dreg:$0x6];
	s15 =	simm.s32 $0x1C05  }
0x3d8: {  	[spmem:s5], [sflag:s15] =	dma.local [hbm:s7], $0x1900  }
.LBB2_84:
0x3d9: {  	_ =	sfence.sel $0x180000  }
0x3da: {  	[bflag:$0x0] =	sbarrier.arrive $0xFFFF  }
0x3db: {  	_ =	strace $0x9000004A  }
0x3dc: {  	[bflag:$0x2] =	sbarrier.arrive $0xFFFF  }
0x3dd: {  	p0 =	sne.s32 s2, $0x0;
	s0 =	rddreg [dreg:$0x4]  }
0x3de: {  	s0 =	sadd.s32 @!p0 $0x100000, s0  }
0x3df: {  	[sflag:s0] =	ssyncadd.tile.s32 @!p0 $0x1;
	_ =	shalt  }
.Lfunc_end2:
_tile_overlayer_lowered:
.L_overlay_start_2:
0x3e0: {  	(tag) =	ssettag $0x2  }
0x3e1: {  	s0 =	rddreg [dreg:$0x0];
	s2 =	stileid.u32  }
0x3e2: {  	s1 =	rddreg [dreg:$0x1];
	p0 =	sne.s32 s2, $0x0  }
0x3e3: {  	s3 =	rddreg [dreg:$0x2];
	[bflag:$0x3] =	sbarrier.arrive $0xFFFF;
	s2 =	simm.s32 @!p0 $0x1C05  }
0x3e4: {  	[timem:s3], [sflag:s2] =	dma.local @!p0 [hbm:s0], s1  }
0x3e5: {  	s0 =	simm.s32 @!p0 $0x5  }
0x3e6: {  	_ =	swait.ge @!p0 [sflag:s0], s1  }
0x3e7: {  	s1 =	ssub.s32 @!p0 $0x0, s1;
	[sflag:s0] =	ssyncset.done @!p0 $0x0  }
0x3e8: {  	[sflag:s0] =	ssyncadd.s32 @!p0 s1  }
0x3e9: {  	[bflag:$0x3] =	sbarrier.arrive $0xFFFF  }
0x3ea: {  	_ =	shalt  }

// kernel: kernel.14.cloned.1.call-start
scs
__scs_entry_jumppad:
0x0: {  	(pc) =	sbr.rel $0x88, $3  }
0x1: {  	(tag) =	ssettag $0x0;
	lr =	simm.s32 $0x1  }
0x2: {  	[smem:$0x3F9B] =	sst lr;
	_ =	strace $0xD0000000  }
0x3: {  	_ = 	snop  }
0x4: {  	_ = 	snop  }
0x5: {  	_ = 	snop  }
0x6: {  	_ = 	snop  }
0x7: {  	_ = 	snop  }
__scs_overlays_trampoline_lowered:
0x8: {  	[smem:$0x3FAA] =	sst s0  }
0x9: {  	[smem:$0x3FAB] =	sst s1  }
0xa: {  	[smem:$0x3FAC] =	sst s2  }
0xb: {  	[smem:$0x3FAD] =	sst s3  }
0xc: {  	[smem:$0x3FAE] =	sst s4  }
0xd: {  	[smem:$0x3FAF] =	sst s5  }
0xe: {  	[smem:$0x3FB0] =	sst s6  }
0xf: {  	[smem:$0x3FB1] =	sst s7  }
0x10: {  	[smem:$0x3FB2] =	sst s8  }
0x11: {  	[smem:$0x3FB3] =	sst s9;
	s0 =	simm.s32 @!p0 $0x0  }
0x12: {  	s1 =	sld [smem:$0x3F99];
	s0 =	simm.s32 @p0 $0x1  }
0x13: {  	[smem:$0x3FB4] =	sst s0;
	s0 =	simm.s32 @!p1 $0x0  }
0x14: {  	s2 =	sld [smem:$0x3F98];
	s0 =	simm.s32 @p1 $0x1  }
0x15: {  	[smem:$0x3FB5] =	sst s0;
	s0 =	simm.s32 @!p2 $0x0  }
0x16: {  	s3 =	sld [smem:$0x3FDB];
	s0 =	simm.s32 @p2 $0x1  }
0x17: {  	s4 =	simm.s32 $0x1BF5;
	[smem:$0x3FB7] =	sst s0  }
0x18: {  	s0 =	sld [smem:$0x3F9A];
	_ =	swait.ge [sflag:s4], $0x0  }
0x19: {  	s7 =	sld [smem:$0x3F9B]  }
0x1a: {  	s8 =	sadd.s32 $0xFFFFE003, lr  }
0x1b: {  	s9 =	sadd.s32 $0xFFFFFEF7, lr;
	s5 =	simm.s32 $0xFFFFFFFF;
	p2 =	slt.u32 s8, $0xFFFFF086  }
0x1c: {  	p1 =	slt.u32 s9, $0xF7A;
	s5 =	simm.s32 @!p2 $0x0  }
0x1d: {  	s5 =	simm.s32 @p1 $0x1;
	p0 =	seq.s32 s7, s2  }
0x1e: {  	s7 =	smul.u32 @!p0 $0xF7A, s2;
	p2 =	seq.s32 @!p0 s5, $0x0  }
0x1f: {  	s9 =	smul.u32 $0xF7A, s1;
	s8 =	simm.s32 @!p0 $0x1BF5;
	p2 =	por !p2, p0  }
0x20: {  	[sflag:s8] =	ssyncset.s32 @!p0 $0xFFFFF086;
	s6 =	sadd.s32 @!p0 s3, s7;
	s7 =	simm.s32 @!p0 $0x108  }
0x21: {  	s3 =	sadd.s32 s3, s9;
	s6 =	sadd.s32 @!p0 $0x88, s6;
	s7 =	simm.s32 @p2 $0x1082  }
0x22: {  	[simem:s7], [sflag:s8] =	dma.local @!p0 [hbm:s6], $0xF7A  }
0x23: {  	s9 =	sor.u32 $0xD0000000, s2;
	s6 =	simm.s32 $0x108;
	_ =	swait.ge @!p0 [sflag:s8], $0x0  }
0x24: {  	s3 =	sadd.s32 $0x88, s3;
	s6 =	simm.s32 @!p1 $0x1082;
	[sflag:s4] =	ssyncset.s32 $0xFFFFF086  }
0x25: {  	[simem:s6], [sflag:s4] =	dma.local [hbm:s3], $0xF7A  }
0x26: {  	[smem:$0x3F9B] =	sst s1;
	(tag) =	ssettag s2;
	_ =	strace s9  }
0x27: {  	s1 =	sld [smem:$0x3FAB]  }
0x28: {  	s2 =	sld [smem:$0x3FAC]  }
0x29: {  	s4 =	sld [smem:$0x3FAE]  }
0x2a: {  	p0 =	seq.s32 s5, $0x0;
	s5 =	sld [smem:$0x3FAF]  }
0x2b: {  	s6 =	sld [smem:$0x3FB0]  }
0x2c: {  	s7 =	sld [smem:$0x3FB1]  }
0x2d: {  	s3 =	simm.s32 $0x108;
	s8 =	sld [smem:$0x3FB2]  }
0x2e: {  	s3 =	simm.s32 @!p0 $0x1082;
	s9 =	sld [smem:$0x3FB3]  }
0x2f: {  	lr =	sadd.s32 s0, s3;
	s0 =	sld [smem:$0x3FAA]  }
0x30: {  	s3 =	sld [smem:$0x3FAD]  }
0x31: {  	[smem:$0x3FB6] =	sst s10  }
0x32: {  	s10 =	sld [smem:$0x3FB4];
	_ =	sdelay $0x3  }
0x33: {  	p0 =	seq.s32 s10, $0x1;
	s10 =	sld [smem:$0x3FB6];
	_ =	sdelay $0x3  }
0x34: {  	[smem:$0x3FB6] =	sst s10  }
0x35: {  	s10 =	sld [smem:$0x3FB5];
	_ =	sdelay $0x3  }
0x36: {  	p1 =	seq.s32 s10, $0x1;
	s10 =	sld [smem:$0x3FB6];
	_ =	sdelay $0x3  }
0x37: {  	[smem:$0x3FB6] =	sst s10  }
0x38: {  	s10 =	sld [smem:$0x3FB7]  }
0x39: {  	_ = 	snop;
	(pc) =	sbr.ind lr, $3  }
0x3a: {  	_ = 	snop  }
0x3b: {  	_ = 	snop  }
0x3c: {  	p2 =	seq.s32 s10, $0x1;
	s10 =	sld [smem:$0x3FB6]  }
0x3d: {  	_ =	shalt  }
0x3e: {  	_ =	shalt  }
0x3f: {  	_ =	shalt  }
0x40: {  	_ =	shalt  }
0x41: {  	_ =	shalt  }
0x42: {  	_ =	shalt  }
0x43: {  	_ =	shalt  }
0x44: {  	_ =	shalt  }
0x45: {  	_ =	shalt  }
0x46: {  	_ =	shalt  }
0x47: {  	_ =	shalt  }
0x48: {  	_ =	shalt  }
0x49: {  	_ =	shalt  }
0x4a: {  	_ =	shalt  }
0x4b: {  	_ =	shalt  }
0x4c: {  	_ =	shalt  }
0x4d: {  	_ =	shalt  }
0x4e: {  	_ =	shalt  }
0x4f: {  	_ =	shalt  }
0x50: {  	_ =	shalt  }
0x51: {  	_ =	shalt  }
0x52: {  	_ =	shalt  }
0x53: {  	_ =	shalt  }
0x54: {  	_ =	shalt  }
0x55: {  	_ =	shalt  }
0x56: {  	_ =	shalt  }
0x57: {  	_ =	shalt  }
0x58: {  	_ =	shalt  }
0x59: {  	_ =	shalt  }
0x5a: {  	_ =	shalt  }
0x5b: {  	_ =	shalt  }
0x5c: {  	_ =	shalt  }
0x5d: {  	_ =	shalt  }
0x5e: {  	_ =	shalt  }
0x5f: {  	_ =	shalt  }
0x60: {  	_ =	shalt  }
0x61: {  	_ =	shalt  }
0x62: {  	_ =	shalt  }
0x63: {  	_ =	shalt  }
0x64: {  	_ =	shalt  }
0x65: {  	_ =	shalt  }
0x66: {  	_ =	shalt  }
0x67: {  	_ =	shalt  }
0x68: {  	_ =	shalt  }
0x69: {  	_ =	shalt  }
0x6a: {  	_ =	shalt  }
0x6b: {  	_ =	shalt  }
0x6c: {  	_ =	shalt  }
0x6d: {  	_ =	shalt  }
0x6e: {  	_ =	shalt  }
0x6f: {  	_ =	shalt  }
0x70: {  	_ =	shalt  }
0x71: {  	_ =	shalt  }
0x72: {  	_ =	shalt  }
0x73: {  	_ =	shalt  }
0x74: {  	_ =	shalt  }
0x75: {  	_ =	shalt  }
0x76: {  	_ =	shalt  }
0x77: {  	_ =	shalt  }
0x78: {  	_ =	shalt  }
0x79: {  	_ =	shalt  }
0x7a: {  	_ =	shalt  }
0x7b: {  	_ =	shalt  }
0x7c: {  	_ =	shalt  }
0x7d: {  	_ =	shalt  }
0x7e: {  	_ =	shalt  }
0x7f: {  	_ =	shalt  }
0x80: {  	_ =	shalt  }
0x81: {  	_ =	shalt  }
0x82: {  	_ =	shalt  }
0x83: {  	_ =	shalt  }
0x84: {  	_ =	shalt  }
0x85: {  	_ =	shalt  }
0x86: {  	_ =	shalt  }
0x87: {  	_ =	shalt  }
.Lfunc_end0:
.L_simem_size_0:
called_computation.2_lowered:
.L_overlay_start_0:
0x88: {  	s2 =	sld [smem:$0x3FD9]  }
0x89: {  	s3 =	sld [smem:$0x3FFE];
	_ =	sdelay $0x1  }
0x8a: {  	s1 =	srdreg.scid  }
0x8b: {  	s0 =	sand.u32 $0x1, s1  }
0x8c: {  	s17 =	sshll.u32 s0, $0xA;
	s2 =	sadd.s32 s3, s2  }
0x8d: {  	s2 =	sadd.s32 s2, s17  }
0x8e: {  	[smem:$0x3FC2] =	sst s2  }
0x8f: {  	_ = 	snop  }
0x90: {  	s2 =	sld [smem:$0x3FD0];
	(tm) =	ssettm $0x1  }
0x91: {  	s18 =	sld [smem:$0x3FFB];
	_ =	sdelay $0x3  }
0x92: {  	_ =	strace s18  }
0x93: {  	s3 =	sld [smem:$0x3FFC];
	_ =	sdelay $0x3  }
0x94: {  	_ =	strace s3  }
0x95: {  	s3 =	sld [smem:$0x3FFD];
	_ =	sdelay $0x3  }
0x96: {  	_ =	strace s3  }
0x97: {  	_ =	strace $0x8FFFFFFF  }
0x98: {  	s19 =	sld [smem:$0x3FDB];
	_ =	sdelay $0x1  }
0x99: {  	s4 =	simm.s32 $_scs_section_size  }
0x9a: {  	s5 =	simm.s32 $_size__tile_overlayer_lowered;
	s6 =	simm.s32 $_tile_overlayer_lowered  }
0x9b: {  	s22 =	simm.s32 $0x1BFF;
	s21 =	sshll.u32 s6, $0x1;
	s3 =	sadd.s32 s4, s19  }
0x9c: {  	s7 =	simm.s32 $0x0;
	s20 =	sshll.u32 s5, $0x1;
	s5 =	sadd.s32 s21, s3  }
0x9d: {  	[timem:s7], [sflag:s22] =	dma.local [hbm:s5], s20  }
0x9e: {  	_ =	swait.ge [sflag:s22], s20  }
0x9f: {  	s4 =	ssub.s32 $0x0, s20;
	[sflag:s22] =	ssyncset.done $0x0  }
0xa0: {  	[sflag:s22] =	ssyncadd.s32 s4;
	_ =	sdelay $0x1  }
0xa1: {  	s23 =	simm.s32 $0x1B8B  }
0xa2: {  	_ =	swait.ge [sflag:s23], $0x1  }
0xa3: {  	[sflag:s23] =	ssyncset.done $0x0  }
0xa4: {  	s25 =	simm.s32 $0x1B8E;
	s24 =	sld [smem:$0x3FFE];
	[sflag:s23] =	ssyncadd.s32 $0xFFFFFFFF  }
0xa5: {  	s26 =	simm.s32 $execute0_lowered;
	[smem:$0x3FD2] =	sst s25  }
0xa6: {  	s5 =	sshll.u32 s26, $0x1;
	_ =	strace $0x8000004C;
	[dreg:$0x1] =	wrdreg $0xFFFFFFFF  }
0xa7: {  	s28 =	simm.s32 $_size_execute0_lowered;
	s3 =	sadd.s32 s3, s5;
	[dreg:$0x0] =	wrdreg $0x0  }
0xa8: {  	s5 =	sshll.u32 s28, $0x1;
	[dreg:$0x2] =	wrdreg s3  }
0xa9: {  	[dreg:$0x3] =	wrdreg s5  }
0xaa: {  	[dreg:$0x4] =	wrdreg $0xC0  }
0xab: {  	_ =	task [dreg:s7], $0x5FFFF  }
0xac: {  	[dreg:$0x1] =	wrdreg $0xFFFFFFFF  }
0xad: {  	[dreg:$0x0] =	wrdreg $0x60  }
0xae: {  	[dreg:$0x2] =	wrdreg s24  }
0xaf: {  	[dreg:$0x3] =	wrdreg s2  }
0xb0: {  	[dreg:$0x4] =	wrdreg $0x84000  }
0xb1: {  	[dreg:$0x5] =	wrdreg $0x124000  }
0xb2: {  	[dreg:$0x6] =	wrdreg $0x9  }
0xb3: {  	_ =	task.clear_ibuf [dreg:s7], $0x7FFFF;
	_ =	strace $0x9000004C  }
0xb4: {  	s29 =	simm.s32 $0x9;
	_ =	strace $0x8000004E  }
0xb5: {  	_ =	swait.ge [sflag:s29], $0x1  }
0xb6: {  	[sflag:s29] =	ssyncadd.s32 $0xFFFFFFFF  }
0xb7: {  	_ =	strace $0x9000004E  }
0xb8: {  	_ =	sfence  }
0xb9: {  	s30 =	sld [smem:$0x0];
	_ =	sdelay $0x2  }
0xba: {  	s31 =	sshll.u32 s1, $0xD;
	s1 =	sshrl.u32 s1, $0x2  }
0xbb: {  	s3 =	sand.u32 $0x4000, s31;
	s1 =	sadd.s32 s1, s30  }
0xbc: {  	s0 =	sor.u32 s3, s0;
	s1 =	sshll.u32 s1, $0x11  }
0xbd: {  	s0 =	sor.u32 s1, s0  }
0xbe: {  	s0 =	sadd.s32 $0x8F2B, s0  }
0xbf: {  	[sflag:s0] =	ssyncadd.remote.s32 $0x1  }
0xc0: {  	_ =	sfence.sel $0xFFFF  }
0xc1: {  	[dreg:$0x0] =	wrdreg $0xFFFFFFFF;
	(pc) =	sbr.abs _section_cstart, $3  }
0xc2: {  	[dreg:$0x1] =	wrdreg $0xFFFFFFFF  }
0xc3: {  	_ =	task.clear_ibuf [dreg:s7], $0x2FFFF;
	_ =	strace $0x9FFFFFFF  }
0xc4: {  	(tm) =	ssettm $0x7FFFFFFF  }
0xc5: {  	_ =	shalt  }
tec
execute0_lowered:
.L_overlay_start_1:
0x0: {  	(tag) =	ssettag $0x1  }
0x1: {  	s0 =	rddreg [dreg:$0x0]  }
0x2: {  	s7 =	rddreg [dreg:$0x1]  }
0x3: {  	s1 =	rddreg [dreg:$0x2]  }
0x4: {  	s3 =	rddreg [dreg:$0x3];
	s4 =	simm.s32 $0x0  }
0x5: {  	s2 =	srdreg.scid;
	[smem:$0x7FF] =	sst s4;
	s6 =	sadd.s32 $0x8D200, s0  }
0x6: {  	s16 =	sadd.s32 $0x16000, s0;
	_ =	strace $0x8000004D;
	[dreg:$0x5] =	wrdreg s6  }
0x7: {  	s17 =	stileid.u32;
	s20 =	sadd.s32 $0x9FE00, s0;
	[dreg:$0x6] =	wrdreg s16  }
0x8: {  	s9 =	sand.u32 $0x1, s2;
	s21 =	sadd.s32 $0x9EA00, s0;
	[dreg:$0x8] =	wrdreg s20  }
0x9: {  	s2 =	smul.u32 $0xA000, s17;
	s22 =	sadd.s32 $0x9D600, s0;
	[dreg:$0x9] =	wrdreg s21  }
0xa: {  	s8 =	sadd.s32 $0xBE00, s0;
	s23 =	sadd.s32 $0x9C200, s0;
	[dreg:$0xa] =	wrdreg s22  }
0xb: {  	p0 =	seq.s32 s17, $0x1;
	s24 =	sadd.s32 $0x9AE00, s0;
	[dreg:$0xb] =	wrdreg s23  }
0xc: {  	p3 =	seq.s32 s17, $0x3;
	s26 =	sadd.s32 $0x99A00, s0;
	[dreg:$0xc] =	wrdreg s24  }
0xd: {  	p4 =	seq.s32 s17, $0x4;
	s28 =	sadd.s32 $0x98600, s0;
	[dreg:$0xd] =	wrdreg s26  }
0xe: {  	s25 =	smul.u32 $0xA00, s17;
	s29 =	sadd.s32 $0x97200, s0;
	[dreg:$0xe] =	wrdreg s28  }
0xf: {  	s30 =	smul.u32 $0x28000, s17;
	s12 =	sadd.s32 $0x92200, s0;
	[dreg:$0xf] =	wrdreg s29  }
0x10: {  	s13 =	sadd.s32 $0x90E00, s0;
	s14 =	sadd.s32 $0x8FA00, s0;
	[dreg:$0x17] =	wrdreg s12  }
0x11: {  	s15 =	sadd.s32 $0x8E600, s0;
	s5 =	smul.u32 $0xA0000, s9;
	[dreg:$0x18] =	wrdreg s13  }
0x12: {  	s18 =	ssub.s32 $0x2, s9;
	p1 =	seq.s32 s9, $0x0;
	[dreg:$0x19] =	wrdreg s14  }
0x13: {  	s19 =	sor.u32 s17, s9;
	[dreg:$0x1a] =	wrdreg s15;
	s16 =	sadd.s32 $0x17400, s0  }
0x14: {  	s20 =	sadd.s32 $0x1B000, s0;
	s21 =	sadd.s32 $0x1C400, s0;
	[dreg:$0x7] =	wrdreg s19  }
0x15: {  	s22 =	sadd.s32 $0x1D800, s0;
	s23 =	sadd.s32 $0x1EC00, s0;
	[dreg:$0x1b] =	wrdreg s16  }
0x16: {  	s24 =	sadd.s32 $0x20000, s0;
	s26 =	sadd.s32 $0x22800, s0;
	[dreg:$0x1e] =	wrdreg s20  }
0x17: {  	s28 =	sadd.s32 $0x23C00, s0;
	s29 =	sadd.s32 $0x25000, s0;
	[dreg:$0x1f] =	wrdreg s21  }
0x18: {  	s14 =	sadd.s32 $0x96000, s1;
	s15 =	sadd.s32 $0x8C000, s1;
	[smem:$0x7DB] =	sst s22  }
0x19: {  	s10 =	sshrl.u32 s18, $0x1;
	p2 =	por !p1, !p0;
	[smem:$0x7DC] =	sst s23  }
0x1a: {  	p5 =	por !p1, !p3;
	p6 =	por !p1, !p4;
	[smem:$0x7DD] =	sst s24  }
0x1b: {  	s11 =	sadd.s32 s8, s25;
	[smem:$0x7DF] =	sst s26;
	p2 =	por !p2, !p2  }
0x1c: {  	[smem:$0x7E0] =	sst s28;
	s6 =	ssub.s32 s18, s10;
	s10 =	simm.s32 @!p2 $0x0  }
0x1d: {  	[smem:$0x7E1] =	sst s29;
	s10 =	simm.s32 @p2 $0x1;
	p2 =	seq.s32 s17, $0x2  }
0x1e: {  	s31 =	sor.u32 $0x10, s25;
	[smem:$0x7BD] =	sst s10;
	s10 =	simm.s32 @!p2 $0x0  }
0x1f: {  	[smem:$0x7EE] =	sst s14;
	s10 =	simm.s32 @p2 $0x1;
	p2 =	por !p1, !p2  }
0x20: {  	s19 =	sadd.s32 $0x19C00, s0;
	[smem:$0x7EF] =	sst s15;
	p2 =	por !p2, !p2  }
0x21: {  	s16 =	sadd.s32 $0x82000, s1;
	[smem:$0x7BE] =	sst s10;
	s10 =	simm.s32 @!p2 $0x0  }
0x22: {  	s20 =	sadd.s32 $0x64000, s1;
	s21 =	sadd.s32 $0x5A000, s1;
	s10 =	simm.s32 @p2 $0x1  }
0x23: {  	s22 =	sadd.s32 $0x50000, s1;
	[smem:$0x7BF] =	sst s10;
	s10 =	simm.s32 @!p3 $0x0  }
0x24: {  	s23 =	sadd.s32 $0x46000, s1;
	s24 =	sadd.s32 $0x3C000, s1;
	s10 =	simm.s32 @p3 $0x1  }
0x25: {  	s26 =	sadd.s32 $0x28000, s1;
	[smem:$0x7C0] =	sst s10;
	s10 =	simm.s32 @!p4 $0x0  }
0x26: {  	s28 =	sadd.s32 $0x1E000, s1;
	p2 =	por !p5, !p5;
	s10 =	simm.s32 @p4 $0x1  }
0x27: {  	s29 =	sadd.s32 $0x14000, s1;
	[smem:$0x7C1] =	sst s10;
	s10 =	simm.s32 @!p2 $0x0  }
0x28: {  	[dreg:$0x10] =	wrdreg s11;
	s10 =	simm.s32 @p2 $0x1;
	p2 =	por !p6, !p6  }
0x29: {  	s14 =	simm.s32 $0x7;
	[smem:$0x7C2] =	sst s10;
	s10 =	simm.s32 @!p2 $0x0  }
0x2a: {  	[dreg:$0x1d] =	wrdreg s19;
	s10 =	simm.s32 @p2 $0x1;
	p2 =	seq.s32 s17, $0x5  }
0x2b: {  	s15 =	simm.s32 $0x1;
	[smem:$0x7C3] =	sst s10;
	s10 =	simm.s32 @!p2 $0x0  }
0x2c: {  	[smem:$0x7F0] =	sst s16;
	s10 =	simm.s32 @p2 $0x1;
	p2 =	por !p1, !p2  }
0x2d: {  	s5 =	sadd.s32 s2, s5;
	[smem:$0x7F3] =	sst s20;
	p2 =	por !p2, !p2  }
0x2e: {  	s8 =	sadd.s32 s8, s31;
	[smem:$0x7C4] =	sst s10;
	s10 =	simm.s32 @!p2 $0x0  }
0x2f: {  	[smem:$0x7F4] =	sst s21;
	p3 =	seq.s32 s17, $0x6;
	s10 =	simm.s32 @p2 $0x1  }
0x30: {  	s11 =	sadd.s32 $0x93600, s0;
	[smem:$0x7C5] =	sst s10;
	s10 =	simm.s32 @!p3 $0x0  }
0x31: {  	[smem:$0x7F5] =	sst s22;
	p4 =	seq.s32 s17, $0x7;
	s10 =	simm.s32 @p3 $0x1  }
0x32: {  	p3 =	por !p1, !p3;
	[smem:$0x7C6] =	sst s10;
	s10 =	simm.s32 @!p4 $0x0  }
0x33: {  	[smem:$0x7F6] =	sst s23;
	p2 =	por !p3, !p3;
	s10 =	simm.s32 @p4 $0x1  }
0x34: {  	p4 =	por !p1, !p4;
	[smem:$0x7C7] =	sst s10;
	s10 =	simm.s32 @!p2 $0x0  }
0x35: {  	[smem:$0x7F7] =	sst s24;
	s10 =	simm.s32 @p2 $0x1;
	p2 =	por !p4, !p4  }
0x36: {  	s18 =	sadd.s32 $0x18800, s0;
	[smem:$0x7C8] =	sst s10;
	s10 =	simm.s32 @!p2 $0x0  }
0x37: {  	[smem:$0x7F9] =	sst s26;
	s10 =	simm.s32 @p2 $0x1;
	p2 =	seq.s32 s17, $0x8  }
0x38: {  	s2 =	sadd.s32 s2, s3;
	[smem:$0x7C9] =	sst s10;
	s10 =	simm.s32 @!p2 $0x0  }
0x39: {  	[smem:$0x7FA] =	sst s28;
	s10 =	simm.s32 @p2 $0x1;
	p2 =	por !p1, !p2  }
0x3a: {  	s19 =	sadd.s32 $0x6E000, s1;
	[smem:$0x7FB] =	sst s29;
	p2 =	por !p2, !p2  }
0x3b: {  	s20 =	simm.s32 $0x5;
	[smem:$0x7CA] =	sst s10;
	s10 =	simm.s32 @!p2 $0x0  }
0x3c: {  	[dreg:$0x12] =	wrdreg s8;
	p3 =	seq.s32 s17, $0x9;
	s10 =	simm.s32 @p2 $0x1  }
0x3d: {  	s23 =	simm.s32 $0x8300;
	[smem:$0x7CB] =	sst s10;
	s10 =	simm.s32 @!p3 $0x0  }
0x3e: {  	[dreg:$0x16] =	wrdreg s11;
	p4 =	seq.s32 s17, $0xA;
	s10 =	simm.s32 @p3 $0x1  }
0x3f: {  	p5 =	por !p1, !p3;
	[smem:$0x7CC] =	sst s10;
	s10 =	simm.s32 @!p4 $0x0  }
0x40: {  	[dreg:$0x1c] =	wrdreg s18;
	p2 =	por !p5, !p5;
	s10 =	simm.s32 @p4 $0x1  }
0x41: {  	p6 =	por !p1, !p4;
	[smem:$0x7CD] =	sst s10;
	s10 =	simm.s32 @!p2 $0x0  }
0x42: {  	[smem:$0x7E5] =	sst s2;
	s10 =	simm.s32 @p2 $0x1;
	p2 =	por !p6, !p6  }
0x43: {  	s8 =	sadd.s32 $0x95E00, s0;
	[smem:$0x7CE] =	sst s10;
	s10 =	simm.s32 @!p2 $0x0  }
0x44: {  	[smem:$0x7F2] =	sst s19;
	s10 =	simm.s32 @p2 $0x1;
	p2 =	seq.s32 s17, $0xB  }
0x45: {  	s13 =	smax.u32 s6, $0x1;
	[smem:$0x7CF] =	sst s10;
	s10 =	simm.s32 @!p2 $0x0  }
0x46: {  	[dreg:$0x14] =	wrdreg s8;
	s10 =	simm.s32 @p2 $0x1;
	p2 =	por !p1, !p2  }
0x47: {  	s5 =	sshrl.u32 s5, $0x3;
	[smem:$0x7EC] =	sst s13;
	p2 =	por !p2, !p2  }
0x48: {  	s18 =	sadd.s32 $0x78000, s1;
	[smem:$0x7D0] =	sst s10;
	s10 =	simm.s32 @!p2 $0x0  }
0x49: {  	[smem:$0x7F1] =	sst s18;
	p3 =	seq.s32 s17, $0xC;
	s10 =	simm.s32 @p2 $0x1  }
0x4a: {  	s5 =	sadd.s32 s5, s0;
	[smem:$0x7D1] =	sst s10;
	s10 =	simm.s32 @!p3 $0x0  }
0x4b: {  	s12 =	sadd.s32 $0x2A000, s5;
	p4 =	seq.s32 s17, $0xD;
	s10 =	simm.s32 @p3 $0x1  }
0x4c: {  	p3 =	por !p1, !p3;
	[smem:$0x7D2] =	sst s10;
	s10 =	simm.s32 @!p4 $0x0  }
0x4d: {  	[smem:$0x7EB] =	sst s12;
	p2 =	por !p3, !p3;
	s10 =	simm.s32 @p4 $0x1  }
0x4e: {  	p5 =	por !p1, !p4;
	[smem:$0x7D3] =	sst s10;
	s10 =	simm.s32 @!p2 $0x0  }
0x4f: {  	p6 =	seq.s32 s17, $0x0;
	p3 =	seq.s32 s17, $0xE;
	s10 =	simm.s32 @p2 $0x1  }
0x50: {  	p2 =	por !p5, !p5;
	p5 =	seq.s32 s9, $0x1;
	s9 =	simm.s32 @!p3 $0x0  }
0x51: {  	p4 =	seq.s32 s17, $0xF;
	[smem:$0x7D4] =	sst s10;
	s9 =	simm.s32 @p3 $0x1  }
0x52: {  	p3 =	por !p1, !p3;
	[smem:$0x7D6] =	sst s9;
	s9 =	simm.s32 @!p4 $0x0  }
0x53: {  	s10 =	simm.s32 @!p2 $0x0;
	p3 =	por !p3, !p3;
	s9 =	simm.s32 @p4 $0x1  }
0x54: {  	p1 =	por !p1, !p4;
	[smem:$0x7D7] =	sst s9;
	s9 =	simm.s32 @!p3 $0x0  }
0x55: {  	s10 =	simm.s32 @p2 $0x1;
	p1 =	por !p1, !p1;
	s9 =	simm.s32 @p3 $0x1  }
0x56: {  	p2 =	por !p6, !p5;
	[smem:$0x7D8] =	sst s9;
	s9 =	simm.s32 @!p1 $0x0  }
0x57: {  	[smem:$0x7D5] =	sst s10;
	s9 =	simm.s32 @p1 $0x1;
	p1 =	por !p2, !p2  }
0x58: {  	s10 =	sadd.s32 $0x94A00, s0;
	[smem:$0x7D9] =	sst s9;
	s9 =	simm.s32 @!p1 $0x0  }
0x59: {  	s24 =	simm.s32 $0x8100;
	[dreg:$0x15] =	wrdreg s10;
	s9 =	simm.s32 @p1 $0x1  }
0x5a: {  	s22 =	simm.s32 $0x2;
	[smem:$0x7DA] =	sst s9;
	s9 =	sadd.s32 s7, s25  }
0x5b: {  	s26 =	simm.s32 $0x3;
	s7 =	sadd.s32 s7, s31;
	[dreg:$0x11] =	wrdreg s9  }
0x5c: {  	s6 =	simm.s32 $0xD;
	s25 =	sadd.s32 $0x21400, s0;
	[dreg:$0x13] =	wrdreg s7  }
0x5d: {  	s2 =	simm.s32 $0x6;
	s31 =	sadd.s32 $0x27800, s0;
	[smem:$0x7DE] =	sst s25  }
0x5e: {  	s9 =	sshrl.u32 s30, $0x2;
	s30 =	sadd.s32 $0x26400, s0;
	[smem:$0x7E3] =	sst s31  }
0x5f: {  	s19 =	simm.s32 $0x8;
	s0 =	sadd.s32 $0x28C00, s0;
	[smem:$0x7E2] =	sst s30  }
0x60: {  	s13 =	simm.s32 $0x2;
	s25 =	sadd.s32 $0x32000, s1;
	[smem:$0x7E4] =	sst s0  }
0x61: {  	s18 =	simm.s32 $0xC;
	s31 =	sadd.s32 $0x9E000, s3;
	[smem:$0x7F8] =	sst s25  }
0x62: {  	s8 =	sadd.s32 s9, s3;
	s30 =	sadd.s32 $0xA000, s1;
	[smem:$0x7FD] =	sst s31  }
0x63: {  	p0 =	por !p0, !p5;
	s9 =	sadd.s32 $0x2000, s8;
	[smem:$0x7FC] =	sst s30  }
0x64: {  	p0 =	por !p0, !p0;
	s0 =	sadd.s32 $0x8000, s8;
	[smem:$0x7E6] =	sst s9  }
0x65: {  	s10 =	sadd.s32 $0x4000, s8;
	[smem:$0x7E9] =	sst s0;
	s0 =	simm.s32 @!p5 $0x0  }
0x66: {  	s7 =	simm.s32 $0x1;
	[smem:$0x7E7] =	sst s10;
	s0 =	simm.s32 @p5 $0x1  }
0x67: {  	s11 =	sadd.s32 $0x6000, s8;
	[smem:$0x7EA] =	sst s0;
	s0 =	simm.s32 @!p0 $0x0  }
0x68: {  	s25 =	simm.s32 $0xC;
	[smem:$0x7E8] =	sst s11;
	s0 =	simm.s32 @p0 $0x1  }
0x69: {  	v0 =	vimm.f32 $0.0e+00;
	s8 =	simm.s32 $0x0;
	s10 =	simm.s32 $0x80;
	[smem:$0x7ED] =	sst s0  }
.LBB2_1:
0x6a: {  	s16 =	rddreg [dreg:$0x7]  }
0x6b: {  	p0 =	sne.s32 s16, $0x0  }
0x6c: {  	s16 =	sshll.u32 @!p0 s17, $0x6  }
0x6d: {  	s31 =	rddreg [dreg:$0x5];
	s30 =	sshrl.u32 @!p0 s1, $0x3;
	s16 =	sor.u32 @!p0 $0x1C0D, s16  }
0x6e: {  	[spmem:s30], [sflag:s16] =	dma.local @!p0 [hbm:s31], $0x1400  }
0x6f: {  	s16 =	simm.s32 @!p0 $0xD  }
0x70: {  	_ =	swait.ge @!p0 [sflag:s16], $0x1400  }
0x71: {  	s0 =	sld [smem:$0x7BD];
	_ =	sdelay $0x1  }
0x72: {  	[sflag:s16] =	ssyncset.done @!p0 $0x0  }
0x73: {  	[sflag:s16] =	ssyncadd.s32 @!p0 $0xFFFFEC00;
	p0 =	seq.s32 s0, $0x1  }
.Ltmp0:
0x74: {  	_ = 	snop;
	(pc) =	sbr.rel @!p0 .LBB2_5-.Ltmp0, $1  }
0x75: {  	_ =	sdelay $0x3  }
0x76: {  	s0 =	sld [smem:$0x7FC];
	_ =	sdelay $0x1  }
0x77: {  	s31 =	rddreg [dreg:$0x1a]  }
0x78: {  	s6 =	simm.s32 $0x1C4D;
	p0 =	por $0x0, $0x0;
	s16 =	sshrl.u32 s0, $0x3  }
0x79: {  	[spmem:s16], [sflag:s6] =	dma.local [hbm:s31], $0x1400  }
0x7a: {  	s0 =	simm.s32 @!p0 $0x0;
	s6 =	simm.s32 $0xD  }
0x7b: {  	s0 =	simm.s32 @p0 $0x1;
	p0 =	por $0x0, $0x0;
	_ =	swait.ge [sflag:s6], $0x1400  }
0x7c: {  	[smem:$0x7B5] =	sst s0;
	s0 =	simm.s32 @!p0 $0x0  }
0x7d: {  	s0 =	simm.s32 @p0 $0x1;
	p0 =	por $0x0, $0x0  }
0x7e: {  	[smem:$0x7B6] =	sst s0;
	s0 =	simm.s32 @!p0 $0x0  }
0x7f: {  	p2 =	por $0x0, $0x0;
	s0 =	simm.s32 @p0 $0x1  }
0x80: {  	[smem:$0x7B7] =	sst s0;
	s0 =	simm.s32 @!p2 $0x0  }
0x81: {  	s0 =	simm.s32 @p2 $0x1;
	p2 =	por $0x0, $0x0  }
0x82: {  	[smem:$0x7B8] =	sst s0;
	s0 =	simm.s32 @!p2 $0x0  }
0x83: {  	s0 =	simm.s32 @p2 $0x1;
	p2 =	por $0x0, $0x0  }
0x84: {  	[smem:$0x7B9] =	sst s0;
	s0 =	simm.s32 @!p2 $0x0  }
0x85: {  	p4 =	por $0x0, $0x0;
	s0 =	simm.s32 @p2 $0x1;
	p2 =	por $0x0, $0x0  }
0x86: {  	p3 =	por $0x0, $0x0;
	[smem:$0x7BA] =	sst s0;
	s0 =	simm.s32 @!p2 $0x0  }
0x87: {  	p6 =	por $0x0, $0x0;
	s0 =	simm.s32 @p2 $0x1;
	p2 =	por $0x0, $0x0  }
0x88: {  	p1 =	por $0x0, $0x0;
	[smem:$0x7BB] =	sst s0;
	s0 =	simm.s32 @!p2 $0x0  }
0x89: {  	p5 =	por $0x0, $0x0;
	[sflag:s6] =	ssyncset.done $0x0;
	s0 =	simm.s32 @p2 $0x1  }
0x8a: {  	[sflag:s6] =	ssyncadd.s32 $0xFFFFEC00;
	p0 =	por $0x0, $0x0;
	[smem:$0x7BC] =	sst s0  }
.LBB2_3:
0x8b: {  	s0 =	sld [smem:$0x7ED];
	_ =	sdelay $0x2  }
0x8c: {  	p2 =	seq.s32 s0, $0x1  }
.Ltmp1:
0x8d: {  	_ = 	snop;
	(pc) =	sbr.rel @!p2 .LBB2_4-.Ltmp1, $1  }
0x8e: {  	_ =	sdelay $0x3  }
0x8f: {  	s0 =	sld [smem:$0x7FC]  }
.Ltmp2:
0x90: {  	_ = 	snop;
	(pc) =	sbr.rel .LBB2_36-.Ltmp2, $4  }
0x91: {  	_ = 	snop  }
0x92: {  	s31 =	rddreg [dreg:$0x1b];
	s6 =	simm.s32 $0x1C4D;
	s16 =	sshrl.u32 s0, $0x3  }
0x93: {  	[spmem:s16], [sflag:s6] =	dma.local [hbm:s31], $0x1400  }
0x94: {  	p2 =	por $0x1, $0x1;
	s6 =	simm.s32 $0xD  }
.LBB2_5:
0x95: {  	s0 =	sld [smem:$0x7BF];
	_ =	sdelay $0x2  }
0x96: {  	p0 =	seq.s32 s0, $0x1  }
.Ltmp3:
0x97: {  	_ = 	snop;
	(pc) =	sbr.rel @!p0 .LBB2_7-.Ltmp3, $1  }
0x98: {  	_ =	sdelay $0x3  }
0x99: {  	s0 =	sld [smem:$0x7FB];
	_ =	sdelay $0x1  }
0x9a: {  	s30 =	rddreg [dreg:$0x19];
	p0 =	por $0x0, $0x0  }
0x9b: {  	s5 =	simm.s32 $0x1C8D;
	s16 =	sshrl.u32 s0, $0x3;
	s0 =	simm.s32 @!p0 $0x0  }
0x9c: {  	[spmem:s16], [sflag:s5] =	dma.local [hbm:s30], $0x1400  }
0x9d: {  	s0 =	simm.s32 @p0 $0x1;
	p0 =	por $0x0, $0x0  }
0x9e: {  	[smem:$0x7BC] =	sst s0;
	s0 =	simm.s32 @!p0 $0x0  }
0x9f: {  	s0 =	simm.s32 @p0 $0x1;
	p0 =	por $0x0, $0x0  }
0xa0: {  	[smem:$0x7BB] =	sst s0;
	s0 =	simm.s32 @!p0 $0x0  }
0xa1: {  	s0 =	simm.s32 @p0 $0x1;
	p0 =	por $0x0, $0x0  }
0xa2: {  	[smem:$0x7BA] =	sst s0;
	s0 =	simm.s32 @!p0 $0x0  }
0xa3: {  	s0 =	simm.s32 @p0 $0x1;
	p0 =	por $0x0, $0x0  }
0xa4: {  	[smem:$0x7B9] =	sst s0;
	s0 =	simm.s32 @!p0 $0x0  }
0xa5: {  	p2 =	por $0x0, $0x0;
	s0 =	simm.s32 @p0 $0x1  }
0xa6: {  	[smem:$0x7B8] =	sst s0;
	s0 =	simm.s32 @!p2 $0x0  }
0xa7: {  	p6 =	por $0x1, $0x1;
	s0 =	simm.s32 @p2 $0x1;
	p2 =	por $0x0, $0x0  }
0xa8: {  	p5 =	por $0x0, $0x0;
	[smem:$0x7B7] =	sst s0;
	s0 =	simm.s32 @!p2 $0x0  }
0xa9: {  	s31 =	sld [smem:$0x7EA];
	s0 =	simm.s32 @p2 $0x1;
	p2 =	por $0x0, $0x0  }
0xaa: {  	p1 =	por $0x0, $0x0;
	[smem:$0x7B6] =	sst s0;
	s0 =	simm.s32 @!p2 $0x0  }
0xab: {  	p3 =	por $0x0, $0x0;
	p4 =	por $0x0, $0x0;
	s0 =	simm.s32 @p2 $0x1  }
0xac: {  	p0 =	por $0x0, $0x0;
	p2 =	seq.s32 s31, $0x1;
	[smem:$0x7B5] =	sst s0  }
.LBB2_36:
0xad: {  	s0 =	simm.s32 @!p5 $0x0  }
0xae: {  	s0 =	simm.s32 @p5 $0x1  }
0xaf: {  	[smem:$0x7B4] =	sst s0;
	s0 =	simm.s32 @!p4 $0x0  }
.Ltmp4:
0xb0: {  	s0 =	simm.s32 @p4 $0x1;
	(pc) =	sbr.rel .LBB2_37-.Ltmp4, $4  }
0xb1: {  	[smem:$0x7B3] =	sst s0  }
0xb2: {  	_ =	swait.ge [sflag:s6], $0x1400  }
0xb3: {  	[sflag:s6] =	ssyncset.done $0x0  }
0xb4: {  	[sflag:s6] =	ssyncadd.s32 $0xFFFFEC00  }
.LBB2_4:
0xb5: {  	s0 =	simm.s32 @!p4 $0x0  }
0xb6: {  	s31 =	sld [smem:$0x7EA];
	s0 =	simm.s32 @p4 $0x1  }
0xb7: {  	[smem:$0x7B3] =	sst s0;
	s0 =	simm.s32 @!p5 $0x0  }
0xb8: {  	s0 =	simm.s32 @p5 $0x1  }
0xb9: {  	p2 =	seq.s32 s31, $0x1;
	[smem:$0x7B4] =	sst s0  }
.LBB2_37:
0xba: {  	p4 =	por !p6, !p2  }
.Ltmp5:
0xbb: {  	_ = 	snop;
	(pc) =	sbr.rel @p4 .LBB2_85-.Ltmp5, $2  }
0xbc: {  	s0 =	sld [smem:$0x7B7];
	_ =	sdelay $0x2  }
0xbd: {  	p5 =	seq.s32 s0, $0x1  }
0xbe: {  	s0 =	sld [smem:$0x7B5];
	_ =	sdelay $0x2  }
0xbf: {  	s29 =	sld [smem:$0x7BA];
	p4 =	seq.s32 s0, $0x1  }
0xc0: {  	s30 =	rddreg [dreg:$0x1c];
	s0 =	simm.s32 @!p4 $0x0  }
0xc1: {  	s31 =	sld [smem:$0x7FB];
	s0 =	simm.s32 @p4 $0x1  }
0xc2: {  	s16 =	stileid.u32;
	p6 =	seq.s32 s29, $0x1;
	[smem:$0x7B5] =	sst s0  }
.LBB2_39:
0xc3: {  	s16 =	sshll.u32 s16, $0x6  }
.Ltmp6:
0xc4: {  	s16 =	sor.u32 $0x1C0D, s16;
	s31 =	sshrl.u32 s31, $0x3;
	(pc) =	sbr.rel .LBB2_40-.Ltmp6, $4  }
0xc5: {  	[spmem:s31], [sflag:s16] =	dma.local [hbm:s30], $0x1400  }
0xc6: {  	_ =	swait.ge [sflag:s6], $0x1400  }
0xc7: {  	[sflag:s6] =	ssyncset.done $0x0  }
0xc8: {  	[sflag:s6] =	ssyncadd.s32 $0xFFFFEC00  }
.LBB2_85:
0xc9: {  	s0 =	sld [smem:$0x7B5];
	_ =	sdelay $0x2  }
0xca: {  	s9 =	sld [smem:$0x7B6];
	p4 =	seq.s32 s0, $0x1  }
0xcb: {  	p4 =	por @!p6 p4, p4  }
0xcc: {  	s0 =	simm.s32 @!p4 $0x0  }
0xcd: {  	s11 =	sld [smem:$0x7B3];
	s0 =	simm.s32 @p4 $0x1;
	p4 =	seq.s32 s9, $0x1  }
0xce: {  	p4 =	por @!p6 p4, p4  }
0xcf: {  	[smem:$0x7B5] =	sst s0;
	s0 =	simm.s32 @!p4 $0x0  }
0xd0: {  	s0 =	simm.s32 @p4 $0x1;
	p4 =	seq.s32 s11, $0x1  }
0xd1: {  	s12 =	sld [smem:$0x7B8];
	p4 =	por @!p6 p4, p4  }
0xd2: {  	[smem:$0x7B6] =	sst s0;
	s0 =	simm.s32 @!p4 $0x0  }
0xd3: {  	p5 =	por @!p6 p5, p5;
	s16 =	sld [smem:$0x7B9];
	s0 =	simm.s32 @p4 $0x1  }
0xd4: {  	p4 =	seq.s32 s12, $0x1;
	[smem:$0x7B3] =	sst s0;
	s0 =	simm.s32 @!p5 $0x0  }
0xd5: {  	p4 =	por @!p6 p4, p4;
	s0 =	simm.s32 @p5 $0x1  }
0xd6: {  	[smem:$0x7B7] =	sst s0;
	s0 =	simm.s32 @!p4 $0x0  }
0xd7: {  	s28 =	sld [smem:$0x7BB];
	s0 =	simm.s32 @p4 $0x1;
	p4 =	seq.s32 s16, $0x1  }
0xd8: {  	p4 =	por @!p6 p4, p4  }
0xd9: {  	[smem:$0x7B8] =	sst s0;
	s0 =	simm.s32 @!p4 $0x0  }
0xda: {  	s29 =	sld [smem:$0x7BC];
	s0 =	simm.s32 @p4 $0x1;
	p4 =	seq.s32 s28, $0x1  }
0xdb: {  	p4 =	por @!p6 p4, p4  }
0xdc: {  	[smem:$0x7B9] =	sst s0;
	s0 =	simm.s32 @!p4 $0x0  }
0xdd: {  	s30 =	sld [smem:$0x7B4];
	s0 =	simm.s32 @p4 $0x1;
	p4 =	seq.s32 s29, $0x1  }
0xde: {  	s21 =	sld [smem:$0x7BA];
	p4 =	por @!p6 p4, p4  }
0xdf: {  	p2 =	por @!p6 p2, p2;
	[smem:$0x7BB] =	sst s0;
	s0 =	simm.s32 @!p4 $0x0  }
0xe0: {  	p0 =	por @!p6 p0, p0;
	s0 =	simm.s32 @p4 $0x1;
	p4 =	seq.s32 s30, $0x1  }
0xe1: {  	p3 =	por @!p6 p3, p3;
	s31 =	sld [smem:$0x7B7];
	p4 =	por @!p6 p4, p4  }
0xe2: {  	p5 =	seq.s32 s21, $0x1;
	[smem:$0x7BC] =	sst s0;
	s0 =	simm.s32 @!p4 $0x0  }
0xe3: {  	p1 =	por @!p6 p1, p1;
	p5 =	por @!p6 p5, p5;
	s0 =	simm.s32 @p4 $0x1  }
0xe4: {  	p6 =	por p5, p5;
	p5 =	seq.s32 s31, $0x1;
	[smem:$0x7B4] =	sst s0  }
.LBB2_40:
0xe5: {  	p4 =	por !p1, !p2  }
.Ltmp7:
0xe6: {  	_ = 	snop;
	(pc) =	sbr.rel @p4 .LBB2_86-.Ltmp7, $4  }
0xe7: {  	_ = 	snop  }
0xe8: {  	s0 =	simm.s32 @!p5 $0x0  }
0xe9: {  	s0 =	simm.s32 @p5 $0x1  }
0xea: {  	[smem:$0x7B7] =	sst s0  }
0xeb: {  	s0 =	sld [smem:$0x7B4];
	_ =	sdelay $0x1  }
0xec: {  	s28 =	sld [smem:$0x7BC]  }
0xed: {  	p1 =	seq.s32 s0, $0x1  }
0xee: {  	s29 =	sld [smem:$0x7B3];
	s0 =	simm.s32 @!p1 $0x0  }
0xef: {  	s0 =	simm.s32 @p1 $0x1;
	p1 =	seq.s32 s28, $0x1  }
0xf0: {  	[smem:$0x7B4] =	sst s0;
	s0 =	simm.s32 @!p1 $0x0  }
0xf1: {  	s30 =	rddreg [dreg:$0x1d];
	s0 =	simm.s32 @p1 $0x1;
	p1 =	seq.s32 s29, $0x1  }
0xf2: {  	[smem:$0x7BC] =	sst s0;
	s0 =	simm.s32 @!p1 $0x0  }
0xf3: {  	s31 =	sld [smem:$0x7FA];
	s0 =	simm.s32 @p1 $0x1  }
0xf4: {  	s16 =	stileid.u32;
	[smem:$0x7B3] =	sst s0  }
.LBB2_42:
0xf5: {  	s16 =	sshll.u32 s16, $0x6  }
.Ltmp8:
0xf6: {  	s16 =	sor.u32 $0x1C0D, s16;
	s31 =	sshrl.u32 s31, $0x3;
	(pc) =	sbr.rel .LBB2_43-.Ltmp8, $4  }
0xf7: {  	[spmem:s31], [sflag:s16] =	dma.local [hbm:s30], $0x1400  }
0xf8: {  	_ =	swait.ge [sflag:s6], $0x1400  }
0xf9: {  	[sflag:s6] =	ssyncset.done $0x0  }
0xfa: {  	[sflag:s6] =	ssyncadd.s32 $0xFFFFEC00  }
.LBB2_86:
0xfb: {  	s0 =	sld [smem:$0x7B4];
	_ =	sdelay $0x2  }
0xfc: {  	s5 =	sld [smem:$0x7BC];
	p4 =	seq.s32 s0, $0x1  }
0xfd: {  	p4 =	por @!p1 p4, p4  }
0xfe: {  	s0 =	simm.s32 @!p4 $0x0  }
0xff: {  	s9 =	sld [smem:$0x7BB];
	s0 =	simm.s32 @p4 $0x1;
	p4 =	seq.s32 s5, $0x1  }
0x100: {  	p4 =	por @!p1 p4, p4  }
0x101: {  	[smem:$0x7B4] =	sst s0;
	s0 =	simm.s32 @!p4 $0x0  }
0x102: {  	s0 =	simm.s32 @p4 $0x1;
	p4 =	seq.s32 s9, $0x1  }
0x103: {  	s11 =	sld [smem:$0x7B9];
	p4 =	por @!p1 p4, p4  }
0x104: {  	[smem:$0x7BC] =	sst s0;
	s0 =	simm.s32 @!p4 $0x0  }
0x105: {  	p6 =	por @!p1 p6, p6;
	s12 =	sld [smem:$0x7B8];
	s0 =	simm.s32 @p4 $0x1  }
0x106: {  	p4 =	seq.s32 s11, $0x1;
	[smem:$0x7BB] =	sst s0;
	s0 =	simm.s32 @!p6 $0x0  }
0x107: {  	p4 =	por @!p1 p4, p4;
	s0 =	simm.s32 @p6 $0x1  }
0x108: {  	[smem:$0x7BA] =	sst s0;
	s0 =	simm.s32 @!p4 $0x0  }
0x109: {  	s16 =	sld [smem:$0x7B7];
	s0 =	simm.s32 @p4 $0x1;
	p4 =	seq.s32 s12, $0x1  }
0x10a: {  	p4 =	por @!p1 p4, p4  }
0x10b: {  	[smem:$0x7B9] =	sst s0;
	s0 =	simm.s32 @!p4 $0x0  }
0x10c: {  	s21 =	sld [smem:$0x7B3];
	s0 =	simm.s32 @p4 $0x1;
	p4 =	seq.s32 s16, $0x1  }
0x10d: {  	p4 =	por @!p1 p4, p4  }
0x10e: {  	[smem:$0x7B8] =	sst s0;
	s0 =	simm.s32 @!p4 $0x0  }
0x10f: {  	s28 =	sld [smem:$0x7B5];
	s0 =	simm.s32 @p4 $0x1;
	p4 =	seq.s32 s21, $0x1  }
0x110: {  	p4 =	por @!p1 p4, p4  }
0x111: {  	[smem:$0x7B7] =	sst s0;
	s0 =	simm.s32 @!p4 $0x0  }
0x112: {  	s29 =	sld [smem:$0x7B6];
	p6 =	seq.s32 s28, $0x1;
	s0 =	simm.s32 @p4 $0x1  }
0x113: {  	[smem:$0x7B3] =	sst s0;
	s0 =	simm.s32 @!p6 $0x0  }
0x114: {  	s0 =	simm.s32 @p6 $0x1  }
0x115: {  	[smem:$0x7B5] =	sst s0  }
0x116: {  	p6 =	seq.s32 s29, $0x1;
	s30 =	sld [smem:$0x7B5]  }
0x117: {  	p6 =	por @!p1 p6, p6  }
0x118: {  	s0 =	simm.s32 @!p6 $0x0  }
0x119: {  	s0 =	simm.s32 @p6 $0x1;
	p6 =	seq.s32 s30, $0x1  }
0x11a: {  	s31 =	sld [smem:$0x7BA];
	p6 =	por @!p1 p6, p6  }
0x11b: {  	[smem:$0x7B6] =	sst s0;
	s0 =	simm.s32 @!p6 $0x0  }
0x11c: {  	p3 =	por @!p1 p3, p3;
	p0 =	por @!p1 p0, p0;
	s0 =	simm.s32 @p6 $0x1  }
0x11d: {  	p2 =	por @!p1 p2, p2;
	p6 =	seq.s32 s31, $0x1;
	[smem:$0x7B5] =	sst s0  }
.LBB2_43:
0x11e: {  	p1 =	por !p3, !p2  }
.Ltmp9:
0x11f: {  	_ = 	snop;
	(pc) =	sbr.rel @p1 .LBB2_87-.Ltmp9, $1  }
0x120: {  	_ =	sdelay $0x3  }
0x121: {  	s28 =	sld [smem:$0x7B6]  }
0x122: {  	s29 =	sld [smem:$0x7B9]  }
0x123: {  	s0 =	simm.s32 @!p0 $0x0;
	s30 =	rddreg [dreg:$0x1e]  }
0x124: {  	s16 =	stileid.u32;
	s31 =	sld [smem:$0x7F9];
	s0 =	simm.s32 @p0 $0x1  }
0x125: {  	[smem:$0x7B2] =	sst s0;
	p5 =	seq.s32 s28, $0x1;
	p3 =	seq.s32 s29, $0x1  }
.LBB2_45:
0x126: {  	s16 =	sshll.u32 s16, $0x6  }
.Ltmp10:
0x127: {  	s16 =	sor.u32 $0x1C0D, s16;
	s31 =	sshrl.u32 s31, $0x3;
	(pc) =	sbr.rel .LBB2_46-.Ltmp10, $4  }
0x128: {  	[spmem:s31], [sflag:s16] =	dma.local [hbm:s30], $0x1400  }
0x129: {  	_ =	swait.ge [sflag:s6], $0x1400  }
0x12a: {  	[sflag:s6] =	ssyncset.done $0x0  }
0x12b: {  	[sflag:s6] =	ssyncadd.s32 $0xFFFFEC00  }
.LBB2_87:
0x12c: {  	s0 =	sld [smem:$0x7B5];
	_ =	sdelay $0x1  }
0x12d: {  	s11 =	sld [smem:$0x7B3]  }
0x12e: {  	p1 =	seq.s32 s0, $0x1  }
0x12f: {  	p1 =	por @!p3 p1, p1  }
0x130: {  	s12 =	sld [smem:$0x7B7];
	p4 =	seq.s32 s11, $0x1;
	s0 =	simm.s32 @!p1 $0x0  }
0x131: {  	p4 =	por @!p3 p4, p4;
	s0 =	simm.s32 @p1 $0x1  }
0x132: {  	[smem:$0x7B5] =	sst s0;
	s0 =	simm.s32 @!p4 $0x0  }
0x133: {  	s9 =	sld [smem:$0x7B6];
	s0 =	simm.s32 @p4 $0x1;
	p4 =	seq.s32 s12, $0x1  }
0x134: {  	s16 =	sld [smem:$0x7B8];
	p4 =	por @!p3 p4, p4  }
0x135: {  	[smem:$0x7B3] =	sst s0;
	s0 =	simm.s32 @!p4 $0x0  }
0x136: {  	p0 =	por @!p3 p0, p0;
	s21 =	sld [smem:$0x7B9];
	s0 =	simm.s32 @p4 $0x1  }
0x137: {  	[smem:$0x7B7] =	sst s0;
	s0 =	simm.s32 @!p0 $0x0  }
0x138: {  	s28 =	sld [smem:$0x7BB];
	s0 =	simm.s32 @p0 $0x1;
	p0 =	seq.s32 s16, $0x1  }
0x139: {  	s29 =	sld [smem:$0x7B4];
	p0 =	por @!p3 p0, p0  }
0x13a: {  	p2 =	por @!p3 p2, p2;
	[smem:$0x7B2] =	sst s0;
	s0 =	simm.s32 @!p0 $0x0  }
0x13b: {  	p6 =	por @!p3 p6, p6;
	s30 =	sld [smem:$0x7BC];
	s0 =	simm.s32 @p0 $0x1  }
0x13c: {  	p4 =	seq.s32 s28, $0x1;
	[smem:$0x7B8] =	sst s0;
	s0 =	simm.s32 @!p6 $0x0  }
0x13d: {  	p5 =	seq.s32 s29, $0x1;
	p4 =	por @!p3 p4, p4;
	s0 =	simm.s32 @p6 $0x1  }
0x13e: {  	p6 =	seq.s32 s30, $0x1;
	[smem:$0x7BA] =	sst s0;
	s0 =	simm.s32 @!p4 $0x0  }
0x13f: {  	p5 =	por @!p3 p5, p5;
	p6 =	por @!p3 p6, p6;
	s0 =	simm.s32 @p4 $0x1  }
0x140: {  	p1 =	seq.s32 s9, $0x1;
	[smem:$0x7BB] =	sst s0;
	s0 =	simm.s32 @!p6 $0x0  }
0x141: {  	p0 =	seq.s32 s21, $0x1;
	s31 =	sld [smem:$0x7BA];
	s0 =	simm.s32 @p6 $0x1  }
0x142: {  	p0 =	por @!p3 p0, p0;
	[smem:$0x7BC] =	sst s0;
	s0 =	simm.s32 @!p5 $0x0  }
0x143: {  	p1 =	por @!p3 p1, p1;
	p3 =	por p0, p0;
	s0 =	simm.s32 @p5 $0x1  }
0x144: {  	p6 =	seq.s32 s31, $0x1;
	p5 =	por p1, p1;
	[smem:$0x7B4] =	sst s0  }
.LBB2_46:
0x145: {  	s0 =	sld [smem:$0x7B8];
	_ =	sdelay $0x2  }
0x146: {  	p4 =	seq.s32 s0, $0x1  }
0x147: {  	p1 =	por !p4, !p2  }
.Ltmp11:
0x148: {  	_ = 	snop;
	(pc) =	sbr.rel @p1 .LBB2_88-.Ltmp11, $1  }
0x149: {  	_ =	sdelay $0x3  }
0x14a: {  	s0 =	sld [smem:$0x7BB];
	_ =	sdelay $0x2  }
0x14b: {  	p0 =	seq.s32 s0, $0x1  }
0x14c: {  	s30 =	rddreg [dreg:$0x1f];
	s0 =	simm.s32 @!p0 $0x0  }
0x14d: {  	s31 =	sld [smem:$0x7F8];
	s0 =	simm.s32 @p0 $0x1  }
0x14e: {  	p1 =	por p5, p5;
	s16 =	stileid.u32;
	[smem:$0x7BB] =	sst s0  }
.LBB2_48:
0x14f: {  	s16 =	sshll.u32 s16, $0x6  }
0x150: {  	s16 =	sor.u32 $0x1C0D, s16;
	s31 =	sshrl.u32 s31, $0x3  }
0x151: {  	[spmem:s31], [sflag:s16] =	dma.local [hbm:s30], $0x1400  }
.Ltmp12:
0x152: {  	_ =	swait.ge [sflag:s6], $0x1400;
	(pc) =	sbr.rel .LBB2_49-.Ltmp12, $3  }
0x153: {  	s0 =	sld [smem:$0x7B2];
	_ =	sdelay $0x1  }
0x154: {  	[sflag:s6] =	ssyncset.done $0x0  }
0x155: {  	[sflag:s6] =	ssyncadd.s32 $0xFFFFEC00;
	p5 =	seq.s32 s0, $0x1  }
.LBB2_88:
0x156: {  	s0 =	sld [smem:$0x7B4];
	_ =	sdelay $0x2  }
0x157: {  	s12 =	sld [smem:$0x7BC];
	p1 =	seq.s32 s0, $0x1  }
0x158: {  	p1 =	por @!p4 p1, p1  }
0x159: {  	s16 =	sld [smem:$0x7BB];
	s0 =	simm.s32 @!p1 $0x0  }
0x15a: {  	s0 =	simm.s32 @p1 $0x1;
	p1 =	seq.s32 s12, $0x1  }
0x15b: {  	p6 =	por @!p4 p6, p6;
	p1 =	por @!p4 p1, p1  }
0x15c: {  	p0 =	seq.s32 s16, $0x1;
	[smem:$0x7B4] =	sst s0;
	s0 =	simm.s32 @!p1 $0x0  }
0x15d: {  	s28 =	sld [smem:$0x7B7];
	p0 =	por @!p4 p0, p0;
	s0 =	simm.s32 @p1 $0x1  }
0x15e: {  	p3 =	por @!p4 p3, p3;
	[smem:$0x7BC] =	sst s0;
	s0 =	simm.s32 @!p0 $0x0  }
0x15f: {  	s29 =	sld [smem:$0x7B3];
	s0 =	simm.s32 @p0 $0x1;
	p0 =	por p3, p3  }
0x160: {  	p3 =	seq.s32 s28, $0x1;
	[smem:$0x7BB] =	sst s0;
	s0 =	simm.s32 @!p6 $0x0  }
0x161: {  	s30 =	sld [smem:$0x7B5];
	p3 =	por @!p4 p3, p3;
	s0 =	simm.s32 @p6 $0x1  }
0x162: {  	[smem:$0x7BA] =	sst s0;
	s0 =	simm.s32 @!p3 $0x0  }
0x163: {  	s0 =	simm.s32 @p3 $0x1;
	p3 =	por p0, p0;
	p0 =	seq.s32 s29, $0x1  }
0x164: {  	s21 =	sld [smem:$0x7B2];
	p1 =	por p5, p5;
	p0 =	por @!p4 p0, p0  }
0x165: {  	p6 =	seq.s32 s30, $0x1;
	[smem:$0x7B7] =	sst s0;
	s0 =	simm.s32 @!p0 $0x0  }
0x166: {  	p6 =	por @!p4 p6, p6;
	s31 =	sld [smem:$0x7BA];
	s0 =	simm.s32 @p0 $0x1  }
0x167: {  	p5 =	seq.s32 s21, $0x1;
	[smem:$0x7B3] =	sst s0;
	s0 =	simm.s32 @!p6 $0x0  }
0x168: {  	p2 =	por @!p4 p2, p2;
	p5 =	por @!p4 p5, p5;
	s0 =	simm.s32 @p6 $0x1  }
0x169: {  	p1 =	por @!p4 p1, p1;
	p6 =	seq.s32 s31, $0x1;
	[smem:$0x7B5] =	sst s0  }
.LBB2_49:
0x16a: {  	p0 =	por !p5, !p2  }
.Ltmp13:
0x16b: {  	_ = 	snop;
	(pc) =	sbr.rel @p0 .LBB2_89-.Ltmp13, $1  }
0x16c: {  	_ =	sdelay $0x3  }
0x16d: {  	s0 =	sld [smem:$0x7BB];
	_ =	sdelay $0x1  }
0x16e: {  	s30 =	sld [smem:$0x7DB];
	s16 =	stileid.u32  }
0x16f: {  	s31 =	sld [smem:$0x7F7];
	p5 =	por p1, p1;
	p1 =	seq.s32 s0, $0x1  }
.LBB2_51:
0x170: {  	_ = 	snop  }
0x171: {  	s16 =	sshll.u32 s16, $0x6  }
.Ltmp14:
0x172: {  	s16 =	sor.u32 $0x1C0D, s16;
	s31 =	sshrl.u32 s31, $0x3;
	(pc) =	sbr.rel .LBB2_52-.Ltmp14, $4  }
0x173: {  	[spmem:s31], [sflag:s16] =	dma.local [hbm:s30], $0x1400  }
0x174: {  	_ =	swait.ge [sflag:s6], $0x1400  }
0x175: {  	[sflag:s6] =	ssyncset.done $0x0  }
0x176: {  	[sflag:s6] =	ssyncadd.s32 $0xFFFFEC00  }
.LBB2_89:
0x177: {  	s0 =	sld [smem:$0x7B5];
	_ =	sdelay $0x2  }
0x178: {  	p0 =	seq.s32 s0, $0x1  }
0x179: {  	s12 =	sld [smem:$0x7B3];
	p0 =	por @!p5 p0, p0  }
0x17a: {  	s0 =	simm.s32 @!p0 $0x0  }
0x17b: {  	s16 =	sld [smem:$0x7B7];
	s0 =	simm.s32 @p0 $0x1  }
0x17c: {  	p0 =	seq.s32 s12, $0x1;
	[smem:$0x7B5] =	sst s0;
	s0 =	simm.s32 @!p6 $0x0  }
0x17d: {  	p0 =	por @!p5 p0, p0;
	s0 =	simm.s32 @p6 $0x1  }
0x17e: {  	[smem:$0x7BA] =	sst s0;
	s0 =	simm.s32 @!p0 $0x0  }
0x17f: {  	s0 =	simm.s32 @p0 $0x1;
	p0 =	seq.s32 s16, $0x1;
	s21 =	sld [smem:$0x7BA]  }
0x180: {  	p0 =	por @!p5 p0, p0  }
0x181: {  	[smem:$0x7B3] =	sst s0;
	s0 =	simm.s32 @!p0 $0x0  }
0x182: {  	s29 =	sld [smem:$0x7BC];
	s0 =	simm.s32 @p0 $0x1;
	p0 =	seq.s32 s21, $0x1  }
0x183: {  	p0 =	por @!p5 p0, p0  }
0x184: {  	[smem:$0x7B7] =	sst s0;
	s0 =	simm.s32 @!p0 $0x0  }
0x185: {  	s30 =	sld [smem:$0x7B4];
	s0 =	simm.s32 @p0 $0x1;
	p0 =	seq.s32 s29, $0x1  }
0x186: {  	s28 =	sld [smem:$0x7BB];
	p0 =	por @!p5 p0, p0  }
0x187: {  	p2 =	por @!p5 p2, p2;
	[smem:$0x7BA] =	sst s0;
	s0 =	simm.s32 @!p0 $0x0  }
0x188: {  	p4 =	por p1, p1;
	s0 =	simm.s32 @p0 $0x1;
	p0 =	seq.s32 s30, $0x1  }
0x189: {  	p4 =	por @!p5 p1, p1;
	s31 =	sld [smem:$0x7BA];
	p0 =	por @!p5 p0, p0  }
0x18a: {  	p1 =	seq.s32 s28, $0x1;
	[smem:$0x7BC] =	sst s0;
	s0 =	simm.s32 @!p0 $0x0  }
0x18b: {  	p3 =	por @!p5 p3, p3;
	p1 =	por @!p5 p1, p1;
	s0 =	simm.s32 @p0 $0x1  }
0x18c: {  	p5 =	por p4, p4;
	p6 =	seq.s32 s31, $0x1;
	[smem:$0x7B4] =	sst s0  }
.LBB2_52:
0x18d: {  	p0 =	por !p3, !p2  }
.Ltmp15:
0x18e: {  	_ = 	snop;
	(pc) =	sbr.rel @p0 .LBB2_90-.Ltmp15, $1  }
0x18f: {  	_ =	sdelay $0x3  }
0x190: {  	s16 =	sld [smem:$0x7DC]  }
0x191: {  	s30 =	stileid.u32;
	s31 =	sld [smem:$0x7F6]  }
.LBB2_54:
0x192: {  	_ = 	snop  }
0x193: {  	s30 =	sshll.u32 s30, $0x6  }
.Ltmp16:
0x194: {  	s30 =	sor.u32 $0x1C0D, s30;
	s31 =	sshrl.u32 s31, $0x3;
	(pc) =	sbr.rel .LBB2_55-.Ltmp16, $4  }
0x195: {  	[spmem:s31], [sflag:s30] =	dma.local [hbm:s16], $0x1400  }
0x196: {  	_ =	swait.ge [sflag:s6], $0x1400  }
0x197: {  	[sflag:s6] =	ssyncset.done $0x0  }
0x198: {  	[sflag:s6] =	ssyncadd.s32 $0xFFFFEC00  }
.LBB2_90:
0x199: {  	s0 =	sld [smem:$0x7B4];
	_ =	sdelay $0x2  }
0x19a: {  	s28 =	sld [smem:$0x7BC];
	p0 =	seq.s32 s0, $0x1  }
0x19b: {  	p0 =	por @!p3 p0, p0  }
0x19c: {  	s0 =	simm.s32 @!p0 $0x0  }
0x19d: {  	s29 =	sld [smem:$0x7B7];
	s0 =	simm.s32 @p0 $0x1;
	p0 =	seq.s32 s28, $0x1  }
0x19e: {  	p0 =	por @!p3 p0, p0  }
0x19f: {  	[smem:$0x7B4] =	sst s0;
	s0 =	simm.s32 @!p0 $0x0  }
0x1a0: {  	s30 =	sld [smem:$0x7B3];
	s0 =	simm.s32 @p0 $0x1;
	p0 =	seq.s32 s29, $0x1  }
0x1a1: {  	p0 =	por @!p3 p0, p0  }
0x1a2: {  	[smem:$0x7BC] =	sst s0;
	s0 =	simm.s32 @!p0 $0x0  }
0x1a3: {  	s31 =	sld [smem:$0x7B5];
	s0 =	simm.s32 @p0 $0x1;
	p0 =	seq.s32 s30, $0x1  }
0x1a4: {  	p0 =	por @!p3 p0, p0  }
0x1a5: {  	[smem:$0x7B7] =	sst s0;
	s0 =	simm.s32 @!p0 $0x0  }
0x1a6: {  	s0 =	simm.s32 @p0 $0x1;
	p0 =	seq.s32 s31, $0x1  }
0x1a7: {  	p0 =	por @!p3 p0, p0  }
0x1a8: {  	[smem:$0x7B3] =	sst s0;
	s0 =	simm.s32 @!p0 $0x0  }
0x1a9: {  	p1 =	por @!p3 p1, p1;
	p6 =	por @!p3 p6, p6;
	s0 =	simm.s32 @p0 $0x1  }
0x1aa: {  	p5 =	por @!p3 p5, p5;
	p2 =	por @!p3 p2, p2;
	[smem:$0x7B5] =	sst s0  }
.LBB2_55:
0x1ab: {  	s0 =	sld [smem:$0x7B7];
	_ =	sdelay $0x2  }
0x1ac: {  	p3 =	seq.s32 s0, $0x1  }
0x1ad: {  	p0 =	por !p3, !p2  }
.Ltmp17:
0x1ae: {  	_ = 	snop;
	(pc) =	sbr.rel @p0 .LBB2_91-.Ltmp17, $1  }
0x1af: {  	_ =	sdelay $0x3  }
0x1b0: {  	s16 =	sld [smem:$0x7DD]  }
0x1b1: {  	s30 =	stileid.u32;
	s31 =	sld [smem:$0x7F5]  }
.LBB2_57:
0x1b2: {  	_ = 	snop  }
0x1b3: {  	s30 =	sshll.u32 s30, $0x6  }
.Ltmp18:
0x1b4: {  	s30 =	sor.u32 $0x1C0D, s30;
	s31 =	sshrl.u32 s31, $0x3;
	(pc) =	sbr.rel .LBB2_58-.Ltmp18, $4  }
0x1b5: {  	[spmem:s31], [sflag:s30] =	dma.local [hbm:s16], $0x1400  }
0x1b6: {  	_ =	swait.ge [sflag:s6], $0x1400  }
0x1b7: {  	[sflag:s6] =	ssyncset.done $0x0  }
0x1b8: {  	[sflag:s6] =	ssyncadd.s32 $0xFFFFEC00  }
.LBB2_91:
0x1b9: {  	s0 =	sld [smem:$0x7B5];
	_ =	sdelay $0x2  }
0x1ba: {  	s29 =	sld [smem:$0x7B3];
	p0 =	seq.s32 s0, $0x1  }
0x1bb: {  	p0 =	por @!p3 p0, p0  }
0x1bc: {  	s0 =	simm.s32 @!p0 $0x0  }
0x1bd: {  	s30 =	sld [smem:$0x7BC];
	s0 =	simm.s32 @p0 $0x1;
	p0 =	seq.s32 s29, $0x1  }
0x1be: {  	p0 =	por @!p3 p0, p0  }
0x1bf: {  	[smem:$0x7B5] =	sst s0;
	s0 =	simm.s32 @!p0 $0x0  }
0x1c0: {  	s31 =	sld [smem:$0x7B4];
	s0 =	simm.s32 @p0 $0x1;
	p0 =	seq.s32 s30, $0x1  }
0x1c1: {  	p0 =	por @!p3 p0, p0  }
0x1c2: {  	[smem:$0x7B3] =	sst s0;
	s0 =	simm.s32 @!p0 $0x0  }
0x1c3: {  	s0 =	simm.s32 @p0 $0x1;
	p0 =	seq.s32 s31, $0x1  }
0x1c4: {  	p0 =	por @!p3 p0, p0  }
0x1c5: {  	[smem:$0x7BC] =	sst s0;
	s0 =	simm.s32 @!p0 $0x0  }
0x1c6: {  	p2 =	por @!p3 p2, p2;
	p5 =	por @!p3 p5, p5;
	s0 =	simm.s32 @p0 $0x1  }
0x1c7: {  	p6 =	por @!p3 p6, p6;
	p1 =	por @!p3 p1, p1;
	[smem:$0x7B4] =	sst s0  }
.LBB2_58:
0x1c8: {  	p0 =	por !p6, !p2  }
.Ltmp19:
0x1c9: {  	_ = 	snop;
	(pc) =	sbr.rel @p0 .LBB2_92-.Ltmp19, $1  }
0x1ca: {  	_ =	sdelay $0x3  }
0x1cb: {  	s16 =	sld [smem:$0x7DE]  }
0x1cc: {  	s30 =	stileid.u32;
	s31 =	sld [smem:$0x7F4]  }
.LBB2_60:
0x1cd: {  	_ = 	snop  }
0x1ce: {  	s30 =	sshll.u32 s30, $0x6  }
.Ltmp20:
0x1cf: {  	s30 =	sor.u32 $0x1C0D, s30;
	s31 =	sshrl.u32 s31, $0x3;
	(pc) =	sbr.rel .LBB2_61-.Ltmp20, $4  }
0x1d0: {  	[spmem:s31], [sflag:s30] =	dma.local [hbm:s16], $0x1400  }
0x1d1: {  	_ =	swait.ge [sflag:s6], $0x1400  }
0x1d2: {  	[sflag:s6] =	ssyncset.done $0x0  }
0x1d3: {  	[sflag:s6] =	ssyncadd.s32 $0xFFFFEC00  }
.LBB2_92:
0x1d4: {  	s0 =	sld [smem:$0x7B4];
	_ =	sdelay $0x2  }
0x1d5: {  	s29 =	sld [smem:$0x7BC];
	p0 =	seq.s32 s0, $0x1  }
0x1d6: {  	p0 =	por @!p6 p0, p0  }
0x1d7: {  	s0 =	simm.s32 @!p0 $0x0  }
0x1d8: {  	s30 =	sld [smem:$0x7B3];
	s0 =	simm.s32 @p0 $0x1;
	p0 =	seq.s32 s29, $0x1  }
0x1d9: {  	p0 =	por @!p6 p0, p0  }
0x1da: {  	[smem:$0x7B4] =	sst s0;
	s0 =	simm.s32 @!p0 $0x0  }
0x1db: {  	s31 =	sld [smem:$0x7B5];
	s0 =	simm.s32 @p0 $0x1;
	p0 =	seq.s32 s30, $0x1  }
0x1dc: {  	p0 =	por @!p6 p0, p0  }
0x1dd: {  	[smem:$0x7BC] =	sst s0;
	s0 =	simm.s32 @!p0 $0x0  }
0x1de: {  	s0 =	simm.s32 @p0 $0x1;
	p0 =	seq.s32 s31, $0x1  }
0x1df: {  	p0 =	por @!p6 p0, p0  }
0x1e0: {  	[smem:$0x7B3] =	sst s0;
	s0 =	simm.s32 @!p0 $0x0  }
0x1e1: {  	p1 =	por @!p6 p1, p1;
	s0 =	simm.s32 @p0 $0x1  }
0x1e2: {  	p5 =	por @!p6 p5, p5;
	p2 =	por @!p6 p2, p2;
	[smem:$0x7B5] =	sst s0  }
.LBB2_61:
0x1e3: {  	s0 =	sld [smem:$0x7B3];
	_ =	sdelay $0x2  }
0x1e4: {  	p0 =	seq.s32 s0, $0x1  }
0x1e5: {  	p0 =	por !p0, !p2  }
.Ltmp21:
0x1e6: {  	_ = 	snop;
	(pc) =	sbr.rel @p0 .LBB2_93-.Ltmp21, $1  }
0x1e7: {  	_ =	sdelay $0x3  }
0x1e8: {  	s0 =	sld [smem:$0x7BC];
	_ =	sdelay $0x1  }
0x1e9: {  	s16 =	sld [smem:$0x7DF]  }
0x1ea: {  	s30 =	stileid.u32;
	s31 =	sld [smem:$0x7F3];
	p4 =	seq.s32 s0, $0x1  }
.LBB2_63:
0x1eb: {  	_ = 	snop  }
0x1ec: {  	s30 =	sshll.u32 s30, $0x6  }
.Ltmp22:
0x1ed: {  	s30 =	sor.u32 $0x1C0D, s30;
	s31 =	sshrl.u32 s31, $0x3;
	(pc) =	sbr.rel .LBB2_64-.Ltmp22, $4  }
0x1ee: {  	[spmem:s31], [sflag:s30] =	dma.local [hbm:s16], $0x1400  }
0x1ef: {  	_ =	swait.ge [sflag:s6], $0x1400  }
0x1f0: {  	[sflag:s6] =	ssyncset.done $0x0  }
0x1f1: {  	[sflag:s6] =	ssyncadd.s32 $0xFFFFEC00  }
.LBB2_93:
0x1f2: {  	s0 =	sld [smem:$0x7B3]  }
0x1f3: {  	s29 =	sld [smem:$0x7B5];
	_ =	sdelay $0x1  }
0x1f4: {  	s31 =	sld [smem:$0x7B4]  }
0x1f5: {  	p4 =	seq.s32 s0, $0x1;
	p0 =	seq.s32 s29, $0x1  }
0x1f6: {  	s30 =	sld [smem:$0x7BC];
	p0 =	por @!p4 p0, p0  }
0x1f7: {  	p3 =	seq.s32 s31, $0x1;
	s0 =	simm.s32 @!p0 $0x0  }
0x1f8: {  	p2 =	por @!p4 p2, p2;
	p3 =	por @!p4 p3, p3;
	s0 =	simm.s32 @p0 $0x1  }
0x1f9: {  	p0 =	seq.s32 s30, $0x1;
	[smem:$0x7B5] =	sst s0;
	s0 =	simm.s32 @!p3 $0x0  }
0x1fa: {  	p5 =	por @!p4 p5, p5;
	p0 =	por @!p4 p0, p0;
	s0 =	simm.s32 @p3 $0x1  }
0x1fb: {  	p1 =	por @!p4 p1, p1;
	p4 =	por p0, p0;
	[smem:$0x7B4] =	sst s0  }
.LBB2_64:
0x1fc: {  	p0 =	por !p1, !p2  }
.Ltmp23:
0x1fd: {  	_ = 	snop;
	(pc) =	sbr.rel @p0 .LBB2_94-.Ltmp23, $1  }
0x1fe: {  	_ =	sdelay $0x3  }
0x1ff: {  	s16 =	sld [smem:$0x7E0]  }
0x200: {  	s30 =	stileid.u32;
	s31 =	sld [smem:$0x7F2]  }
.LBB2_66:
0x201: {  	_ = 	snop  }
0x202: {  	s30 =	sshll.u32 s30, $0x6  }
.Ltmp24:
0x203: {  	s30 =	sor.u32 $0x1C0D, s30;
	s31 =	sshrl.u32 s31, $0x3;
	(pc) =	sbr.rel .LBB2_67-.Ltmp24, $4  }
0x204: {  	[spmem:s31], [sflag:s30] =	dma.local [hbm:s16], $0x1400  }
0x205: {  	_ =	swait.ge [sflag:s6], $0x1400  }
0x206: {  	[sflag:s6] =	ssyncset.done $0x0  }
0x207: {  	[sflag:s6] =	ssyncadd.s32 $0xFFFFEC00  }
.LBB2_94:
0x208: {  	s0 =	sld [smem:$0x7B4];
	_ =	sdelay $0x2  }
0x209: {  	s31 =	sld [smem:$0x7B5];
	p0 =	seq.s32 s0, $0x1  }
0x20a: {  	p0 =	por @!p1 p0, p0  }
0x20b: {  	s0 =	simm.s32 @!p0 $0x0  }
0x20c: {  	s0 =	simm.s32 @p0 $0x1;
	p0 =	seq.s32 s31, $0x1  }
0x20d: {  	p0 =	por @!p1 p0, p0  }
0x20e: {  	[smem:$0x7B4] =	sst s0;
	s0 =	simm.s32 @!p0 $0x0  }
0x20f: {  	p4 =	por @!p1 p4, p4;
	s0 =	simm.s32 @p0 $0x1  }
0x210: {  	p5 =	por @!p1 p5, p5;
	p2 =	por @!p1 p2, p2;
	[smem:$0x7B5] =	sst s0  }
.LBB2_67:
0x211: {  	p0 =	por !p5, !p2  }
.Ltmp25:
0x212: {  	_ = 	snop;
	(pc) =	sbr.rel @p0 .LBB2_95-.Ltmp25, $1  }
0x213: {  	_ =	sdelay $0x3  }
0x214: {  	s16 =	sld [smem:$0x7E1]  }
0x215: {  	s30 =	stileid.u32;
	s31 =	sld [smem:$0x7F1]  }
.LBB2_69:
0x216: {  	_ = 	snop  }
0x217: {  	s30 =	sshll.u32 s30, $0x6  }
.Ltmp26:
0x218: {  	s30 =	sor.u32 $0x1C0D, s30;
	s31 =	sshrl.u32 s31, $0x3;
	(pc) =	sbr.rel .LBB2_70-.Ltmp26, $4  }
0x219: {  	[spmem:s31], [sflag:s30] =	dma.local [hbm:s16], $0x1400  }
0x21a: {  	_ =	swait.ge [sflag:s6], $0x1400  }
0x21b: {  	[sflag:s6] =	ssyncset.done $0x0  }
0x21c: {  	[sflag:s6] =	ssyncadd.s32 $0xFFFFEC00  }
.LBB2_95:
0x21d: {  	s0 =	sld [smem:$0x7B5];
	_ =	sdelay $0x2  }
0x21e: {  	s31 =	sld [smem:$0x7B4];
	p0 =	seq.s32 s0, $0x1  }
0x21f: {  	p0 =	por @!p5 p0, p0  }
0x220: {  	s0 =	simm.s32 @!p0 $0x0  }
0x221: {  	s0 =	simm.s32 @p0 $0x1;
	p0 =	seq.s32 s31, $0x1  }
0x222: {  	p0 =	por @!p5 p0, p0  }
0x223: {  	[smem:$0x7B5] =	sst s0;
	s0 =	simm.s32 @!p0 $0x0  }
0x224: {  	s0 =	simm.s32 @p0 $0x1  }
0x225: {  	p2 =	por @!p5 p2, p2;
	p4 =	por @!p5 p4, p4;
	[smem:$0x7B4] =	sst s0  }
.LBB2_70:
0x226: {  	p0 =	por !p4, !p2  }
.Ltmp27:
0x227: {  	_ = 	snop;
	(pc) =	sbr.rel @p0 .LBB2_96-.Ltmp27, $1  }
0x228: {  	_ =	sdelay $0x3  }
0x229: {  	s16 =	sld [smem:$0x7E2]  }
0x22a: {  	s30 =	stileid.u32;
	s31 =	sld [smem:$0x7F0]  }
.LBB2_72:
0x22b: {  	_ = 	snop  }
0x22c: {  	s30 =	sshll.u32 s30, $0x6  }
.Ltmp28:
0x22d: {  	s30 =	sor.u32 $0x1C0D, s30;
	s31 =	sshrl.u32 s31, $0x3;
	(pc) =	sbr.rel .LBB2_73-.Ltmp28, $4  }
0x22e: {  	[spmem:s31], [sflag:s30] =	dma.local [hbm:s16], $0x1400  }
0x22f: {  	_ =	swait.ge [sflag:s6], $0x1400  }
0x230: {  	[sflag:s6] =	ssyncset.done $0x0  }
0x231: {  	[sflag:s6] =	ssyncadd.s32 $0xFFFFEC00  }
.LBB2_96:
0x232: {  	s0 =	sld [smem:$0x7B4];
	_ =	sdelay $0x2  }
0x233: {  	s31 =	sld [smem:$0x7B5];
	p0 =	seq.s32 s0, $0x1  }
0x234: {  	p0 =	por @!p4 p0, p0  }
0x235: {  	s0 =	simm.s32 @!p0 $0x0  }
0x236: {  	s0 =	simm.s32 @p0 $0x1;
	p0 =	seq.s32 s31, $0x1  }
0x237: {  	p0 =	por @!p4 p0, p0  }
0x238: {  	[smem:$0x7B4] =	sst s0;
	s0 =	simm.s32 @!p0 $0x0  }
0x239: {  	s0 =	simm.s32 @p0 $0x1  }
0x23a: {  	p2 =	por @!p4 p2, p2;
	[smem:$0x7B5] =	sst s0  }
.LBB2_73:
0x23b: {  	s0 =	sld [smem:$0x7B5];
	_ =	sdelay $0x2  }
0x23c: {  	p0 =	seq.s32 s0, $0x1  }
0x23d: {  	p0 =	por !p0, !p2  }
.Ltmp29:
0x23e: {  	_ = 	snop;
	(pc) =	sbr.rel @p0 .LBB2_97-.Ltmp29, $1  }
0x23f: {  	_ =	sdelay $0x3  }
0x240: {  	s16 =	sld [smem:$0x7E3]  }
0x241: {  	s30 =	stileid.u32;
	s31 =	sld [smem:$0x7EF]  }
.LBB2_75:
0x242: {  	_ = 	snop  }
0x243: {  	s30 =	sshll.u32 s30, $0x6  }
.Ltmp30:
0x244: {  	s30 =	sor.u32 $0x1C0D, s30;
	s31 =	sshrl.u32 s31, $0x3;
	(pc) =	sbr.rel .LBB2_76-.Ltmp30, $4  }
0x245: {  	[spmem:s31], [sflag:s30] =	dma.local [hbm:s16], $0x1400  }
0x246: {  	_ =	swait.ge [sflag:s6], $0x1400  }
0x247: {  	[sflag:s6] =	ssyncset.done $0x0  }
0x248: {  	[sflag:s6] =	ssyncadd.s32 $0xFFFFEC00  }
.LBB2_97:
0x249: {  	s0 =	sld [smem:$0x7B5]  }
0x24a: {  	s31 =	sld [smem:$0x7B4];
	_ =	sdelay $0x2  }
0x24b: {  	p0 =	seq.s32 s0, $0x1;
	p1 =	seq.s32 s31, $0x1  }
0x24c: {  	p1 =	por @!p0 p1, p1  }
0x24d: {  	s0 =	simm.s32 @!p1 $0x0  }
0x24e: {  	s0 =	simm.s32 @p1 $0x1  }
0x24f: {  	p2 =	por @!p0 p2, p2;
	[smem:$0x7B4] =	sst s0  }
.LBB2_76:
0x250: {  	s0 =	sld [smem:$0x7B4];
	_ =	sdelay $0x2  }
0x251: {  	p0 =	seq.s32 s0, $0x1  }
0x252: {  	p0 =	por !p0, !p2  }
.Ltmp31:
0x253: {  	_ = 	snop;
	(pc) =	sbr.rel @p0 .LBB2_79-.Ltmp31, $1  }
0x254: {  	_ =	sdelay $0x3  }
0x255: {  	s0 =	sld [smem:$0x7EE]  }
0x256: {  	s31 =	sld [smem:$0x7E4]  }
0x257: {  	s16 =	sshll.u32 s17, $0x6  }
0x258: {  	s16 =	sor.u32 $0x1C0D, s16;
	s30 =	sshrl.u32 s0, $0x3  }
0x259: {  	[spmem:s30], [sflag:s16] =	dma.local [hbm:s31], $0x1400  }
.LBB2_78:
0x25a: {  	_ =	swait.ge [sflag:s6], $0x1400  }
0x25b: {  	[sflag:s6] =	ssyncset.done $0x0  }
0x25c: {  	[sflag:s6] =	ssyncadd.s32 $0xFFFFEC00  }
.LBB2_79:
0x25d: {  	[smem:$0x7B1] =	sst s8;
	s30 =	simm.s32 $0x100;
	s16 =	simm.s32 $0x0  }
.LBB2_80:
0x25e: {  	p0 =	sne.s32 s30, $0x7F00;
	[tilespmem:s16+$0x30] =	vst v0;
	s31 =	smov.u32 s30;
	s30 =	sadd.s32 $0x100, s30  }
.Ltmp32:
0x25f: {  	[tilespmem:s16+$0x20] =	vst v0;
	(pc) =	sbr.rel @p0 .LBB2_80-.Ltmp32, $3  }
0x260: {  	[tilespmem:s16+$0x0] =	vst v0  }
0x261: {  	[tilespmem:s16+$0x10] =	vst v0;
	_ =	sdelay $0x1  }
0x262: {  	s16 =	sshra.s32 s31, $0x2  }
0x263: {  	[tilespmem:s16+$0x30] =	vst v0  }
0x264: {  	[tilespmem:s16+$0x20] =	vst v0;
	s0 =	sld [smem:$0x7E5]  }
0x265: {  	[tilespmem:s16+$0x0] =	vst v0  }
0x266: {  	[tilespmem:s16+$0x10] =	vst v0;
	s16 =	simm.s32 $0x0  }
0x267: {  	[spmem:s0] =	stream.linear.scatter [tilespmem:s16], [sflag:$0xD], $0x2000, $0x38;
	[tilespmem:$0x1C400] =	vst v63  }
0x268: {  	_ =	swait.ge [sflag:s6], $0x2000  }
0x269: {  	s12 =	sld [smem:$0x7E6]  }
0x26a: {  	[sflag:s6] =	ssyncset.done $0x0  }
0x26b: {  	[sflag:s6] =	ssyncadd.s32 $0xFFFFE000  }
0x26c: {  	[spmem:s12] =	stream.linear.scatter [tilespmem:s16], [sflag:$0xD], $0x2000, $0x38;
	[tilespmem:$0x1C400] =	vst v63  }
0x26d: {  	_ =	swait.ge [sflag:s6], $0x2000  }
0x26e: {  	s17 =	sld [smem:$0x7E7]  }
0x26f: {  	[sflag:s6] =	ssyncset.done $0x0  }
0x270: {  	[sflag:s6] =	ssyncadd.s32 $0xFFFFE000  }
0x271: {  	[spmem:s17] =	stream.linear.scatter [tilespmem:s16], [sflag:$0xD], $0x2000, $0x38;
	[tilespmem:$0x1C400] =	vst v63  }
0x272: {  	_ =	swait.ge [sflag:s6], $0x2000  }
0x273: {  	s21 =	sld [smem:$0x7E8]  }
0x274: {  	[sflag:s6] =	ssyncset.done $0x0  }
0x275: {  	[sflag:s6] =	ssyncadd.s32 $0xFFFFE000  }
0x276: {  	[spmem:s21] =	stream.linear.scatter [tilespmem:s16], [sflag:$0xD], $0x2000, $0x38;
	[tilespmem:$0x1C400] =	vst v63  }
0x277: {  	_ =	swait.ge [sflag:s6], $0x2000  }
0x278: {  	s31 =	sld [smem:$0x7E9]  }
0x279: {  	[sflag:s6] =	ssyncset.done $0x0  }
0x27a: {  	[sflag:s6] =	ssyncadd.s32 $0xFFFFE000  }
0x27b: {  	[spmem:s31] =	stream.linear.scatter [tilespmem:s16], [sflag:$0xD], $0x2000, $0x38;
	[tilespmem:$0x1C400] =	vst v63  }
0x27c: {  	_ =	swait.ge [sflag:s6], $0x2000  }
0x27d: {  	[sflag:s6] =	ssyncset.done $0x0  }
0x27e: {  	[sflag:s6] =	ssyncadd.s32 $0xFFFFE000  }
0x27f: {  	[bflag:$0x0] =	sbarrier.arrive $0xFFFF  }
0x280: {  	s28 =	simm.s32 $0x8200;
	s9 =	rddreg [dreg:$0x10]  }
0x281: {  	[tilespmem:s28], [sflag:$0x5] =	stream.linear.gather [hbm4b:s9+s16], $0x80, $0x38;
	[tilespmem:$0x1C400] =	vst v63  }
0x282: {  	s0 =	simm.s32 $0x8000;
	s12 =	rddreg [dreg:$0x11]  }
0x283: {  	[tilespmem:s0], [sflag:$0x5] =	stream.linear.gather [hbm4b:s12+s16], $0x80, $0x38;
	[tilespmem:$0x1C400] =	vst v63  }
0x284: {  	s11 =	simm.s32 $0x8280;
	s17 =	rddreg [dreg:$0x12]  }
0x285: {  	[tilespmem:s11], [sflag:$0x6] =	stream.linear.gather [hbm4b:s17+s16], $0x80, $0x38;
	[tilespmem:$0x1C400] =	vst v63  }
0x286: {  	s8 =	simm.s32 $0x8080;
	s5 =	rddreg [dreg:$0x13]  }
0x287: {  	[tilespmem:s8], [sflag:$0x6] =	stream.linear.gather [hbm4b:s5+s16], $0x80, $0x38;
	[tilespmem:$0x1C400] =	vst v63  }
0x288: {  	_ =	swait.ge [sflag:s20], $0x80  }
0x289: {  	[sflag:s20] =	ssyncset.done $0x0  }
0x28a: {  	[sflag:s20] =	ssyncadd.s32 $0xFFFFFF80  }
0x28b: {  	_ =	swait.ge [sflag:s20], $0x80  }
0x28c: {  	[sflag:s20] =	ssyncset.done $0x0  }
0x28d: {  	s6 =	sld [smem:$0x7FD];
	[sflag:s20] =	ssyncadd.s32 $0xFFFFFF80  }
0x28e: {  	[tilespmem:s16], [sflag:$0x1] =	stream.indirect.gather [spmem:s1], $0x40, s28, s10, $0xb8;
	[tilespmem:$0x1C400] =	vst v63  }
0x28f: {  	s21 =	simm.s32 $0x4000  }
0x290: {  	[spmem:s6] =	stream.linear.scatter [tilespmem:s21], [sflag:$0xB], $0x2000, $0x38;
	[tilespmem:$0x1C400] =	vst v63  }
0x291: {  	s5 =	simm.s32 $0x6000  }
0x292: {  	[spmem:s6] =	stream.linear.scatter [tilespmem:s5], [sflag:$0xC], $0x2000, $0x38;
	[tilespmem:$0x1C400] =	vst v63  }
0x293: {  	_ =	swait.ge [sflag:s7], $0x2000  }
0x294: {  	[sflag:s7] =	ssyncset.done $0x0  }
0x295: {  	[sflag:s7] =	ssyncadd.s32 $0xFFFFE000  }
0x296: {  	[spmem:s3] =	stream.indirect.scatter.add.f32 [tilespmem:s4], [sflag:$0x9], $0x40, s0, s10, $0xb8;
	[tilespmem:$0x1C400] =	vst v63  }
0x297: {  	_ =	swait.ge [sflag:s2], $0x80  }
0x298: {  	[sflag:s2] =	ssyncset.done $0x0  }
0x299: {  	[sflag:s2] =	ssyncadd.s32 $0xFFFFFF80  }
0x29a: {  	_ =	swait.ge [sflag:s2], $0x80  }
0x29b: {  	s17 =	simm.s32 $0x8280;
	[sflag:s2] =	ssyncset.done $0x0  }
0x29c: {  	s11 =	simm.s32 $0xB;
	s7 =	simm.s32 $0x2000;
	[sflag:s2] =	ssyncadd.s32 $0xFFFFFF80  }
0x29d: {  	[tilespmem:s7], [sflag:$0x2] =	stream.indirect.gather [spmem:s1], $0x40, s17, s10, $0xb8;
	[tilespmem:$0x1C400] =	vst v63  }
0x29e: {  	_ =	swait.ge [sflag:s11], $0x2000  }
0x29f: {  	s6 =	smov.u32 s9;
	s9 =	sadd.s32 $0x0, s9;
	[sflag:s11] =	ssyncset.done $0x0  }
0x2a0: {  	s31 =	sadd.s32 $0x0, s12;
	s30 =	sadd.s32 $0x20, s9;
	[sflag:s11] =	ssyncadd.s32 $0xFFFFE000  }
0x2a1: {  	[tilespmem:s23], [sflag:$0x7] =	stream.linear.gather [hbm4b:s30+s4], $0x80, $0x38;
	[tilespmem:$0x1C400] =	vst v63  }
0x2a2: {  	s30 =	sadd.s32 $0x20, s31  }
0x2a3: {  	[tilespmem:s24], [sflag:$0x7] =	stream.linear.gather [hbm4b:s30+s4], $0x80, $0x38;
	[tilespmem:$0x1C400] =	vst v63  }
0x2a4: {  	_ =	swait.ge [sflag:s13], $0x2000  }
0x2a5: {  	[sflag:s13] =	ssyncset.done $0x0  }
0x2a6: {  	[sflag:s13] =	ssyncadd.s32 $0xFFFFE000  }
0x2a7: {  	[spmem:s3] =	stream.indirect.scatter.add.f32 [tilespmem:s7], [sflag:$0xA], $0x40, s8, s10, $0xb8;
	[tilespmem:$0x1C400] =	vst v63  }
0x2a8: {  	_ =	swait.ge [sflag:s14], $0x80  }
0x2a9: {  	[sflag:s14] =	ssyncset.done $0x0  }
0x2aa: {  	[sflag:s14] =	ssyncadd.s32 $0xFFFFFF80  }
0x2ab: {  	_ =	swait.ge [sflag:s14], $0x80  }
0x2ac: {  	[sflag:s14] =	ssyncset.done $0x0  }
0x2ad: {  	[sflag:s14] =	ssyncadd.s32 $0xFFFFFF80  }
0x2ae: {  	[tilespmem:s21], [sflag:$0x3] =	stream.indirect.gather [spmem:s1], $0x40, s23, s10, $0xb8;
	[tilespmem:$0x1C400] =	vst v63  }
0x2af: {  	_ =	swait.ge [sflag:s18], $0x2000  }
0x2b0: {  	[sflag:s18] =	ssyncset.done $0x0  }
0x2b1: {  	s30 =	sadd.s32 $0x30, s9;
	s13 =	simm.s32 $0x8380;
	[sflag:s18] =	ssyncadd.s32 $0xFFFFE000  }
0x2b2: {  	[tilespmem:s13], [sflag:$0x8] =	stream.linear.gather [hbm4b:s30+s4], $0x80, $0x38;
	[tilespmem:$0x1C400] =	vst v63  }
0x2b3: {  	s18 =	simm.s32 $0x8180;
	s30 =	sadd.s32 $0x30, s31  }
0x2b4: {  	[tilespmem:s18], [sflag:$0x8] =	stream.linear.gather [hbm4b:s30+s4], $0x80, $0x38;
	[tilespmem:$0x1C400] =	vst v63  }
0x2b5: {  	_ =	swait.ge [sflag:s26], $0x2000  }
0x2b6: {  	[sflag:s26] =	ssyncset.done $0x0  }
0x2b7: {  	[sflag:s26] =	ssyncadd.s32 $0xFFFFE000  }
0x2b8: {  	[spmem:s3] =	stream.indirect.scatter.add.f32 [tilespmem:s21], [sflag:$0xB], $0x40, s24, s10, $0xb8;
	[tilespmem:$0x1C400] =	vst v63  }
0x2b9: {  	_ =	swait.ge [sflag:s19], $0x80  }
0x2ba: {  	[sflag:s19] =	ssyncset.done $0x0  }
0x2bb: {  	[sflag:s19] =	ssyncadd.s32 $0xFFFFFF80  }
0x2bc: {  	_ =	swait.ge [sflag:s19], $0x80  }
0x2bd: {  	[sflag:s19] =	ssyncset.done $0x0  }
0x2be: {  	s2 =	simm.s32 $0x9;
	[sflag:s19] =	ssyncadd.s32 $0xFFFFFF80  }
0x2bf: {  	[tilespmem:s5], [sflag:$0x4] =	stream.indirect.gather [spmem:s1], $0x40, s13, s10, $0xb8;
	[tilespmem:$0x1C400] =	vst v63  }
0x2c0: {  	_ =	swait.ge [sflag:s2], $0x2000  }
0x2c1: {  	[sflag:s2] =	ssyncset.done $0x0  }
0x2c2: {  	s30 =	sadd.s32 $0x40, s9;
	[sflag:s2] =	ssyncadd.s32 $0xFFFFE000  }
0x2c3: {  	[tilespmem:s28], [sflag:$0x5] =	stream.linear.gather [hbm4b:s30+s4], $0x80, $0x38;
	[tilespmem:$0x1C400] =	vst v63  }
0x2c4: {  	s21 =	simm.s32 $0x4;
	s30 =	sadd.s32 $0x40, s31  }
0x2c5: {  	[tilespmem:s0], [sflag:$0x5] =	stream.linear.gather [hbm4b:s30+s4], $0x80, $0x38;
	[tilespmem:$0x1C400] =	vst v63  }
0x2c6: {  	_ =	swait.ge [sflag:s21], $0x2000  }
0x2c7: {  	[sflag:s21] =	ssyncset.done $0x0  }
0x2c8: {  	[sflag:s21] =	ssyncadd.s32 $0xFFFFE000  }
0x2c9: {  	[spmem:s3] =	stream.indirect.scatter.add.f32 [tilespmem:s5], [sflag:$0xC], $0x40, s18, s10, $0xb8;
	[tilespmem:$0x1C400] =	vst v63  }
0x2ca: {  	_ =	swait.ge [sflag:s20], $0x80  }
0x2cb: {  	[sflag:s20] =	ssyncset.done $0x0  }
0x2cc: {  	[sflag:s20] =	ssyncadd.s32 $0xFFFFFF80  }
0x2cd: {  	_ =	swait.ge [sflag:s20], $0x80  }
0x2ce: {  	[sflag:s20] =	ssyncset.done $0x0  }
0x2cf: {  	[sflag:s20] =	ssyncadd.s32 $0xFFFFFF80;
	s20 =	simm.s32 $0xA  }
0x2d0: {  	[tilespmem:s4], [sflag:$0x1] =	stream.indirect.gather [spmem:s1], $0x40, s28, s10, $0xb8;
	[tilespmem:$0x1C400] =	vst v63  }
0x2d1: {  	s29 =	smov.u32 s12;
	_ =	swait.ge [sflag:s20], $0x2000  }
0x2d2: {  	s16 =	sadd.s32 $0x50, s9;
	s8 =	simm.s32 $0x8;
	[sflag:s20] =	ssyncset.done $0x0  }
0x2d3: {  	s14 =	simm.s32 $0x5;
	s19 =	simm.s32 $0x6;
	[sflag:s20] =	ssyncadd.s32 $0xFFFFE000  }
0x2d4: {  	[tilespmem:s17], [sflag:$0x6] =	stream.linear.gather [hbm4b:s16+s4], $0x80, $0x38;
	[tilespmem:$0x1C400] =	vst v63  }
0x2d5: {  	s30 =	simm.s32 $0x40;
	s28 =	simm.s32 $0x7;
	s16 =	sadd.s32 $0x50, s31  }
.LBB2_82:
0x2d6: {  	s12 =	simm.s32 $0x8080  }
0x2d7: {  	[tilespmem:s12], [sflag:$0x6] =	stream.linear.gather [hbm4b:s16+s4], $0x80, $0x38;
	[tilespmem:$0x1C400] =	vst v63  }
0x2d8: {  	s16 =	smov.u32 s30  }
0x2d9: {  	p0 =	sne.s32 s30, $0x9C0;
	s30 =	sadd.s32 $0x40, s30;
	_ =	swait.ge [sflag:s15], $0x2000  }
0x2da: {  	[sflag:s15] =	ssyncset.done $0x0  }
0x2db: {  	s0 =	simm.s32 $0x8000;
	[sflag:s15] =	ssyncadd.s32 $0xFFFFE000  }
0x2dc: {  	[spmem:s3] =	stream.indirect.scatter.add.f32 [tilespmem:s4], [sflag:$0x9], $0x40, s0, s10, $0xb8;
	[tilespmem:$0x1C400] =	vst v63  }
0x2dd: {  	_ =	swait.ge [sflag:s19], $0x80  }
0x2de: {  	[sflag:s19] =	ssyncset.done $0x0  }
0x2df: {  	[sflag:s19] =	ssyncadd.s32 $0xFFFFFF80  }
0x2e0: {  	_ =	swait.ge [sflag:s19], $0x80  }
0x2e1: {  	[sflag:s19] =	ssyncset.done $0x0  }
0x2e2: {  	[sflag:s19] =	ssyncadd.s32 $0xFFFFFF80  }
0x2e3: {  	[tilespmem:s7], [sflag:$0x2] =	stream.indirect.gather [spmem:s1], $0x40, s17, s10, $0xb8;
	[tilespmem:$0x1C400] =	vst v63  }
0x2e4: {  	_ =	swait.ge [sflag:s11], $0x2000  }
0x2e5: {  	s31 =	sadd.s32 s16, s6;
	s16 =	sadd.s32 s16, s29;
	[sflag:s11] =	ssyncset.done $0x0  }
0x2e6: {  	s17 =	sadd.s32 $0x20, s31;
	[sflag:s11] =	ssyncadd.s32 $0xFFFFE000;
	s11 =	simm.s32 $0x8280  }
0x2e7: {  	[tilespmem:s23], [sflag:$0x7] =	stream.linear.gather [hbm4b:s17+s4], $0x80, $0x38;
	[tilespmem:$0x1C400] =	vst v63  }
0x2e8: {  	s17 =	sadd.s32 $0x20, s16  }
0x2e9: {  	[tilespmem:s24], [sflag:$0x7] =	stream.linear.gather [hbm4b:s17+s4], $0x80, $0x38;
	[tilespmem:$0x1C400] =	vst v63  }
0x2ea: {  	_ =	swait.ge [sflag:s22], $0x2000  }
0x2eb: {  	[sflag:s22] =	ssyncset.done $0x0  }
0x2ec: {  	s9 =	simm.s32 $0x8080;
	[sflag:s22] =	ssyncadd.s32 $0xFFFFE000  }
0x2ed: {  	[spmem:s3] =	stream.indirect.scatter.add.f32 [tilespmem:s7], [sflag:$0xA], $0x40, s12, s10, $0xb8;
	[tilespmem:$0x1C400] =	vst v63  }
0x2ee: {  	_ =	swait.ge [sflag:s28], $0x80  }
0x2ef: {  	[sflag:s28] =	ssyncset.done $0x0  }
0x2f0: {  	[sflag:s28] =	ssyncadd.s32 $0xFFFFFF80  }
0x2f1: {  	_ =	swait.ge [sflag:s28], $0x80  }
0x2f2: {  	[sflag:s28] =	ssyncset.done $0x0  }
0x2f3: {  	s12 =	simm.s32 $0x4000;
	[sflag:s28] =	ssyncadd.s32 $0xFFFFFF80  }
0x2f4: {  	[tilespmem:s12], [sflag:$0x3] =	stream.indirect.gather [spmem:s1], $0x40, s23, s10, $0xb8;
	[tilespmem:$0x1C400] =	vst v63  }
0x2f5: {  	_ =	swait.ge [sflag:s25], $0x2000  }
0x2f6: {  	[sflag:s25] =	ssyncset.done $0x0  }
0x2f7: {  	s17 =	sadd.s32 $0x30, s31;
	[sflag:s25] =	ssyncadd.s32 $0xFFFFE000  }
0x2f8: {  	[tilespmem:s13], [sflag:$0x8] =	stream.linear.gather [hbm4b:s17+s4], $0x80, $0x38;
	[tilespmem:$0x1C400] =	vst v63  }
0x2f9: {  	s17 =	sadd.s32 $0x30, s16  }
0x2fa: {  	[tilespmem:s18], [sflag:$0x8] =	stream.linear.gather [hbm4b:s17+s4], $0x80, $0x38;
	[tilespmem:$0x1C400] =	vst v63  }
0x2fb: {  	_ =	swait.ge [sflag:s26], $0x2000  }
0x2fc: {  	[sflag:s26] =	ssyncset.done $0x0  }
0x2fd: {  	[sflag:s26] =	ssyncadd.s32 $0xFFFFE000  }
0x2fe: {  	[spmem:s3] =	stream.indirect.scatter.add.f32 [tilespmem:s12], [sflag:$0xB], $0x40, s24, s10, $0xb8;
	[tilespmem:$0x1C400] =	vst v63  }
0x2ff: {  	_ =	swait.ge [sflag:s8], $0x80  }
0x300: {  	[sflag:s8] =	ssyncset.done $0x0  }
0x301: {  	[sflag:s8] =	ssyncadd.s32 $0xFFFFFF80  }
0x302: {  	_ =	swait.ge [sflag:s8], $0x80  }
0x303: {  	[sflag:s8] =	ssyncset.done $0x0  }
0x304: {  	[sflag:s8] =	ssyncadd.s32 $0xFFFFFF80  }
0x305: {  	[tilespmem:s5], [sflag:$0x4] =	stream.indirect.gather [spmem:s1], $0x40, s13, s10, $0xb8;
	[tilespmem:$0x1C400] =	vst v63  }
0x306: {  	_ =	swait.ge [sflag:s2], $0x2000  }
0x307: {  	[sflag:s2] =	ssyncset.done $0x0  }
0x308: {  	s17 =	sadd.s32 $0x40, s31;
	s12 =	simm.s32 $0x8200;
	[sflag:s2] =	ssyncadd.s32 $0xFFFFE000  }
0x309: {  	[tilespmem:s12], [sflag:$0x5] =	stream.linear.gather [hbm4b:s17+s4], $0x80, $0x38;
	[tilespmem:$0x1C400] =	vst v63  }
0x30a: {  	s17 =	sadd.s32 $0x40, s16  }
0x30b: {  	[tilespmem:s0], [sflag:$0x5] =	stream.linear.gather [hbm4b:s17+s4], $0x80, $0x38;
	[tilespmem:$0x1C400] =	vst v63  }
0x30c: {  	_ =	swait.ge [sflag:s21], $0x2000  }
0x30d: {  	[sflag:s21] =	ssyncset.done $0x0  }
0x30e: {  	[sflag:s21] =	ssyncadd.s32 $0xFFFFE000  }
0x30f: {  	[spmem:s3] =	stream.indirect.scatter.add.f32 [tilespmem:s5], [sflag:$0xC], $0x40, s18, s10, $0xb8;
	[tilespmem:$0x1C400] =	vst v63  }
0x310: {  	_ =	swait.ge [sflag:s14], $0x80  }
0x311: {  	[sflag:s14] =	ssyncset.done $0x0  }
0x312: {  	[sflag:s14] =	ssyncadd.s32 $0xFFFFFF80  }
0x313: {  	_ =	swait.ge [sflag:s14], $0x80  }
0x314: {  	[sflag:s14] =	ssyncset.done $0x0  }
0x315: {  	[sflag:s14] =	ssyncadd.s32 $0xFFFFFF80  }
0x316: {  	[tilespmem:s4], [sflag:$0x1] =	stream.indirect.gather [spmem:s1], $0x40, s12, s10, $0xb8;
	[tilespmem:$0x1C400] =	vst v63  }
0x317: {  	_ =	swait.ge [sflag:s20], $0x2000  }
.Ltmp33:
0x318: {  	[sflag:s20] =	ssyncset.done $0x0;
	(pc) =	sbr.rel @p0 .LBB2_82-.Ltmp33, $4  }
0x319: {  	s17 =	sadd.s32 $0x50, s31;
	[sflag:s20] =	ssyncadd.s32 $0xFFFFE000  }
0x31a: {  	[tilespmem:s11], [sflag:$0x6] =	stream.linear.gather [hbm4b:s17+s4], $0x80, $0x38;
	[tilespmem:$0x1C400] =	vst v63  }
0x31b: {  	s11 =	simm.s32 $0xB;
	s17 =	simm.s32 $0x8280  }
0x31c: {  	s16 =	sadd.s32 $0x50, s16  }
0x31d: {  	[tilespmem:s9], [sflag:$0x6] =	stream.linear.gather [hbm4b:s16+s4], $0x80, $0x38;
	[tilespmem:$0x1C400] =	vst v63  }
0x31e: {  	_ =	swait.ge [sflag:s15], $0x2000  }
0x31f: {  	[sflag:s15] =	ssyncset.done $0x0  }
0x320: {  	[sflag:s15] =	ssyncadd.s32 $0xFFFFE000  }
0x321: {  	_ =	swait.ge [sflag:s19], $0x80  }
0x322: {  	[sflag:s19] =	ssyncset.done $0x0  }
0x323: {  	[sflag:s19] =	ssyncadd.s32 $0xFFFFFF80  }
0x324: {  	_ =	swait.ge [sflag:s19], $0x80  }
0x325: {  	[sflag:s19] =	ssyncset.done $0x0  }
0x326: {  	[sflag:s19] =	ssyncadd.s32 $0xFFFFFF80  }
0x327: {  	_ =	swait.ge [sflag:s11], $0x2000  }
0x328: {  	[sflag:s11] =	ssyncset.done $0x0  }
0x329: {  	[sflag:s11] =	ssyncadd.s32 $0xFFFFE000  }
0x32a: {  	_ =	swait.ge [sflag:s25], $0x2000  }
0x32b: {  	[sflag:s25] =	ssyncset.done $0x0  }
0x32c: {  	[sflag:s25] =	ssyncadd.s32 $0xFFFFE000  }
0x32d: {  	[bflag:$0x0] =	sbarrier.arrive $0xFFFF  }
0x32e: {  	s0 =	sld [smem:$0x7E5]  }
0x32f: {  	s29 =	stileid.u32;
	s30 =	sld [smem:$0x7EB]  }
0x330: {  	s16 =	sshll.u32 s29, $0x6  }
0x331: {  	s6 =	simm.s32 $0xD;
	s16 =	sor.u32 $0x1C0D, s16;
	s17 =	sshrl.u32 s0, $0x3  }
0x332: {  	[hbm:s30], [sflag:s16] =	dma.local [spmem:s17], $0x1400  }
0x333: {  	_ =	swait.ge [sflag:s6], $0x1400  }
0x334: {  	s8 =	sld [smem:$0x7B1]  }
0x335: {  	s31 =	sld [smem:$0x7EC];
	_ =	sdelay $0x1  }
0x336: {  	s8 =	sadd.s32 $0x1, s8  }
0x337: {  	p0 =	sne.s32 s8, s31  }
.Ltmp34:
0x338: {  	_ = 	snop;
	(pc) =	sbr.rel @p0 .LBB2_1-.Ltmp34, $4  }
.Ltmp35:
0x339: {  	s7 =	simm.s32 $0x1;
	(pc) =	sbr.rel @!p0 .LBB2_84-.Ltmp35, $4  }
0x33a: {  	s13 =	simm.s32 $0x2;
	s18 =	simm.s32 $0xC;
	s20 =	simm.s32 $0x5  }
0x33b: {  	s2 =	simm.s32 $0x6;
	s14 =	simm.s32 $0x7;
	[sflag:s6] =	ssyncset.done $0x0  }
0x33c: {  	s19 =	simm.s32 $0x8;
	s17 =	stileid.u32;
	[sflag:s6] =	ssyncadd.s32 $0xFFFFEC00  }
0x33d: {  	_ = 	snop  }
.LBB2_7:
0x33e: {  	s0 =	sld [smem:$0x7C2];
	_ =	sdelay $0x2  }
0x33f: {  	p0 =	seq.s32 s0, $0x1  }
.Ltmp36:
0x340: {  	_ = 	snop;
	(pc) =	sbr.rel @!p0 .LBB2_9-.Ltmp36, $1  }
0x341: {  	_ =	sdelay $0x3  }
0x342: {  	p0 =	por $0x0, $0x0  }
0x343: {  	s0 =	simm.s32 @!p0 $0x0  }
0x344: {  	s0 =	simm.s32 @p0 $0x1;
	p0 =	por $0x0, $0x0  }
0x345: {  	[smem:$0x7B5] =	sst s0;
	s0 =	simm.s32 @!p0 $0x0  }
0x346: {  	s0 =	simm.s32 @p0 $0x1;
	p0 =	por $0x0, $0x0  }
0x347: {  	[smem:$0x7B6] =	sst s0;
	s0 =	simm.s32 @!p0 $0x0  }
0x348: {  	p2 =	por $0x0, $0x0;
	s0 =	simm.s32 @p0 $0x1  }
0x349: {  	[smem:$0x7B3] =	sst s0;
	s0 =	simm.s32 @!p2 $0x0  }
0x34a: {  	s0 =	simm.s32 @p2 $0x1;
	p2 =	por $0x0, $0x0  }
0x34b: {  	p1 =	por $0x1, $0x1;
	[smem:$0x7B8] =	sst s0;
	s0 =	simm.s32 @!p2 $0x0  }
0x34c: {  	s16 =	simm.s32 $0x3;
	p4 =	por $0x0, $0x0;
	s0 =	simm.s32 @p2 $0x1  }
0x34d: {  	p5 =	por $0x0, $0x0;
	[smem:$0x7B9] =	sst s0;
	s0 =	simm.s32 @!p4 $0x0  }
0x34e: {  	s30 =	rddreg [dreg:$0x18];
	s0 =	simm.s32 @p4 $0x1;
	p4 =	por $0x0, $0x0  }
.Ltmp37:
0x34f: {  	[smem:$0x7BB] =	sst s0;
	s0 =	simm.s32 @!p4 $0x0;
	(pc) =	sbr.rel .LBB2_39-.Ltmp37, $4  }
0x350: {  	s29 =	sld [smem:$0x7EA];
	s0 =	simm.s32 @p4 $0x1;
	p4 =	por $0x0, $0x0  }
0x351: {  	p3 =	por $0x0, $0x0;
	[smem:$0x7BC] =	sst s0;
	s0 =	simm.s32 @!p4 $0x0  }
0x352: {  	p6 =	por $0x0, $0x0;
	s31 =	sld [smem:$0x7FA];
	s0 =	simm.s32 @p4 $0x1  }
0x353: {  	p0 =	por $0x0, $0x0;
	p2 =	seq.s32 s29, $0x1;
	[smem:$0x7B4] =	sst s0  }
.LBB2_9:
0x354: {  	s0 =	sld [smem:$0x7C3];
	_ =	sdelay $0x2  }
0x355: {  	p0 =	seq.s32 s0, $0x1  }
.Ltmp38:
0x356: {  	_ = 	snop;
	(pc) =	sbr.rel @!p0 .LBB2_11-.Ltmp38, $1  }
0x357: {  	_ =	sdelay $0x3  }
0x358: {  	p0 =	por $0x0, $0x0  }
0x359: {  	s0 =	simm.s32 @!p0 $0x0  }
0x35a: {  	s0 =	simm.s32 @p0 $0x1;
	p0 =	por $0x0, $0x0  }
0x35b: {  	[smem:$0x7B4] =	sst s0;
	s0 =	simm.s32 @!p0 $0x0  }
0x35c: {  	s0 =	simm.s32 @p0 $0x1;
	p0 =	por $0x0, $0x0  }
0x35d: {  	[smem:$0x7BC] =	sst s0;
	s0 =	simm.s32 @!p0 $0x0  }
0x35e: {  	s0 =	simm.s32 @p0 $0x1;
	p0 =	por $0x0, $0x0  }
0x35f: {  	[smem:$0x7BB] =	sst s0;
	s0 =	simm.s32 @!p0 $0x0  }
0x360: {  	s0 =	simm.s32 @p0 $0x1;
	p0 =	por $0x0, $0x0  }
0x361: {  	[smem:$0x7B9] =	sst s0;
	s0 =	simm.s32 @!p0 $0x0  }
0x362: {  	p1 =	por $0x0, $0x0;
	s0 =	simm.s32 @p0 $0x1  }
0x363: {  	[smem:$0x7B8] =	sst s0;
	s0 =	simm.s32 @!p1 $0x0  }
0x364: {  	s0 =	simm.s32 @p1 $0x1;
	p1 =	por $0x0, $0x0  }
0x365: {  	p3 =	por $0x1, $0x1;
	[smem:$0x7B7] =	sst s0;
	s0 =	simm.s32 @!p1 $0x0  }
0x366: {  	s30 =	rddreg [dreg:$0x17];
	s0 =	simm.s32 @p1 $0x1;
	p1 =	por $0x0, $0x0  }
.Ltmp39:
0x367: {  	[smem:$0x7B3] =	sst s0;
	s0 =	simm.s32 @!p1 $0x0;
	(pc) =	sbr.rel .LBB2_42-.Ltmp39, $4  }
0x368: {  	s29 =	sld [smem:$0x7EA];
	s0 =	simm.s32 @p1 $0x1;
	p1 =	por $0x0, $0x0  }
0x369: {  	s16 =	simm.s32 $0x4;
	[smem:$0x7B6] =	sst s0;
	s0 =	simm.s32 @!p1 $0x0  }
0x36a: {  	p6 =	por $0x0, $0x0;
	s31 =	sld [smem:$0x7F9];
	s0 =	simm.s32 @p1 $0x1  }
0x36b: {  	p2 =	seq.s32 s29, $0x1;
	p0 =	por $0x0, $0x0;
	[smem:$0x7B5] =	sst s0  }
.LBB2_11:
0x36c: {  	s0 =	sld [smem:$0x7C5];
	_ =	sdelay $0x2  }
0x36d: {  	p0 =	seq.s32 s0, $0x1  }
.Ltmp40:
0x36e: {  	_ = 	snop;
	(pc) =	sbr.rel @!p0 .LBB2_13-.Ltmp40, $1  }
0x36f: {  	_ =	sdelay $0x3  }
0x370: {  	p0 =	por $0x1, $0x1  }
0x371: {  	s0 =	simm.s32 @!p0 $0x0  }
0x372: {  	p1 =	por $0x0, $0x0;
	s0 =	simm.s32 @p0 $0x1  }
0x373: {  	[smem:$0x7B8] =	sst s0;
	s0 =	simm.s32 @!p1 $0x0  }
0x374: {  	p0 =	por $0x0, $0x0;
	s0 =	simm.s32 @p1 $0x1  }
0x375: {  	[smem:$0x7B5] =	sst s0;
	s0 =	simm.s32 @!p0 $0x0  }
0x376: {  	p1 =	por $0x0, $0x0;
	s0 =	simm.s32 @p0 $0x1  }
0x377: {  	[smem:$0x7B3] =	sst s0;
	s0 =	simm.s32 @!p1 $0x0  }
0x378: {  	p0 =	por $0x0, $0x0;
	s0 =	simm.s32 @p1 $0x1  }
0x379: {  	[smem:$0x7B7] =	sst s0;
	s0 =	simm.s32 @!p0 $0x0  }
0x37a: {  	p1 =	por $0x0, $0x0;
	s0 =	simm.s32 @p0 $0x1  }
0x37b: {  	s16 =	simm.s32 $0x5;
	[smem:$0x7B2] =	sst s0;
	s0 =	simm.s32 @!p1 $0x0  }
0x37c: {  	s30 =	rddreg [dreg:$0x16];
	s0 =	simm.s32 @p1 $0x1;
	p1 =	por $0x0, $0x0  }
.Ltmp41:
0x37d: {  	[smem:$0x7BB] =	sst s0;
	s0 =	simm.s32 @!p1 $0x0;
	(pc) =	sbr.rel .LBB2_45-.Ltmp41, $4  }
0x37e: {  	s29 =	sld [smem:$0x7EA];
	s0 =	simm.s32 @p1 $0x1;
	p1 =	por $0x0, $0x0  }
0x37f: {  	p5 =	por $0x0, $0x0;
	[smem:$0x7BC] =	sst s0;
	s0 =	simm.s32 @!p1 $0x0  }
0x380: {  	p3 =	por $0x0, $0x0;
	s31 =	sld [smem:$0x7F8];
	s0 =	simm.s32 @p1 $0x1  }
0x381: {  	p6 =	por $0x0, $0x0;
	p2 =	seq.s32 s29, $0x1;
	[smem:$0x7B4] =	sst s0  }
.LBB2_13:
0x382: {  	s0 =	sld [smem:$0x7C8];
	_ =	sdelay $0x2  }
0x383: {  	p0 =	seq.s32 s0, $0x1  }
.Ltmp42:
0x384: {  	_ = 	snop;
	(pc) =	sbr.rel @!p0 .LBB2_15-.Ltmp42, $1  }
0x385: {  	_ =	sdelay $0x3  }
0x386: {  	p0 =	por $0x1, $0x1  }
0x387: {  	s0 =	simm.s32 @!p0 $0x0  }
0x388: {  	s0 =	simm.s32 @p0 $0x1;
	p0 =	por $0x0, $0x0  }
0x389: {  	[smem:$0x7B2] =	sst s0;
	s0 =	simm.s32 @!p0 $0x0  }
0x38a: {  	s0 =	simm.s32 @p0 $0x1;
	p0 =	por $0x0, $0x0  }
0x38b: {  	[smem:$0x7B4] =	sst s0;
	s0 =	simm.s32 @!p0 $0x0  }
0x38c: {  	s0 =	simm.s32 @p0 $0x1;
	p0 =	por $0x0, $0x0  }
0x38d: {  	[smem:$0x7BC] =	sst s0;
	s0 =	simm.s32 @!p0 $0x0  }
0x38e: {  	s0 =	simm.s32 @p0 $0x1;
	p0 =	por $0x0, $0x0  }
0x38f: {  	s16 =	simm.s32 $0x6;
	[smem:$0x7BB] =	sst s0;
	s0 =	simm.s32 @!p0 $0x0  }
0x390: {  	s30 =	rddreg [dreg:$0x15];
	s0 =	simm.s32 @p0 $0x1;
	p0 =	por $0x0, $0x0  }
.Ltmp43:
0x391: {  	[smem:$0x7B7] =	sst s0;
	s0 =	simm.s32 @!p0 $0x0;
	(pc) =	sbr.rel .LBB2_48-.Ltmp43, $4  }
0x392: {  	s29 =	sld [smem:$0x7EA];
	s0 =	simm.s32 @p0 $0x1;
	p0 =	por $0x0, $0x0  }
0x393: {  	p6 =	por $0x0, $0x0;
	[smem:$0x7B3] =	sst s0;
	s0 =	simm.s32 @!p0 $0x0  }
0x394: {  	p3 =	por $0x0, $0x0;
	s31 =	sld [smem:$0x7F7];
	s0 =	simm.s32 @p0 $0x1  }
0x395: {  	p1 =	por $0x0, $0x0;
	p2 =	seq.s32 s29, $0x1;
	[smem:$0x7B5] =	sst s0  }
.LBB2_15:
0x396: {  	s0 =	sld [smem:$0x7C9];
	_ =	sdelay $0x2  }
0x397: {  	p0 =	seq.s32 s0, $0x1  }
.Ltmp44:
0x398: {  	_ = 	snop;
	(pc) =	sbr.rel @!p0 .LBB2_17-.Ltmp44, $1  }
0x399: {  	_ =	sdelay $0x3  }
0x39a: {  	p0 =	por $0x0, $0x0  }
0x39b: {  	s0 =	simm.s32 @!p0 $0x0  }
0x39c: {  	s0 =	simm.s32 @p0 $0x1;
	p0 =	por $0x0, $0x0  }
0x39d: {  	[smem:$0x7B5] =	sst s0;
	s0 =	simm.s32 @!p0 $0x0  }
0x39e: {  	p3 =	por $0x1, $0x1;
	s0 =	simm.s32 @p0 $0x1;
	p0 =	por $0x0, $0x0  }
0x39f: {  	s16 =	simm.s32 $0x7;
	[smem:$0x7B3] =	sst s0;
	s0 =	simm.s32 @!p0 $0x0  }
0x3a0: {  	s30 =	rddreg [dreg:$0x14];
	s0 =	simm.s32 @p0 $0x1;
	p0 =	por $0x0, $0x0  }
.Ltmp45:
0x3a1: {  	[smem:$0x7B7] =	sst s0;
	s0 =	simm.s32 @!p0 $0x0;
	(pc) =	sbr.rel .LBB2_51-.Ltmp45, $4  }
0x3a2: {  	s29 =	sld [smem:$0x7EA];
	s0 =	simm.s32 @p0 $0x1;
	p0 =	por $0x0, $0x0  }
0x3a3: {  	p5 =	por $0x0, $0x0;
	[smem:$0x7BC] =	sst s0;
	s0 =	simm.s32 @!p0 $0x0  }
0x3a4: {  	p6 =	por $0x0, $0x0;
	s31 =	sld [smem:$0x7F6];
	s0 =	simm.s32 @p0 $0x1  }
0x3a5: {  	p1 =	por $0x0, $0x0;
	p2 =	seq.s32 s29, $0x1;
	[smem:$0x7B4] =	sst s0  }
.LBB2_17:
0x3a6: {  	s0 =	sld [smem:$0x7CB];
	_ =	sdelay $0x2  }
0x3a7: {  	p0 =	seq.s32 s0, $0x1  }
.Ltmp46:
0x3a8: {  	_ = 	snop;
	(pc) =	sbr.rel @!p0 .LBB2_19-.Ltmp46, $1  }
0x3a9: {  	_ =	sdelay $0x3  }
0x3aa: {  	p0 =	por $0x1, $0x1  }
0x3ab: {  	s0 =	simm.s32 @!p0 $0x0  }
0x3ac: {  	s0 =	simm.s32 @p0 $0x1;
	p0 =	por $0x0, $0x0  }
0x3ad: {  	[smem:$0x7B7] =	sst s0;
	s0 =	simm.s32 @!p0 $0x0  }
0x3ae: {  	s0 =	simm.s32 @p0 $0x1;
	p0 =	por $0x0, $0x0  }
0x3af: {  	s30 =	simm.s32 $0x8;
	[smem:$0x7B4] =	sst s0;
	s0 =	simm.s32 @!p0 $0x0  }
0x3b0: {  	s16 =	rddreg [dreg:$0xf];
	s0 =	simm.s32 @p0 $0x1;
	p0 =	por $0x0, $0x0  }
.Ltmp47:
0x3b1: {  	[smem:$0x7BC] =	sst s0;
	s0 =	simm.s32 @!p0 $0x0;
	(pc) =	sbr.rel .LBB2_54-.Ltmp47, $4  }
0x3b2: {  	s29 =	sld [smem:$0x7EA];
	s0 =	simm.s32 @p0 $0x1;
	p0 =	por $0x0, $0x0  }
0x3b3: {  	p1 =	por $0x0, $0x0;
	[smem:$0x7B3] =	sst s0;
	s0 =	simm.s32 @!p0 $0x0  }
0x3b4: {  	p6 =	por $0x0, $0x0;
	s31 =	sld [smem:$0x7F5];
	s0 =	simm.s32 @p0 $0x1  }
0x3b5: {  	p5 =	por $0x0, $0x0;
	p2 =	seq.s32 s29, $0x1;
	[smem:$0x7B5] =	sst s0  }
.LBB2_19:
0x3b6: {  	s0 =	sld [smem:$0x7CE];
	_ =	sdelay $0x2  }
0x3b7: {  	p0 =	seq.s32 s0, $0x1  }
.Ltmp48:
0x3b8: {  	_ = 	snop;
	(pc) =	sbr.rel @!p0 .LBB2_21-.Ltmp48, $1  }
0x3b9: {  	_ =	sdelay $0x3  }
0x3ba: {  	p0 =	por $0x0, $0x0  }
0x3bb: {  	s0 =	simm.s32 @!p0 $0x0  }
0x3bc: {  	s0 =	simm.s32 @p0 $0x1;
	p0 =	por $0x0, $0x0  }
0x3bd: {  	p6 =	por $0x1, $0x1;
	[smem:$0x7B5] =	sst s0;
	s0 =	simm.s32 @!p0 $0x0  }
0x3be: {  	s16 =	rddreg [dreg:$0xe];
	s0 =	simm.s32 @p0 $0x1;
	p0 =	por $0x0, $0x0  }
.Ltmp49:
0x3bf: {  	[smem:$0x7B3] =	sst s0;
	s0 =	simm.s32 @!p0 $0x0;
	(pc) =	sbr.rel .LBB2_57-.Ltmp49, $4  }
0x3c0: {  	s29 =	sld [smem:$0x7EA];
	s0 =	simm.s32 @p0 $0x1;
	p0 =	por $0x0, $0x0  }
0x3c1: {  	s30 =	simm.s32 $0x9;
	[smem:$0x7BC] =	sst s0;
	s0 =	simm.s32 @!p0 $0x0  }
0x3c2: {  	p5 =	por $0x0, $0x0;
	s31 =	sld [smem:$0x7F4];
	s0 =	simm.s32 @p0 $0x1  }
0x3c3: {  	p1 =	por $0x0, $0x0;
	p2 =	seq.s32 s29, $0x1;
	[smem:$0x7B4] =	sst s0  }
.LBB2_21:
0x3c4: {  	s0 =	sld [smem:$0x7CF];
	_ =	sdelay $0x2  }
0x3c5: {  	p0 =	seq.s32 s0, $0x1  }
.Ltmp50:
0x3c6: {  	_ = 	snop;
	(pc) =	sbr.rel @!p0 .LBB2_23-.Ltmp50, $1  }
0x3c7: {  	_ =	sdelay $0x3  }
0x3c8: {  	p0 =	por $0x1, $0x1  }
0x3c9: {  	s0 =	simm.s32 @!p0 $0x0  }
0x3ca: {  	s0 =	simm.s32 @p0 $0x1;
	p0 =	por $0x0, $0x0  }
0x3cb: {  	[smem:$0x7B3] =	sst s0;
	s0 =	simm.s32 @!p0 $0x0  }
0x3cc: {  	s16 =	rddreg [dreg:$0xd];
	s0 =	simm.s32 @p0 $0x1;
	p0 =	por $0x0, $0x0  }
.Ltmp51:
0x3cd: {  	[smem:$0x7B4] =	sst s0;
	s0 =	simm.s32 @!p0 $0x0;
	(pc) =	sbr.rel .LBB2_60-.Ltmp51, $4  }
0x3ce: {  	s29 =	sld [smem:$0x7EA];
	s0 =	simm.s32 @p0 $0x1;
	p0 =	por $0x0, $0x0  }
0x3cf: {  	s30 =	simm.s32 $0xA;
	[smem:$0x7BC] =	sst s0;
	s0 =	simm.s32 @!p0 $0x0  }
0x3d0: {  	s31 =	sld [smem:$0x7F3];
	p1 =	por $0x0, $0x0;
	s0 =	simm.s32 @p0 $0x1  }
0x3d1: {  	p5 =	por $0x0, $0x0;
	p2 =	seq.s32 s29, $0x1;
	[smem:$0x7B5] =	sst s0  }
.LBB2_23:
0x3d2: {  	s0 =	sld [smem:$0x7D1];
	_ =	sdelay $0x2  }
0x3d3: {  	p0 =	seq.s32 s0, $0x1  }
.Ltmp52:
0x3d4: {  	_ = 	snop;
	(pc) =	sbr.rel @!p0 .LBB2_25-.Ltmp52, $1  }
0x3d5: {  	_ =	sdelay $0x3  }
0x3d6: {  	p1 =	por $0x1, $0x1;
	p0 =	por $0x0, $0x0  }
.Ltmp53:
0x3d7: {  	s16 =	rddreg [dreg:$0xc];
	s0 =	simm.s32 @!p0 $0x0;
	(pc) =	sbr.rel .LBB2_63-.Ltmp53, $4  }
0x3d8: {  	s29 =	sld [smem:$0x7EA];
	s0 =	simm.s32 @p0 $0x1;
	p0 =	por $0x0, $0x0  }
0x3d9: {  	s30 =	simm.s32 $0xB;
	[smem:$0x7B5] =	sst s0;
	s0 =	simm.s32 @!p0 $0x0  }
0x3da: {  	s31 =	sld [smem:$0x7F2];
	p5 =	por $0x0, $0x0;
	s0 =	simm.s32 @p0 $0x1  }
0x3db: {  	p4 =	por $0x0, $0x0;
	p2 =	seq.s32 s29, $0x1;
	[smem:$0x7B4] =	sst s0  }
.LBB2_25:
0x3dc: {  	s0 =	sld [smem:$0x7D4];
	_ =	sdelay $0x2  }
0x3dd: {  	p0 =	seq.s32 s0, $0x1  }
.Ltmp54:
0x3de: {  	_ = 	snop;
	(pc) =	sbr.rel @!p0 .LBB2_27-.Ltmp54, $1  }
0x3df: {  	_ =	sdelay $0x3  }
0x3e0: {  	p0 =	por $0x0, $0x0  }
.Ltmp55:
0x3e1: {  	s16 =	rddreg [dreg:$0xb];
	s0 =	simm.s32 @!p0 $0x0;
	(pc) =	sbr.rel .LBB2_66-.Ltmp55, $4  }
0x3e2: {  	s29 =	sld [smem:$0x7EA];
	s0 =	simm.s32 @p0 $0x1;
	p0 =	por $0x0, $0x0  }
0x3e3: {  	p5 =	por $0x1, $0x1;
	[smem:$0x7B4] =	sst s0;
	s0 =	simm.s32 @!p0 $0x0  }
0x3e4: {  	s30 =	simm.s32 $0xC;
	s31 =	sld [smem:$0x7F1];
	s0 =	simm.s32 @p0 $0x1  }
0x3e5: {  	p4 =	por $0x0, $0x0;
	p2 =	seq.s32 s29, $0x1;
	[smem:$0x7B5] =	sst s0  }
.LBB2_27:
0x3e6: {  	s0 =	sld [smem:$0x7D5];
	_ =	sdelay $0x2  }
0x3e7: {  	p0 =	seq.s32 s0, $0x1  }
.Ltmp56:
0x3e8: {  	_ = 	snop;
	(pc) =	sbr.rel @!p0 .LBB2_29-.Ltmp56, $1  }
0x3e9: {  	_ =	sdelay $0x3  }
0x3ea: {  	p0 =	por $0x0, $0x0  }
.Ltmp57:
0x3eb: {  	s16 =	rddreg [dreg:$0xa];
	s0 =	simm.s32 @!p0 $0x0;
	(pc) =	sbr.rel .LBB2_69-.Ltmp57, $4  }
0x3ec: {  	s29 =	sld [smem:$0x7EA];
	s0 =	simm.s32 @p0 $0x1;
	p0 =	por $0x0, $0x0  }
0x3ed: {  	[smem:$0x7B5] =	sst s0;
	s0 =	simm.s32 @!p0 $0x0  }
0x3ee: {  	p4 =	por $0x1, $0x1;
	s31 =	sld [smem:$0x7F0];
	s0 =	simm.s32 @p0 $0x1  }
0x3ef: {  	s30 =	simm.s32 $0xD;
	p2 =	seq.s32 s29, $0x1;
	[smem:$0x7B4] =	sst s0  }
.LBB2_29:
0x3f0: {  	s0 =	sld [smem:$0x7D8];
	_ =	sdelay $0x2  }
0x3f1: {  	p0 =	seq.s32 s0, $0x1  }
.Ltmp58:
0x3f2: {  	_ = 	snop;
	(pc) =	sbr.rel @!p0 .LBB2_31-.Ltmp58, $1  }
0x3f3: {  	_ =	sdelay $0x3  }
0x3f4: {  	p0 =	por $0x1, $0x1  }
.Ltmp59:
0x3f5: {  	s16 =	rddreg [dreg:$0x9];
	s0 =	simm.s32 @!p0 $0x0;
	(pc) =	sbr.rel .LBB2_72-.Ltmp59, $4  }
0x3f6: {  	s29 =	sld [smem:$0x7EA];
	s0 =	simm.s32 @p0 $0x1;
	p0 =	por $0x0, $0x0  }
0x3f7: {  	[smem:$0x7B5] =	sst s0;
	s0 =	simm.s32 @!p0 $0x0  }
0x3f8: {  	s31 =	sld [smem:$0x7EF];
	s0 =	simm.s32 @p0 $0x1  }
0x3f9: {  	s30 =	simm.s32 $0xE;
	p2 =	seq.s32 s29, $0x1;
	[smem:$0x7B4] =	sst s0  }
.LBB2_31:
0x3fa: {  	s0 =	sld [smem:$0x7D9];
	_ =	sdelay $0x2  }
0x3fb: {  	p0 =	seq.s32 s0, $0x1  }
.Ltmp60:
0x3fc: {  	_ = 	snop;
	(pc) =	sbr.rel @!p0 .LBB2_33-.Ltmp60, $1  }
0x3fd: {  	_ =	sdelay $0x3  }
.Ltmp61:
0x3fe: {  	(pc) =	sbr.rel .LBB2_75-.Ltmp61, $4  }
0x3ff: {  	p0 =	por $0x1, $0x1;
	s29 =	sld [smem:$0x7EA]  }
0x400: {  	s16 =	rddreg [dreg:$0x8];
	s0 =	simm.s32 @!p0 $0x0  }
0x401: {  	s31 =	sld [smem:$0x7EE];
	s0 =	simm.s32 @p0 $0x1  }
0x402: {  	s30 =	simm.s32 $0xF;
	[smem:$0x7B4] =	sst s0;
	p2 =	seq.s32 s29, $0x1  }
.LBB2_33:
0x403: {  	s0 =	sld [smem:$0x7D6]  }
0x404: {  	s28 =	sld [smem:$0x7D2]  }
0x405: {  	s29 =	sld [smem:$0x7CD]  }
0x406: {  	s30 =	sld [smem:$0x7CA];
	p0 =	seq.s32 s0, $0x1  }
0x407: {  	s31 =	sld [smem:$0x7C6];
	s0 =	simm.s32 @!p0 $0x0  }
0x408: {  	s12 =	sld [smem:$0x7C4];
	s0 =	simm.s32 @p0 $0x1;
	p0 =	seq.s32 s28, $0x1  }
0x409: {  	[smem:$0x7B5] =	sst s0;
	s0 =	simm.s32 @!p0 $0x0  }
0x40a: {  	s16 =	sld [smem:$0x7C7];
	s0 =	simm.s32 @p0 $0x1;
	p0 =	seq.s32 s30, $0x1  }
0x40b: {  	[smem:$0x7B6] =	sst s0;
	s0 =	simm.s32 @!p0 $0x0  }
0x40c: {  	s21 =	sld [smem:$0x7CC];
	p2 =	seq.s32 s12, $0x1;
	s0 =	simm.s32 @p0 $0x1  }
0x40d: {  	[smem:$0x7B7] =	sst s0;
	s0 =	simm.s32 @!p2 $0x0  }
0x40e: {  	s28 =	sld [smem:$0x7D0];
	s0 =	simm.s32 @p2 $0x1;
	p2 =	seq.s32 s16, $0x1  }
0x40f: {  	p4 =	seq.s32 s29, $0x1;
	[smem:$0x7B8] =	sst s0;
	s0 =	simm.s32 @!p2 $0x0  }
0x410: {  	s29 =	sld [smem:$0x7D3];
	s0 =	simm.s32 @p2 $0x1;
	p2 =	seq.s32 s21, $0x1  }
0x411: {  	p0 =	seq.s32 s31, $0x1;
	[smem:$0x7B9] =	sst s0;
	s0 =	simm.s32 @!p2 $0x0  }
0x412: {  	s31 =	sld [smem:$0x7DA];
	s0 =	simm.s32 @p2 $0x1;
	p2 =	seq.s32 s28, $0x1  }
0x413: {  	[smem:$0x7BA] =	sst s0;
	s0 =	simm.s32 @!p2 $0x0  }
0x414: {  	s5 =	sld [smem:$0x7C1];
	s0 =	simm.s32 @p2 $0x1;
	p2 =	seq.s32 s29, $0x1  }
0x415: {  	[smem:$0x7BB] =	sst s0;
	s0 =	simm.s32 @!p2 $0x0  }
0x416: {  	s9 =	sld [smem:$0x7BE];
	s0 =	simm.s32 @p2 $0x1;
	p2 =	seq.s32 s31, $0x1  }
.Ltmp62:
0x417: {  	s11 =	sld [smem:$0x7C0];
	(pc) =	sbr.rel @!p2 .LBB2_3-.Ltmp62, $3  }
0x418: {  	s30 =	sld [smem:$0x7D7];
	_ =	sdelay $0x1  }
0x419: {  	p3 =	seq.s32 s5, $0x1;
	p6 =	seq.s32 s9, $0x1  }
0x41a: {  	p1 =	seq.s32 s11, $0x1;
	p5 =	seq.s32 s30, $0x1;
	[smem:$0x7BC] =	sst s0  }
.Ltmp63:
0x41b: {  	(pc) =	sbr.rel .LBB2_78-.Ltmp63, $3  }
0x41c: {  	_ =	sdelay $0x1  }
0x41d: {  	s16 =	sshrl.u32 s1, $0x3;
	s17 =	rddreg [dreg:$0x6];
	s0 =	simm.s32 $0x1C0D  }
0x41e: {  	[spmem:s16], [sflag:s0] =	dma.local [hbm:s17], $0x1400  }
.LBB2_84:
0x41f: {  	_ =	sfence.sel $0x180000  }
0x420: {  	[bflag:$0x0] =	sbarrier.arrive $0xFFFF  }
0x421: {  	_ =	strace $0x9000004D  }
0x422: {  	[bflag:$0x2] =	sbarrier.arrive $0xFFFF  }
0x423: {  	p0 =	sne.s32 s17, $0x0;
	s0 =	rddreg [dreg:$0x4]  }
0x424: {  	s0 =	sadd.s32 @!p0 $0x100000, s0  }
0x425: {  	[sflag:s0] =	ssyncadd.tile.s32 @!p0 $0x1;
	_ =	shalt  }
.Lfunc_end2:
_tile_overlayer_lowered:
.L_overlay_start_2:
0x426: {  	(tag) =	ssettag $0x2  }
0x427: {  	s0 =	rddreg [dreg:$0x0];
	s2 =	stileid.u32  }
0x428: {  	s1 =	rddreg [dreg:$0x1];
	p0 =	sne.s32 s2, $0x0  }
0x429: {  	s3 =	rddreg [dreg:$0x2];
	[bflag:$0x3] =	sbarrier.arrive $0xFFFF;
	s2 =	simm.s32 @!p0 $0x1C0D  }
0x42a: {  	[timem:s3], [sflag:s2] =	dma.local @!p0 [hbm:s0], s1  }
0x42b: {  	s0 =	simm.s32 @!p0 $0xD  }
0x42c: {  	_ =	swait.ge @!p0 [sflag:s0], s1  }
0x42d: {  	s1 =	ssub.s32 @!p0 $0x0, s1;
	[sflag:s0] =	ssyncset.done @!p0 $0x0  }
0x42e: {  	[sflag:s0] =	ssyncadd.s32 @!p0 s1  }
0x42f: {  	[bflag:$0x3] =	sbarrier.arrive $0xFFFF  }
0x430: {  	_ =	shalt  }

// kernel: kernel.8.cloned.1.call-start
scs
__scs_entry_jumppad:
0x0: {  	(pc) =	sbr.rel $0x88, $3  }
0x1: {  	(tag) =	ssettag $0x0;
	lr =	simm.s32 $0x1  }
0x2: {  	[smem:$0x3F9B] =	sst lr;
	_ =	strace $0xD0000000  }
0x3: {  	_ = 	snop  }
0x4: {  	_ = 	snop  }
0x5: {  	_ = 	snop  }
0x6: {  	_ = 	snop  }
0x7: {  	_ = 	snop  }
__scs_overlays_trampoline_lowered:
0x8: {  	[smem:$0x3FAA] =	sst s0  }
0x9: {  	[smem:$0x3FAB] =	sst s1  }
0xa: {  	[smem:$0x3FAC] =	sst s2  }
0xb: {  	[smem:$0x3FAD] =	sst s3  }
0xc: {  	[smem:$0x3FAE] =	sst s4  }
0xd: {  	[smem:$0x3FAF] =	sst s5  }
0xe: {  	[smem:$0x3FB0] =	sst s6  }
0xf: {  	[smem:$0x3FB1] =	sst s7  }
0x10: {  	[smem:$0x3FB2] =	sst s8  }
0x11: {  	[smem:$0x3FB3] =	sst s9;
	s0 =	simm.s32 @!p0 $0x0  }
0x12: {  	s1 =	sld [smem:$0x3F99];
	s0 =	simm.s32 @p0 $0x1  }
0x13: {  	[smem:$0x3FB4] =	sst s0;
	s0 =	simm.s32 @!p1 $0x0  }
0x14: {  	s2 =	sld [smem:$0x3F98];
	s0 =	simm.s32 @p1 $0x1  }
0x15: {  	[smem:$0x3FB5] =	sst s0;
	s0 =	simm.s32 @!p2 $0x0  }
0x16: {  	s3 =	sld [smem:$0x3FDB];
	s0 =	simm.s32 @p2 $0x1  }
0x17: {  	s4 =	simm.s32 $0x1BF5;
	[smem:$0x3FB7] =	sst s0  }
0x18: {  	s0 =	sld [smem:$0x3F9A];
	_ =	swait.ge [sflag:s4], $0x0  }
0x19: {  	s7 =	sld [smem:$0x3F9B]  }
0x1a: {  	s8 =	sadd.s32 $0xFFFFE003, lr  }
0x1b: {  	s9 =	sadd.s32 $0xFFFFFEF7, lr;
	s5 =	simm.s32 $0xFFFFFFFF;
	p2 =	slt.u32 s8, $0xFFFFF086  }
0x1c: {  	p1 =	slt.u32 s9, $0xF7A;
	s5 =	simm.s32 @!p2 $0x0  }
0x1d: {  	s5 =	simm.s32 @p1 $0x1;
	p0 =	seq.s32 s7, s2  }
0x1e: {  	s7 =	smul.u32 @!p0 $0xF7A, s2;
	p2 =	seq.s32 @!p0 s5, $0x0  }
0x1f: {  	s9 =	smul.u32 $0xF7A, s1;
	s8 =	simm.s32 @!p0 $0x1BF5;
	p2 =	por !p2, p0  }
0x20: {  	[sflag:s8] =	ssyncset.s32 @!p0 $0xFFFFF086;
	s6 =	sadd.s32 @!p0 s3, s7;
	s7 =	simm.s32 @!p0 $0x108  }
0x21: {  	s3 =	sadd.s32 s3, s9;
	s6 =	sadd.s32 @!p0 $0x88, s6;
	s7 =	simm.s32 @p2 $0x1082  }
0x22: {  	[simem:s7], [sflag:s8] =	dma.local @!p0 [hbm:s6], $0xF7A  }
0x23: {  	s9 =	sor.u32 $0xD0000000, s2;
	s6 =	simm.s32 $0x108;
	_ =	swait.ge @!p0 [sflag:s8], $0x0  }
0x24: {  	s3 =	sadd.s32 $0x88, s3;
	s6 =	simm.s32 @!p1 $0x1082;
	[sflag:s4] =	ssyncset.s32 $0xFFFFF086  }
0x25: {  	[simem:s6], [sflag:s4] =	dma.local [hbm:s3], $0xF7A  }
0x26: {  	[smem:$0x3F9B] =	sst s1;
	(tag) =	ssettag s2;
	_ =	strace s9  }
0x27: {  	s1 =	sld [smem:$0x3FAB]  }
0x28: {  	s2 =	sld [smem:$0x3FAC]  }
0x29: {  	s4 =	sld [smem:$0x3FAE]  }
0x2a: {  	p0 =	seq.s32 s5, $0x0;
	s5 =	sld [smem:$0x3FAF]  }
0x2b: {  	s6 =	sld [smem:$0x3FB0]  }
0x2c: {  	s7 =	sld [smem:$0x3FB1]  }
0x2d: {  	s3 =	simm.s32 $0x108;
	s8 =	sld [smem:$0x3FB2]  }
0x2e: {  	s3 =	simm.s32 @!p0 $0x1082;
	s9 =	sld [smem:$0x3FB3]  }
0x2f: {  	lr =	sadd.s32 s0, s3;
	s0 =	sld [smem:$0x3FAA]  }
0x30: {  	s3 =	sld [smem:$0x3FAD]  }
0x31: {  	[smem:$0x3FB6] =	sst s10  }
0x32: {  	s10 =	sld [smem:$0x3FB4];
	_ =	sdelay $0x3  }
0x33: {  	p0 =	seq.s32 s10, $0x1;
	s10 =	sld [smem:$0x3FB6];
	_ =	sdelay $0x3  }
0x34: {  	[smem:$0x3FB6] =	sst s10  }
0x35: {  	s10 =	sld [smem:$0x3FB5];
	_ =	sdelay $0x3  }
0x36: {  	p1 =	seq.s32 s10, $0x1;
	s10 =	sld [smem:$0x3FB6];
	_ =	sdelay $0x3  }
0x37: {  	[smem:$0x3FB6] =	sst s10  }
0x38: {  	s10 =	sld [smem:$0x3FB7]  }
0x39: {  	_ = 	snop;
	(pc) =	sbr.ind lr, $3  }
0x3a: {  	_ = 	snop  }
0x3b: {  	_ = 	snop  }
0x3c: {  	p2 =	seq.s32 s10, $0x1;
	s10 =	sld [smem:$0x3FB6]  }
0x3d: {  	_ =	shalt  }
0x3e: {  	_ =	shalt  }
0x3f: {  	_ =	shalt  }
0x40: {  	_ =	shalt  }
0x41: {  	_ =	shalt  }
0x42: {  	_ =	shalt  }
0x43: {  	_ =	shalt  }
0x44: {  	_ =	shalt  }
0x45: {  	_ =	shalt  }
0x46: {  	_ =	shalt  }
0x47: {  	_ =	shalt  }
0x48: {  	_ =	shalt  }
0x49: {  	_ =	shalt  }
0x4a: {  	_ =	shalt  }
0x4b: {  	_ =	shalt  }
0x4c: {  	_ =	shalt  }
0x4d: {  	_ =	shalt  }
0x4e: {  	_ =	shalt  }
0x4f: {  	_ =	shalt  }
0x50: {  	_ =	shalt  }
0x51: {  	_ =	shalt  }
0x52: {  	_ =	shalt  }
0x53: {  	_ =	shalt  }
0x54: {  	_ =	shalt  }
0x55: {  	_ =	shalt  }
0x56: {  	_ =	shalt  }
0x57: {  	_ =	shalt  }
0x58: {  	_ =	shalt  }
0x59: {  	_ =	shalt  }
0x5a: {  	_ =	shalt  }
0x5b: {  	_ =	shalt  }
0x5c: {  	_ =	shalt  }
0x5d: {  	_ =	shalt  }
0x5e: {  	_ =	shalt  }
0x5f: {  	_ =	shalt  }
0x60: {  	_ =	shalt  }
0x61: {  	_ =	shalt  }
0x62: {  	_ =	shalt  }
0x63: {  	_ =	shalt  }
0x64: {  	_ =	shalt  }
0x65: {  	_ =	shalt  }
0x66: {  	_ =	shalt  }
0x67: {  	_ =	shalt  }
0x68: {  	_ =	shalt  }
0x69: {  	_ =	shalt  }
0x6a: {  	_ =	shalt  }
0x6b: {  	_ =	shalt  }
0x6c: {  	_ =	shalt  }
0x6d: {  	_ =	shalt  }
0x6e: {  	_ =	shalt  }
0x6f: {  	_ =	shalt  }
0x70: {  	_ =	shalt  }
0x71: {  	_ =	shalt  }
0x72: {  	_ =	shalt  }
0x73: {  	_ =	shalt  }
0x74: {  	_ =	shalt  }
0x75: {  	_ =	shalt  }
0x76: {  	_ =	shalt  }
0x77: {  	_ =	shalt  }
0x78: {  	_ =	shalt  }
0x79: {  	_ =	shalt  }
0x7a: {  	_ =	shalt  }
0x7b: {  	_ =	shalt  }
0x7c: {  	_ =	shalt  }
0x7d: {  	_ =	shalt  }
0x7e: {  	_ =	shalt  }
0x7f: {  	_ =	shalt  }
0x80: {  	_ =	shalt  }
0x81: {  	_ =	shalt  }
0x82: {  	_ =	shalt  }
0x83: {  	_ =	shalt  }
0x84: {  	_ =	shalt  }
0x85: {  	_ =	shalt  }
0x86: {  	_ =	shalt  }
0x87: {  	_ =	shalt  }
.Lfunc_end0:
.L_simem_size_0:
called_computation_lowered:
.L_overlay_start_0:
0x88: {  	s2 =	sld [smem:$0x3FD9]  }
0x89: {  	s3 =	sld [smem:$0x3FFE];
	_ =	sdelay $0x1  }
0x8a: {  	s1 =	srdreg.scid  }
0x8b: {  	s0 =	sand.u32 $0x1, s1  }
0x8c: {  	s17 =	sshll.u32 s0, $0xA;
	s2 =	sadd.s32 s3, s2  }
0x8d: {  	s2 =	sadd.s32 s2, s17  }
0x8e: {  	[smem:$0x3FC2] =	sst s2  }
0x8f: {  	_ = 	snop  }
0x90: {  	s2 =	sld [smem:$0x3FD0];
	(tm) =	ssettm $0x1  }
0x91: {  	s18 =	sld [smem:$0x3FFB];
	_ =	sdelay $0x3  }
0x92: {  	_ =	strace s18  }
0x93: {  	s3 =	sld [smem:$0x3FFC];
	_ =	sdelay $0x3  }
0x94: {  	_ =	strace s3  }
0x95: {  	s3 =	sld [smem:$0x3FFD];
	_ =	sdelay $0x3  }
0x96: {  	_ =	strace s3  }
0x97: {  	_ =	strace $0x8FFFFFFF  }
0x98: {  	s19 =	sld [smem:$0x3FDB];
	_ =	sdelay $0x1  }
0x99: {  	s4 =	simm.s32 $_scs_section_size  }
0x9a: {  	s5 =	simm.s32 $_size__tile_overlayer_lowered;
	s6 =	simm.s32 $_tile_overlayer_lowered  }
0x9b: {  	s22 =	simm.s32 $0x1BFF;
	s21 =	sshll.u32 s6, $0x1;
	s3 =	sadd.s32 s4, s19  }
0x9c: {  	s7 =	simm.s32 $0x0;
	s20 =	sshll.u32 s5, $0x1;
	s5 =	sadd.s32 s21, s3  }
0x9d: {  	[timem:s7], [sflag:s22] =	dma.local [hbm:s5], s20  }
0x9e: {  	_ =	swait.ge [sflag:s22], s20  }
0x9f: {  	s4 =	ssub.s32 $0x0, s20;
	[sflag:s22] =	ssyncset.done $0x0  }
0xa0: {  	[sflag:s22] =	ssyncadd.s32 s4;
	_ =	sdelay $0x1  }
0xa1: {  	s23 =	simm.s32 $0x1B8B  }
0xa2: {  	_ =	swait.ge [sflag:s23], $0x1  }
0xa3: {  	[sflag:s23] =	ssyncset.done $0x0  }
0xa4: {  	s25 =	simm.s32 $0x1B8E;
	s24 =	sld [smem:$0x3FFE];
	[sflag:s23] =	ssyncadd.s32 $0xFFFFFFFF  }
0xa5: {  	s26 =	simm.s32 $execute0_lowered;
	[smem:$0x3FD2] =	sst s25  }
0xa6: {  	s5 =	sshll.u32 s26, $0x1;
	_ =	strace $0x80000046;
	[dreg:$0x1] =	wrdreg $0xFFFFFFFF  }
0xa7: {  	s28 =	simm.s32 $_size_execute0_lowered;
	s3 =	sadd.s32 s3, s5;
	[dreg:$0x0] =	wrdreg $0x0  }
0xa8: {  	s5 =	sshll.u32 s28, $0x1;
	[dreg:$0x2] =	wrdreg s3  }
0xa9: {  	[dreg:$0x3] =	wrdreg s5  }
0xaa: {  	[dreg:$0x4] =	wrdreg $0xC0  }
0xab: {  	_ =	task [dreg:s7], $0x5FFFF  }
0xac: {  	[dreg:$0x1] =	wrdreg $0xFFFFFFFF  }
0xad: {  	[dreg:$0x0] =	wrdreg $0x60  }
0xae: {  	[dreg:$0x2] =	wrdreg s2  }
0xaf: {  	[dreg:$0x3] =	wrdreg s24  }
0xb0: {  	[dreg:$0x4] =	wrdreg $0x9000  }
0xb1: {  	[dreg:$0x5] =	wrdreg $0x9  }
0xb2: {  	_ =	task.clear_ibuf [dreg:s7], $0x6FFFF;
	_ =	strace $0x90000046  }
0xb3: {  	s29 =	simm.s32 $0x9;
	_ =	strace $0x80000048  }
0xb4: {  	_ =	swait.ge [sflag:s29], $0x1  }
0xb5: {  	[sflag:s29] =	ssyncadd.s32 $0xFFFFFFFF  }
0xb6: {  	_ =	strace $0x90000048  }
0xb7: {  	_ =	sfence  }
0xb8: {  	s30 =	sld [smem:$0x0];
	_ =	sdelay $0x2  }
0xb9: {  	s31 =	sshll.u32 s1, $0xD;
	s1 =	sshrl.u32 s1, $0x2  }
0xba: {  	s3 =	sand.u32 $0x4000, s31;
	s1 =	sadd.s32 s1, s30  }
0xbb: {  	s0 =	sor.u32 s3, s0;
	s1 =	sshll.u32 s1, $0x11  }
0xbc: {  	s0 =	sor.u32 s1, s0  }
0xbd: {  	s0 =	sadd.s32 $0x8F2B, s0  }
0xbe: {  	[sflag:s0] =	ssyncadd.remote.s32 $0x1  }
0xbf: {  	_ =	sfence.sel $0xFFFF  }
0xc0: {  	[dreg:$0x0] =	wrdreg $0xFFFFFFFF;
	(pc) =	sbr.abs _section_cstart, $3  }
0xc1: {  	[dreg:$0x1] =	wrdreg $0xFFFFFFFF  }
0xc2: {  	_ =	task.clear_ibuf [dreg:s7], $0x2FFFF;
	_ =	strace $0x9FFFFFFF  }
0xc3: {  	(tm) =	ssettm $0x7FFFFFFF  }
tec
execute0_lowered:
.L_overlay_start_1:
0x0: {  	(tag) =	ssettag $0x1  }
0x1: {  	s12 =	rddreg [dreg:$0x0]  }
0x2: {  	s1 =	srdreg.scid;
	s4 =	rddreg [dreg:$0x1]  }
0x3: {  	s0 =	stileid.u32;
	s2 =	rddreg [dreg:$0x2]  }
0x4: {  	s16 =	simm.s32 $0x3;
	s17 =	simm.s32 $0x1;
	s6 =	smul.u32 $0x2800, s0  }
0x5: {  	s18 =	simm.s32 $0x80;
	s19 =	simm.s32 $0x2;
	s9 =	smul.u32 $0xA000, s0  }
0x6: {  	s22 =	simm.s32 $0x0;
	s8 =	sand.u32 $0x1, s1;
	s15 =	smul.u32 $0x500, s0  }
0x7: {  	s1 =	rddreg [dreg:$0x3];
	s20 =	sshll.u32 s0, $0x6;
	s5 =	smul.u32 $0x28000, s8  }
0x8: {  	s3 =	sshll.u32 s8, $0x4;
	s29 =	ssub.s32 $0x2, s8;
	s14 =	smul.u32 $0x5000, s8  }
0x9: {  	s20 =	sor.u32 $0x1C03, s20;
	s7 =	sor.u32 s0, s3;
	s3 =	simm.s32 $0x0  }
0xa: {  	s10 =	sshrl.u32 s29, $0x1;
	s30 =	sshrl.u32 s9, $0x2;
	s5 =	sadd.s32 s6, s5  }
0xb: {  	s7 =	smul.u32 $0x500, s7;
	[smem:$0x7FF] =	sst s3;
	s13 =	ssub.s32 s29, s10  }
0xc: {  	s31 =	sadd.s32 s30, s2;
	s6 =	sadd.s32 s6, s2;
	s14 =	sadd.s32 s14, s12  }
0xd: {  	s5 =	sshrl.u32 s5, $0x3;
	_ =	strace $0x80000047;
	s8 =	sadd.s32 $0x1000, s31  }
0xe: {  	s9 =	sadd.s32 $0x1800, s31;
	s10 =	sadd.s32 $0x2000, s31;
	s21 =	sshrl.u32 s6, $0x3  }
0xf: {  	s11 =	sadd.s32 s5, s4;
	s4 =	sadd.s32 s12, s7;
	s7 =	sadd.s32 $0x800, s31  }
0x10: {  	s12 =	smax.u32 s13, $0x1;
	s13 =	sadd.s32 s15, s14;
	s14 =	simm.s32 $0x800  }
0x11: {  	v0 =	vimm.f32 $0.0e+00;
	v1 =	vimm.f32 $1.000000000e+00;
	s15 =	simm.s32 $0x880;
	s5 =	sadd.s32 $0x10, s4;
	s11 =	sadd.s32 $0x1E00, s11  }
.LBB2_1:
0x12: {  	[tilespmem:s14], [sflag:$0x1] =	stream.linear.gather [hbm4b:s4+s3], $0x80, $0x38;
	[tilespmem:$0x3100] =	vst v63  }
0x13: {  	s23 =	simm.s32 $0x40;
	s24 =	simm.s32 $0x0  }
0x14: {  	[tilespmem:s15], [sflag:$0x2] =	stream.linear.gather [hbm4b:s5+s3], $0x80, $0x38;
	[tilespmem:$0x3100] =	vst v63  }
.LBB2_2:
0x15: {  	p0 =	sne.s32 s23, $0x1FC0;
	[tilespmem:s24+$0x0] =	vst v0;
	s24 =	smov.u32 s23;
	s23 =	sadd.s32 $0x40, s23  }
.Ltmp0:
0x16: {  	(pc) =	sbr.rel @p0 .LBB2_2-.Ltmp0, $2  }
0x17: {  	_ =	sdelay $0x2  }
0x18: {  	s24 =	sshra.s32 s24, $0x2  }
0x19: {  	[tilespmem:s24+$0x0] =	vst v0;
	s23 =	simm.s32 $0x0  }
0x1a: {  	[spmem:s6] =	stream.linear.scatter [tilespmem:s23], [sflag:$0x3], $0x800, $0x38;
	[tilespmem:$0x3100] =	vst v63  }
0x1b: {  	_ =	swait.ge [sflag:s16], $0x800  }
0x1c: {  	[sflag:s16] =	ssyncset.done $0x0  }
0x1d: {  	[sflag:s16] =	ssyncadd.s32 $0xFFFFF800  }
0x1e: {  	[spmem:s7] =	stream.linear.scatter [tilespmem:s23], [sflag:$0x3], $0x800, $0x38;
	[tilespmem:$0x3100] =	vst v63  }
0x1f: {  	_ =	swait.ge [sflag:s16], $0x800  }
0x20: {  	[sflag:s16] =	ssyncset.done $0x0  }
0x21: {  	[sflag:s16] =	ssyncadd.s32 $0xFFFFF800  }
0x22: {  	[spmem:s8] =	stream.linear.scatter [tilespmem:s23], [sflag:$0x3], $0x800, $0x38;
	[tilespmem:$0x3100] =	vst v63  }
0x23: {  	_ =	swait.ge [sflag:s16], $0x800  }
0x24: {  	[sflag:s16] =	ssyncset.done $0x0  }
0x25: {  	[sflag:s16] =	ssyncadd.s32 $0xFFFFF800  }
0x26: {  	[spmem:s9] =	stream.linear.scatter [tilespmem:s23], [sflag:$0x3], $0x800, $0x38;
	[tilespmem:$0x3100] =	vst v63  }
0x27: {  	_ =	swait.ge [sflag:s16], $0x800  }
0x28: {  	[sflag:s16] =	ssyncset.done $0x0  }
0x29: {  	[sflag:s16] =	ssyncadd.s32 $0xFFFFF800  }
0x2a: {  	[spmem:s10] =	stream.linear.scatter [tilespmem:s23], [sflag:$0x3], $0x800, $0x38;
	[tilespmem:$0x3100] =	vst v63  }
0x2b: {  	_ =	swait.ge [sflag:s16], $0x800  }
0x2c: {  	[sflag:s16] =	ssyncset.done $0x0  }
0x2d: {  	s24 =	simm.s32 $0x0;
	s23 =	simm.s32 $0x40;
	[sflag:s16] =	ssyncadd.s32 $0xFFFFF800  }
.LBB2_4:
0x2e: {  	p0 =	sne.s32 s23, $0x1FC0;
	[tilespmem:s24+$0x0] =	vst v1;
	s24 =	smov.u32 s23;
	s23 =	sadd.s32 $0x40, s23  }
.Ltmp1:
0x2f: {  	(pc) =	sbr.rel @p0 .LBB2_4-.Ltmp1, $2  }
0x30: {  	_ =	sdelay $0x2  }
0x31: {  	s24 =	sshra.s32 s24, $0x2  }
0x32: {  	[tilespmem:s24+$0x0] =	vst v1  }
0x33: {  	[bflag:$0x0] =	sbarrier.arrive $0xFFFF  }
0x34: {  	_ =	swait.ge [sflag:s17], $0x80  }
0x35: {  	[sflag:s17] =	ssyncset.done $0x0  }
0x36: {  	[sflag:s17] =	ssyncadd.s32 $0xFFFFFF80  }
0x37: {  	[spmem:s2] =	stream.indirect.scatter.add.f32 [tilespmem:s3], [sflag:$0x3], $0x10, s14, s18, $0xb8;
	[tilespmem:$0x3100] =	vst v63  }
0x38: {  	_ =	swait.ge [sflag:s16], $0x800  }
0x39: {  	s31 =	sadd.s32 $0xFFFFFB00, s13;
	[sflag:s16] =	ssyncset.done $0x0  }
0x3a: {  	s23 =	sadd.s32 $0x520, s31;
	[sflag:s16] =	ssyncadd.s32 $0xFFFFF800  }
0x3b: {  	[tilespmem:s14], [sflag:$0x1] =	stream.linear.gather [hbm4b:s23+s3], $0x80, $0x38;
	[tilespmem:$0x3100] =	vst v63  }
0x3c: {  	_ =	swait.ge [sflag:s19], $0x80  }
0x3d: {  	[sflag:s19] =	ssyncset.done $0x0  }
0x3e: {  	[sflag:s19] =	ssyncadd.s32 $0xFFFFFF80  }
0x3f: {  	[spmem:s2] =	stream.indirect.scatter.add.f32 [tilespmem:s3], [sflag:$0x3], $0x10, s15, s18, $0xb8;
	[tilespmem:$0x3100] =	vst v63  }
0x40: {  	_ =	swait.ge [sflag:s16], $0x800  }
0x41: {  	[sflag:s16] =	ssyncset.done $0x0  }
0x42: {  	s24 =	sadd.s32 $0x530, s31;
	s23 =	simm.s32 $0xFFFFFB20;
	[sflag:s16] =	ssyncadd.s32 $0xFFFFF800  }
.LBB2_6:
0x43: {  	[tilespmem:s15], [sflag:$0x2] =	stream.linear.gather [hbm4b:s24+s3], $0x80, $0x38;
	[tilespmem:$0x3100] =	vst v63  }
0x44: {  	s24 =	smov.u32 s23  }
0x45: {  	p0 =	sne.s32 s23, $0xFFFFFFE0;
	s23 =	sadd.s32 $0x20, s23;
	_ =	swait.ge [sflag:s17], $0x80  }
0x46: {  	[sflag:s17] =	ssyncset.done $0x0  }
0x47: {  	[sflag:s17] =	ssyncadd.s32 $0xFFFFFF80  }
0x48: {  	[spmem:s2] =	stream.indirect.scatter.add.f32 [tilespmem:s3], [sflag:$0x3], $0x10, s14, s18, $0xb8;
	[tilespmem:$0x3100] =	vst v63  }
0x49: {  	_ =	swait.ge [sflag:s16], $0x800  }
0x4a: {  	s24 =	sadd.s32 s24, s13;
	[sflag:s16] =	ssyncset.done $0x0  }
0x4b: {  	s25 =	sadd.s32 $0x520, s24;
	[sflag:s16] =	ssyncadd.s32 $0xFFFFF800  }
0x4c: {  	[tilespmem:s14], [sflag:$0x1] =	stream.linear.gather [hbm4b:s25+s3], $0x80, $0x38;
	[tilespmem:$0x3100] =	vst v63  }
0x4d: {  	_ =	swait.ge [sflag:s19], $0x80  }
0x4e: {  	[sflag:s19] =	ssyncset.done $0x0  }
.Ltmp2:
0x4f: {  	[sflag:s19] =	ssyncadd.s32 $0xFFFFFF80;
	(pc) =	sbr.rel @p0 .LBB2_6-.Ltmp2, $4  }
0x50: {  	[spmem:s2] =	stream.indirect.scatter.add.f32 [tilespmem:s3], [sflag:$0x3], $0x10, s15, s18, $0xb8;
	[tilespmem:$0x3100] =	vst v63  }
0x51: {  	_ =	swait.ge [sflag:s16], $0x800  }
0x52: {  	[sflag:s16] =	ssyncset.done $0x0  }
0x53: {  	s24 =	sadd.s32 $0x530, s24;
	[sflag:s16] =	ssyncadd.s32 $0xFFFFF800  }
0x54: {  	[tilespmem:s15], [sflag:$0x2] =	stream.linear.gather [hbm4b:s24+s3], $0x80, $0x38;
	[tilespmem:$0x3100] =	vst v63  }
0x55: {  	_ =	swait.ge [sflag:s17], $0x80  }
0x56: {  	[sflag:s17] =	ssyncset.done $0x0  }
0x57: {  	[sflag:s17] =	ssyncadd.s32 $0xFFFFFF80  }
0x58: {  	_ =	swait.ge [sflag:s19], $0x80  }
0x59: {  	s22 =	sadd.s32 $0x1, s22;
	[sflag:s19] =	ssyncset.done $0x0  }
0x5a: {  	p0 =	sne.s32 s22, s12;
	[sflag:s19] =	ssyncadd.s32 $0xFFFFFF80  }
.Ltmp3:
0x5b: {  	[bflag:$0x0] =	sbarrier.arrive $0xFFFF;
	(pc) =	sbr.rel @p0 .LBB2_1-.Ltmp3, $4  }
0x5c: {  	[hbm:s11], [sflag:s20] =	dma.local [spmem:s21], $0x500  }
0x5d: {  	_ =	swait.ge [sflag:s16], $0x500  }
0x5e: {  	[sflag:s16] =	ssyncset.done $0x0  }
0x5f: {  	[sflag:s16] =	ssyncadd.s32 $0xFFFFFB00  }
0x60: {  	_ =	sfence.sel $0x180000  }
0x61: {  	[bflag:$0x0] =	sbarrier.arrive $0xFFFF  }
0x62: {  	p0 =	sne.s32 s0, $0x0;
	_ =	strace $0x90000047  }
0x63: {  	s0 =	sadd.s32 @!p0 $0x100000, s1;
	[bflag:$0x2] =	sbarrier.arrive $0xFFFF  }
0x64: {  	[sflag:s0] =	ssyncadd.tile.s32 @!p0 $0x1;
	_ =	shalt  }
.Lfunc_end2:
_tile_overlayer_lowered:
.L_overlay_start_2:
0x65: {  	(tag) =	ssettag $0x2  }
0x66: {  	s0 =	rddreg [dreg:$0x0];
	s2 =	stileid.u32  }
0x67: {  	s1 =	rddreg [dreg:$0x1];
	p0 =	sne.s32 s2, $0x0  }
0x68: {  	s3 =	rddreg [dreg:$0x2];
	[bflag:$0x3] =	sbarrier.arrive $0xFFFF;
	s2 =	simm.s32 @!p0 $0x1C03  }
0x69: {  	[timem:s3], [sflag:s2] =	dma.local @!p0 [hbm:s0], s1  }
0x6a: {  	s0 =	simm.s32 @!p0 $0x3  }
0x6b: {  	_ =	swait.ge @!p0 [sflag:s0], s1  }
0x6c: {  	s1 =	ssub.s32 @!p0 $0x0, s1;
	[sflag:s0] =	ssyncset.done @!p0 $0x0  }
0x6d: {  	[sflag:s0] =	ssyncadd.s32 @!p0 s1  }
0x6e: {  	[bflag:$0x3] =	sbarrier.arrive $0xFFFF  }
0x6f: {  	_ =	shalt  }

</sc_bundles>
